<compile_context>
chip_gen: v7x
topology: tpu7x:2x2x1
jax: 0.10.2.dev20260603
libtpu: 0.0.44.dev20260713+nightly
codegen_flags: <defaults>
</compile_context>

<pallas_src>
import functools

import jax
import jax.numpy as jnp
from jax import lax
from jax.experimental import pallas as pl
from jax.experimental.pallas import tpu as pltpu
from jax.experimental.pallas import tpu_sc as plsc

B, S, D, H = 2, 2048, 4096, 32
DH = D // H
K = 3
EPS = 1e-4
BH = B * H
R = B * H * S
CHUNK = 256
NW = 32
CPW = R // (CHUNK * NW)


def _monotone_key(v):
    b = lax.bitcast_convert_type(v, jnp.int32)
    m = lax.shift_right_arithmetic(b, 31)
    return b ^ (m & jnp.int32(0x7FFFFFFF))


def _hash_body(x_ref, xa_ref, xb2_ref, wn_ref, wd_ref, bn_ref,
               bd_ref, xt_ref, t_ref):
    dims = (((1,), (1,)), ((), ()))
    hx = lax.dot_general(
        wn_ref[0], xa_ref[0], dims,
        precision=lax.Precision.DEFAULT,
        preferred_element_type=jnp.float32) + bn_ref[0, 0, 0]
    hy = lax.dot_general(
        wd_ref[0], xb2_ref[0], dims,
        precision=lax.Precision.DEFAULT,
        preferred_element_type=jnp.float32) + bd_ref[0, 0, 0]
    t_ref[...] = (hx / (hy + EPS))[None]
    xt_ref[...] = x_ref[0]


def _rank_body(ar_ref, ac_ref, p_ref):
    i = pl.program_id(0)
    kr = _monotone_key(ar_ref[0])
    kc = _monotone_key(ac_ref[0])
    ii = lax.broadcasted_iota(jnp.int32, (1, S), 1)
    acc = jnp.zeros((1, S), jnp.float32)
    CH = 512
    ones = jnp.ones((1, CH), jnp.float32)
    for jc in range(S // CH):
        kj = kc[jc * CH:(jc + 1) * CH]
        jj = lax.broadcasted_iota(jnp.int32, (CH, 1), 0) + jc * CH
        hit = (kj < kr) | ((kj == kr) & (jj < ii))
        acc = acc + lax.dot_general(
            ones, jnp.where(hit, 1.0, 0.0), (((1,), (0,)), ((), ())),
            precision=lax.Precision.DEFAULT,
            preferred_element_type=jnp.float32)
    p_row = acc + jnp.float32(1.0) * (i * S)
    p_ref[...] = p_row.astype(jnp.int32).reshape(S)


def _conv_body(xs_ref, w_ref, bc_ref, y_ref):
    xsb = xs_ref[...]
    dn = pltpu.roll(xsb, 1, 0)
    up = pltpu.roll(xsb, S - 1, 0)
    w = w_ref[0]
    dims = (((1,), (0,)), ((), ()))
    y = lax.dot_general(dn, w[0], dims,
                        precision=lax.Precision.DEFAULT,
                        preferred_element_type=jnp.float32)
    y += lax.dot_general(xsb, w[1], dims,
                         precision=lax.Precision.DEFAULT,
                         preferred_element_type=jnp.float32)
    y += lax.dot_general(up, w[2], dims,
                         precision=lax.Precision.DEFAULT,
                         preferred_element_type=jnp.float32)
    y_ref[...] = y + bc_ref[0]


def _sc_permute_body(xt_hbm, p_hbm, xs_hbm, buf0, buf1, idx0, idx1,
                     lsem0, lsem1, wsem0, wsem1):
    wid = lax.axis_index("s") * 2 + lax.axis_index("c")
    bufs = (buf0, buf1)
    idxs = (idx0, idx1)
    lsems = (lsem0, lsem1)
    wsems = (wsem0, wsem1)

    def issue_loads(k):
        b = k % 2
        start = (wid * CPW + k) * CHUNK
        c1 = pltpu.make_async_copy(xt_hbm.at[pl.ds(start, CHUNK)],
                                   bufs[b], lsems[b])
        c2 = pltpu.make_async_copy(p_hbm.at[pl.ds(start, CHUNK)],
                                   idxs[b], lsems[b])
        c1.start()
        c2.start()
        return (c1, c2)

    loads = {0: issue_loads(0)}
    writes = {}
    for k in range(CPW):
        b = k % 2
        if k >= 1:
            writes[k - 1].wait()
        if k + 1 < CPW:
            loads[k + 1] = issue_loads(k + 1)
        for h in loads[k]:
            h.wait()
        writes[k] = pltpu.make_async_copy(bufs[b], xs_hbm.at[idxs[b]],
                                          wsems[b])
        writes[k].start()
    writes[CPW - 1].wait()


def _sc_unpermute_body(y_hbm, p_hbm, out_hbm, buf0, buf1, idx0, idx1,
                       lsem0, lsem1, gsem0, gsem1, wsem0, wsem1):
    wid = lax.axis_index("s") * 2 + lax.axis_index("c")
    bufs = (buf0, buf1)
    idxs = (idx0, idx1)
    lsems = (lsem0, lsem1)
    gsems = (gsem0, gsem1)
    wsems = (wsem0, wsem1)

    def issue_idx(k):
        b = k % 2
        start = (wid * CPW + k) * CHUNK
        c = pltpu.make_async_copy(p_hbm.at[pl.ds(start, CHUNK)],
                                  idxs[b], lsems[b])
        c.start()
        return c

    def issue_gather(k):
        b = k % 2
        c = pltpu.make_async_copy(y_hbm.at[idxs[b]], bufs[b], gsems[b])
        c.start()
        return c

    def issue_write(k):
        b = k % 2
        chunk = wid * CPW + k
        bh = chunk // (S // CHUNK)
        s0 = (chunk % (S // CHUNK)) * CHUNK
        bb = bh // H
        h = bh % H
        c = pltpu.make_async_copy(
            bufs[b], out_hbm.at[pl.ds(bb * S + s0, CHUNK), h],
            wsems[b])
        c.start()
        return c

    idxl = {0: issue_idx(0)}
    gaths = {}
    writes = {}
    for k in range(CPW):
        b = k % 2
        if k + 1 < CPW:
            idxl[k + 1] = issue_idx(k + 1)
        if k >= 1:
            writes[k - 1].wait()
        idxl[k].wait()
        gaths[k] = issue_gather(k)
        gaths[k].wait()
        writes[k] = issue_write(k)
    writes[CPW - 1].wait()


def kernel(x, W_hash, b_hash, W_conv, b_conv):
    hh = jnp.arange(H)
    wnum = W_hash[hh // 2, :, hh % 2].reshape(H, 1, DH)
    wden = W_hash[H // 2 + hh // 2, :, hh % 2].reshape(H, 1, DH)
    bnum = b_hash[hh // 2, hh % 2].reshape(H, 1, 1)
    bden = b_hash[H // 2 + hh // 2, hh % 2].reshape(H, 1, 1)
    b_conv3 = b_conv.reshape(H, 1, DH)

    xt, t3 = pl.pallas_call(
        _hash_body,
        grid=(BH,),
        in_specs=[
            pl.BlockSpec((1, S, DH), lambda i: (i // H, 0, i % H)),
            pl.BlockSpec((1, S, DH), lambda i: (i // H, 0, (i % H) // 2)),
            pl.BlockSpec((1, S, DH),
                         lambda i: (i // H, 0, H // 2 + (i % H) // 2)),
            pl.BlockSpec((1, 1, DH), lambda i: (i % H, 0, 0)),
            pl.BlockSpec((1, 1, DH), lambda i: (i % H, 0, 0)),
            pl.BlockSpec((1, 1, 1), lambda i: (i % H, 0, 0)),
            pl.BlockSpec((1, 1, 1), lambda i: (i % H, 0, 0)),
        ],
        out_specs=[
            pl.BlockSpec((S, DH), lambda i: (i, 0)),
            pl.BlockSpec((1, 1, S), lambda i: (i, 0, 0)),
        ],
        out_shape=[
            jax.ShapeDtypeStruct((R, DH), jnp.float32),
            jax.ShapeDtypeStruct((BH, 1, S), jnp.float32),
        ],
    )(x, x, x, wnum, wden, bnum, bden)

    angles3 = jnp.arctan(t3)
    angles_col = jnp.swapaxes(angles3, 1, 2)

    P = pl.pallas_call(
        _rank_body,
        grid=(BH,),
        in_specs=[
            pl.BlockSpec((1, 1, S), lambda i: (i, 0, 0)),
            pl.BlockSpec((1, S, 1), lambda i: (i, 0, 0)),
        ],
        out_specs=pl.BlockSpec((S,), lambda i: (i,)),
        out_shape=jax.ShapeDtypeStruct((R,), jnp.int32),
    )(angles3, angles_col)

    mesh = plsc.VectorSubcoreMesh(core_axis_name="c", subcore_axis_name="s")

    sc_permute = functools.partial(
        pl.kernel,
        mesh=mesh,
        out_type=jax.ShapeDtypeStruct((R, DH), jnp.float32),
        scratch_types=[
            pltpu.VMEM((CHUNK, DH), jnp.float32),
            pltpu.VMEM((CHUNK, DH), jnp.float32),
            pltpu.VMEM((CHUNK,), jnp.int32),
            pltpu.VMEM((CHUNK,), jnp.int32),
            pltpu.SemaphoreType.DMA,
            pltpu.SemaphoreType.DMA,
            pltpu.SemaphoreType.DMA,
            pltpu.SemaphoreType.DMA,
        ],
    )(_sc_permute_body)
    xs = sc_permute(xt, P)

    wk4 = jnp.transpose(W_conv.reshape(H, DH, DH, K), (0, 3, 2, 1))
    y = pl.pallas_call(
        _conv_body,
        grid=(BH,),
        in_specs=[
            pl.BlockSpec((S, DH), lambda i: (i, 0)),
            pl.BlockSpec((1, K, DH, DH), lambda i: (i % H, 0, 0, 0)),
            pl.BlockSpec((1, 1, DH), lambda i: (i % H, 0, 0)),
        ],
        out_specs=pl.BlockSpec((S, DH), lambda i: (i, 0)),
        out_shape=jax.ShapeDtypeStruct((R, DH), jnp.float32),
    )(xs, wk4, b_conv3)

    sc_unpermute = functools.partial(
        pl.kernel,
        mesh=mesh,
        out_type=jax.ShapeDtypeStruct((B * S, H, DH), jnp.float32),
        scratch_types=[
            pltpu.VMEM((CHUNK, DH), jnp.float32),
            pltpu.VMEM((CHUNK, DH), jnp.float32),
            pltpu.VMEM((CHUNK,), jnp.int32),
            pltpu.VMEM((CHUNK,), jnp.int32),
            pltpu.SemaphoreType.DMA,
            pltpu.SemaphoreType.DMA,
            pltpu.SemaphoreType.DMA,
            pltpu.SemaphoreType.DMA,
            pltpu.SemaphoreType.DMA,
            pltpu.SemaphoreType.DMA,
        ],
    )(_sc_unpermute_body)
    out3 = sc_unpermute(y, P)

    return out3.reshape(B, S, D)

# --- scband reference (transcript-rebuilt; emitter-appended) ---
"""Pipeline reference for scband-lshconv-22308060135934 (READ-ONLY COPY).

The authoritative reference and input builder live on the scoring server;
editing this copy changes nothing except your own understanding.
"""

import jax, jax.numpy as jnp
import numpy as np

B, S, D, H = 2, 2048, 4096, 32
DH = D // H
K = 3
EPS = 1e-4


def setup_inputs(seed: int = 0) -> dict:
    key = jax.random.key(seed)
    ks = jax.random.split(key, 5)
    x = jax.random.normal(ks[0], (B, S, D), dtype=jnp.float32)
    # LSH hash: n_heads Linear(d_head -> 2) layers (only first n_heads of the ModuleList are used)
    W_hash = jax.random.normal(ks[1], (H, DH, 2), dtype=jnp.float32) * (1.0 / np.sqrt(DH))
    b_hash = jax.random.normal(ks[2], (H, 2), dtype=jnp.float32) * 0.01
    # grouped Conv1d(d_model, d_model, k=3, groups=n_heads): weight [out_ch, in_ch/groups, k]
    W_conv = jax.random.normal(ks[3], (D, DH, K), dtype=jnp.float32) * (1.0 / np.sqrt(DH * K))
    b_conv = jax.random.normal(ks[4], (D,), dtype=jnp.float32) * 0.01
    return {"x": x, "W_hash": W_hash, "b_hash": b_hash, "W_conv": W_conv, "b_conv": b_conv}


def reference(x, W_hash, b_hash, W_conv, b_conv):
    B_, S_, D_ = x.shape
    # per-head hash projections, concatenated along last dim as [h0x,h0y,h1x,h1y,...]
    heads = x.reshape(B_, S_, H, DH)
    proj = jnp.einsum('bshd,hde->bshe', heads, W_hash) + b_hash  # [B,S,H,2]
    projected = proj.reshape(B_, S_, 2 * H)
    # torch.split(projected, n_heads, dim=2) -> chunks of size n_heads
    h_x = projected[:, :, :H]
    h_y = projected[:, :, H:]
    angles = jnp.arctan(h_x / (h_y + EPS))  # [B,S,H]
    idx = jnp.argsort(angles, axis=1)       # [B,S,H]
    idx_full = jnp.broadcast_to(idx[:, :, :, None], (B_, S_, H, DH))
    x4 = x.reshape(B_, S_, H, DH)
    gathered = jnp.take_along_axis(x4, idx_full, axis=1)  # sort tokens per head
    xs = gathered.reshape(B_, S_, D_)
    # Conv1dForLSHSort: swapaxes -> grouped circular conv1d -> swapaxes
    xc = jnp.swapaxes(xs, 1, 2)                      # [B,D,S]
    xp = jnp.pad(xc, ((0, 0), (0, 0), (1, 1)), mode='wrap')  # circular padding=1
    y = jax.lax.conv_general_dilated(
        xp, W_conv, window_strides=(1,), padding='VALID',
        feature_group_count=H, dimension_numbers=('NCH', 'OIH', 'NCH'))
    y = y + b_conv[None, :, None]
    y = jnp.swapaxes(y, 1, 2)                        # [B,S,D]
    # scatter back to original token order per head
    y4 = y.reshape(B_, S_, H, DH)
    b_ix = jnp.arange(B_)[:, None, None, None]
    h_ix = jnp.arange(H)[None, None, :, None]
    d_ix = jnp.arange(DH)[None, None, None, :]
    out = jnp.zeros_like(y4).at[b_ix, idx_full, h_ix, d_ix].set(y4)
    return out.reshape(B_, S_, D_)

if __name__ == "__main__":
    import jax
    _d = setup_inputs()
    print(jax.jit(kernel)(*tuple(_d.values())))

</pallas_src>

<mosaic_0001>
#map = affine_map<(d0, d1) -> (0, 0)>
#map1 = affine_map<(d0, d1) -> (0)>
module attributes {stable_mosaic.version = 14 : i64} {
  func.func @_sc_permute_body(%arg0: i32, %arg1: i32, %arg2: memref<131072x128xf32, #tpu.memory_space<hbm>>, %arg3: memref<131072xi32, #tpu.memory_space<hbm>>, %arg4: memref<131072x128xf32, #tpu.memory_space<hbm>>, %arg5: memref<256x128xf32, #tpu.memory_space<vmem>>, %arg6: memref<256x128xf32, #tpu.memory_space<vmem>>, %arg7: memref<256xi32, #tpu.memory_space<vmem>>, %arg8: memref<256xi32, #tpu.memory_space<vmem>>, %arg9: memref<!tpu.dma_semaphore, #tpu.memory_space<semaphore_mem>>, %arg10: memref<!tpu.dma_semaphore, #tpu.memory_space<semaphore_mem>>, %arg11: memref<!tpu.dma_semaphore, #tpu.memory_space<semaphore_mem>>, %arg12: memref<!tpu.dma_semaphore, #tpu.memory_space<semaphore_mem>>) attributes {dimension_semantics = [#tpu.dimension_semantics<core_parallel>, #tpu.dimension_semantics<subcore_parallel>], iteration_bounds = array<i64: 2, 16>, scalar_prefetch = 0 : i64, scratch_operands = 8 : i64, tpu.core_type = #tpu.core_type<sc_vector_subcore>, window_params = [{transform_indices = #map}, {transform_indices = #map1}, {transform_indices = #map}]} {
    %mul3A = arith.constant 2 : i32
    %mul3A_0 = arith.muli %arg1, %mul3A : i32
    %add3A = arith.addi %mul3A_0, %arg0 : i32
    %mul3A_1 = arith.constant 16 : i32
    %mul3A_2 = arith.muli %add3A, %mul3A_1 : i32
    %add3A_3 = arith.constant 0 : i32
    %add3A_4 = arith.addi %mul3A_2, %add3A_3 : i32
    %mul3A_5 = arith.constant 256 : i32
    %mul3A_6 = arith.muli %add3A_4, %mul3A_5 : i32
    %dma_start3A = arith.constant 0 : i32
    %dma_start3A_7 = tpu.memref_slice %arg2[%mul3A_6, %dma_start3A] : memref<131072x128xf32, #tpu.memory_space<hbm>> -> memref<256x128xf32, #tpu.memory_space<hbm>>
    %dma_start3A_8 = arith.constant 0 : i32
    %dma_start3A_9 = tpu.memref_slice %arg2[%mul3A_6, %dma_start3A_8] : memref<131072x128xf32, #tpu.memory_space<hbm>> -> memref<256x128xf32, #tpu.memory_space<hbm>>
    tpu.enqueue_dma source(%dma_start3A_9 : memref<256x128xf32, #tpu.memory_space<hbm>>) target(%arg5 : memref<256x128xf32, #tpu.memory_space<vmem>>) target_semaphore(%arg9 : memref<!tpu.dma_semaphore, #tpu.memory_space<semaphore_mem>>)
    %dma_start3A_10 = tpu.memref_slice %arg3[%mul3A_6] : memref<131072xi32, #tpu.memory_space<hbm>> -> memref<256xi32, #tpu.memory_space<hbm>>
    %dma_start3A_11 = tpu.memref_slice %arg3[%mul3A_6] : memref<131072xi32, #tpu.memory_space<hbm>> -> memref<256xi32, #tpu.memory_space<hbm>>
    tpu.enqueue_dma source(%dma_start3A_11 : memref<256xi32, #tpu.memory_space<hbm>>) target(%arg7 : memref<256xi32, #tpu.memory_space<vmem>>) target_semaphore(%arg9 : memref<!tpu.dma_semaphore, #tpu.memory_space<semaphore_mem>>)
    %mul3A_12 = arith.constant 16 : i32
    %mul3A_13 = arith.muli %add3A, %mul3A_12 : i32
    %add3A_14 = arith.constant 1 : i32
    %add3A_15 = arith.addi %mul3A_13, %add3A_14 : i32
    %mul3A_16 = arith.constant 256 : i32
    %mul3A_17 = arith.muli %add3A_15, %mul3A_16 : i32
    %dma_start3A_18 = arith.constant 0 : i32
    %dma_start3A_19 = tpu.memref_slice %arg2[%mul3A_17, %dma_start3A_18] : memref<131072x128xf32, #tpu.memory_space<hbm>> -> memref<256x128xf32, #tpu.memory_space<hbm>>
    %dma_start3A_20 = arith.constant 0 : i32
    %dma_start3A_21 = tpu.memref_slice %arg2[%mul3A_17, %dma_start3A_20] : memref<131072x128xf32, #tpu.memory_space<hbm>> -> memref<256x128xf32, #tpu.memory_space<hbm>>
    tpu.enqueue_dma source(%dma_start3A_21 : memref<256x128xf32, #tpu.memory_space<hbm>>) target(%arg6 : memref<256x128xf32, #tpu.memory_space<vmem>>) target_semaphore(%arg10 : memref<!tpu.dma_semaphore, #tpu.memory_space<semaphore_mem>>)
    %dma_start3A_22 = tpu.memref_slice %arg3[%mul3A_17] : memref<131072xi32, #tpu.memory_space<hbm>> -> memref<256xi32, #tpu.memory_space<hbm>>
    %dma_start3A_23 = tpu.memref_slice %arg3[%mul3A_17] : memref<131072xi32, #tpu.memory_space<hbm>> -> memref<256xi32, #tpu.memory_space<hbm>>
    tpu.enqueue_dma source(%dma_start3A_23 : memref<256xi32, #tpu.memory_space<hbm>>) target(%arg8 : memref<256xi32, #tpu.memory_space<vmem>>) target_semaphore(%arg10 : memref<!tpu.dma_semaphore, #tpu.memory_space<semaphore_mem>>)
    %dma_wait3A = arith.constant 0 : i32
    %dma_wait3A_24 = tpu.memref_slice %arg2[%mul3A_6, %dma_wait3A] : memref<131072x128xf32, #tpu.memory_space<hbm>> -> memref<256x128xf32, #tpu.memory_space<hbm>>
    %dma_wait3A_25 = arith.constant 0 : i32
    %dma_wait3A_26 = tpu.memref_slice %arg2[%mul3A_6, %dma_wait3A_25] : memref<131072x128xf32, #tpu.memory_space<hbm>> -> memref<256x128xf32, #tpu.memory_space<hbm>>
    tpu.wait_dma2 semaphore(%arg9 : memref<!tpu.dma_semaphore, #tpu.memory_space<semaphore_mem>>) src(%dma_wait3A_26 : memref<256x128xf32, #tpu.memory_space<hbm>>) dst(%arg5 : memref<256x128xf32, #tpu.memory_space<vmem>>)
    %dma_wait3A_27 = tpu.memref_slice %arg3[%mul3A_6] : memref<131072xi32, #tpu.memory_space<hbm>> -> memref<256xi32, #tpu.memory_space<hbm>>
    %dma_wait3A_28 = tpu.memref_slice %arg3[%mul3A_6] : memref<131072xi32, #tpu.memory_space<hbm>> -> memref<256xi32, #tpu.memory_space<hbm>>
    tpu.wait_dma2 semaphore(%arg9 : memref<!tpu.dma_semaphore, #tpu.memory_space<semaphore_mem>>) src(%dma_wait3A_28 : memref<256xi32, #tpu.memory_space<hbm>>) dst(%arg7 : memref<256xi32, #tpu.memory_space<vmem>>)
    %dma_start3A_29 = arith.constant 0 : i32
    %dma_start3A_30 = arith.constant 0 : i32
    %dma_start3A_31 = tpu.memref_slice %arg4[%dma_start3A_29, %dma_start3A_30] : memref<131072x128xf32, #tpu.memory_space<hbm>> -> memref<131072x128xf32, #tpu.memory_space<hbm>>
    tpu.enqueue_indirect_dma source(%arg5 : memref<256x128xf32, #tpu.memory_space<vmem>>) target(%dma_start3A_31 : memref<131072x128xf32, #tpu.memory_space<hbm>>) offsets(%arg7 : memref<256xi32, #tpu.memory_space<vmem>>) semaphore(%arg11 : memref<!tpu.dma_semaphore, #tpu.memory_space<semaphore_mem>>)
    %dma_wait3A_32 = arith.constant 0 : i32
    %dma_wait3A_33 = arith.constant 0 : i32
    %dma_wait3A_34 = tpu.memref_slice %arg4[%dma_wait3A_32, %dma_wait3A_33] : memref<131072x128xf32, #tpu.memory_space<hbm>> -> memref<131072x128xf32, #tpu.memory_space<hbm>>
    tpu.wait_indirect_dma semaphore(%arg11 : memref<!tpu.dma_semaphore, #tpu.memory_space<semaphore_mem>>) src(%arg5 : memref<256x128xf32, #tpu.memory_space<vmem>>) dst(%dma_wait3A_34 : memref<131072x128xf32, #tpu.memory_space<hbm>>)
    %mul3A_35 = arith.constant 16 : i32
    %mul3A_36 = arith.muli %add3A, %mul3A_35 : i32
    %add3A_37 = arith.constant 2 : i32
    %add3A_38 = arith.addi %mul3A_36, %add3A_37 : i32
    %mul3A_39 = arith.constant 256 : i32
    %mul3A_40 = arith.muli %add3A_38, %mul3A_39 : i32
    %dma_start3A_41 = arith.constant 0 : i32
    %dma_start3A_42 = tpu.memref_slice %arg2[%mul3A_40, %dma_start3A_41] : memref<131072x128xf32, #tpu.memory_space<hbm>> -> memref<256x128xf32, #tpu.memory_space<hbm>>
    %dma_start3A_43 = arith.constant 0 : i32
    %dma_start3A_44 = tpu.memref_slice %arg2[%mul3A_40, %dma_start3A_43] : memref<131072x128xf32, #tpu.memory_space<hbm>> -> memref<256x128xf32, #tpu.memory_space<hbm>>
    tpu.enqueue_dma source(%dma_start3A_44 : memref<256x128xf32, #tpu.memory_space<hbm>>) target(%arg5 : memref<256x128xf32, #tpu.memory_space<vmem>>) target_semaphore(%arg9 : memref<!tpu.dma_semaphore, #tpu.memory_space<semaphore_mem>>)
    %dma_start3A_45 = tpu.memref_slice %arg3[%mul3A_40] : memref<131072xi32, #tpu.memory_space<hbm>> -> memref<256xi32, #tpu.memory_space<hbm>>
    %dma_start3A_46 = tpu.memref_slice %arg3[%mul3A_40] : memref<131072xi32, #tpu.memory_space<hbm>> -> memref<256xi32, #tpu.memory_space<hbm>>
    tpu.enqueue_dma source(%dma_start3A_46 : memref<256xi32, #tpu.memory_space<hbm>>) target(%arg7 : memref<256xi32, #tpu.memory_space<vmem>>) target_semaphore(%arg9 : memref<!tpu.dma_semaphore, #tpu.memory_space<semaphore_mem>>)
    %dma_wait3A_47 = arith.constant 0 : i32
    %dma_wait3A_48 = tpu.memref_slice %arg2[%mul3A_17, %dma_wait3A_47] : memref<131072x128xf32, #tpu.memory_space<hbm>> -> memref<256x128xf32, #tpu.memory_space<hbm>>
    %dma_wait3A_49 = arith.constant 0 : i32
    %dma_wait3A_50 = tpu.memref_slice %arg2[%mul3A_17, %dma_wait3A_49] : memref<131072x128xf32, #tpu.memory_space<hbm>> -> memref<256x128xf32, #tpu.memory_space<hbm>>
    tpu.wait_dma2 semaphore(%arg10 : memref<!tpu.dma_semaphore, #tpu.memory_space<semaphore_mem>>) src(%dma_wait3A_50 : memref<256x128xf32, #tpu.memory_space<hbm>>) dst(%arg6 : memref<256x128xf32, #tpu.memory_space<vmem>>)
    %dma_wait3A_51 = tpu.memref_slice %arg3[%mul3A_17] : memref<131072xi32, #tpu.memory_space<hbm>> -> memref<256xi32, #tpu.memory_space<hbm>>
    %dma_wait3A_52 = tpu.memref_slice %arg3[%mul3A_17] : memref<131072xi32, #tpu.memory_space<hbm>> -> memref<256xi32, #tpu.memory_space<hbm>>
    tpu.wait_dma2 semaphore(%arg10 : memref<!tpu.dma_semaphore, #tpu.memory_space<semaphore_mem>>) src(%dma_wait3A_52 : memref<256xi32, #tpu.memory_space<hbm>>) dst(%arg8 : memref<256xi32, #tpu.memory_space<vmem>>)
    %dma_start3A_53 = arith.constant 0 : i32
    %dma_start3A_54 = arith.constant 0 : i32
    %dma_start3A_55 = tpu.memref_slice %arg4[%dma_start3A_53, %dma_start3A_54] : memref<131072x128xf32, #tpu.memory_space<hbm>> -> memref<131072x128xf32, #tpu.memory_space<hbm>>
    tpu.enqueue_indirect_dma source(%arg6 : memref<256x128xf32, #tpu.memory_space<vmem>>) target(%dma_start3A_55 : memref<131072x128xf32, #tpu.memory_space<hbm>>) offsets(%arg8 : memref<256xi32, #tpu.memory_space<vmem>>) semaphore(%arg12 : memref<!tpu.dma_semaphore, #tpu.memory_space<semaphore_mem>>)
    %dma_wait3A_56 = arith.constant 0 : i32
    %dma_wait3A_57 = arith.constant 0 : i32
    %dma_wait3A_58 = tpu.memref_slice %arg4[%dma_wait3A_56, %dma_wait3A_57] : memref<131072x128xf32, #tpu.memory_space<hbm>> -> memref<131072x128xf32, #tpu.memory_space<hbm>>
    tpu.wait_indirect_dma semaphore(%arg12 : memref<!tpu.dma_semaphore, #tpu.memory_space<semaphore_mem>>) src(%arg6 : memref<256x128xf32, #tpu.memory_space<vmem>>) dst(%dma_wait3A_58 : memref<131072x128xf32, #tpu.memory_space<hbm>>)
    %mul3A_59 = arith.constant 16 : i32
    %mul3A_60 = arith.muli %add3A, %mul3A_59 : i32
    %add3A_61 = arith.constant 3 : i32
    %add3A_62 = arith.addi %mul3A_60, %add3A_61 : i32
    %mul3A_63 = arith.constant 256 : i32
    %mul3A_64 = arith.muli %add3A_62, %mul3A_63 : i32
    %dma_start3A_65 = arith.constant 0 : i32
    %dma_start3A_66 = tpu.memref_slice %arg2[%mul3A_64, %dma_start3A_65] : memref<131072x128xf32, #tpu.memory_space<hbm>> -> memref<256x128xf32, #tpu.memory_space<hbm>>
    %dma_start3A_67 = arith.constant 0 : i32
    %dma_start3A_68 = tpu.memref_slice %arg2[%mul3A_64, %dma_start3A_67] : memref<131072x128xf32, #tpu.memory_space<hbm>> -> memref<256x128xf32, #tpu.memory_space<hbm>>
    tpu.enqueue_dma source(%dma_start3A_68 : memref<256x128xf32, #tpu.memory_space<hbm>>) target(%arg6 : memref<256x128xf32, #tpu.memory_space<vmem>>) target_semaphore(%arg10 : memref<!tpu.dma_semaphore, #tpu.memory_space<semaphore_mem>>)
    %dma_start3A_69 = tpu.memref_slice %arg3[%mul3A_64] : memref<131072xi32, #tpu.memory_space<hbm>> -> memref<256xi32, #tpu.memory_space<hbm>>
    %dma_start3A_70 = tpu.memref_slice %arg3[%mul3A_64] : memref<131072xi32, #tpu.memory_space<hbm>> -> memref<256xi32, #tpu.memory_space<hbm>>
    tpu.enqueue_dma source(%dma_start3A_70 : memref<256xi32, #tpu.memory_space<hbm>>) target(%arg8 : memref<256xi32, #tpu.memory_space<vmem>>) target_semaphore(%arg10 : memref<!tpu.dma_semaphore, #tpu.memory_space<semaphore_mem>>)
    %dma_wait3A_71 = arith.constant 0 : i32
    %dma_wait3A_72 = tpu.memref_slice %arg2[%mul3A_40, %dma_wait3A_71] : memref<131072x128xf32, #tpu.memory_space<hbm>> -> memref<256x128xf32, #tpu.memory_space<hbm>>
    %dma_wait3A_73 = arith.constant 0 : i32
    %dma_wait3A_74 = tpu.memref_slice %arg2[%mul3A_40, %dma_wait3A_73] : memref<131072x128xf32, #tpu.memory_space<hbm>> -> memref<256x128xf32, #tpu.memory_space<hbm>>
    tpu.wait_dma2 semaphore(%arg9 : memref<!tpu.dma_semaphore, #tpu.memory_space<semaphore_mem>>) src(%dma_wait3A_74 : memref<256x128xf32, #tpu.memory_space<hbm>>) dst(%arg5 : memref<256x128xf32, #tpu.memory_space<vmem>>)
    %dma_wait3A_75 = tpu.memref_slice %arg3[%mul3A_40] : memref<131072xi32, #tpu.memory_space<hbm>> -> memref<256xi32, #tpu.memory_space<hbm>>
    %dma_wait3A_76 = tpu.memref_slice %arg3[%mul3A_40] : memref<131072xi32, #tpu.memory_space<hbm>> -> memref<256xi32, #tpu.memory_space<hbm>>
    tpu.wait_dma2 semaphore(%arg9 : memref<!tpu.dma_semaphore, #tpu.memory_space<semaphore_mem>>) src(%dma_wait3A_76 : memref<256xi32, #tpu.memory_space<hbm>>) dst(%arg7 : memref<256xi32, #tpu.memory_space<vmem>>)
    %dma_start3A_77 = arith.constant 0 : i32
    %dma_start3A_78 = arith.constant 0 : i32
    %dma_start3A_79 = tpu.memref_slice %arg4[%dma_start3A_77, %dma_start3A_78] : memref<131072x128xf32, #tpu.memory_space<hbm>> -> memref<131072x128xf32, #tpu.memory_space<hbm>>
    tpu.enqueue_indirect_dma source(%arg5 : memref<256x128xf32, #tpu.memory_space<vmem>>) target(%dma_start3A_79 : memref<131072x128xf32, #tpu.memory_space<hbm>>) offsets(%arg7 : memref<256xi32, #tpu.memory_space<vmem>>) semaphore(%arg11 : memref<!tpu.dma_semaphore, #tpu.memory_space<semaphore_mem>>)
    %dma_wait3A_80 = arith.constant 0 : i32
    %dma_wait3A_81 = arith.constant 0 : i32
    %dma_wait3A_82 = tpu.memref_slice %arg4[%dma_wait3A_80, %dma_wait3A_81] : memref<131072x128xf32, #tpu.memory_space<hbm>> -> memref<131072x128xf32, #tpu.memory_space<hbm>>
    tpu.wait_indirect_dma semaphore(%arg11 : memref<!tpu.dma_semaphore, #tpu.memory_space<semaphore_mem>>) src(%arg5 : memref<256x128xf32, #tpu.memory_space<vmem>>) dst(%dma_wait3A_82 : memref<131072x128xf32, #tpu.memory_space<hbm>>)
    %mul3A_83 = arith.constant 16 : i32
    %mul3A_84 = arith.muli %add3A, %mul3A_83 : i32
    %add3A_85 = arith.constant 4 : i32
    %add3A_86 = arith.addi %mul3A_84, %add3A_85 : i32
    %mul3A_87 = arith.constant 256 : i32
    %mul3A_88 = arith.muli %add3A_86, %mul3A_87 : i32
    %dma_start3A_89 = arith.constant 0 : i32
    %dma_start3A_90 = tpu.memref_slice %arg2[%mul3A_88, %dma_start3A_89] : memref<131072x128xf32, #tpu.memory_space<hbm>> -> memref<256x128xf32, #tpu.memory_space<hbm>>
    %dma_start3A_91 = arith.constant 0 : i32
    %dma_start3A_92 = tpu.memref_slice %arg2[%mul3A_88, %dma_start3A_91] : memref<131072x128xf32, #tpu.memory_space<hbm>> -> memref<256x128xf32, #tpu.memory_space<hbm>>
    tpu.enqueue_dma source(%dma_start3A_92 : memref<256x128xf32, #tpu.memory_space<hbm>>) target(%arg5 : memref<256x128xf32, #tpu.memory_space<vmem>>) target_semaphore(%arg9 : memref<!tpu.dma_semaphore, #tpu.memory_space<semaphore_mem>>)
    %dma_start3A_93 = tpu.memref_slice %arg3[%mul3A_88] : memref<131072xi32, #tpu.memory_space<hbm>> -> memref<256xi32, #tpu.memory_space<hbm>>
    %dma_start3A_94 = tpu.memref_slice %arg3[%mul3A_88] : memref<131072xi32, #tpu.memory_space<hbm>> -> memref<256xi32, #tpu.memory_space<hbm>>
    tpu.enqueue_dma source(%dma_start3A_94 : memref<256xi32, #tpu.memory_space<hbm>>) target(%arg7 : memref<256xi32, #tpu.memory_space<vmem>>) target_semaphore(%arg9 : memref<!tpu.dma_semaphore, #tpu.memory_space<semaphore_mem>>)
    %dma_wait3A_95 = arith.constant 0 : i32
    %dma_wait3A_96 = tpu.memref_slice %arg2[%mul3A_64, %dma_wait3A_95] : memref<131072x128xf32, #tpu.memory_space<hbm>> -> memref<256x128xf32, #tpu.memory_space<hbm>>
    %dma_wait3A_97 = arith.constant 0 : i32
    %dma_wait3A_98 = tpu.memref_slice %arg2[%mul3A_64, %dma_wait3A_97] : memref<131072x128xf32, #tpu.memory_space<hbm>> -> memref<256x128xf32, #tpu.memory_space<hbm>>
    tpu.wait_dma2 semaphore(%arg10 : memref<!tpu.dma_semaphore, #tpu.memory_space<semaphore_mem>>) src(%dma_wait3A_98 : memref<256x128xf32, #tpu.memory_space<hbm>>) dst(%arg6 : memref<256x128xf32, #tpu.memory_space<vmem>>)
    %dma_wait3A_99 = tpu.memref_slice %arg3[%mul3A_64] : memref<131072xi32, #tpu.memory_space<hbm>> -> memref<256xi32, #tpu.memory_space<hbm>>
    %dma_wait3A_100 = tpu.memref_slice %arg3[%mul3A_64] : memref<131072xi32, #tpu.memory_space<hbm>> -> memref<256xi32, #tpu.memory_space<hbm>>
    tpu.wait_dma2 semaphore(%arg10 : memref<!tpu.dma_semaphore, #tpu.memory_space<semaphore_mem>>) src(%dma_wait3A_100 : memref<256xi32, #tpu.memory_space<hbm>>) dst(%arg8 : memref<256xi32, #tpu.memory_space<vmem>>)
    %dma_start3A_101 = arith.constant 0 : i32
    %dma_start3A_102 = arith.constant 0 : i32
    %dma_start3A_103 = tpu.memref_slice %arg4[%dma_start3A_101, %dma_start3A_102] : memref<131072x128xf32, #tpu.memory_space<hbm>> -> memref<131072x128xf32, #tpu.memory_space<hbm>>
    tpu.enqueue_indirect_dma source(%arg6 : memref<256x128xf32, #tpu.memory_space<vmem>>) target(%dma_start3A_103 : memref<131072x128xf32, #tpu.memory_space<hbm>>) offsets(%arg8 : memref<256xi32, #tpu.memory_space<vmem>>) semaphore(%arg12 : memref<!tpu.dma_semaphore, #tpu.memory_space<semaphore_mem>>)
    %dma_wait3A_104 = arith.constant 0 : i32
    %dma_wait3A_105 = arith.constant 0 : i32
    %dma_wait3A_106 = tpu.memref_slice %arg4[%dma_wait3A_104, %dma_wait3A_105] : memref<131072x128xf32, #tpu.memory_space<hbm>> -> memref<131072x128xf32, #tpu.memory_space<hbm>>
    tpu.wait_indirect_dma semaphore(%arg12 : memref<!tpu.dma_semaphore, #tpu.memory_space<semaphore_mem>>) src(%arg6 : memref<256x128xf32, #tpu.memory_space<vmem>>) dst(%dma_wait3A_106 : memref<131072x128xf32, #tpu.memory_space<hbm>>)
    %mul3A_107 = arith.constant 16 : i32
    %mul3A_108 = arith.muli %add3A, %mul3A_107 : i32
    %add3A_109 = arith.constant 5 : i32
    %add3A_110 = arith.addi %mul3A_108, %add3A_109 : i32
    %mul3A_111 = arith.constant 256 : i32
    %mul3A_112 = arith.muli %add3A_110, %mul3A_111 : i32
    %dma_start3A_113 = arith.constant 0 : i32
    %dma_start3A_114 = tpu.memref_slice %arg2[%mul3A_112, %dma_start3A_113] : memref<131072x128xf32, #tpu.memory_space<hbm>> -> memref<256x128xf32, #tpu.memory_space<hbm>>
    %dma_start3A_115 = arith.constant 0 : i32
    %dma_start3A_116 = tpu.memref_slice %arg2[%mul3A_112, %dma_start3A_115] : memref<131072x128xf32, #tpu.memory_space<hbm>> -> memref<256x128xf32, #tpu.memory_space<hbm>>
    tpu.enqueue_dma source(%dma_start3A_116 : memref<256x128xf32, #tpu.memory_space<hbm>>) target(%arg6 : memref<256x128xf32, #tpu.memory_space<vmem>>) target_semaphore(%arg10 : memref<!tpu.dma_semaphore, #tpu.memory_space<semaphore_mem>>)
    %dma_start3A_117 = tpu.memref_slice %arg3[%mul3A_112] : memref<131072xi32, #tpu.memory_space<hbm>> -> memref<256xi32, #tpu.memory_space<hbm>>
    %dma_start3A_118 = tpu.memref_slice %arg3[%mul3A_112] : memref<131072xi32, #tpu.memory_space<hbm>> -> memref<256xi32, #tpu.memory_space<hbm>>
    tpu.enqueue_dma source(%dma_start3A_118 : memref<256xi32, #tpu.memory_space<hbm>>) target(%arg8 : memref<256xi32, #tpu.memory_space<vmem>>) target_semaphore(%arg10 : memref<!tpu.dma_semaphore, #tpu.memory_space<semaphore_mem>>)
    %dma_wait3A_119 = arith.constant 0 : i32
    %dma_wait3A_120 = tpu.memref_slice %arg2[%mul3A_88, %dma_wait3A_119] : memref<131072x128xf32, #tpu.memory_space<hbm>> -> memref<256x128xf32, #tpu.memory_space<hbm>>
    %dma_wait3A_121 = arith.constant 0 : i32
    %dma_wait3A_122 = tpu.memref_slice %arg2[%mul3A_88, %dma_wait3A_121] : memref<131072x128xf32, #tpu.memory_space<hbm>> -> memref<256x128xf32, #tpu.memory_space<hbm>>
    tpu.wait_dma2 semaphore(%arg9 : memref<!tpu.dma_semaphore, #tpu.memory_space<semaphore_mem>>) src(%dma_wait3A_122 : memref<256x128xf32, #tpu.memory_space<hbm>>) dst(%arg5 : memref<256x128xf32, #tpu.memory_space<vmem>>)
    %dma_wait3A_123 = tpu.memref_slice %arg3[%mul3A_88] : memref<131072xi32, #tpu.memory_space<hbm>> -> memref<256xi32, #tpu.memory_space<hbm>>
    %dma_wait3A_124 = tpu.memref_slice %arg3[%mul3A_88] : memref<131072xi32, #tpu.memory_space<hbm>> -> memref<256xi32, #tpu.memory_space<hbm>>
    tpu.wait_dma2 semaphore(%arg9 : memref<!tpu.dma_semaphore, #tpu.memory_space<semaphore_mem>>) src(%dma_wait3A_124 : memref<256xi32, #tpu.memory_space<hbm>>) dst(%arg7 : memref<256xi32, #tpu.memory_space<vmem>>)
    %dma_start3A_125 = arith.constant 0 : i32
    %dma_start3A_126 = arith.constant 0 : i32
    %dma_start3A_127 = tpu.memref_slice %arg4[%dma_start3A_125, %dma_start3A_126] : memref<131072x128xf32, #tpu.memory_space<hbm>> -> memref<131072x128xf32, #tpu.memory_space<hbm>>
    tpu.enqueue_indirect_dma source(%arg5 : memref<256x128xf32, #tpu.memory_space<vmem>>) target(%dma_start3A_127 : memref<131072x128xf32, #tpu.memory_space<hbm>>) offsets(%arg7 : memref<256xi32, #tpu.memory_space<vmem>>) semaphore(%arg11 : memref<!tpu.dma_semaphore, #tpu.memory_space<semaphore_mem>>)
    %dma_wait3A_128 = arith.constant 0 : i32
    %dma_wait3A_129 = arith.constant 0 : i32
    %dma_wait3A_130 = tpu.memref_slice %arg4[%dma_wait3A_128, %dma_wait3A_129] : memref<131072x128xf32, #tpu.memory_space<hbm>> -> memref<131072x128xf32, #tpu.memory_space<hbm>>
    tpu.wait_indirect_dma semaphore(%arg11 : memref<!tpu.dma_semaphore, #tpu.memory_space<semaphore_mem>>) src(%arg5 : memref<256x128xf32, #tpu.memory_space<vmem>>) dst(%dma_wait3A_130 : memref<131072x128xf32, #tpu.memory_space<hbm>>)
    %mul3A_131 = arith.constant 16 : i32
    %mul3A_132 = arith.muli %add3A, %mul3A_131 : i32
    %add3A_133 = arith.constant 6 : i32
    %add3A_134 = arith.addi %mul3A_132, %add3A_133 : i32
    %mul3A_135 = arith.constant 256 : i32
    %mul3A_136 = arith.muli %add3A_134, %mul3A_135 : i32
    %dma_start3A_137 = arith.constant 0 : i32
    %dma_start3A_138 = tpu.memref_slice %arg2[%mul3A_136, %dma_start3A_137] : memref<131072x128xf32, #tpu.memory_space<hbm>> -> memref<256x128xf32, #tpu.memory_space<hbm>>
    %dma_start3A_139 = arith.constant 0 : i32
    %dma_start3A_140 = tpu.memref_slice %arg2[%mul3A_136, %dma_start3A_139] : memref<131072x128xf32, #tpu.memory_space<hbm>> -> memref<256x128xf32, #tpu.memory_space<hbm>>
    tpu.enqueue_dma source(%dma_start3A_140 : memref<256x128xf32, #tpu.memory_space<hbm>>) target(%arg5 : memref<256x128xf32, #tpu.memory_space<vmem>>) target_semaphore(%arg9 : memref<!tpu.dma_semaphore, #tpu.memory_space<semaphore_mem>>)
    %dma_start3A_141 = tpu.memref_slice %arg3[%mul3A_136] : memref<131072xi32, #tpu.memory_space<hbm>> -> memref<256xi32, #tpu.memory_space<hbm>>
    %dma_start3A_142 = tpu.memref_slice %arg3[%mul3A_136] : memref<131072xi32, #tpu.memory_space<hbm>> -> memref<256xi32, #tpu.memory_space<hbm>>
    tpu.enqueue_dma source(%dma_start3A_142 : memref<256xi32, #tpu.memory_space<hbm>>) target(%arg7 : memref<256xi32, #tpu.memory_space<vmem>>) target_semaphore(%arg9 : memref<!tpu.dma_semaphore, #tpu.memory_space<semaphore_mem>>)
    %dma_wait3A_143 = arith.constant 0 : i32
    %dma_wait3A_144 = tpu.memref_slice %arg2[%mul3A_112, %dma_wait3A_143] : memref<131072x128xf32, #tpu.memory_space<hbm>> -> memref<256x128xf32, #tpu.memory_space<hbm>>
    %dma_wait3A_145 = arith.constant 0 : i32
    %dma_wait3A_146 = tpu.memref_slice %arg2[%mul3A_112, %dma_wait3A_145] : memref<131072x128xf32, #tpu.memory_space<hbm>> -> memref<256x128xf32, #tpu.memory_space<hbm>>
    tpu.wait_dma2 semaphore(%arg10 : memref<!tpu.dma_semaphore, #tpu.memory_space<semaphore_mem>>) src(%dma_wait3A_146 : memref<256x128xf32, #tpu.memory_space<hbm>>) dst(%arg6 : memref<256x128xf32, #tpu.memory_space<vmem>>)
    %dma_wait3A_147 = tpu.memref_slice %arg3[%mul3A_112] : memref<131072xi32, #tpu.memory_space<hbm>> -> memref<256xi32, #tpu.memory_space<hbm>>
    %dma_wait3A_148 = tpu.memref_slice %arg3[%mul3A_112] : memref<131072xi32, #tpu.memory_space<hbm>> -> memref<256xi32, #tpu.memory_space<hbm>>
    tpu.wait_dma2 semaphore(%arg10 : memref<!tpu.dma_semaphore, #tpu.memory_space<semaphore_mem>>) src(%dma_wait3A_148 : memref<256xi32, #tpu.memory_space<hbm>>) dst(%arg8 : memref<256xi32, #tpu.memory_space<vmem>>)
    %dma_start3A_149 = arith.constant 0 : i32
    %dma_start3A_150 = arith.constant 0 : i32
    %dma_start3A_151 = tpu.memref_slice %arg4[%dma_start3A_149, %dma_start3A_150] : memref<131072x128xf32, #tpu.memory_space<hbm>> -> memref<131072x128xf32, #tpu.memory_space<hbm>>
    tpu.enqueue_indirect_dma source(%arg6 : memref<256x128xf32, #tpu.memory_space<vmem>>) target(%dma_start3A_151 : memref<131072x128xf32, #tpu.memory_space<hbm>>) offsets(%arg8 : memref<256xi32, #tpu.memory_space<vmem>>) semaphore(%arg12 : memref<!tpu.dma_semaphore, #tpu.memory_space<semaphore_mem>>)
    %dma_wait3A_152 = arith.constant 0 : i32
    %dma_wait3A_153 = arith.constant 0 : i32
    %dma_wait3A_154 = tpu.memref_slice %arg4[%dma_wait3A_152, %dma_wait3A_153] : memref<131072x128xf32, #tpu.memory_space<hbm>> -> memref<131072x128xf32, #tpu.memory_space<hbm>>
    tpu.wait_indirect_dma semaphore(%arg12 : memref<!tpu.dma_semaphore, #tpu.memory_space<semaphore_mem>>) src(%arg6 : memref<256x128xf32, #tpu.memory_space<vmem>>) dst(%dma_wait3A_154 : memref<131072x128xf32, #tpu.memory_space<hbm>>)
    %mul3A_155 = arith.constant 16 : i32
    %mul3A_156 = arith.muli %add3A, %mul3A_155 : i32
    %add3A_157 = arith.constant 7 : i32
    %add3A_158 = arith.addi %mul3A_156, %add3A_157 : i32
    %mul3A_159 = arith.constant 256 : i32
    %mul3A_160 = arith.muli %add3A_158, %mul3A_159 : i32
    %dma_start3A_161 = arith.constant 0 : i32
    %dma_start3A_162 = tpu.memref_slice %arg2[%mul3A_160, %dma_start3A_161] : memref<131072x128xf32, #tpu.memory_space<hbm>> -> memref<256x128xf32, #tpu.memory_space<hbm>>
    %dma_start3A_163 = arith.constant 0 : i32
    %dma_start3A_164 = tpu.memref_slice %arg2[%mul3A_160, %dma_start3A_163] : memref<131072x128xf32, #tpu.memory_space<hbm>> -> memref<256x128xf32, #tpu.memory_space<hbm>>
    tpu.enqueue_dma source(%dma_start3A_164 : memref<256x128xf32, #tpu.memory_space<hbm>>) target(%arg6 : memref<256x128xf32, #tpu.memory_space<vmem>>) target_semaphore(%arg10 : memref<!tpu.dma_semaphore, #tpu.memory_space<semaphore_mem>>)
    %dma_start3A_165 = tpu.memref_slice %arg3[%mul3A_160] : memref<131072xi32, #tpu.memory_space<hbm>> -> memref<256xi32, #tpu.memory_space<hbm>>
    %dma_start3A_166 = tpu.memref_slice %arg3[%mul3A_160] : memref<131072xi32, #tpu.memory_space<hbm>> -> memref<256xi32, #tpu.memory_space<hbm>>
    tpu.enqueue_dma source(%dma_start3A_166 : memref<256xi32, #tpu.memory_space<hbm>>) target(%arg8 : memref<256xi32, #tpu.memory_space<vmem>>) target_semaphore(%arg10 : memref<!tpu.dma_semaphore, #tpu.memory_space<semaphore_mem>>)
    %dma_wait3A_167 = arith.constant 0 : i32
    %dma_wait3A_168 = tpu.memref_slice %arg2[%mul3A_136, %dma_wait3A_167] : memref<131072x128xf32, #tpu.memory_space<hbm>> -> memref<256x128xf32, #tpu.memory_space<hbm>>
    %dma_wait3A_169 = arith.constant 0 : i32
    %dma_wait3A_170 = tpu.memref_slice %arg2[%mul3A_136, %dma_wait3A_169] : memref<131072x128xf32, #tpu.memory_space<hbm>> -> memref<256x128xf32, #tpu.memory_space<hbm>>
    tpu.wait_dma2 semaphore(%arg9 : memref<!tpu.dma_semaphore, #tpu.memory_space<semaphore_mem>>) src(%dma_wait3A_170 : memref<256x128xf32, #tpu.memory_space<hbm>>) dst(%arg5 : memref<256x128xf32, #tpu.memory_space<vmem>>)
    %dma_wait3A_171 = tpu.memref_slice %arg3[%mul3A_136] : memref<131072xi32, #tpu.memory_space<hbm>> -> memref<256xi32, #tpu.memory_space<hbm>>
    %dma_wait3A_172 = tpu.memref_slice %arg3[%mul3A_136] : memref<131072xi32, #tpu.memory_space<hbm>> -> memref<256xi32, #tpu.memory_space<hbm>>
    tpu.wait_dma2 semaphore(%arg9 : memref<!tpu.dma_semaphore, #tpu.memory_space<semaphore_mem>>) src(%dma_wait3A_172 : memref<256xi32, #tpu.memory_space<hbm>>) dst(%arg7 : memref<256xi32, #tpu.memory_space<vmem>>)
    %dma_start3A_173 = arith.constant 0 : i32
    %dma_start3A_174 = arith.constant 0 : i32
    %dma_start3A_175 = tpu.memref_slice %arg4[%dma_start3A_173, %dma_start3A_174] : memref<131072x128xf32, #tpu.memory_space<hbm>> -> memref<131072x128xf32, #tpu.memory_space<hbm>>
    tpu.enqueue_indirect_dma source(%arg5 : memref<256x128xf32, #tpu.memory_space<vmem>>) target(%dma_start3A_175 : memref<131072x128xf32, #tpu.memory_space<hbm>>) offsets(%arg7 : memref<256xi32, #tpu.memory_space<vmem>>) semaphore(%arg11 : memref<!tpu.dma_semaphore, #tpu.memory_space<semaphore_mem>>)
    %dma_wait3A_176 = arith.constant 0 : i32
    %dma_wait3A_177 = arith.constant 0 : i32
    %dma_wait3A_178 = tpu.memref_slice %arg4[%dma_wait3A_176, %dma_wait3A_177] : memref<131072x128xf32, #tpu.memory_space<hbm>> -> memref<131072x128xf32, #tpu.memory_space<hbm>>
    tpu.wait_indirect_dma semaphore(%arg11 : memref<!tpu.dma_semaphore, #tpu.memory_space<semaphore_mem>>) src(%arg5 : memref<256x128xf32, #tpu.memory_space<vmem>>) dst(%dma_wait3A_178 : memref<131072x128xf32, #tpu.memory_space<hbm>>)
    %mul3A_179 = arith.constant 16 : i32
    %mul3A_180 = arith.muli %add3A, %mul3A_179 : i32
    %add3A_181 = arith.constant 8 : i32
    %add3A_182 = arith.addi %mul3A_180, %add3A_181 : i32
    %mul3A_183 = arith.constant 256 : i32
    %mul3A_184 = arith.muli %add3A_182, %mul3A_183 : i32
    %dma_start3A_185 = arith.constant 0 : i32
    %dma_start3A_186 = tpu.memref_slice %arg2[%mul3A_184, %dma_start3A_185] : memref<131072x128xf32, #tpu.memory_space<hbm>> -> memref<256x128xf32, #tpu.memory_space<hbm>>
    %dma_start3A_187 = arith.constant 0 : i32
    %dma_start3A_188 = tpu.memref_slice %arg2[%mul3A_184, %dma_start3A_187] : memref<131072x128xf32, #tpu.memory_space<hbm>> -> memref<256x128xf32, #tpu.memory_space<hbm>>
    tpu.enqueue_dma source(%dma_start3A_188 : memref<256x128xf32, #tpu.memory_space<hbm>>) target(%arg5 : memref<256x128xf32, #tpu.memory_space<vmem>>) target_semaphore(%arg9 : memref<!tpu.dma_semaphore, #tpu.memory_space<semaphore_mem>>)
    %dma_start3A_189 = tpu.memref_slice %arg3[%mul3A_184] : memref<131072xi32, #tpu.memory_space<hbm>> -> memref<256xi32, #tpu.memory_space<hbm>>
    %dma_start3A_190 = tpu.memref_slice %arg3[%mul3A_184] : memref<131072xi32, #tpu.memory_space<hbm>> -> memref<256xi32, #tpu.memory_space<hbm>>
    tpu.enqueue_dma source(%dma_start3A_190 : memref<256xi32, #tpu.memory_space<hbm>>) target(%arg7 : memref<256xi32, #tpu.memory_space<vmem>>) target_semaphore(%arg9 : memref<!tpu.dma_semaphore, #tpu.memory_space<semaphore_mem>>)
    %dma_wait3A_191 = arith.constant 0 : i32
    %dma_wait3A_192 = tpu.memref_slice %arg2[%mul3A_160, %dma_wait3A_191] : memref<131072x128xf32, #tpu.memory_space<hbm>> -> memref<256x128xf32, #tpu.memory_space<hbm>>
    %dma_wait3A_193 = arith.constant 0 : i32
    %dma_wait3A_194 = tpu.memref_slice %arg2[%mul3A_160, %dma_wait3A_193] : memref<131072x128xf32, #tpu.memory_space<hbm>> -> memref<256x128xf32, #tpu.memory_space<hbm>>
    tpu.wait_dma2 semaphore(%arg10 : memref<!tpu.dma_semaphore, #tpu.memory_space<semaphore_mem>>) src(%dma_wait3A_194 : memref<256x128xf32, #tpu.memory_space<hbm>>) dst(%arg6 : memref<256x128xf32, #tpu.memory_space<vmem>>)
    %dma_wait3A_195 = tpu.memref_slice %arg3[%mul3A_160] : memref<131072xi32, #tpu.memory_space<hbm>> -> memref<256xi32, #tpu.memory_space<hbm>>
    %dma_wait3A_196 = tpu.memref_slice %arg3[%mul3A_160] : memref<131072xi32, #tpu.memory_space<hbm>> -> memref<256xi32, #tpu.memory_space<hbm>>
    tpu.wait_dma2 semaphore(%arg10 : memref<!tpu.dma_semaphore, #tpu.memory_space<semaphore_mem>>) src(%dma_wait3A_196 : memref<256xi32, #tpu.memory_space<hbm>>) dst(%arg8 : memref<256xi32, #tpu.memory_space<vmem>>)
    %dma_start3A_197 = arith.constant 0 : i32
    %dma_start3A_198 = arith.constant 0 : i32
    %dma_start3A_199 = tpu.memref_slice %arg4[%dma_start3A_197, %dma_start3A_198] : memref<131072x128xf32, #tpu.memory_space<hbm>> -> memref<131072x128xf32, #tpu.memory_space<hbm>>
    tpu.enqueue_indirect_dma source(%arg6 : memref<256x128xf32, #tpu.memory_space<vmem>>) target(%dma_start3A_199 : memref<131072x128xf32, #tpu.memory_space<hbm>>) offsets(%arg8 : memref<256xi32, #tpu.memory_space<vmem>>) semaphore(%arg12 : memref<!tpu.dma_semaphore, #tpu.memory_space<semaphore_mem>>)
    %dma_wait3A_200 = arith.constant 0 : i32
    %dma_wait3A_201 = arith.constant 0 : i32
    %dma_wait3A_202 = tpu.memref_slice %arg4[%dma_wait3A_200, %dma_wait3A_201] : memref<131072x128xf32, #tpu.memory_space<hbm>> -> memref<131072x128xf32, #tpu.memory_space<hbm>>
    tpu.wait_indirect_dma semaphore(%arg12 : memref<!tpu.dma_semaphore, #tpu.memory_space<semaphore_mem>>) src(%arg6 : memref<256x128xf32, #tpu.memory_space<vmem>>) dst(%dma_wait3A_202 : memref<131072x128xf32, #tpu.memory_space<hbm>>)
    %mul3A_203 = arith.constant 16 : i32
    %mul3A_204 = arith.muli %add3A, %mul3A_203 : i32
    %add3A_205 = arith.constant 9 : i32
    %add3A_206 = arith.addi %mul3A_204, %add3A_205 : i32
    %mul3A_207 = arith.constant 256 : i32
    %mul3A_208 = arith.muli %add3A_206, %mul3A_207 : i32
    %dma_start3A_209 = arith.constant 0 : i32
    %dma_start3A_210 = tpu.memref_slice %arg2[%mul3A_208, %dma_start3A_209] : memref<131072x128xf32, #tpu.memory_space<hbm>> -> memref<256x128xf32, #tpu.memory_space<hbm>>
    %dma_start3A_211 = arith.constant 0 : i32
    %dma_start3A_212 = tpu.memref_slice %arg2[%mul3A_208, %dma_start3A_211] : memref<131072x128xf32, #tpu.memory_space<hbm>> -> memref<256x128xf32, #tpu.memory_space<hbm>>
    tpu.enqueue_dma source(%dma_start3A_212 : memref<256x128xf32, #tpu.memory_space<hbm>>) target(%arg6 : memref<256x128xf32, #tpu.memory_space<vmem>>) target_semaphore(%arg10 : memref<!tpu.dma_semaphore, #tpu.memory_space<semaphore_mem>>)
    %dma_start3A_213 = tpu.memref_slice %arg3[%mul3A_208] : memref<131072xi32, #tpu.memory_space<hbm>> -> memref<256xi32, #tpu.memory_space<hbm>>
    %dma_start3A_214 = tpu.memref_slice %arg3[%mul3A_208] : memref<131072xi32, #tpu.memory_space<hbm>> -> memref<256xi32, #tpu.memory_space<hbm>>
    tpu.enqueue_dma source(%dma_start3A_214 : memref<256xi32, #tpu.memory_space<hbm>>) target(%arg8 : memref<256xi32, #tpu.memory_space<vmem>>) target_semaphore(%arg10 : memref<!tpu.dma_semaphore, #tpu.memory_space<semaphore_mem>>)
    %dma_wait3A_215 = arith.constant 0 : i32
    %dma_wait3A_216 = tpu.memref_slice %arg2[%mul3A_184, %dma_wait3A_215] : memref<131072x128xf32, #tpu.memory_space<hbm>> -> memref<256x128xf32, #tpu.memory_space<hbm>>
    %dma_wait3A_217 = arith.constant 0 : i32
    %dma_wait3A_218 = tpu.memref_slice %arg2[%mul3A_184, %dma_wait3A_217] : memref<131072x128xf32, #tpu.memory_space<hbm>> -> memref<256x128xf32, #tpu.memory_space<hbm>>
    tpu.wait_dma2 semaphore(%arg9 : memref<!tpu.dma_semaphore, #tpu.memory_space<semaphore_mem>>) src(%dma_wait3A_218 : memref<256x128xf32, #tpu.memory_space<hbm>>) dst(%arg5 : memref<256x128xf32, #tpu.memory_space<vmem>>)
    %dma_wait3A_219 = tpu.memref_slice %arg3[%mul3A_184] : memref<131072xi32, #tpu.memory_space<hbm>> -> memref<256xi32, #tpu.memory_space<hbm>>
    %dma_wait3A_220 = tpu.memref_slice %arg3[%mul3A_184] : memref<131072xi32, #tpu.memory_space<hbm>> -> memref<256xi32, #tpu.memory_space<hbm>>
    tpu.wait_dma2 semaphore(%arg9 : memref<!tpu.dma_semaphore, #tpu.memory_space<semaphore_mem>>) src(%dma_wait3A_220 : memref<256xi32, #tpu.memory_space<hbm>>) dst(%arg7 : memref<256xi32, #tpu.memory_space<vmem>>)
    %dma_start3A_221 = arith.constant 0 : i32
    %dma_start3A_222 = arith.constant 0 : i32
    %dma_start3A_223 = tpu.memref_slice %arg4[%dma_start3A_221, %dma_start3A_222] : memref<131072x128xf32, #tpu.memory_space<hbm>> -> memref<131072x128xf32, #tpu.memory_space<hbm>>
    tpu.enqueue_indirect_dma source(%arg5 : memref<256x128xf32, #tpu.memory_space<vmem>>) target(%dma_start3A_223 : memref<131072x128xf32, #tpu.memory_space<hbm>>) offsets(%arg7 : memref<256xi32, #tpu.memory_space<vmem>>) semaphore(%arg11 : memref<!tpu.dma_semaphore, #tpu.memory_space<semaphore_mem>>)
    %dma_wait3A_224 = arith.constant 0 : i32
    %dma_wait3A_225 = arith.constant 0 : i32
    %dma_wait3A_226 = tpu.memref_slice %arg4[%dma_wait3A_224, %dma_wait3A_225] : memref<131072x128xf32, #tpu.memory_space<hbm>> -> memref<131072x128xf32, #tpu.memory_space<hbm>>
    tpu.wait_indirect_dma semaphore(%arg11 : memref<!tpu.dma_semaphore, #tpu.memory_space<semaphore_mem>>) src(%arg5 : memref<256x128xf32, #tpu.memory_space<vmem>>) dst(%dma_wait3A_226 : memref<131072x128xf32, #tpu.memory_space<hbm>>)
    %mul3A_227 = arith.constant 16 : i32
    %mul3A_228 = arith.muli %add3A, %mul3A_227 : i32
    %add3A_229 = arith.constant 10 : i32
    %add3A_230 = arith.addi %mul3A_228, %add3A_229 : i32
    %mul3A_231 = arith.constant 256 : i32
    %mul3A_232 = arith.muli %add3A_230, %mul3A_231 : i32
    %dma_start3A_233 = arith.constant 0 : i32
    %dma_start3A_234 = tpu.memref_slice %arg2[%mul3A_232, %dma_start3A_233] : memref<131072x128xf32, #tpu.memory_space<hbm>> -> memref<256x128xf32, #tpu.memory_space<hbm>>
    %dma_start3A_235 = arith.constant 0 : i32
    %dma_start3A_236 = tpu.memref_slice %arg2[%mul3A_232, %dma_start3A_235] : memref<131072x128xf32, #tpu.memory_space<hbm>> -> memref<256x128xf32, #tpu.memory_space<hbm>>
    tpu.enqueue_dma source(%dma_start3A_236 : memref<256x128xf32, #tpu.memory_space<hbm>>) target(%arg5 : memref<256x128xf32, #tpu.memory_space<vmem>>) target_semaphore(%arg9 : memref<!tpu.dma_semaphore, #tpu.memory_space<semaphore_mem>>)
    %dma_start3A_237 = tpu.memref_slice %arg3[%mul3A_232] : memref<131072xi32, #tpu.memory_space<hbm>> -> memref<256xi32, #tpu.memory_space<hbm>>
    %dma_start3A_238 = tpu.memref_slice %arg3[%mul3A_232] : memref<131072xi32, #tpu.memory_space<hbm>> -> memref<256xi32, #tpu.memory_space<hbm>>
    tpu.enqueue_dma source(%dma_start3A_238 : memref<256xi32, #tpu.memory_space<hbm>>) target(%arg7 : memref<256xi32, #tpu.memory_space<vmem>>) target_semaphore(%arg9 : memref<!tpu.dma_semaphore, #tpu.memory_space<semaphore_mem>>)
    %dma_wait3A_239 = arith.constant 0 : i32
    %dma_wait3A_240 = tpu.memref_slice %arg2[%mul3A_208, %dma_wait3A_239] : memref<131072x128xf32, #tpu.memory_space<hbm>> -> memref<256x128xf32, #tpu.memory_space<hbm>>
    %dma_wait3A_241 = arith.constant 0 : i32
    %dma_wait3A_242 = tpu.memref_slice %arg2[%mul3A_208, %dma_wait3A_241] : memref<131072x128xf32, #tpu.memory_space<hbm>> -> memref<256x128xf32, #tpu.memory_space<hbm>>
    tpu.wait_dma2 semaphore(%arg10 : memref<!tpu.dma_semaphore, #tpu.memory_space<semaphore_mem>>) src(%dma_wait3A_242 : memref<256x128xf32, #tpu.memory_space<hbm>>) dst(%arg6 : memref<256x128xf32, #tpu.memory_space<vmem>>)
    %dma_wait3A_243 = tpu.memref_slice %arg3[%mul3A_208] : memref<131072xi32, #tpu.memory_space<hbm>> -> memref<256xi32, #tpu.memory_space<hbm>>
    %dma_wait3A_244 = tpu.memref_slice %arg3[%mul3A_208] : memref<131072xi32, #tpu.memory_space<hbm>> -> memref<256xi32, #tpu.memory_space<hbm>>
    tpu.wait_dma2 semaphore(%arg10 : memref<!tpu.dma_semaphore, #tpu.memory_space<semaphore_mem>>) src(%dma_wait3A_244 : memref<256xi32, #tpu.memory_space<hbm>>) dst(%arg8 : memref<256xi32, #tpu.memory_space<vmem>>)
    %dma_start3A_245 = arith.constant 0 : i32
    %dma_start3A_246 = arith.constant 0 : i32
    %dma_start3A_247 = tpu.memref_slice %arg4[%dma_start3A_245, %dma_start3A_246] : memref<131072x128xf32, #tpu.memory_space<hbm>> -> memref<131072x128xf32, #tpu.memory_space<hbm>>
    tpu.enqueue_indirect_dma source(%arg6 : memref<256x128xf32, #tpu.memory_space<vmem>>) target(%dma_start3A_247 : memref<131072x128xf32, #tpu.memory_space<hbm>>) offsets(%arg8 : memref<256xi32, #tpu.memory_space<vmem>>) semaphore(%arg12 : memref<!tpu.dma_semaphore, #tpu.memory_space<semaphore_mem>>)
    %dma_wait3A_248 = arith.constant 0 : i32
    %dma_wait3A_249 = arith.constant 0 : i32
    %dma_wait3A_250 = tpu.memref_slice %arg4[%dma_wait3A_248, %dma_wait3A_249] : memref<131072x128xf32, #tpu.memory_space<hbm>> -> memref<131072x128xf32, #tpu.memory_space<hbm>>
    tpu.wait_indirect_dma semaphore(%arg12 : memref<!tpu.dma_semaphore, #tpu.memory_space<semaphore_mem>>) src(%arg6 : memref<256x128xf32, #tpu.memory_space<vmem>>) dst(%dma_wait3A_250 : memref<131072x128xf32, #tpu.memory_space<hbm>>)
    %mul3A_251 = arith.constant 16 : i32
    %mul3A_252 = arith.muli %add3A, %mul3A_251 : i32
    %add3A_253 = arith.constant 11 : i32
    %add3A_254 = arith.addi %mul3A_252, %add3A_253 : i32
    %mul3A_255 = arith.constant 256 : i32
    %mul3A_256 = arith.muli %add3A_254, %mul3A_255 : i32
    %dma_start3A_257 = arith.constant 0 : i32
    %dma_start3A_258 = tpu.memref_slice %arg2[%mul3A_256, %dma_start3A_257] : memref<131072x128xf32, #tpu.memory_space<hbm>> -> memref<256x128xf32, #tpu.memory_space<hbm>>
    %dma_start3A_259 = arith.constant 0 : i32
    %dma_start3A_260 = tpu.memref_slice %arg2[%mul3A_256, %dma_start3A_259] : memref<131072x128xf32, #tpu.memory_space<hbm>> -> memref<256x128xf32, #tpu.memory_space<hbm>>
    tpu.enqueue_dma source(%dma_start3A_260 : memref<256x128xf32, #tpu.memory_space<hbm>>) target(%arg6 : memref<256x128xf32, #tpu.memory_space<vmem>>) target_semaphore(%arg10 : memref<!tpu.dma_semaphore, #tpu.memory_space<semaphore_mem>>)
    %dma_start3A_261 = tpu.memref_slice %arg3[%mul3A_256] : memref<131072xi32, #tpu.memory_space<hbm>> -> memref<256xi32, #tpu.memory_space<hbm>>
    %dma_start3A_262 = tpu.memref_slice %arg3[%mul3A_256] : memref<131072xi32, #tpu.memory_space<hbm>> -> memref<256xi32, #tpu.memory_space<hbm>>
    tpu.enqueue_dma source(%dma_start3A_262 : memref<256xi32, #tpu.memory_space<hbm>>) target(%arg8 : memref<256xi32, #tpu.memory_space<vmem>>) target_semaphore(%arg10 : memref<!tpu.dma_semaphore, #tpu.memory_space<semaphore_mem>>)
    %dma_wait3A_263 = arith.constant 0 : i32
    %dma_wait3A_264 = tpu.memref_slice %arg2[%mul3A_232, %dma_wait3A_263] : memref<131072x128xf32, #tpu.memory_space<hbm>> -> memref<256x128xf32, #tpu.memory_space<hbm>>
    %dma_wait3A_265 = arith.constant 0 : i32
    %dma_wait3A_266 = tpu.memref_slice %arg2[%mul3A_232, %dma_wait3A_265] : memref<131072x128xf32, #tpu.memory_space<hbm>> -> memref<256x128xf32, #tpu.memory_space<hbm>>
    tpu.wait_dma2 semaphore(%arg9 : memref<!tpu.dma_semaphore, #tpu.memory_space<semaphore_mem>>) src(%dma_wait3A_266 : memref<256x128xf32, #tpu.memory_space<hbm>>) dst(%arg5 : memref<256x128xf32, #tpu.memory_space<vmem>>)
    %dma_wait3A_267 = tpu.memref_slice %arg3[%mul3A_232] : memref<131072xi32, #tpu.memory_space<hbm>> -> memref<256xi32, #tpu.memory_space<hbm>>
    %dma_wait3A_268 = tpu.memref_slice %arg3[%mul3A_232] : memref<131072xi32, #tpu.memory_space<hbm>> -> memref<256xi32, #tpu.memory_space<hbm>>
    tpu.wait_dma2 semaphore(%arg9 : memref<!tpu.dma_semaphore, #tpu.memory_space<semaphore_mem>>) src(%dma_wait3A_268 : memref<256xi32, #tpu.memory_space<hbm>>) dst(%arg7 : memref<256xi32, #tpu.memory_space<vmem>>)
    %dma_start3A_269 = arith.constant 0 : i32
    %dma_start3A_270 = arith.constant 0 : i32
    %dma_start3A_271 = tpu.memref_slice %arg4[%dma_start3A_269, %dma_start3A_270] : memref<131072x128xf32, #tpu.memory_space<hbm>> -> memref<131072x128xf32, #tpu.memory_space<hbm>>
    tpu.enqueue_indirect_dma source(%arg5 : memref<256x128xf32, #tpu.memory_space<vmem>>) target(%dma_start3A_271 : memref<131072x128xf32, #tpu.memory_space<hbm>>) offsets(%arg7 : memref<256xi32, #tpu.memory_space<vmem>>) semaphore(%arg11 : memref<!tpu.dma_semaphore, #tpu.memory_space<semaphore_mem>>)
    %dma_wait3A_272 = arith.constant 0 : i32
    %dma_wait3A_273 = arith.constant 0 : i32
    %dma_wait3A_274 = tpu.memref_slice %arg4[%dma_wait3A_272, %dma_wait3A_273] : memref<131072x128xf32, #tpu.memory_space<hbm>> -> memref<131072x128xf32, #tpu.memory_space<hbm>>
    tpu.wait_indirect_dma semaphore(%arg11 : memref<!tpu.dma_semaphore, #tpu.memory_space<semaphore_mem>>) src(%arg5 : memref<256x128xf32, #tpu.memory_space<vmem>>) dst(%dma_wait3A_274 : memref<131072x128xf32, #tpu.memory_space<hbm>>)
    %mul3A_275 = arith.constant 16 : i32
    %mul3A_276 = arith.muli %add3A, %mul3A_275 : i32
    %add3A_277 = arith.constant 12 : i32
    %add3A_278 = arith.addi %mul3A_276, %add3A_277 : i32
    %mul3A_279 = arith.constant 256 : i32
    %mul3A_280 = arith.muli %add3A_278, %mul3A_279 : i32
    %dma_start3A_281 = arith.constant 0 : i32
    %dma_start3A_282 = tpu.memref_slice %arg2[%mul3A_280, %dma_start3A_281] : memref<131072x128xf32, #tpu.memory_space<hbm>> -> memref<256x128xf32, #tpu.memory_space<hbm>>
    %dma_start3A_283 = arith.constant 0 : i32
    %dma_start3A_284 = tpu.memref_slice %arg2[%mul3A_280, %dma_start3A_283] : memref<131072x128xf32, #tpu.memory_space<hbm>> -> memref<256x128xf32, #tpu.memory_space<hbm>>
    tpu.enqueue_dma source(%dma_start3A_284 : memref<256x128xf32, #tpu.memory_space<hbm>>) target(%arg5 : memref<256x128xf32, #tpu.memory_space<vmem>>) target_semaphore(%arg9 : memref<!tpu.dma_semaphore, #tpu.memory_space<semaphore_mem>>)
    %dma_start3A_285 = tpu.memref_slice %arg3[%mul3A_280] : memref<131072xi32, #tpu.memory_space<hbm>> -> memref<256xi32, #tpu.memory_space<hbm>>
    %dma_start3A_286 = tpu.memref_slice %arg3[%mul3A_280] : memref<131072xi32, #tpu.memory_space<hbm>> -> memref<256xi32, #tpu.memory_space<hbm>>
    tpu.enqueue_dma source(%dma_start3A_286 : memref<256xi32, #tpu.memory_space<hbm>>) target(%arg7 : memref<256xi32, #tpu.memory_space<vmem>>) target_semaphore(%arg9 : memref<!tpu.dma_semaphore, #tpu.memory_space<semaphore_mem>>)
    %dma_wait3A_287 = arith.constant 0 : i32
    %dma_wait3A_288 = tpu.memref_slice %arg2[%mul3A_256, %dma_wait3A_287] : memref<131072x128xf32, #tpu.memory_space<hbm>> -> memref<256x128xf32, #tpu.memory_space<hbm>>
    %dma_wait3A_289 = arith.constant 0 : i32
    %dma_wait3A_290 = tpu.memref_slice %arg2[%mul3A_256, %dma_wait3A_289] : memref<131072x128xf32, #tpu.memory_space<hbm>> -> memref<256x128xf32, #tpu.memory_space<hbm>>
    tpu.wait_dma2 semaphore(%arg10 : memref<!tpu.dma_semaphore, #tpu.memory_space<semaphore_mem>>) src(%dma_wait3A_290 : memref<256x128xf32, #tpu.memory_space<hbm>>) dst(%arg6 : memref<256x128xf32, #tpu.memory_space<vmem>>)
    %dma_wait3A_291 = tpu.memref_slice %arg3[%mul3A_256] : memref<131072xi32, #tpu.memory_space<hbm>> -> memref<256xi32, #tpu.memory_space<hbm>>
    %dma_wait3A_292 = tpu.memref_slice %arg3[%mul3A_256] : memref<131072xi32, #tpu.memory_space<hbm>> -> memref<256xi32, #tpu.memory_space<hbm>>
    tpu.wait_dma2 semaphore(%arg10 : memref<!tpu.dma_semaphore, #tpu.memory_space<semaphore_mem>>) src(%dma_wait3A_292 : memref<256xi32, #tpu.memory_space<hbm>>) dst(%arg8 : memref<256xi32, #tpu.memory_space<vmem>>)
    %dma_start3A_293 = arith.constant 0 : i32
    %dma_start3A_294 = arith.constant 0 : i32
    %dma_start3A_295 = tpu.memref_slice %arg4[%dma_start3A_293, %dma_start3A_294] : memref<131072x128xf32, #tpu.memory_space<hbm>> -> memref<131072x128xf32, #tpu.memory_space<hbm>>
    tpu.enqueue_indirect_dma source(%arg6 : memref<256x128xf32, #tpu.memory_space<vmem>>) target(%dma_start3A_295 : memref<131072x128xf32, #tpu.memory_space<hbm>>) offsets(%arg8 : memref<256xi32, #tpu.memory_space<vmem>>) semaphore(%arg12 : memref<!tpu.dma_semaphore, #tpu.memory_space<semaphore_mem>>)
    %dma_wait3A_296 = arith.constant 0 : i32
    %dma_wait3A_297 = arith.constant 0 : i32
    %dma_wait3A_298 = tpu.memref_slice %arg4[%dma_wait3A_296, %dma_wait3A_297] : memref<131072x128xf32, #tpu.memory_space<hbm>> -> memref<131072x128xf32, #tpu.memory_space<hbm>>
    tpu.wait_indirect_dma semaphore(%arg12 : memref<!tpu.dma_semaphore, #tpu.memory_space<semaphore_mem>>) src(%arg6 : memref<256x128xf32, #tpu.memory_space<vmem>>) dst(%dma_wait3A_298 : memref<131072x128xf32, #tpu.memory_space<hbm>>)
    %mul3A_299 = arith.constant 16 : i32
    %mul3A_300 = arith.muli %add3A, %mul3A_299 : i32
    %add3A_301 = arith.constant 13 : i32
    %add3A_302 = arith.addi %mul3A_300, %add3A_301 : i32
    %mul3A_303 = arith.constant 256 : i32
    %mul3A_304 = arith.muli %add3A_302, %mul3A_303 : i32
    %dma_start3A_305 = arith.constant 0 : i32
    %dma_start3A_306 = tpu.memref_slice %arg2[%mul3A_304, %dma_start3A_305] : memref<131072x128xf32, #tpu.memory_space<hbm>> -> memref<256x128xf32, #tpu.memory_space<hbm>>
    %dma_start3A_307 = arith.constant 0 : i32
    %dma_start3A_308 = tpu.memref_slice %arg2[%mul3A_304, %dma_start3A_307] : memref<131072x128xf32, #tpu.memory_space<hbm>> -> memref<256x128xf32, #tpu.memory_space<hbm>>
    tpu.enqueue_dma source(%dma_start3A_308 : memref<256x128xf32, #tpu.memory_space<hbm>>) target(%arg6 : memref<256x128xf32, #tpu.memory_space<vmem>>) target_semaphore(%arg10 : memref<!tpu.dma_semaphore, #tpu.memory_space<semaphore_mem>>)
    %dma_start3A_309 = tpu.memref_slice %arg3[%mul3A_304] : memref<131072xi32, #tpu.memory_space<hbm>> -> memref<256xi32, #tpu.memory_space<hbm>>
    %dma_start3A_310 = tpu.memref_slice %arg3[%mul3A_304] : memref<131072xi32, #tpu.memory_space<hbm>> -> memref<256xi32, #tpu.memory_space<hbm>>
    tpu.enqueue_dma source(%dma_start3A_310 : memref<256xi32, #tpu.memory_space<hbm>>) target(%arg8 : memref<256xi32, #tpu.memory_space<vmem>>) target_semaphore(%arg10 : memref<!tpu.dma_semaphore, #tpu.memory_space<semaphore_mem>>)
    %dma_wait3A_311 = arith.constant 0 : i32
    %dma_wait3A_312 = tpu.memref_slice %arg2[%mul3A_280, %dma_wait3A_311] : memref<131072x128xf32, #tpu.memory_space<hbm>> -> memref<256x128xf32, #tpu.memory_space<hbm>>
    %dma_wait3A_313 = arith.constant 0 : i32
    %dma_wait3A_314 = tpu.memref_slice %arg2[%mul3A_280, %dma_wait3A_313] : memref<131072x128xf32, #tpu.memory_space<hbm>> -> memref<256x128xf32, #tpu.memory_space<hbm>>
    tpu.wait_dma2 semaphore(%arg9 : memref<!tpu.dma_semaphore, #tpu.memory_space<semaphore_mem>>) src(%dma_wait3A_314 : memref<256x128xf32, #tpu.memory_space<hbm>>) dst(%arg5 : memref<256x128xf32, #tpu.memory_space<vmem>>)
    %dma_wait3A_315 = tpu.memref_slice %arg3[%mul3A_280] : memref<131072xi32, #tpu.memory_space<hbm>> -> memref<256xi32, #tpu.memory_space<hbm>>
    %dma_wait3A_316 = tpu.memref_slice %arg3[%mul3A_280] : memref<131072xi32, #tpu.memory_space<hbm>> -> memref<256xi32, #tpu.memory_space<hbm>>
    tpu.wait_dma2 semaphore(%arg9 : memref<!tpu.dma_semaphore, #tpu.memory_space<semaphore_mem>>) src(%dma_wait3A_316 : memref<256xi32, #tpu.memory_space<hbm>>) dst(%arg7 : memref<256xi32, #tpu.memory_space<vmem>>)
    %dma_start3A_317 = arith.constant 0 : i32
    %dma_start3A_318 = arith.constant 0 : i32
    %dma_start3A_319 = tpu.memref_slice %arg4[%dma_start3A_317, %dma_start3A_318] : memref<131072x128xf32, #tpu.memory_space<hbm>> -> memref<131072x128xf32, #tpu.memory_space<hbm>>
    tpu.enqueue_indirect_dma source(%arg5 : memref<256x128xf32, #tpu.memory_space<vmem>>) target(%dma_start3A_319 : memref<131072x128xf32, #tpu.memory_space<hbm>>) offsets(%arg7 : memref<256xi32, #tpu.memory_space<vmem>>) semaphore(%arg11 : memref<!tpu.dma_semaphore, #tpu.memory_space<semaphore_mem>>)
    %dma_wait3A_320 = arith.constant 0 : i32
    %dma_wait3A_321 = arith.constant 0 : i32
    %dma_wait3A_322 = tpu.memref_slice %arg4[%dma_wait3A_320, %dma_wait3A_321] : memref<131072x128xf32, #tpu.memory_space<hbm>> -> memref<131072x128xf32, #tpu.memory_space<hbm>>
    tpu.wait_indirect_dma semaphore(%arg11 : memref<!tpu.dma_semaphore, #tpu.memory_space<semaphore_mem>>) src(%arg5 : memref<256x128xf32, #tpu.memory_space<vmem>>) dst(%dma_wait3A_322 : memref<131072x128xf32, #tpu.memory_space<hbm>>)
    %mul3A_323 = arith.constant 16 : i32
    %mul3A_324 = arith.muli %add3A, %mul3A_323 : i32
    %add3A_325 = arith.constant 14 : i32
    %add3A_326 = arith.addi %mul3A_324, %add3A_325 : i32
    %mul3A_327 = arith.constant 256 : i32
    %mul3A_328 = arith.muli %add3A_326, %mul3A_327 : i32
    %dma_start3A_329 = arith.constant 0 : i32
    %dma_start3A_330 = tpu.memref_slice %arg2[%mul3A_328, %dma_start3A_329] : memref<131072x128xf32, #tpu.memory_space<hbm>> -> memref<256x128xf32, #tpu.memory_space<hbm>>
    %dma_start3A_331 = arith.constant 0 : i32
    %dma_start3A_332 = tpu.memref_slice %arg2[%mul3A_328, %dma_start3A_331] : memref<131072x128xf32, #tpu.memory_space<hbm>> -> memref<256x128xf32, #tpu.memory_space<hbm>>
    tpu.enqueue_dma source(%dma_start3A_332 : memref<256x128xf32, #tpu.memory_space<hbm>>) target(%arg5 : memref<256x128xf32, #tpu.memory_space<vmem>>) target_semaphore(%arg9 : memref<!tpu.dma_semaphore, #tpu.memory_space<semaphore_mem>>)
    %dma_start3A_333 = tpu.memref_slice %arg3[%mul3A_328] : memref<131072xi32, #tpu.memory_space<hbm>> -> memref<256xi32, #tpu.memory_space<hbm>>
    %dma_start3A_334 = tpu.memref_slice %arg3[%mul3A_328] : memref<131072xi32, #tpu.memory_space<hbm>> -> memref<256xi32, #tpu.memory_space<hbm>>
    tpu.enqueue_dma source(%dma_start3A_334 : memref<256xi32, #tpu.memory_space<hbm>>) target(%arg7 : memref<256xi32, #tpu.memory_space<vmem>>) target_semaphore(%arg9 : memref<!tpu.dma_semaphore, #tpu.memory_space<semaphore_mem>>)
    %dma_wait3A_335 = arith.constant 0 : i32
    %dma_wait3A_336 = tpu.memref_slice %arg2[%mul3A_304, %dma_wait3A_335] : memref<131072x128xf32, #tpu.memory_space<hbm>> -> memref<256x128xf32, #tpu.memory_space<hbm>>
    %dma_wait3A_337 = arith.constant 0 : i32
    %dma_wait3A_338 = tpu.memref_slice %arg2[%mul3A_304, %dma_wait3A_337] : memref<131072x128xf32, #tpu.memory_space<hbm>> -> memref<256x128xf32, #tpu.memory_space<hbm>>
    tpu.wait_dma2 semaphore(%arg10 : memref<!tpu.dma_semaphore, #tpu.memory_space<semaphore_mem>>) src(%dma_wait3A_338 : memref<256x128xf32, #tpu.memory_space<hbm>>) dst(%arg6 : memref<256x128xf32, #tpu.memory_space<vmem>>)
    %dma_wait3A_339 = tpu.memref_slice %arg3[%mul3A_304] : memref<131072xi32, #tpu.memory_space<hbm>> -> memref<256xi32, #tpu.memory_space<hbm>>
    %dma_wait3A_340 = tpu.memref_slice %arg3[%mul3A_304] : memref<131072xi32, #tpu.memory_space<hbm>> -> memref<256xi32, #tpu.memory_space<hbm>>
    tpu.wait_dma2 semaphore(%arg10 : memref<!tpu.dma_semaphore, #tpu.memory_space<semaphore_mem>>) src(%dma_wait3A_340 : memref<256xi32, #tpu.memory_space<hbm>>) dst(%arg8 : memref<256xi32, #tpu.memory_space<vmem>>)
    %dma_start3A_341 = arith.constant 0 : i32
    %dma_start3A_342 = arith.constant 0 : i32
    %dma_start3A_343 = tpu.memref_slice %arg4[%dma_start3A_341, %dma_start3A_342] : memref<131072x128xf32, #tpu.memory_space<hbm>> -> memref<131072x128xf32, #tpu.memory_space<hbm>>
    tpu.enqueue_indirect_dma source(%arg6 : memref<256x128xf32, #tpu.memory_space<vmem>>) target(%dma_start3A_343 : memref<131072x128xf32, #tpu.memory_space<hbm>>) offsets(%arg8 : memref<256xi32, #tpu.memory_space<vmem>>) semaphore(%arg12 : memref<!tpu.dma_semaphore, #tpu.memory_space<semaphore_mem>>)
    %dma_wait3A_344 = arith.constant 0 : i32
    %dma_wait3A_345 = arith.constant 0 : i32
    %dma_wait3A_346 = tpu.memref_slice %arg4[%dma_wait3A_344, %dma_wait3A_345] : memref<131072x128xf32, #tpu.memory_space<hbm>> -> memref<131072x128xf32, #tpu.memory_space<hbm>>
    tpu.wait_indirect_dma semaphore(%arg12 : memref<!tpu.dma_semaphore, #tpu.memory_space<semaphore_mem>>) src(%arg6 : memref<256x128xf32, #tpu.memory_space<vmem>>) dst(%dma_wait3A_346 : memref<131072x128xf32, #tpu.memory_space<hbm>>)
    %mul3A_347 = arith.constant 16 : i32
    %mul3A_348 = arith.muli %add3A, %mul3A_347 : i32
    %add3A_349 = arith.constant 15 : i32
    %add3A_350 = arith.addi %mul3A_348, %add3A_349 : i32
    %mul3A_351 = arith.constant 256 : i32
    %mul3A_352 = arith.muli %add3A_350, %mul3A_351 : i32
    %dma_start3A_353 = arith.constant 0 : i32
    %dma_start3A_354 = tpu.memref_slice %arg2[%mul3A_352, %dma_start3A_353] : memref<131072x128xf32, #tpu.memory_space<hbm>> -> memref<256x128xf32, #tpu.memory_space<hbm>>
    %dma_start3A_355 = arith.constant 0 : i32
    %dma_start3A_356 = tpu.memref_slice %arg2[%mul3A_352, %dma_start3A_355] : memref<131072x128xf32, #tpu.memory_space<hbm>> -> memref<256x128xf32, #tpu.memory_space<hbm>>
    tpu.enqueue_dma source(%dma_start3A_356 : memref<256x128xf32, #tpu.memory_space<hbm>>) target(%arg6 : memref<256x128xf32, #tpu.memory_space<vmem>>) target_semaphore(%arg10 : memref<!tpu.dma_semaphore, #tpu.memory_space<semaphore_mem>>)
    %dma_start3A_357 = tpu.memref_slice %arg3[%mul3A_352] : memref<131072xi32, #tpu.memory_space<hbm>> -> memref<256xi32, #tpu.memory_space<hbm>>
    %dma_start3A_358 = tpu.memref_slice %arg3[%mul3A_352] : memref<131072xi32, #tpu.memory_space<hbm>> -> memref<256xi32, #tpu.memory_space<hbm>>
    tpu.enqueue_dma source(%dma_start3A_358 : memref<256xi32, #tpu.memory_space<hbm>>) target(%arg8 : memref<256xi32, #tpu.memory_space<vmem>>) target_semaphore(%arg10 : memref<!tpu.dma_semaphore, #tpu.memory_space<semaphore_mem>>)
    %dma_wait3A_359 = arith.constant 0 : i32
    %dma_wait3A_360 = tpu.memref_slice %arg2[%mul3A_328, %dma_wait3A_359] : memref<131072x128xf32, #tpu.memory_space<hbm>> -> memref<256x128xf32, #tpu.memory_space<hbm>>
    %dma_wait3A_361 = arith.constant 0 : i32
    %dma_wait3A_362 = tpu.memref_slice %arg2[%mul3A_328, %dma_wait3A_361] : memref<131072x128xf32, #tpu.memory_space<hbm>> -> memref<256x128xf32, #tpu.memory_space<hbm>>
    tpu.wait_dma2 semaphore(%arg9 : memref<!tpu.dma_semaphore, #tpu.memory_space<semaphore_mem>>) src(%dma_wait3A_362 : memref<256x128xf32, #tpu.memory_space<hbm>>) dst(%arg5 : memref<256x128xf32, #tpu.memory_space<vmem>>)
    %dma_wait3A_363 = tpu.memref_slice %arg3[%mul3A_328] : memref<131072xi32, #tpu.memory_space<hbm>> -> memref<256xi32, #tpu.memory_space<hbm>>
    %dma_wait3A_364 = tpu.memref_slice %arg3[%mul3A_328] : memref<131072xi32, #tpu.memory_space<hbm>> -> memref<256xi32, #tpu.memory_space<hbm>>
    tpu.wait_dma2 semaphore(%arg9 : memref<!tpu.dma_semaphore, #tpu.memory_space<semaphore_mem>>) src(%dma_wait3A_364 : memref<256xi32, #tpu.memory_space<hbm>>) dst(%arg7 : memref<256xi32, #tpu.memory_space<vmem>>)
    %dma_start3A_365 = arith.constant 0 : i32
    %dma_start3A_366 = arith.constant 0 : i32
    %dma_start3A_367 = tpu.memref_slice %arg4[%dma_start3A_365, %dma_start3A_366] : memref<131072x128xf32, #tpu.memory_space<hbm>> -> memref<131072x128xf32, #tpu.memory_space<hbm>>
    tpu.enqueue_indirect_dma source(%arg5 : memref<256x128xf32, #tpu.memory_space<vmem>>) target(%dma_start3A_367 : memref<131072x128xf32, #tpu.memory_space<hbm>>) offsets(%arg7 : memref<256xi32, #tpu.memory_space<vmem>>) semaphore(%arg11 : memref<!tpu.dma_semaphore, #tpu.memory_space<semaphore_mem>>)
    %dma_wait3A_368 = arith.constant 0 : i32
    %dma_wait3A_369 = arith.constant 0 : i32
    %dma_wait3A_370 = tpu.memref_slice %arg4[%dma_wait3A_368, %dma_wait3A_369] : memref<131072x128xf32, #tpu.memory_space<hbm>> -> memref<131072x128xf32, #tpu.memory_space<hbm>>
    tpu.wait_indirect_dma semaphore(%arg11 : memref<!tpu.dma_semaphore, #tpu.memory_space<semaphore_mem>>) src(%arg5 : memref<256x128xf32, #tpu.memory_space<vmem>>) dst(%dma_wait3A_370 : memref<131072x128xf32, #tpu.memory_space<hbm>>)
    %dma_wait3A_371 = arith.constant 0 : i32
    %dma_wait3A_372 = tpu.memref_slice %arg2[%mul3A_352, %dma_wait3A_371] : memref<131072x128xf32, #tpu.memory_space<hbm>> -> memref<256x128xf32, #tpu.memory_space<hbm>>
    %dma_wait3A_373 = arith.constant 0 : i32
    %dma_wait3A_374 = tpu.memref_slice %arg2[%mul3A_352, %dma_wait3A_373] : memref<131072x128xf32, #tpu.memory_space<hbm>> -> memref<256x128xf32, #tpu.memory_space<hbm>>
    tpu.wait_dma2 semaphore(%arg10 : memref<!tpu.dma_semaphore, #tpu.memory_space<semaphore_mem>>) src(%dma_wait3A_374 : memref<256x128xf32, #tpu.memory_space<hbm>>) dst(%arg6 : memref<256x128xf32, #tpu.memory_space<vmem>>)
    %dma_wait3A_375 = tpu.memref_slice %arg3[%mul3A_352] : memref<131072xi32, #tpu.memory_space<hbm>> -> memref<256xi32, #tpu.memory_space<hbm>>
    %dma_wait3A_376 = tpu.memref_slice %arg3[%mul3A_352] : memref<131072xi32, #tpu.memory_space<hbm>> -> memref<256xi32, #tpu.memory_space<hbm>>
    tpu.wait_dma2 semaphore(%arg10 : memref<!tpu.dma_semaphore, #tpu.memory_space<semaphore_mem>>) src(%dma_wait3A_376 : memref<256xi32, #tpu.memory_space<hbm>>) dst(%arg8 : memref<256xi32, #tpu.memory_space<vmem>>)
    %dma_start3A_377 = arith.constant 0 : i32
    %dma_start3A_378 = arith.constant 0 : i32
    %dma_start3A_379 = tpu.memref_slice %arg4[%dma_start3A_377, %dma_start3A_378] : memref<131072x128xf32, #tpu.memory_space<hbm>> -> memref<131072x128xf32, #tpu.memory_space<hbm>>
    tpu.enqueue_indirect_dma source(%arg6 : memref<256x128xf32, #tpu.memory_space<vmem>>) target(%dma_start3A_379 : memref<131072x128xf32, #tpu.memory_space<hbm>>) offsets(%arg8 : memref<256xi32, #tpu.memory_space<vmem>>) semaphore(%arg12 : memref<!tpu.dma_semaphore, #tpu.memory_space<semaphore_mem>>)
    %dma_wait3A_380 = arith.constant 0 : i32
    %dma_wait3A_381 = arith.constant 0 : i32
    %dma_wait3A_382 = tpu.memref_slice %arg4[%dma_wait3A_380, %dma_wait3A_381] : memref<131072x128xf32, #tpu.memory_space<hbm>> -> memref<131072x128xf32, #tpu.memory_space<hbm>>
    tpu.wait_indirect_dma semaphore(%arg12 : memref<!tpu.dma_semaphore, #tpu.memory_space<semaphore_mem>>) src(%arg6 : memref<256x128xf32, #tpu.memory_space<vmem>>) dst(%dma_wait3A_382 : memref<131072x128xf32, #tpu.memory_space<hbm>>)
    return
  }
}

#map = affine_map<(d0, d1) -> (0, 0)>
#map1 = affine_map<(d0, d1) -> (0)>
#map2 = affine_map<(d0, d1) -> (0, 0, 0)>
module attributes {stable_mosaic.version = 14 : i64} {
  func.func @_sc_unpermute_body(%arg0: i32, %arg1: i32, %arg2: memref<131072x128xf32, #tpu.memory_space<hbm>>, %arg3: memref<131072xi32, #tpu.memory_space<hbm>>, %arg4: memref<4096x32x128xf32, #tpu.memory_space<hbm>>, %arg5: memref<256x128xf32, #tpu.memory_space<vmem>>, %arg6: memref<256x128xf32, #tpu.memory_space<vmem>>, %arg7: memref<256xi32, #tpu.memory_space<vmem>>, %arg8: memref<256xi32, #tpu.memory_space<vmem>>, %arg9: memref<!tpu.dma_semaphore, #tpu.memory_space<semaphore_mem>>, %arg10: memref<!tpu.dma_semaphore, #tpu.memory_space<semaphore_mem>>, %arg11: memref<!tpu.dma_semaphore, #tpu.memory_space<semaphore_mem>>, %arg12: memref<!tpu.dma_semaphore, #tpu.memory_space<semaphore_mem>>, %arg13: memref<!tpu.dma_semaphore, #tpu.memory_space<semaphore_mem>>, %arg14: memref<!tpu.dma_semaphore, #tpu.memory_space<semaphore_mem>>) attributes {dimension_semantics = [#tpu.dimension_semantics<core_parallel>, #tpu.dimension_semantics<subcore_parallel>], iteration_bounds = array<i64: 2, 16>, scalar_prefetch = 0 : i64, scratch_operands = 10 : i64, tpu.core_type = #tpu.core_type<sc_vector_subcore>, window_params = [{transform_indices = #map}, {transform_indices = #map1}, {transform_indices = #map2}]} {
    %mul3A = arith.constant 2 : i32
    %mul3A_0 = arith.muli %arg1, %mul3A : i32
    %add3A = arith.addi %mul3A_0, %arg0 : i32
    %mul3A_1 = arith.constant 16 : i32
    %mul3A_2 = arith.muli %add3A, %mul3A_1 : i32
    %add3A_3 = arith.constant 0 : i32
    %add3A_4 = arith.addi %mul3A_2, %add3A_3 : i32
    %mul3A_5 = arith.constant 256 : i32
    %mul3A_6 = arith.muli %add3A_4, %mul3A_5 : i32
    %dma_start3A = tpu.memref_slice %arg3[%mul3A_6] : memref<131072xi32, #tpu.memory_space<hbm>> -> memref<256xi32, #tpu.memory_space<hbm>>
    %dma_start3A_7 = tpu.memref_slice %arg3[%mul3A_6] : memref<131072xi32, #tpu.memory_space<hbm>> -> memref<256xi32, #tpu.memory_space<hbm>>
    tpu.enqueue_dma source(%dma_start3A_7 : memref<256xi32, #tpu.memory_space<hbm>>) target(%arg7 : memref<256xi32, #tpu.memory_space<vmem>>) target_semaphore(%arg9 : memref<!tpu.dma_semaphore, #tpu.memory_space<semaphore_mem>>)
    %mul3A_8 = arith.constant 16 : i32
    %mul3A_9 = arith.muli %add3A, %mul3A_8 : i32
    %add3A_10 = arith.constant 1 : i32
    %add3A_11 = arith.addi %mul3A_9, %add3A_10 : i32
    %mul3A_12 = arith.constant 256 : i32
    %mul3A_13 = arith.muli %add3A_11, %mul3A_12 : i32
    %dma_start3A_14 = tpu.memref_slice %arg3[%mul3A_13] : memref<131072xi32, #tpu.memory_space<hbm>> -> memref<256xi32, #tpu.memory_space<hbm>>
    %dma_start3A_15 = tpu.memref_slice %arg3[%mul3A_13] : memref<131072xi32, #tpu.memory_space<hbm>> -> memref<256xi32, #tpu.memory_space<hbm>>
    tpu.enqueue_dma source(%dma_start3A_15 : memref<256xi32, #tpu.memory_space<hbm>>) target(%arg8 : memref<256xi32, #tpu.memory_space<vmem>>) target_semaphore(%arg10 : memref<!tpu.dma_semaphore, #tpu.memory_space<semaphore_mem>>)
    %dma_wait3A = tpu.memref_slice %arg3[%mul3A_6] : memref<131072xi32, #tpu.memory_space<hbm>> -> memref<256xi32, #tpu.memory_space<hbm>>
    %dma_wait3A_16 = tpu.memref_slice %arg3[%mul3A_6] : memref<131072xi32, #tpu.memory_space<hbm>> -> memref<256xi32, #tpu.memory_space<hbm>>
    tpu.wait_dma2 semaphore(%arg9 : memref<!tpu.dma_semaphore, #tpu.memory_space<semaphore_mem>>) src(%dma_wait3A_16 : memref<256xi32, #tpu.memory_space<hbm>>) dst(%arg7 : memref<256xi32, #tpu.memory_space<vmem>>)
    %dma_start3A_17 = arith.constant 0 : i32
    %dma_start3A_18 = arith.constant 0 : i32
    %dma_start3A_19 = tpu.memref_slice %arg2[%dma_start3A_17, %dma_start3A_18] : memref<131072x128xf32, #tpu.memory_space<hbm>> -> memref<131072x128xf32, #tpu.memory_space<hbm>>
    tpu.enqueue_indirect_dma source(%dma_start3A_19 : memref<131072x128xf32, #tpu.memory_space<hbm>>) target(%arg5 : memref<256x128xf32, #tpu.memory_space<vmem>>) offsets(%arg7 : memref<256xi32, #tpu.memory_space<vmem>>) semaphore(%arg11 : memref<!tpu.dma_semaphore, #tpu.memory_space<semaphore_mem>>)
    %dma_wait3A_20 = arith.constant 0 : i32
    %dma_wait3A_21 = arith.constant 0 : i32
    %dma_wait3A_22 = tpu.memref_slice %arg2[%dma_wait3A_20, %dma_wait3A_21] : memref<131072x128xf32, #tpu.memory_space<hbm>> -> memref<131072x128xf32, #tpu.memory_space<hbm>>
    tpu.wait_indirect_dma semaphore(%arg11 : memref<!tpu.dma_semaphore, #tpu.memory_space<semaphore_mem>>) src(%dma_wait3A_22 : memref<131072x128xf32, #tpu.memory_space<hbm>>) dst(%arg5 : memref<256x128xf32, #tpu.memory_space<vmem>>)
    %mul3A_23 = arith.constant 16 : i32
    %mul3A_24 = arith.muli %add3A, %mul3A_23 : i32
    %add3A_25 = arith.constant 0 : i32
    %add3A_26 = arith.addi %mul3A_24, %add3A_25 : i32
    %jit3A = arith.constant 8 : i32
    %div3A = arith.divsi %add3A_26, %jit3A : i32
    %sign3A = arith.constant 0 : i32
    %sign3A_27 = arith.cmpi sgt, %add3A_26, %sign3A : i32
    %sign3A_28 = arith.extui %sign3A_27 : i1 to i32
    %sign3A_29 = arith.constant 0 : i32
    %sign3A_30 = arith.cmpi slt, %add3A_26, %sign3A_29 : i32
    %sign3A_31 = arith.extui %sign3A_30 : i1 to i32
    %sign3A_32 = arith.subi %sign3A_28, %sign3A_31 : i32
    %sign3A_33 = arith.constant 0 : i32
    %sign3A_34 = arith.cmpi sgt, %jit3A, %sign3A_33 : i32
    %sign3A_35 = arith.extui %sign3A_34 : i1 to i32
    %sign3A_36 = arith.constant 0 : i32
    %sign3A_37 = arith.cmpi slt, %jit3A, %sign3A_36 : i32
    %sign3A_38 = arith.extui %sign3A_37 : i1 to i32
    %sign3A_39 = arith.subi %sign3A_35, %sign3A_38 : i32
    %ne3A = arith.cmpi ne, %sign3A_32, %sign3A_39 : i32
    %rem3A = arith.remsi %add3A_26, %jit3A : i32
    %ne3A_40 = arith.constant 0 : i32
    %ne3A_41 = arith.cmpi ne, %rem3A, %ne3A_40 : i32
    %and3A = arith.andi %ne3A, %ne3A_41 : i1
    %sub3A = arith.constant 1 : i32
    %sub3A_42 = arith.subi %div3A, %sub3A : i32
    %select_n3A = arith.select %and3A, %sub3A_42, %div3A : i32
    %jit3A_43 = arith.constant 8 : i32
    %eq3A = arith.constant 0 : i32
    %eq3A_44 = arith.cmpi eq, %jit3A_43, %eq3A : i32
    %jit3A_45 = arith.constant 1 : i32
    %select_n3A_46 = arith.select %eq3A_44, %jit3A_45, %jit3A_43 : i32
    %rem3A_47 = arith.remsi %add3A_26, %select_n3A_46 : i32
    %ne3A_48 = arith.constant 0 : i32
    %ne3A_49 = arith.cmpi ne, %rem3A_47, %ne3A_48 : i32
    %lt3A = arith.constant 0 : i32
    %lt3A_50 = arith.cmpi slt, %rem3A_47, %lt3A : i32
    %lt3A_51 = arith.constant 0 : i32
    %lt3A_52 = arith.cmpi slt, %select_n3A_46, %lt3A_51 : i32
    %ne3A_53 = arith.xori %lt3A_50, %lt3A_52 : i1
    %and3A_54 = arith.andi %ne3A_53, %ne3A_49 : i1
    %add3A_55 = arith.addi %rem3A_47, %select_n3A_46 : i32
    %select_n3A_56 = arith.select %and3A_54, %add3A_55, %rem3A_47 : i32
    %mul3A_57 = arith.constant 256 : i32
    %mul3A_58 = arith.muli %select_n3A_56, %mul3A_57 : i32
    %jit3A_59 = arith.constant 32 : i32
    %div3A_60 = arith.divsi %select_n3A, %jit3A_59 : i32
    %sign3A_61 = arith.constant 0 : i32
    %sign3A_62 = arith.cmpi sgt, %select_n3A, %sign3A_61 : i32
    %sign3A_63 = arith.extui %sign3A_62 : i1 to i32
    %sign3A_64 = arith.constant 0 : i32
    %sign3A_65 = arith.cmpi slt, %select_n3A, %sign3A_64 : i32
    %sign3A_66 = arith.extui %sign3A_65 : i1 to i32
    %sign3A_67 = arith.subi %sign3A_63, %sign3A_66 : i32
    %sign3A_68 = arith.constant 0 : i32
    %sign3A_69 = arith.cmpi sgt, %jit3A_59, %sign3A_68 : i32
    %sign3A_70 = arith.extui %sign3A_69 : i1 to i32
    %sign3A_71 = arith.constant 0 : i32
    %sign3A_72 = arith.cmpi slt, %jit3A_59, %sign3A_71 : i32
    %sign3A_73 = arith.extui %sign3A_72 : i1 to i32
    %sign3A_74 = arith.subi %sign3A_70, %sign3A_73 : i32
    %ne3A_75 = arith.cmpi ne, %sign3A_67, %sign3A_74 : i32
    %rem3A_76 = arith.remsi %select_n3A, %jit3A_59 : i32
    %ne3A_77 = arith.constant 0 : i32
    %ne3A_78 = arith.cmpi ne, %rem3A_76, %ne3A_77 : i32
    %and3A_79 = arith.andi %ne3A_75, %ne3A_78 : i1
    %sub3A_80 = arith.constant 1 : i32
    %sub3A_81 = arith.subi %div3A_60, %sub3A_80 : i32
    %select_n3A_82 = arith.select %and3A_79, %sub3A_81, %div3A_60 : i32
    %jit3A_83 = arith.constant 32 : i32
    %eq3A_84 = arith.constant 0 : i32
    %eq3A_85 = arith.cmpi eq, %jit3A_83, %eq3A_84 : i32
    %jit3A_86 = arith.constant 1 : i32
    %select_n3A_87 = arith.select %eq3A_85, %jit3A_86, %jit3A_83 : i32
    %rem3A_88 = arith.remsi %select_n3A, %select_n3A_87 : i32
    %ne3A_89 = arith.constant 0 : i32
    %ne3A_90 = arith.cmpi ne, %rem3A_88, %ne3A_89 : i32
    %lt3A_91 = arith.constant 0 : i32
    %lt3A_92 = arith.cmpi slt, %rem3A_88, %lt3A_91 : i32
    %lt3A_93 = arith.constant 0 : i32
    %lt3A_94 = arith.cmpi slt, %select_n3A_87, %lt3A_93 : i32
    %ne3A_95 = arith.xori %lt3A_92, %lt3A_94 : i1
    %and3A_96 = arith.andi %ne3A_95, %ne3A_90 : i1
    %add3A_97 = arith.addi %rem3A_88, %select_n3A_87 : i32
    %select_n3A_98 = arith.select %and3A_96, %add3A_97, %rem3A_88 : i32
    %mul3A_99 = arith.constant 2048 : i32
    %mul3A_100 = arith.muli %select_n3A_82, %mul3A_99 : i32
    %add3A_101 = arith.addi %mul3A_100, %mul3A_58 : i32
    %dma_start3A_102 = arith.constant 0 : i32
    %dma_start3A_103 = tpu.memref_slice %arg4[%add3A_101, %select_n3A_98, %dma_start3A_102] : memref<4096x32x128xf32, #tpu.memory_space<hbm>> -> memref<256x1x128xf32, #tpu.memory_space<hbm>>
    %dma_start3A_104 = tpu.memref_squeeze %dma_start3A_103 : memref<256x1x128xf32, #tpu.memory_space<hbm>> -> memref<256x128xf32, #tpu.memory_space<hbm>>
    %dma_start3A_105 = arith.constant 0 : i32
    %dma_start3A_106 = tpu.memref_slice %arg4[%add3A_101, %select_n3A_98, %dma_start3A_105] : memref<4096x32x128xf32, #tpu.memory_space<hbm>> -> memref<256x1x128xf32, #tpu.memory_space<hbm>>
    %dma_start3A_107 = tpu.memref_squeeze %dma_start3A_106 : memref<256x1x128xf32, #tpu.memory_space<hbm>> -> memref<256x128xf32, #tpu.memory_space<hbm>>
    tpu.enqueue_dma source(%arg5 : memref<256x128xf32, #tpu.memory_space<vmem>>) target(%dma_start3A_107 : memref<256x128xf32, #tpu.memory_space<hbm>>) target_semaphore(%arg13 : memref<!tpu.dma_semaphore, #tpu.memory_space<semaphore_mem>>)
    %mul3A_108 = arith.constant 16 : i32
    %mul3A_109 = arith.muli %add3A, %mul3A_108 : i32
    %add3A_110 = arith.constant 2 : i32
    %add3A_111 = arith.addi %mul3A_109, %add3A_110 : i32
    %mul3A_112 = arith.constant 256 : i32
    %mul3A_113 = arith.muli %add3A_111, %mul3A_112 : i32
    %dma_start3A_114 = tpu.memref_slice %arg3[%mul3A_113] : memref<131072xi32, #tpu.memory_space<hbm>> -> memref<256xi32, #tpu.memory_space<hbm>>
    %dma_start3A_115 = tpu.memref_slice %arg3[%mul3A_113] : memref<131072xi32, #tpu.memory_space<hbm>> -> memref<256xi32, #tpu.memory_space<hbm>>
    tpu.enqueue_dma source(%dma_start3A_115 : memref<256xi32, #tpu.memory_space<hbm>>) target(%arg7 : memref<256xi32, #tpu.memory_space<vmem>>) target_semaphore(%arg9 : memref<!tpu.dma_semaphore, #tpu.memory_space<semaphore_mem>>)
    %dma_wait3A_116 = arith.constant 0 : i32
    %dma_wait3A_117 = tpu.memref_slice %arg4[%add3A_101, %select_n3A_98, %dma_wait3A_116] : memref<4096x32x128xf32, #tpu.memory_space<hbm>> -> memref<256x1x128xf32, #tpu.memory_space<hbm>>
    %dma_wait3A_118 = tpu.memref_squeeze %dma_wait3A_117 : memref<256x1x128xf32, #tpu.memory_space<hbm>> -> memref<256x128xf32, #tpu.memory_space<hbm>>
    %dma_wait3A_119 = arith.constant 0 : i32
    %dma_wait3A_120 = tpu.memref_slice %arg4[%add3A_101, %select_n3A_98, %dma_wait3A_119] : memref<4096x32x128xf32, #tpu.memory_space<hbm>> -> memref<256x1x128xf32, #tpu.memory_space<hbm>>
    %dma_wait3A_121 = tpu.memref_squeeze %dma_wait3A_120 : memref<256x1x128xf32, #tpu.memory_space<hbm>> -> memref<256x128xf32, #tpu.memory_space<hbm>>
    tpu.wait_dma2 semaphore(%arg13 : memref<!tpu.dma_semaphore, #tpu.memory_space<semaphore_mem>>) src(%arg5 : memref<256x128xf32, #tpu.memory_space<vmem>>) dst(%dma_wait3A_121 : memref<256x128xf32, #tpu.memory_space<hbm>>)
    %dma_wait3A_122 = tpu.memref_slice %arg3[%mul3A_13] : memref<131072xi32, #tpu.memory_space<hbm>> -> memref<256xi32, #tpu.memory_space<hbm>>
    %dma_wait3A_123 = tpu.memref_slice %arg3[%mul3A_13] : memref<131072xi32, #tpu.memory_space<hbm>> -> memref<256xi32, #tpu.memory_space<hbm>>
    tpu.wait_dma2 semaphore(%arg10 : memref<!tpu.dma_semaphore, #tpu.memory_space<semaphore_mem>>) src(%dma_wait3A_123 : memref<256xi32, #tpu.memory_space<hbm>>) dst(%arg8 : memref<256xi32, #tpu.memory_space<vmem>>)
    %dma_start3A_124 = arith.constant 0 : i32
    %dma_start3A_125 = arith.constant 0 : i32
    %dma_start3A_126 = tpu.memref_slice %arg2[%dma_start3A_124, %dma_start3A_125] : memref<131072x128xf32, #tpu.memory_space<hbm>> -> memref<131072x128xf32, #tpu.memory_space<hbm>>
    tpu.enqueue_indirect_dma source(%dma_start3A_126 : memref<131072x128xf32, #tpu.memory_space<hbm>>) target(%arg6 : memref<256x128xf32, #tpu.memory_space<vmem>>) offsets(%arg8 : memref<256xi32, #tpu.memory_space<vmem>>) semaphore(%arg12 : memref<!tpu.dma_semaphore, #tpu.memory_space<semaphore_mem>>)
    %dma_wait3A_127 = arith.constant 0 : i32
    %dma_wait3A_128 = arith.constant 0 : i32
    %dma_wait3A_129 = tpu.memref_slice %arg2[%dma_wait3A_127, %dma_wait3A_128] : memref<131072x128xf32, #tpu.memory_space<hbm>> -> memref<131072x128xf32, #tpu.memory_space<hbm>>
    tpu.wait_indirect_dma semaphore(%arg12 : memref<!tpu.dma_semaphore, #tpu.memory_space<semaphore_mem>>) src(%dma_wait3A_129 : memref<131072x128xf32, #tpu.memory_space<hbm>>) dst(%arg6 : memref<256x128xf32, #tpu.memory_space<vmem>>)
    %mul3A_130 = arith.constant 16 : i32
    %mul3A_131 = arith.muli %add3A, %mul3A_130 : i32
    %add3A_132 = arith.constant 1 : i32
    %add3A_133 = arith.addi %mul3A_131, %add3A_132 : i32
    %jit3A_134 = arith.constant 8 : i32
    %div3A_135 = arith.divsi %add3A_133, %jit3A_134 : i32
    %sign3A_136 = arith.constant 0 : i32
    %sign3A_137 = arith.cmpi sgt, %add3A_133, %sign3A_136 : i32
    %sign3A_138 = arith.extui %sign3A_137 : i1 to i32
    %sign3A_139 = arith.constant 0 : i32
    %sign3A_140 = arith.cmpi slt, %add3A_133, %sign3A_139 : i32
    %sign3A_141 = arith.extui %sign3A_140 : i1 to i32
    %sign3A_142 = arith.subi %sign3A_138, %sign3A_141 : i32
    %sign3A_143 = arith.constant 0 : i32
    %sign3A_144 = arith.cmpi sgt, %jit3A_134, %sign3A_143 : i32
    %sign3A_145 = arith.extui %sign3A_144 : i1 to i32
    %sign3A_146 = arith.constant 0 : i32
    %sign3A_147 = arith.cmpi slt, %jit3A_134, %sign3A_146 : i32
    %sign3A_148 = arith.extui %sign3A_147 : i1 to i32
    %sign3A_149 = arith.subi %sign3A_145, %sign3A_148 : i32
    %ne3A_150 = arith.cmpi ne, %sign3A_142, %sign3A_149 : i32
    %rem3A_151 = arith.remsi %add3A_133, %jit3A_134 : i32
    %ne3A_152 = arith.constant 0 : i32
    %ne3A_153 = arith.cmpi ne, %rem3A_151, %ne3A_152 : i32
    %and3A_154 = arith.andi %ne3A_150, %ne3A_153 : i1
    %sub3A_155 = arith.constant 1 : i32
    %sub3A_156 = arith.subi %div3A_135, %sub3A_155 : i32
    %select_n3A_157 = arith.select %and3A_154, %sub3A_156, %div3A_135 : i32
    %jit3A_158 = arith.constant 8 : i32
    %eq3A_159 = arith.constant 0 : i32
    %eq3A_160 = arith.cmpi eq, %jit3A_158, %eq3A_159 : i32
    %jit3A_161 = arith.constant 1 : i32
    %select_n3A_162 = arith.select %eq3A_160, %jit3A_161, %jit3A_158 : i32
    %rem3A_163 = arith.remsi %add3A_133, %select_n3A_162 : i32
    %ne3A_164 = arith.constant 0 : i32
    %ne3A_165 = arith.cmpi ne, %rem3A_163, %ne3A_164 : i32
    %lt3A_166 = arith.constant 0 : i32
    %lt3A_167 = arith.cmpi slt, %rem3A_163, %lt3A_166 : i32
    %lt3A_168 = arith.constant 0 : i32
    %lt3A_169 = arith.cmpi slt, %select_n3A_162, %lt3A_168 : i32
    %ne3A_170 = arith.xori %lt3A_167, %lt3A_169 : i1
    %and3A_171 = arith.andi %ne3A_170, %ne3A_165 : i1
    %add3A_172 = arith.addi %rem3A_163, %select_n3A_162 : i32
    %select_n3A_173 = arith.select %and3A_171, %add3A_172, %rem3A_163 : i32
    %mul3A_174 = arith.constant 256 : i32
    %mul3A_175 = arith.muli %select_n3A_173, %mul3A_174 : i32
    %jit3A_176 = arith.constant 32 : i32
    %div3A_177 = arith.divsi %select_n3A_157, %jit3A_176 : i32
    %sign3A_178 = arith.constant 0 : i32
    %sign3A_179 = arith.cmpi sgt, %select_n3A_157, %sign3A_178 : i32
    %sign3A_180 = arith.extui %sign3A_179 : i1 to i32
    %sign3A_181 = arith.constant 0 : i32
    %sign3A_182 = arith.cmpi slt, %select_n3A_157, %sign3A_181 : i32
    %sign3A_183 = arith.extui %sign3A_182 : i1 to i32
    %sign3A_184 = arith.subi %sign3A_180, %sign3A_183 : i32
    %sign3A_185 = arith.constant 0 : i32
    %sign3A_186 = arith.cmpi sgt, %jit3A_176, %sign3A_185 : i32
    %sign3A_187 = arith.extui %sign3A_186 : i1 to i32
    %sign3A_188 = arith.constant 0 : i32
    %sign3A_189 = arith.cmpi slt, %jit3A_176, %sign3A_188 : i32
    %sign3A_190 = arith.extui %sign3A_189 : i1 to i32
    %sign3A_191 = arith.subi %sign3A_187, %sign3A_190 : i32
    %ne3A_192 = arith.cmpi ne, %sign3A_184, %sign3A_191 : i32
    %rem3A_193 = arith.remsi %select_n3A_157, %jit3A_176 : i32
    %ne3A_194 = arith.constant 0 : i32
    %ne3A_195 = arith.cmpi ne, %rem3A_193, %ne3A_194 : i32
    %and3A_196 = arith.andi %ne3A_192, %ne3A_195 : i1
    %sub3A_197 = arith.constant 1 : i32
    %sub3A_198 = arith.subi %div3A_177, %sub3A_197 : i32
    %select_n3A_199 = arith.select %and3A_196, %sub3A_198, %div3A_177 : i32
    %jit3A_200 = arith.constant 32 : i32
    %eq3A_201 = arith.constant 0 : i32
    %eq3A_202 = arith.cmpi eq, %jit3A_200, %eq3A_201 : i32
    %jit3A_203 = arith.constant 1 : i32
    %select_n3A_204 = arith.select %eq3A_202, %jit3A_203, %jit3A_200 : i32
    %rem3A_205 = arith.remsi %select_n3A_157, %select_n3A_204 : i32
    %ne3A_206 = arith.constant 0 : i32
    %ne3A_207 = arith.cmpi ne, %rem3A_205, %ne3A_206 : i32
    %lt3A_208 = arith.constant 0 : i32
    %lt3A_209 = arith.cmpi slt, %rem3A_205, %lt3A_208 : i32
    %lt3A_210 = arith.constant 0 : i32
    %lt3A_211 = arith.cmpi slt, %select_n3A_204, %lt3A_210 : i32
    %ne3A_212 = arith.xori %lt3A_209, %lt3A_211 : i1
    %and3A_213 = arith.andi %ne3A_212, %ne3A_207 : i1
    %add3A_214 = arith.addi %rem3A_205, %select_n3A_204 : i32
    %select_n3A_215 = arith.select %and3A_213, %add3A_214, %rem3A_205 : i32
    %mul3A_216 = arith.constant 2048 : i32
    %mul3A_217 = arith.muli %select_n3A_199, %mul3A_216 : i32
    %add3A_218 = arith.addi %mul3A_217, %mul3A_175 : i32
    %dma_start3A_219 = arith.constant 0 : i32
    %dma_start3A_220 = tpu.memref_slice %arg4[%add3A_218, %select_n3A_215, %dma_start3A_219] : memref<4096x32x128xf32, #tpu.memory_space<hbm>> -> memref<256x1x128xf32, #tpu.memory_space<hbm>>
    %dma_start3A_221 = tpu.memref_squeeze %dma_start3A_220 : memref<256x1x128xf32, #tpu.memory_space<hbm>> -> memref<256x128xf32, #tpu.memory_space<hbm>>
    %dma_start3A_222 = arith.constant 0 : i32
    %dma_start3A_223 = tpu.memref_slice %arg4[%add3A_218, %select_n3A_215, %dma_start3A_222] : memref<4096x32x128xf32, #tpu.memory_space<hbm>> -> memref<256x1x128xf32, #tpu.memory_space<hbm>>
    %dma_start3A_224 = tpu.memref_squeeze %dma_start3A_223 : memref<256x1x128xf32, #tpu.memory_space<hbm>> -> memref<256x128xf32, #tpu.memory_space<hbm>>
    tpu.enqueue_dma source(%arg6 : memref<256x128xf32, #tpu.memory_space<vmem>>) target(%dma_start3A_224 : memref<256x128xf32, #tpu.memory_space<hbm>>) target_semaphore(%arg14 : memref<!tpu.dma_semaphore, #tpu.memory_space<semaphore_mem>>)
    %mul3A_225 = arith.constant 16 : i32
    %mul3A_226 = arith.muli %add3A, %mul3A_225 : i32
    %add3A_227 = arith.constant 3 : i32
    %add3A_228 = arith.addi %mul3A_226, %add3A_227 : i32
    %mul3A_229 = arith.constant 256 : i32
    %mul3A_230 = arith.muli %add3A_228, %mul3A_229 : i32
    %dma_start3A_231 = tpu.memref_slice %arg3[%mul3A_230] : memref<131072xi32, #tpu.memory_space<hbm>> -> memref<256xi32, #tpu.memory_space<hbm>>
    %dma_start3A_232 = tpu.memref_slice %arg3[%mul3A_230] : memref<131072xi32, #tpu.memory_space<hbm>> -> memref<256xi32, #tpu.memory_space<hbm>>
    tpu.enqueue_dma source(%dma_start3A_232 : memref<256xi32, #tpu.memory_space<hbm>>) target(%arg8 : memref<256xi32, #tpu.memory_space<vmem>>) target_semaphore(%arg10 : memref<!tpu.dma_semaphore, #tpu.memory_space<semaphore_mem>>)
    %dma_wait3A_233 = arith.constant 0 : i32
    %dma_wait3A_234 = tpu.memref_slice %arg4[%add3A_218, %select_n3A_215, %dma_wait3A_233] : memref<4096x32x128xf32, #tpu.memory_space<hbm>> -> memref<256x1x128xf32, #tpu.memory_space<hbm>>
    %dma_wait3A_235 = tpu.memref_squeeze %dma_wait3A_234 : memref<256x1x128xf32, #tpu.memory_space<hbm>> -> memref<256x128xf32, #tpu.memory_space<hbm>>
    %dma_wait3A_236 = arith.constant 0 : i32
    %dma_wait3A_237 = tpu.memref_slice %arg4[%add3A_218, %select_n3A_215, %dma_wait3A_236] : memref<4096x32x128xf32, #tpu.memory_space<hbm>> -> memref<256x1x128xf32, #tpu.memory_space<hbm>>
    %dma_wait3A_238 = tpu.memref_squeeze %dma_wait3A_237 : memref<256x1x128xf32, #tpu.memory_space<hbm>> -> memref<256x128xf32, #tpu.memory_space<hbm>>
    tpu.wait_dma2 semaphore(%arg14 : memref<!tpu.dma_semaphore, #tpu.memory_space<semaphore_mem>>) src(%arg6 : memref<256x128xf32, #tpu.memory_space<vmem>>) dst(%dma_wait3A_238 : memref<256x128xf32, #tpu.memory_space<hbm>>)
    %dma_wait3A_239 = tpu.memref_slice %arg3[%mul3A_113] : memref<131072xi32, #tpu.memory_space<hbm>> -> memref<256xi32, #tpu.memory_space<hbm>>
    %dma_wait3A_240 = tpu.memref_slice %arg3[%mul3A_113] : memref<131072xi32, #tpu.memory_space<hbm>> -> memref<256xi32, #tpu.memory_space<hbm>>
    tpu.wait_dma2 semaphore(%arg9 : memref<!tpu.dma_semaphore, #tpu.memory_space<semaphore_mem>>) src(%dma_wait3A_240 : memref<256xi32, #tpu.memory_space<hbm>>) dst(%arg7 : memref<256xi32, #tpu.memory_space<vmem>>)
    %dma_start3A_241 = arith.constant 0 : i32
    %dma_start3A_242 = arith.constant 0 : i32
    %dma_start3A_243 = tpu.memref_slice %arg2[%dma_start3A_241, %dma_start3A_242] : memref<131072x128xf32, #tpu.memory_space<hbm>> -> memref<131072x128xf32, #tpu.memory_space<hbm>>
    tpu.enqueue_indirect_dma source(%dma_start3A_243 : memref<131072x128xf32, #tpu.memory_space<hbm>>) target(%arg5 : memref<256x128xf32, #tpu.memory_space<vmem>>) offsets(%arg7 : memref<256xi32, #tpu.memory_space<vmem>>) semaphore(%arg11 : memref<!tpu.dma_semaphore, #tpu.memory_space<semaphore_mem>>)
    %dma_wait3A_244 = arith.constant 0 : i32
    %dma_wait3A_245 = arith.constant 0 : i32
    %dma_wait3A_246 = tpu.memref_slice %arg2[%dma_wait3A_244, %dma_wait3A_245] : memref<131072x128xf32, #tpu.memory_space<hbm>> -> memref<131072x128xf32, #tpu.memory_space<hbm>>
    tpu.wait_indirect_dma semaphore(%arg11 : memref<!tpu.dma_semaphore, #tpu.memory_space<semaphore_mem>>) src(%dma_wait3A_246 : memref<131072x128xf32, #tpu.memory_space<hbm>>) dst(%arg5 : memref<256x128xf32, #tpu.memory_space<vmem>>)
    %mul3A_247 = arith.constant 16 : i32
    %mul3A_248 = arith.muli %add3A, %mul3A_247 : i32
    %add3A_249 = arith.constant 2 : i32
    %add3A_250 = arith.addi %mul3A_248, %add3A_249 : i32
    %jit3A_251 = arith.constant 8 : i32
    %div3A_252 = arith.divsi %add3A_250, %jit3A_251 : i32
    %sign3A_253 = arith.constant 0 : i32
    %sign3A_254 = arith.cmpi sgt, %add3A_250, %sign3A_253 : i32
    %sign3A_255 = arith.extui %sign3A_254 : i1 to i32
    %sign3A_256 = arith.constant 0 : i32
    %sign3A_257 = arith.cmpi slt, %add3A_250, %sign3A_256 : i32
    %sign3A_258 = arith.extui %sign3A_257 : i1 to i32
    %sign3A_259 = arith.subi %sign3A_255, %sign3A_258 : i32
    %sign3A_260 = arith.constant 0 : i32
    %sign3A_261 = arith.cmpi sgt, %jit3A_251, %sign3A_260 : i32
    %sign3A_262 = arith.extui %sign3A_261 : i1 to i32
    %sign3A_263 = arith.constant 0 : i32
    %sign3A_264 = arith.cmpi slt, %jit3A_251, %sign3A_263 : i32
    %sign3A_265 = arith.extui %sign3A_264 : i1 to i32
    %sign3A_266 = arith.subi %sign3A_262, %sign3A_265 : i32
    %ne3A_267 = arith.cmpi ne, %sign3A_259, %sign3A_266 : i32
    %rem3A_268 = arith.remsi %add3A_250, %jit3A_251 : i32
    %ne3A_269 = arith.constant 0 : i32
    %ne3A_270 = arith.cmpi ne, %rem3A_268, %ne3A_269 : i32
    %and3A_271 = arith.andi %ne3A_267, %ne3A_270 : i1
    %sub3A_272 = arith.constant 1 : i32
    %sub3A_273 = arith.subi %div3A_252, %sub3A_272 : i32
    %select_n3A_274 = arith.select %and3A_271, %sub3A_273, %div3A_252 : i32
    %jit3A_275 = arith.constant 8 : i32
    %eq3A_276 = arith.constant 0 : i32
    %eq3A_277 = arith.cmpi eq, %jit3A_275, %eq3A_276 : i32
    %jit3A_278 = arith.constant 1 : i32
    %select_n3A_279 = arith.select %eq3A_277, %jit3A_278, %jit3A_275 : i32
    %rem3A_280 = arith.remsi %add3A_250, %select_n3A_279 : i32
    %ne3A_281 = arith.constant 0 : i32
    %ne3A_282 = arith.cmpi ne, %rem3A_280, %ne3A_281 : i32
    %lt3A_283 = arith.constant 0 : i32
    %lt3A_284 = arith.cmpi slt, %rem3A_280, %lt3A_283 : i32
    %lt3A_285 = arith.constant 0 : i32
    %lt3A_286 = arith.cmpi slt, %select_n3A_279, %lt3A_285 : i32
    %ne3A_287 = arith.xori %lt3A_284, %lt3A_286 : i1
    %and3A_288 = arith.andi %ne3A_287, %ne3A_282 : i1
    %add3A_289 = arith.addi %rem3A_280, %select_n3A_279 : i32
    %select_n3A_290 = arith.select %and3A_288, %add3A_289, %rem3A_280 : i32
    %mul3A_291 = arith.constant 256 : i32
    %mul3A_292 = arith.muli %select_n3A_290, %mul3A_291 : i32
    %jit3A_293 = arith.constant 32 : i32
    %div3A_294 = arith.divsi %select_n3A_274, %jit3A_293 : i32
    %sign3A_295 = arith.constant 0 : i32
    %sign3A_296 = arith.cmpi sgt, %select_n3A_274, %sign3A_295 : i32
    %sign3A_297 = arith.extui %sign3A_296 : i1 to i32
    %sign3A_298 = arith.constant 0 : i32
    %sign3A_299 = arith.cmpi slt, %select_n3A_274, %sign3A_298 : i32
    %sign3A_300 = arith.extui %sign3A_299 : i1 to i32
    %sign3A_301 = arith.subi %sign3A_297, %sign3A_300 : i32
    %sign3A_302 = arith.constant 0 : i32
    %sign3A_303 = arith.cmpi sgt, %jit3A_293, %sign3A_302 : i32
    %sign3A_304 = arith.extui %sign3A_303 : i1 to i32
    %sign3A_305 = arith.constant 0 : i32
    %sign3A_306 = arith.cmpi slt, %jit3A_293, %sign3A_305 : i32
    %sign3A_307 = arith.extui %sign3A_306 : i1 to i32
    %sign3A_308 = arith.subi %sign3A_304, %sign3A_307 : i32
    %ne3A_309 = arith.cmpi ne, %sign3A_301, %sign3A_308 : i32
    %rem3A_310 = arith.remsi %select_n3A_274, %jit3A_293 : i32
    %ne3A_311 = arith.constant 0 : i32
    %ne3A_312 = arith.cmpi ne, %rem3A_310, %ne3A_311 : i32
    %and3A_313 = arith.andi %ne3A_309, %ne3A_312 : i1
    %sub3A_314 = arith.constant 1 : i32
    %sub3A_315 = arith.subi %div3A_294, %sub3A_314 : i32
    %select_n3A_316 = arith.select %and3A_313, %sub3A_315, %div3A_294 : i32
    %jit3A_317 = arith.constant 32 : i32
    %eq3A_318 = arith.constant 0 : i32
    %eq3A_319 = arith.cmpi eq, %jit3A_317, %eq3A_318 : i32
    %jit3A_320 = arith.constant 1 : i32
    %select_n3A_321 = arith.select %eq3A_319, %jit3A_320, %jit3A_317 : i32
    %rem3A_322 = arith.remsi %select_n3A_274, %select_n3A_321 : i32
    %ne3A_323 = arith.constant 0 : i32
    %ne3A_324 = arith.cmpi ne, %rem3A_322, %ne3A_323 : i32
    %lt3A_325 = arith.constant 0 : i32
    %lt3A_326 = arith.cmpi slt, %rem3A_322, %lt3A_325 : i32
    %lt3A_327 = arith.constant 0 : i32
    %lt3A_328 = arith.cmpi slt, %select_n3A_321, %lt3A_327 : i32
    %ne3A_329 = arith.xori %lt3A_326, %lt3A_328 : i1
    %and3A_330 = arith.andi %ne3A_329, %ne3A_324 : i1
    %add3A_331 = arith.addi %rem3A_322, %select_n3A_321 : i32
    %select_n3A_332 = arith.select %and3A_330, %add3A_331, %rem3A_322 : i32
    %mul3A_333 = arith.constant 2048 : i32
    %mul3A_334 = arith.muli %select_n3A_316, %mul3A_333 : i32
    %add3A_335 = arith.addi %mul3A_334, %mul3A_292 : i32
    %dma_start3A_336 = arith.constant 0 : i32
    %dma_start3A_337 = tpu.memref_slice %arg4[%add3A_335, %select_n3A_332, %dma_start3A_336] : memref<4096x32x128xf32, #tpu.memory_space<hbm>> -> memref<256x1x128xf32, #tpu.memory_space<hbm>>
    %dma_start3A_338 = tpu.memref_squeeze %dma_start3A_337 : memref<256x1x128xf32, #tpu.memory_space<hbm>> -> memref<256x128xf32, #tpu.memory_space<hbm>>
    %dma_start3A_339 = arith.constant 0 : i32
    %dma_start3A_340 = tpu.memref_slice %arg4[%add3A_335, %select_n3A_332, %dma_start3A_339] : memref<4096x32x128xf32, #tpu.memory_space<hbm>> -> memref<256x1x128xf32, #tpu.memory_space<hbm>>
    %dma_start3A_341 = tpu.memref_squeeze %dma_start3A_340 : memref<256x1x128xf32, #tpu.memory_space<hbm>> -> memref<256x128xf32, #tpu.memory_space<hbm>>
    tpu.enqueue_dma source(%arg5 : memref<256x128xf32, #tpu.memory_space<vmem>>) target(%dma_start3A_341 : memref<256x128xf32, #tpu.memory_space<hbm>>) target_semaphore(%arg13 : memref<!tpu.dma_semaphore, #tpu.memory_space<semaphore_mem>>)
    %mul3A_342 = arith.constant 16 : i32
    %mul3A_343 = arith.muli %add3A, %mul3A_342 : i32
    %add3A_344 = arith.constant 4 : i32
    %add3A_345 = arith.addi %mul3A_343, %add3A_344 : i32
    %mul3A_346 = arith.constant 256 : i32
    %mul3A_347 = arith.muli %add3A_345, %mul3A_346 : i32
    %dma_start3A_348 = tpu.memref_slice %arg3[%mul3A_347] : memref<131072xi32, #tpu.memory_space<hbm>> -> memref<256xi32, #tpu.memory_space<hbm>>
    %dma_start3A_349 = tpu.memref_slice %arg3[%mul3A_347] : memref<131072xi32, #tpu.memory_space<hbm>> -> memref<256xi32, #tpu.memory_space<hbm>>
    tpu.enqueue_dma source(%dma_start3A_349 : memref<256xi32, #tpu.memory_space<hbm>>) target(%arg7 : memref<256xi32, #tpu.memory_space<vmem>>) target_semaphore(%arg9 : memref<!tpu.dma_semaphore, #tpu.memory_space<semaphore_mem>>)
    %dma_wait3A_350 = arith.constant 0 : i32
    %dma_wait3A_351 = tpu.memref_slice %arg4[%add3A_335, %select_n3A_332, %dma_wait3A_350] : memref<4096x32x128xf32, #tpu.memory_space<hbm>> -> memref<256x1x128xf32, #tpu.memory_space<hbm>>
    %dma_wait3A_352 = tpu.memref_squeeze %dma_wait3A_351 : memref<256x1x128xf32, #tpu.memory_space<hbm>> -> memref<256x128xf32, #tpu.memory_space<hbm>>
    %dma_wait3A_353 = arith.constant 0 : i32
    %dma_wait3A_354 = tpu.memref_slice %arg4[%add3A_335, %select_n3A_332, %dma_wait3A_353] : memref<4096x32x128xf32, #tpu.memory_space<hbm>> -> memref<256x1x128xf32, #tpu.memory_space<hbm>>
    %dma_wait3A_355 = tpu.memref_squeeze %dma_wait3A_354 : memref<256x1x128xf32, #tpu.memory_space<hbm>> -> memref<256x128xf32, #tpu.memory_space<hbm>>
    tpu.wait_dma2 semaphore(%arg13 : memref<!tpu.dma_semaphore, #tpu.memory_space<semaphore_mem>>) src(%arg5 : memref<256x128xf32, #tpu.memory_space<vmem>>) dst(%dma_wait3A_355 : memref<256x128xf32, #tpu.memory_space<hbm>>)
    %dma_wait3A_356 = tpu.memref_slice %arg3[%mul3A_230] : memref<131072xi32, #tpu.memory_space<hbm>> -> memref<256xi32, #tpu.memory_space<hbm>>
    %dma_wait3A_357 = tpu.memref_slice %arg3[%mul3A_230] : memref<131072xi32, #tpu.memory_space<hbm>> -> memref<256xi32, #tpu.memory_space<hbm>>
    tpu.wait_dma2 semaphore(%arg10 : memref<!tpu.dma_semaphore, #tpu.memory_space<semaphore_mem>>) src(%dma_wait3A_357 : memref<256xi32, #tpu.memory_space<hbm>>) dst(%arg8 : memref<256xi32, #tpu.memory_space<vmem>>)
    %dma_start3A_358 = arith.constant 0 : i32
    %dma_start3A_359 = arith.constant 0 : i32
    %dma_start3A_360 = tpu.memref_slice %arg2[%dma_start3A_358, %dma_start3A_359] : memref<131072x128xf32, #tpu.memory_space<hbm>> -> memref<131072x128xf32, #tpu.memory_space<hbm>>
    tpu.enqueue_indirect_dma source(%dma_start3A_360 : memref<131072x128xf32, #tpu.memory_space<hbm>>) target(%arg6 : memref<256x128xf32, #tpu.memory_space<vmem>>) offsets(%arg8 : memref<256xi32, #tpu.memory_space<vmem>>) semaphore(%arg12 : memref<!tpu.dma_semaphore, #tpu.memory_space<semaphore_mem>>)
    %dma_wait3A_361 = arith.constant 0 : i32
    %dma_wait3A_362 = arith.constant 0 : i32
    %dma_wait3A_363 = tpu.memref_slice %arg2[%dma_wait3A_361, %dma_wait3A_362] : memref<131072x128xf32, #tpu.memory_space<hbm>> -> memref<131072x128xf32, #tpu.memory_space<hbm>>
    tpu.wait_indirect_dma semaphore(%arg12 : memref<!tpu.dma_semaphore, #tpu.memory_space<semaphore_mem>>) src(%dma_wait3A_363 : memref<131072x128xf32, #tpu.memory_space<hbm>>) dst(%arg6 : memref<256x128xf32, #tpu.memory_space<vmem>>)
    %mul3A_364 = arith.constant 16 : i32
    %mul3A_365 = arith.muli %add3A, %mul3A_364 : i32
    %add3A_366 = arith.constant 3 : i32
    %add3A_367 = arith.addi %mul3A_365, %add3A_366 : i32
    %jit3A_368 = arith.constant 8 : i32
    %div3A_369 = arith.divsi %add3A_367, %jit3A_368 : i32
    %sign3A_370 = arith.constant 0 : i32
    %sign3A_371 = arith.cmpi sgt, %add3A_367, %sign3A_370 : i32
    %sign3A_372 = arith.extui %sign3A_371 : i1 to i32
    %sign3A_373 = arith.constant 0 : i32
    %sign3A_374 = arith.cmpi slt, %add3A_367, %sign3A_373 : i32
    %sign3A_375 = arith.extui %sign3A_374 : i1 to i32
    %sign3A_376 = arith.subi %sign3A_372, %sign3A_375 : i32
    %sign3A_377 = arith.constant 0 : i32
    %sign3A_378 = arith.cmpi sgt, %jit3A_368, %sign3A_377 : i32
    %sign3A_379 = arith.extui %sign3A_378 : i1 to i32
    %sign3A_380 = arith.constant 0 : i32
    %sign3A_381 = arith.cmpi slt, %jit3A_368, %sign3A_380 : i32
    %sign3A_382 = arith.extui %sign3A_381 : i1 to i32
    %sign3A_383 = arith.subi %sign3A_379, %sign3A_382 : i32
    %ne3A_384 = arith.cmpi ne, %sign3A_376, %sign3A_383 : i32
    %rem3A_385 = arith.remsi %add3A_367, %jit3A_368 : i32
    %ne3A_386 = arith.constant 0 : i32
    %ne3A_387 = arith.cmpi ne, %rem3A_385, %ne3A_386 : i32
    %and3A_388 = arith.andi %ne3A_384, %ne3A_387 : i1
    %sub3A_389 = arith.constant 1 : i32
    %sub3A_390 = arith.subi %div3A_369, %sub3A_389 : i32
    %select_n3A_391 = arith.select %and3A_388, %sub3A_390, %div3A_369 : i32
    %jit3A_392 = arith.constant 8 : i32
    %eq3A_393 = arith.constant 0 : i32
    %eq3A_394 = arith.cmpi eq, %jit3A_392, %eq3A_393 : i32
    %jit3A_395 = arith.constant 1 : i32
    %select_n3A_396 = arith.select %eq3A_394, %jit3A_395, %jit3A_392 : i32
    %rem3A_397 = arith.remsi %add3A_367, %select_n3A_396 : i32
    %ne3A_398 = arith.constant 0 : i32
    %ne3A_399 = arith.cmpi ne, %rem3A_397, %ne3A_398 : i32
    %lt3A_400 = arith.constant 0 : i32
    %lt3A_401 = arith.cmpi slt, %rem3A_397, %lt3A_400 : i32
    %lt3A_402 = arith.constant 0 : i32
    %lt3A_403 = arith.cmpi slt, %select_n3A_396, %lt3A_402 : i32
    %ne3A_404 = arith.xori %lt3A_401, %lt3A_403 : i1
    %and3A_405 = arith.andi %ne3A_404, %ne3A_399 : i1
    %add3A_406 = arith.addi %rem3A_397, %select_n3A_396 : i32
    %select_n3A_407 = arith.select %and3A_405, %add3A_406, %rem3A_397 : i32
    %mul3A_408 = arith.constant 256 : i32
    %mul3A_409 = arith.muli %select_n3A_407, %mul3A_408 : i32
    %jit3A_410 = arith.constant 32 : i32
    %div3A_411 = arith.divsi %select_n3A_391, %jit3A_410 : i32
    %sign3A_412 = arith.constant 0 : i32
    %sign3A_413 = arith.cmpi sgt, %select_n3A_391, %sign3A_412 : i32
    %sign3A_414 = arith.extui %sign3A_413 : i1 to i32
    %sign3A_415 = arith.constant 0 : i32
    %sign3A_416 = arith.cmpi slt, %select_n3A_391, %sign3A_415 : i32
    %sign3A_417 = arith.extui %sign3A_416 : i1 to i32
    %sign3A_418 = arith.subi %sign3A_414, %sign3A_417 : i32
    %sign3A_419 = arith.constant 0 : i32
    %sign3A_420 = arith.cmpi sgt, %jit3A_410, %sign3A_419 : i32
    %sign3A_421 = arith.extui %sign3A_420 : i1 to i32
    %sign3A_422 = arith.constant 0 : i32
    %sign3A_423 = arith.cmpi slt, %jit3A_410, %sign3A_422 : i32
    %sign3A_424 = arith.extui %sign3A_423 : i1 to i32
    %sign3A_425 = arith.subi %sign3A_421, %sign3A_424 : i32
    %ne3A_426 = arith.cmpi ne, %sign3A_418, %sign3A_425 : i32
    %rem3A_427 = arith.remsi %select_n3A_391, %jit3A_410 : i32
    %ne3A_428 = arith.constant 0 : i32
    %ne3A_429 = arith.cmpi ne, %rem3A_427, %ne3A_428 : i32
    %and3A_430 = arith.andi %ne3A_426, %ne3A_429 : i1
    %sub3A_431 = arith.constant 1 : i32
    %sub3A_432 = arith.subi %div3A_411, %sub3A_431 : i32
    %select_n3A_433 = arith.select %and3A_430, %sub3A_432, %div3A_411 : i32
    %jit3A_434 = arith.constant 32 : i32
    %eq3A_435 = arith.constant 0 : i32
    %eq3A_436 = arith.cmpi eq, %jit3A_434, %eq3A_435 : i32
    %jit3A_437 = arith.constant 1 : i32
    %select_n3A_438 = arith.select %eq3A_436, %jit3A_437, %jit3A_434 : i32
    %rem3A_439 = arith.remsi %select_n3A_391, %select_n3A_438 : i32
    %ne3A_440 = arith.constant 0 : i32
    %ne3A_441 = arith.cmpi ne, %rem3A_439, %ne3A_440 : i32
    %lt3A_442 = arith.constant 0 : i32
    %lt3A_443 = arith.cmpi slt, %rem3A_439, %lt3A_442 : i32
    %lt3A_444 = arith.constant 0 : i32
    %lt3A_445 = arith.cmpi slt, %select_n3A_438, %lt3A_444 : i32
    %ne3A_446 = arith.xori %lt3A_443, %lt3A_445 : i1
    %and3A_447 = arith.andi %ne3A_446, %ne3A_441 : i1
    %add3A_448 = arith.addi %rem3A_439, %select_n3A_438 : i32
    %select_n3A_449 = arith.select %and3A_447, %add3A_448, %rem3A_439 : i32
    %mul3A_450 = arith.constant 2048 : i32
    %mul3A_451 = arith.muli %select_n3A_433, %mul3A_450 : i32
    %add3A_452 = arith.addi %mul3A_451, %mul3A_409 : i32
    %dma_start3A_453 = arith.constant 0 : i32
    %dma_start3A_454 = tpu.memref_slice %arg4[%add3A_452, %select_n3A_449, %dma_start3A_453] : memref<4096x32x128xf32, #tpu.memory_space<hbm>> -> memref<256x1x128xf32, #tpu.memory_space<hbm>>
    %dma_start3A_455 = tpu.memref_squeeze %dma_start3A_454 : memref<256x1x128xf32, #tpu.memory_space<hbm>> -> memref<256x128xf32, #tpu.memory_space<hbm>>
    %dma_start3A_456 = arith.constant 0 : i32
    %dma_start3A_457 = tpu.memref_slice %arg4[%add3A_452, %select_n3A_449, %dma_start3A_456] : memref<4096x32x128xf32, #tpu.memory_space<hbm>> -> memref<256x1x128xf32, #tpu.memory_space<hbm>>
    %dma_start3A_458 = tpu.memref_squeeze %dma_start3A_457 : memref<256x1x128xf32, #tpu.memory_space<hbm>> -> memref<256x128xf32, #tpu.memory_space<hbm>>
    tpu.enqueue_dma source(%arg6 : memref<256x128xf32, #tpu.memory_space<vmem>>) target(%dma_start3A_458 : memref<256x128xf32, #tpu.memory_space<hbm>>) target_semaphore(%arg14 : memref<!tpu.dma_semaphore, #tpu.memory_space<semaphore_mem>>)
    %mul3A_459 = arith.constant 16 : i32
    %mul3A_460 = arith.muli %add3A, %mul3A_459 : i32
    %add3A_461 = arith.constant 5 : i32
    %add3A_462 = arith.addi %mul3A_460, %add3A_461 : i32
    %mul3A_463 = arith.constant 256 : i32
    %mul3A_464 = arith.muli %add3A_462, %mul3A_463 : i32
    %dma_start3A_465 = tpu.memref_slice %arg3[%mul3A_464] : memref<131072xi32, #tpu.memory_space<hbm>> -> memref<256xi32, #tpu.memory_space<hbm>>
    %dma_start3A_466 = tpu.memref_slice %arg3[%mul3A_464] : memref<131072xi32, #tpu.memory_space<hbm>> -> memref<256xi32, #tpu.memory_space<hbm>>
    tpu.enqueue_dma source(%dma_start3A_466 : memref<256xi32, #tpu.memory_space<hbm>>) target(%arg8 : memref<256xi32, #tpu.memory_space<vmem>>) target_semaphore(%arg10 : memref<!tpu.dma_semaphore, #tpu.memory_space<semaphore_mem>>)
    %dma_wait3A_467 = arith.constant 0 : i32
    %dma_wait3A_468 = tpu.memref_slice %arg4[%add3A_452, %select_n3A_449, %dma_wait3A_467] : memref<4096x32x128xf32, #tpu.memory_space<hbm>> -> memref<256x1x128xf32, #tpu.memory_space<hbm>>
    %dma_wait3A_469 = tpu.memref_squeeze %dma_wait3A_468 : memref<256x1x128xf32, #tpu.memory_space<hbm>> -> memref<256x128xf32, #tpu.memory_space<hbm>>
    %dma_wait3A_470 = arith.constant 0 : i32
    %dma_wait3A_471 = tpu.memref_slice %arg4[%add3A_452, %select_n3A_449, %dma_wait3A_470] : memref<4096x32x128xf32, #tpu.memory_space<hbm>> -> memref<256x1x128xf32, #tpu.memory_space<hbm>>
    %dma_wait3A_472 = tpu.memref_squeeze %dma_wait3A_471 : memref<256x1x128xf32, #tpu.memory_space<hbm>> -> memref<256x128xf32, #tpu.memory_space<hbm>>
    tpu.wait_dma2 semaphore(%arg14 : memref<!tpu.dma_semaphore, #tpu.memory_space<semaphore_mem>>) src(%arg6 : memref<256x128xf32, #tpu.memory_space<vmem>>) dst(%dma_wait3A_472 : memref<256x128xf32, #tpu.memory_space<hbm>>)
    %dma_wait3A_473 = tpu.memref_slice %arg3[%mul3A_347] : memref<131072xi32, #tpu.memory_space<hbm>> -> memref<256xi32, #tpu.memory_space<hbm>>
    %dma_wait3A_474 = tpu.memref_slice %arg3[%mul3A_347] : memref<131072xi32, #tpu.memory_space<hbm>> -> memref<256xi32, #tpu.memory_space<hbm>>
    tpu.wait_dma2 semaphore(%arg9 : memref<!tpu.dma_semaphore, #tpu.memory_space<semaphore_mem>>) src(%dma_wait3A_474 : memref<256xi32, #tpu.memory_space<hbm>>) dst(%arg7 : memref<256xi32, #tpu.memory_space<vmem>>)
    %dma_start3A_475 = arith.constant 0 : i32
    %dma_start3A_476 = arith.constant 0 : i32
    %dma_start3A_477 = tpu.memref_slice %arg2[%dma_start3A_475, %dma_start3A_476] : memref<131072x128xf32, #tpu.memory_space<hbm>> -> memref<131072x128xf32, #tpu.memory_space<hbm>>
    tpu.enqueue_indirect_dma source(%dma_start3A_477 : memref<131072x128xf32, #tpu.memory_space<hbm>>) target(%arg5 : memref<256x128xf32, #tpu.memory_space<vmem>>) offsets(%arg7 : memref<256xi32, #tpu.memory_space<vmem>>) semaphore(%arg11 : memref<!tpu.dma_semaphore, #tpu.memory_space<semaphore_mem>>)
    %dma_wait3A_478 = arith.constant 0 : i32
    %dma_wait3A_479 = arith.constant 0 : i32
    %dma_wait3A_480 = tpu.memref_slice %arg2[%dma_wait3A_478, %dma_wait3A_479] : memref<131072x128xf32, #tpu.memory_space<hbm>> -> memref<131072x128xf32, #tpu.memory_space<hbm>>
    tpu.wait_indirect_dma semaphore(%arg11 : memref<!tpu.dma_semaphore, #tpu.memory_space<semaphore_mem>>) src(%dma_wait3A_480 : memref<131072x128xf32, #tpu.memory_space<hbm>>) dst(%arg5 : memref<256x128xf32, #tpu.memory_space<vmem>>)
    %mul3A_481 = arith.constant 16 : i32
    %mul3A_482 = arith.muli %add3A, %mul3A_481 : i32
    %add3A_483 = arith.constant 4 : i32
    %add3A_484 = arith.addi %mul3A_482, %add3A_483 : i32
    %jit3A_485 = arith.constant 8 : i32
    %div3A_486 = arith.divsi %add3A_484, %jit3A_485 : i32
    %sign3A_487 = arith.constant 0 : i32
    %sign3A_488 = arith.cmpi sgt, %add3A_484, %sign3A_487 : i32
    %sign3A_489 = arith.extui %sign3A_488 : i1 to i32
    %sign3A_490 = arith.constant 0 : i32
    %sign3A_491 = arith.cmpi slt, %add3A_484, %sign3A_490 : i32
    %sign3A_492 = arith.extui %sign3A_491 : i1 to i32
    %sign3A_493 = arith.subi %sign3A_489, %sign3A_492 : i32
    %sign3A_494 = arith.constant 0 : i32
    %sign3A_495 = arith.cmpi sgt, %jit3A_485, %sign3A_494 : i32
    %sign3A_496 = arith.extui %sign3A_495 : i1 to i32
    %sign3A_497 = arith.constant 0 : i32
    %sign3A_498 = arith.cmpi slt, %jit3A_485, %sign3A_497 : i32
    %sign3A_499 = arith.extui %sign3A_498 : i1 to i32
    %sign3A_500 = arith.subi %sign3A_496, %sign3A_499 : i32
    %ne3A_501 = arith.cmpi ne, %sign3A_493, %sign3A_500 : i32
    %rem3A_502 = arith.remsi %add3A_484, %jit3A_485 : i32
    %ne3A_503 = arith.constant 0 : i32
    %ne3A_504 = arith.cmpi ne, %rem3A_502, %ne3A_503 : i32
    %and3A_505 = arith.andi %ne3A_501, %ne3A_504 : i1
    %sub3A_506 = arith.constant 1 : i32
    %sub3A_507 = arith.subi %div3A_486, %sub3A_506 : i32
    %select_n3A_508 = arith.select %and3A_505, %sub3A_507, %div3A_486 : i32
    %jit3A_509 = arith.constant 8 : i32
    %eq3A_510 = arith.constant 0 : i32
    %eq3A_511 = arith.cmpi eq, %jit3A_509, %eq3A_510 : i32
    %jit3A_512 = arith.constant 1 : i32
    %select_n3A_513 = arith.select %eq3A_511, %jit3A_512, %jit3A_509 : i32
    %rem3A_514 = arith.remsi %add3A_484, %select_n3A_513 : i32
    %ne3A_515 = arith.constant 0 : i32
    %ne3A_516 = arith.cmpi ne, %rem3A_514, %ne3A_515 : i32
    %lt3A_517 = arith.constant 0 : i32
    %lt3A_518 = arith.cmpi slt, %rem3A_514, %lt3A_517 : i32
    %lt3A_519 = arith.constant 0 : i32
    %lt3A_520 = arith.cmpi slt, %select_n3A_513, %lt3A_519 : i32
    %ne3A_521 = arith.xori %lt3A_518, %lt3A_520 : i1
    %and3A_522 = arith.andi %ne3A_521, %ne3A_516 : i1
    %add3A_523 = arith.addi %rem3A_514, %select_n3A_513 : i32
    %select_n3A_524 = arith.select %and3A_522, %add3A_523, %rem3A_514 : i32
    %mul3A_525 = arith.constant 256 : i32
    %mul3A_526 = arith.muli %select_n3A_524, %mul3A_525 : i32
    %jit3A_527 = arith.constant 32 : i32
    %div3A_528 = arith.divsi %select_n3A_508, %jit3A_527 : i32
    %sign3A_529 = arith.constant 0 : i32
    %sign3A_530 = arith.cmpi sgt, %select_n3A_508, %sign3A_529 : i32
    %sign3A_531 = arith.extui %sign3A_530 : i1 to i32
    %sign3A_532 = arith.constant 0 : i32
    %sign3A_533 = arith.cmpi slt, %select_n3A_508, %sign3A_532 : i32
    %sign3A_534 = arith.extui %sign3A_533 : i1 to i32
    %sign3A_535 = arith.subi %sign3A_531, %sign3A_534 : i32
    %sign3A_536 = arith.constant 0 : i32
    %sign3A_537 = arith.cmpi sgt, %jit3A_527, %sign3A_536 : i32
    %sign3A_538 = arith.extui %sign3A_537 : i1 to i32
    %sign3A_539 = arith.constant 0 : i32
    %sign3A_540 = arith.cmpi slt, %jit3A_527, %sign3A_539 : i32
    %sign3A_541 = arith.extui %sign3A_540 : i1 to i32
    %sign3A_542 = arith.subi %sign3A_538, %sign3A_541 : i32
    %ne3A_543 = arith.cmpi ne, %sign3A_535, %sign3A_542 : i32
    %rem3A_544 = arith.remsi %select_n3A_508, %jit3A_527 : i32
    %ne3A_545 = arith.constant 0 : i32
    %ne3A_546 = arith.cmpi ne, %rem3A_544, %ne3A_545 : i32
    %and3A_547 = arith.andi %ne3A_543, %ne3A_546 : i1
    %sub3A_548 = arith.constant 1 : i32
    %sub3A_549 = arith.subi %div3A_528, %sub3A_548 : i32
    %select_n3A_550 = arith.select %and3A_547, %sub3A_549, %div3A_528 : i32
    %jit3A_551 = arith.constant 32 : i32
    %eq3A_552 = arith.constant 0 : i32
    %eq3A_553 = arith.cmpi eq, %jit3A_551, %eq3A_552 : i32
    %jit3A_554 = arith.constant 1 : i32
    %select_n3A_555 = arith.select %eq3A_553, %jit3A_554, %jit3A_551 : i32
    %rem3A_556 = arith.remsi %select_n3A_508, %select_n3A_555 : i32
    %ne3A_557 = arith.constant 0 : i32
    %ne3A_558 = arith.cmpi ne, %rem3A_556, %ne3A_557 : i32
    %lt3A_559 = arith.constant 0 : i32
    %lt3A_560 = arith.cmpi slt, %rem3A_556, %lt3A_559 : i32
    %lt3A_561 = arith.constant 0 : i32
    %lt3A_562 = arith.cmpi slt, %select_n3A_555, %lt3A_561 : i32
    %ne3A_563 = arith.xori %lt3A_560, %lt3A_562 : i1
    %and3A_564 = arith.andi %ne3A_563, %ne3A_558 : i1
    %add3A_565 = arith.addi %rem3A_556, %select_n3A_555 : i32
    %select_n3A_566 = arith.select %and3A_564, %add3A_565, %rem3A_556 : i32
    %mul3A_567 = arith.constant 2048 : i32
    %mul3A_568 = arith.muli %select_n3A_550, %mul3A_567 : i32
    %add3A_569 = arith.addi %mul3A_568, %mul3A_526 : i32
    %dma_start3A_570 = arith.constant 0 : i32
    %dma_start3A_571 = tpu.memref_slice %arg4[%add3A_569, %select_n3A_566, %dma_start3A_570] : memref<4096x32x128xf32, #tpu.memory_space<hbm>> -> memref<256x1x128xf32, #tpu.memory_space<hbm>>
    %dma_start3A_572 = tpu.memref_squeeze %dma_start3A_571 : memref<256x1x128xf32, #tpu.memory_space<hbm>> -> memref<256x128xf32, #tpu.memory_space<hbm>>
    %dma_start3A_573 = arith.constant 0 : i32
    %dma_start3A_574 = tpu.memref_slice %arg4[%add3A_569, %select_n3A_566, %dma_start3A_573] : memref<4096x32x128xf32, #tpu.memory_space<hbm>> -> memref<256x1x128xf32, #tpu.memory_space<hbm>>
    %dma_start3A_575 = tpu.memref_squeeze %dma_start3A_574 : memref<256x1x128xf32, #tpu.memory_space<hbm>> -> memref<256x128xf32, #tpu.memory_space<hbm>>
    tpu.enqueue_dma source(%arg5 : memref<256x128xf32, #tpu.memory_space<vmem>>) target(%dma_start3A_575 : memref<256x128xf32, #tpu.memory_space<hbm>>) target_semaphore(%arg13 : memref<!tpu.dma_semaphore, #tpu.memory_space<semaphore_mem>>)
    %mul3A_576 = arith.constant 16 : i32
    %mul3A_577 = arith.muli %add3A, %mul3A_576 : i32
    %add3A_578 = arith.constant 6 : i32
    %add3A_579 = arith.addi %mul3A_577, %add3A_578 : i32
    %mul3A_580 = arith.constant 256 : i32
    %mul3A_581 = arith.muli %add3A_579, %mul3A_580 : i32
    %dma_start3A_582 = tpu.memref_slice %arg3[%mul3A_581] : memref<131072xi32, #tpu.memory_space<hbm>> -> memref<256xi32, #tpu.memory_space<hbm>>
    %dma_start3A_583 = tpu.memref_slice %arg3[%mul3A_581] : memref<131072xi32, #tpu.memory_space<hbm>> -> memref<256xi32, #tpu.memory_space<hbm>>
    tpu.enqueue_dma source(%dma_start3A_583 : memref<256xi32, #tpu.memory_space<hbm>>) target(%arg7 : memref<256xi32, #tpu.memory_space<vmem>>) target_semaphore(%arg9 : memref<!tpu.dma_semaphore, #tpu.memory_space<semaphore_mem>>)
    %dma_wait3A_584 = arith.constant 0 : i32
    %dma_wait3A_585 = tpu.memref_slice %arg4[%add3A_569, %select_n3A_566, %dma_wait3A_584] : memref<4096x32x128xf32, #tpu.memory_space<hbm>> -> memref<256x1x128xf32, #tpu.memory_space<hbm>>
    %dma_wait3A_586 = tpu.memref_squeeze %dma_wait3A_585 : memref<256x1x128xf32, #tpu.memory_space<hbm>> -> memref<256x128xf32, #tpu.memory_space<hbm>>
    %dma_wait3A_587 = arith.constant 0 : i32
    %dma_wait3A_588 = tpu.memref_slice %arg4[%add3A_569, %select_n3A_566, %dma_wait3A_587] : memref<4096x32x128xf32, #tpu.memory_space<hbm>> -> memref<256x1x128xf32, #tpu.memory_space<hbm>>
    %dma_wait3A_589 = tpu.memref_squeeze %dma_wait3A_588 : memref<256x1x128xf32, #tpu.memory_space<hbm>> -> memref<256x128xf32, #tpu.memory_space<hbm>>
    tpu.wait_dma2 semaphore(%arg13 : memref<!tpu.dma_semaphore, #tpu.memory_space<semaphore_mem>>) src(%arg5 : memref<256x128xf32, #tpu.memory_space<vmem>>) dst(%dma_wait3A_589 : memref<256x128xf32, #tpu.memory_space<hbm>>)
    %dma_wait3A_590 = tpu.memref_slice %arg3[%mul3A_464] : memref<131072xi32, #tpu.memory_space<hbm>> -> memref<256xi32, #tpu.memory_space<hbm>>
    %dma_wait3A_591 = tpu.memref_slice %arg3[%mul3A_464] : memref<131072xi32, #tpu.memory_space<hbm>> -> memref<256xi32, #tpu.memory_space<hbm>>
    tpu.wait_dma2 semaphore(%arg10 : memref<!tpu.dma_semaphore, #tpu.memory_space<semaphore_mem>>) src(%dma_wait3A_591 : memref<256xi32, #tpu.memory_space<hbm>>) dst(%arg8 : memref<256xi32, #tpu.memory_space<vmem>>)
    %dma_start3A_592 = arith.constant 0 : i32
    %dma_start3A_593 = arith.constant 0 : i32
    %dma_start3A_594 = tpu.memref_slice %arg2[%dma_start3A_592, %dma_start3A_593] : memref<131072x128xf32, #tpu.memory_space<hbm>> -> memref<131072x128xf32, #tpu.memory_space<hbm>>
    tpu.enqueue_indirect_dma source(%dma_start3A_594 : memref<131072x128xf32, #tpu.memory_space<hbm>>) target(%arg6 : memref<256x128xf32, #tpu.memory_space<vmem>>) offsets(%arg8 : memref<256xi32, #tpu.memory_space<vmem>>) semaphore(%arg12 : memref<!tpu.dma_semaphore, #tpu.memory_space<semaphore_mem>>)
    %dma_wait3A_595 = arith.constant 0 : i32
    %dma_wait3A_596 = arith.constant 0 : i32
    %dma_wait3A_597 = tpu.memref_slice %arg2[%dma_wait3A_595, %dma_wait3A_596] : memref<131072x128xf32, #tpu.memory_space<hbm>> -> memref<131072x128xf32, #tpu.memory_space<hbm>>
    tpu.wait_indirect_dma semaphore(%arg12 : memref<!tpu.dma_semaphore, #tpu.memory_space<semaphore_mem>>) src(%dma_wait3A_597 : memref<131072x128xf32, #tpu.memory_space<hbm>>) dst(%arg6 : memref<256x128xf32, #tpu.memory_space<vmem>>)
    %mul3A_598 = arith.constant 16 : i32
    %mul3A_599 = arith.muli %add3A, %mul3A_598 : i32
    %add3A_600 = arith.constant 5 : i32
    %add3A_601 = arith.addi %mul3A_599, %add3A_600 : i32
    %jit3A_602 = arith.constant 8 : i32
    %div3A_603 = arith.divsi %add3A_601, %jit3A_602 : i32
    %sign3A_604 = arith.constant 0 : i32
    %sign3A_605 = arith.cmpi sgt, %add3A_601, %sign3A_604 : i32
    %sign3A_606 = arith.extui %sign3A_605 : i1 to i32
    %sign3A_607 = arith.constant 0 : i32
    %sign3A_608 = arith.cmpi slt, %add3A_601, %sign3A_607 : i32
    %sign3A_609 = arith.extui %sign3A_608 : i1 to i32
    %sign3A_610 = arith.subi %sign3A_606, %sign3A_609 : i32
    %sign3A_611 = arith.constant 0 : i32
    %sign3A_612 = arith.cmpi sgt, %jit3A_602, %sign3A_611 : i32
    %sign3A_613 = arith.extui %sign3A_612 : i1 to i32
    %sign3A_614 = arith.constant 0 : i32
    %sign3A_615 = arith.cmpi slt, %jit3A_602, %sign3A_614 : i32
    %sign3A_616 = arith.extui %sign3A_615 : i1 to i32
    %sign3A_617 = arith.subi %sign3A_613, %sign3A_616 : i32
    %ne3A_618 = arith.cmpi ne, %sign3A_610, %sign3A_617 : i32
    %rem3A_619 = arith.remsi %add3A_601, %jit3A_602 : i32
    %ne3A_620 = arith.constant 0 : i32
    %ne3A_621 = arith.cmpi ne, %rem3A_619, %ne3A_620 : i32
    %and3A_622 = arith.andi %ne3A_618, %ne3A_621 : i1
    %sub3A_623 = arith.constant 1 : i32
    %sub3A_624 = arith.subi %div3A_603, %sub3A_623 : i32
    %select_n3A_625 = arith.select %and3A_622, %sub3A_624, %div3A_603 : i32
    %jit3A_626 = arith.constant 8 : i32
    %eq3A_627 = arith.constant 0 : i32
    %eq3A_628 = arith.cmpi eq, %jit3A_626, %eq3A_627 : i32
    %jit3A_629 = arith.constant 1 : i32
    %select_n3A_630 = arith.select %eq3A_628, %jit3A_629, %jit3A_626 : i32
    %rem3A_631 = arith.remsi %add3A_601, %select_n3A_630 : i32
    %ne3A_632 = arith.constant 0 : i32
    %ne3A_633 = arith.cmpi ne, %rem3A_631, %ne3A_632 : i32
    %lt3A_634 = arith.constant 0 : i32
    %lt3A_635 = arith.cmpi slt, %rem3A_631, %lt3A_634 : i32
    %lt3A_636 = arith.constant 0 : i32
    %lt3A_637 = arith.cmpi slt, %select_n3A_630, %lt3A_636 : i32
    %ne3A_638 = arith.xori %lt3A_635, %lt3A_637 : i1
    %and3A_639 = arith.andi %ne3A_638, %ne3A_633 : i1
    %add3A_640 = arith.addi %rem3A_631, %select_n3A_630 : i32
    %select_n3A_641 = arith.select %and3A_639, %add3A_640, %rem3A_631 : i32
    %mul3A_642 = arith.constant 256 : i32
    %mul3A_643 = arith.muli %select_n3A_641, %mul3A_642 : i32
    %jit3A_644 = arith.constant 32 : i32
    %div3A_645 = arith.divsi %select_n3A_625, %jit3A_644 : i32
    %sign3A_646 = arith.constant 0 : i32
    %sign3A_647 = arith.cmpi sgt, %select_n3A_625, %sign3A_646 : i32
    %sign3A_648 = arith.extui %sign3A_647 : i1 to i32
    %sign3A_649 = arith.constant 0 : i32
    %sign3A_650 = arith.cmpi slt, %select_n3A_625, %sign3A_649 : i32
    %sign3A_651 = arith.extui %sign3A_650 : i1 to i32
    %sign3A_652 = arith.subi %sign3A_648, %sign3A_651 : i32
    %sign3A_653 = arith.constant 0 : i32
    %sign3A_654 = arith.cmpi sgt, %jit3A_644, %sign3A_653 : i32
    %sign3A_655 = arith.extui %sign3A_654 : i1 to i32
    %sign3A_656 = arith.constant 0 : i32
    %sign3A_657 = arith.cmpi slt, %jit3A_644, %sign3A_656 : i32
    %sign3A_658 = arith.extui %sign3A_657 : i1 to i32
    %sign3A_659 = arith.subi %sign3A_655, %sign3A_658 : i32
    %ne3A_660 = arith.cmpi ne, %sign3A_652, %sign3A_659 : i32
    %rem3A_661 = arith.remsi %select_n3A_625, %jit3A_644 : i32
    %ne3A_662 = arith.constant 0 : i32
    %ne3A_663 = arith.cmpi ne, %rem3A_661, %ne3A_662 : i32
    %and3A_664 = arith.andi %ne3A_660, %ne3A_663 : i1
    %sub3A_665 = arith.constant 1 : i32
    %sub3A_666 = arith.subi %div3A_645, %sub3A_665 : i32
    %select_n3A_667 = arith.select %and3A_664, %sub3A_666, %div3A_645 : i32
    %jit3A_668 = arith.constant 32 : i32
    %eq3A_669 = arith.constant 0 : i32
    %eq3A_670 = arith.cmpi eq, %jit3A_668, %eq3A_669 : i32
    %jit3A_671 = arith.constant 1 : i32
    %select_n3A_672 = arith.select %eq3A_670, %jit3A_671, %jit3A_668 : i32
    %rem3A_673 = arith.remsi %select_n3A_625, %select_n3A_672 : i32
    %ne3A_674 = arith.constant 0 : i32
    %ne3A_675 = arith.cmpi ne, %rem3A_673, %ne3A_674 : i32
    %lt3A_676 = arith.constant 0 : i32
    %lt3A_677 = arith.cmpi slt, %rem3A_673, %lt3A_676 : i32
    %lt3A_678 = arith.constant 0 : i32
    %lt3A_679 = arith.cmpi slt, %select_n3A_672, %lt3A_678 : i32
    %ne3A_680 = arith.xori %lt3A_677, %lt3A_679 : i1
    %and3A_681 = arith.andi %ne3A_680, %ne3A_675 : i1
    %add3A_682 = arith.addi %rem3A_673, %select_n3A_672 : i32
    %select_n3A_683 = arith.select %and3A_681, %add3A_682, %rem3A_673 : i32
    %mul3A_684 = arith.constant 2048 : i32
    %mul3A_685 = arith.muli %select_n3A_667, %mul3A_684 : i32
    %add3A_686 = arith.addi %mul3A_685, %mul3A_643 : i32
    %dma_start3A_687 = arith.constant 0 : i32
    %dma_start3A_688 = tpu.memref_slice %arg4[%add3A_686, %select_n3A_683, %dma_start3A_687] : memref<4096x32x128xf32, #tpu.memory_space<hbm>> -> memref<256x1x128xf32, #tpu.memory_space<hbm>>
    %dma_start3A_689 = tpu.memref_squeeze %dma_start3A_688 : memref<256x1x128xf32, #tpu.memory_space<hbm>> -> memref<256x128xf32, #tpu.memory_space<hbm>>
    %dma_start3A_690 = arith.constant 0 : i32
    %dma_start3A_691 = tpu.memref_slice %arg4[%add3A_686, %select_n3A_683, %dma_start3A_690] : memref<4096x32x128xf32, #tpu.memory_space<hbm>> -> memref<256x1x128xf32, #tpu.memory_space<hbm>>
    %dma_start3A_692 = tpu.memref_squeeze %dma_start3A_691 : memref<256x1x128xf32, #tpu.memory_space<hbm>> -> memref<256x128xf32, #tpu.memory_space<hbm>>
    tpu.enqueue_dma source(%arg6 : memref<256x128xf32, #tpu.memory_space<vmem>>) target(%dma_start3A_692 : memref<256x128xf32, #tpu.memory_space<hbm>>) target_semaphore(%arg14 : memref<!tpu.dma_semaphore, #tpu.memory_space<semaphore_mem>>)
    %mul3A_693 = arith.constant 16 : i32
    %mul3A_694 = arith.muli %add3A, %mul3A_693 : i32
    %add3A_695 = arith.constant 7 : i32
    %add3A_696 = arith.addi %mul3A_694, %add3A_695 : i32
    %mul3A_697 = arith.constant 256 : i32
    %mul3A_698 = arith.muli %add3A_696, %mul3A_697 : i32
    %dma_start3A_699 = tpu.memref_slice %arg3[%mul3A_698] : memref<131072xi32, #tpu.memory_space<hbm>> -> memref<256xi32, #tpu.memory_space<hbm>>
    %dma_start3A_700 = tpu.memref_slice %arg3[%mul3A_698] : memref<131072xi32, #tpu.memory_space<hbm>> -> memref<256xi32, #tpu.memory_space<hbm>>
    tpu.enqueue_dma source(%dma_start3A_700 : memref<256xi32, #tpu.memory_space<hbm>>) target(%arg8 : memref<256xi32, #tpu.memory_space<vmem>>) target_semaphore(%arg10 : memref<!tpu.dma_semaphore, #tpu.memory_space<semaphore_mem>>)
    %dma_wait3A_701 = arith.constant 0 : i32
    %dma_wait3A_702 = tpu.memref_slice %arg4[%add3A_686, %select_n3A_683, %dma_wait3A_701] : memref<4096x32x128xf32, #tpu.memory_space<hbm>> -> memref<256x1x128xf32, #tpu.memory_space<hbm>>
    %dma_wait3A_703 = tpu.memref_squeeze %dma_wait3A_702 : memref<256x1x128xf32, #tpu.memory_space<hbm>> -> memref<256x128xf32, #tpu.memory_space<hbm>>
    %dma_wait3A_704 = arith.constant 0 : i32
    %dma_wait3A_705 = tpu.memref_slice %arg4[%add3A_686, %select_n3A_683, %dma_wait3A_704] : memref<4096x32x128xf32, #tpu.memory_space<hbm>> -> memref<256x1x128xf32, #tpu.memory_space<hbm>>
    %dma_wait3A_706 = tpu.memref_squeeze %dma_wait3A_705 : memref<256x1x128xf32, #tpu.memory_space<hbm>> -> memref<256x128xf32, #tpu.memory_space<hbm>>
    tpu.wait_dma2 semaphore(%arg14 : memref<!tpu.dma_semaphore, #tpu.memory_space<semaphore_mem>>) src(%arg6 : memref<256x128xf32, #tpu.memory_space<vmem>>) dst(%dma_wait3A_706 : memref<256x128xf32, #tpu.memory_space<hbm>>)
    %dma_wait3A_707 = tpu.memref_slice %arg3[%mul3A_581] : memref<131072xi32, #tpu.memory_space<hbm>> -> memref<256xi32, #tpu.memory_space<hbm>>
    %dma_wait3A_708 = tpu.memref_slice %arg3[%mul3A_581] : memref<131072xi32, #tpu.memory_space<hbm>> -> memref<256xi32, #tpu.memory_space<hbm>>
    tpu.wait_dma2 semaphore(%arg9 : memref<!tpu.dma_semaphore, #tpu.memory_space<semaphore_mem>>) src(%dma_wait3A_708 : memref<256xi32, #tpu.memory_space<hbm>>) dst(%arg7 : memref<256xi32, #tpu.memory_space<vmem>>)
    %dma_start3A_709 = arith.constant 0 : i32
    %dma_start3A_710 = arith.constant 0 : i32
    %dma_start3A_711 = tpu.memref_slice %arg2[%dma_start3A_709, %dma_start3A_710] : memref<131072x128xf32, #tpu.memory_space<hbm>> -> memref<131072x128xf32, #tpu.memory_space<hbm>>
    tpu.enqueue_indirect_dma source(%dma_start3A_711 : memref<131072x128xf32, #tpu.memory_space<hbm>>) target(%arg5 : memref<256x128xf32, #tpu.memory_space<vmem>>) offsets(%arg7 : memref<256xi32, #tpu.memory_space<vmem>>) semaphore(%arg11 : memref<!tpu.dma_semaphore, #tpu.memory_space<semaphore_mem>>)
    %dma_wait3A_712 = arith.constant 0 : i32
    %dma_wait3A_713 = arith.constant 0 : i32
    %dma_wait3A_714 = tpu.memref_slice %arg2[%dma_wait3A_712, %dma_wait3A_713] : memref<131072x128xf32, #tpu.memory_space<hbm>> -> memref<131072x128xf32, #tpu.memory_space<hbm>>
    tpu.wait_indirect_dma semaphore(%arg11 : memref<!tpu.dma_semaphore, #tpu.memory_space<semaphore_mem>>) src(%dma_wait3A_714 : memref<131072x128xf32, #tpu.memory_space<hbm>>) dst(%arg5 : memref<256x128xf32, #tpu.memory_space<vmem>>)
    %mul3A_715 = arith.constant 16 : i32
    %mul3A_716 = arith.muli %add3A, %mul3A_715 : i32
    %add3A_717 = arith.constant 6 : i32
    %add3A_718 = arith.addi %mul3A_716, %add3A_717 : i32
    %jit3A_719 = arith.constant 8 : i32
    %div3A_720 = arith.divsi %add3A_718, %jit3A_719 : i32
    %sign3A_721 = arith.constant 0 : i32
    %sign3A_722 = arith.cmpi sgt, %add3A_718, %sign3A_721 : i32
    %sign3A_723 = arith.extui %sign3A_722 : i1 to i32
    %sign3A_724 = arith.constant 0 : i32
    %sign3A_725 = arith.cmpi slt, %add3A_718, %sign3A_724 : i32
    %sign3A_726 = arith.extui %sign3A_725 : i1 to i32
    %sign3A_727 = arith.subi %sign3A_723, %sign3A_726 : i32
    %sign3A_728 = arith.constant 0 : i32
    %sign3A_729 = arith.cmpi sgt, %jit3A_719, %sign3A_728 : i32
    %sign3A_730 = arith.extui %sign3A_729 : i1 to i32
    %sign3A_731 = arith.constant 0 : i32
    %sign3A_732 = arith.cmpi slt, %jit3A_719, %sign3A_731 : i32
    %sign3A_733 = arith.extui %sign3A_732 : i1 to i32
    %sign3A_734 = arith.subi %sign3A_730, %sign3A_733 : i32
    %ne3A_735 = arith.cmpi ne, %sign3A_727, %sign3A_734 : i32
    %rem3A_736 = arith.remsi %add3A_718, %jit3A_719 : i32
    %ne3A_737 = arith.constant 0 : i32
    %ne3A_738 = arith.cmpi ne, %rem3A_736, %ne3A_737 : i32
    %and3A_739 = arith.andi %ne3A_735, %ne3A_738 : i1
    %sub3A_740 = arith.constant 1 : i32
    %sub3A_741 = arith.subi %div3A_720, %sub3A_740 : i32
    %select_n3A_742 = arith.select %and3A_739, %sub3A_741, %div3A_720 : i32
    %jit3A_743 = arith.constant 8 : i32
    %eq3A_744 = arith.constant 0 : i32
    %eq3A_745 = arith.cmpi eq, %jit3A_743, %eq3A_744 : i32
    %jit3A_746 = arith.constant 1 : i32
    %select_n3A_747 = arith.select %eq3A_745, %jit3A_746, %jit3A_743 : i32
    %rem3A_748 = arith.remsi %add3A_718, %select_n3A_747 : i32
    %ne3A_749 = arith.constant 0 : i32
    %ne3A_750 = arith.cmpi ne, %rem3A_748, %ne3A_749 : i32
    %lt3A_751 = arith.constant 0 : i32
    %lt3A_752 = arith.cmpi slt, %rem3A_748, %lt3A_751 : i32
    %lt3A_753 = arith.constant 0 : i32
    %lt3A_754 = arith.cmpi slt, %select_n3A_747, %lt3A_753 : i32
    %ne3A_755 = arith.xori %lt3A_752, %lt3A_754 : i1
    %and3A_756 = arith.andi %ne3A_755, %ne3A_750 : i1
    %add3A_757 = arith.addi %rem3A_748, %select_n3A_747 : i32
    %select_n3A_758 = arith.select %and3A_756, %add3A_757, %rem3A_748 : i32
    %mul3A_759 = arith.constant 256 : i32
    %mul3A_760 = arith.muli %select_n3A_758, %mul3A_759 : i32
    %jit3A_761 = arith.constant 32 : i32
    %div3A_762 = arith.divsi %select_n3A_742, %jit3A_761 : i32
    %sign3A_763 = arith.constant 0 : i32
    %sign3A_764 = arith.cmpi sgt, %select_n3A_742, %sign3A_763 : i32
    %sign3A_765 = arith.extui %sign3A_764 : i1 to i32
    %sign3A_766 = arith.constant 0 : i32
    %sign3A_767 = arith.cmpi slt, %select_n3A_742, %sign3A_766 : i32
    %sign3A_768 = arith.extui %sign3A_767 : i1 to i32
    %sign3A_769 = arith.subi %sign3A_765, %sign3A_768 : i32
    %sign3A_770 = arith.constant 0 : i32
    %sign3A_771 = arith.cmpi sgt, %jit3A_761, %sign3A_770 : i32
    %sign3A_772 = arith.extui %sign3A_771 : i1 to i32
    %sign3A_773 = arith.constant 0 : i32
    %sign3A_774 = arith.cmpi slt, %jit3A_761, %sign3A_773 : i32
    %sign3A_775 = arith.extui %sign3A_774 : i1 to i32
    %sign3A_776 = arith.subi %sign3A_772, %sign3A_775 : i32
    %ne3A_777 = arith.cmpi ne, %sign3A_769, %sign3A_776 : i32
    %rem3A_778 = arith.remsi %select_n3A_742, %jit3A_761 : i32
    %ne3A_779 = arith.constant 0 : i32
    %ne3A_780 = arith.cmpi ne, %rem3A_778, %ne3A_779 : i32
    %and3A_781 = arith.andi %ne3A_777, %ne3A_780 : i1
    %sub3A_782 = arith.constant 1 : i32
    %sub3A_783 = arith.subi %div3A_762, %sub3A_782 : i32
    %select_n3A_784 = arith.select %and3A_781, %sub3A_783, %div3A_762 : i32
    %jit3A_785 = arith.constant 32 : i32
    %eq3A_786 = arith.constant 0 : i32
    %eq3A_787 = arith.cmpi eq, %jit3A_785, %eq3A_786 : i32
    %jit3A_788 = arith.constant 1 : i32
    %select_n3A_789 = arith.select %eq3A_787, %jit3A_788, %jit3A_785 : i32
    %rem3A_790 = arith.remsi %select_n3A_742, %select_n3A_789 : i32
    %ne3A_791 = arith.constant 0 : i32
    %ne3A_792 = arith.cmpi ne, %rem3A_790, %ne3A_791 : i32
    %lt3A_793 = arith.constant 0 : i32
    %lt3A_794 = arith.cmpi slt, %rem3A_790, %lt3A_793 : i32
    %lt3A_795 = arith.constant 0 : i32
    %lt3A_796 = arith.cmpi slt, %select_n3A_789, %lt3A_795 : i32
    %ne3A_797 = arith.xori %lt3A_794, %lt3A_796 : i1
    %and3A_798 = arith.andi %ne3A_797, %ne3A_792 : i1
    %add3A_799 = arith.addi %rem3A_790, %select_n3A_789 : i32
    %select_n3A_800 = arith.select %and3A_798, %add3A_799, %rem3A_790 : i32
    %mul3A_801 = arith.constant 2048 : i32
    %mul3A_802 = arith.muli %select_n3A_784, %mul3A_801 : i32
    %add3A_803 = arith.addi %mul3A_802, %mul3A_760 : i32
    %dma_start3A_804 = arith.constant 0 : i32
    %dma_start3A_805 = tpu.memref_slice %arg4[%add3A_803, %select_n3A_800, %dma_start3A_804] : memref<4096x32x128xf32, #tpu.memory_space<hbm>> -> memref<256x1x128xf32, #tpu.memory_space<hbm>>
    %dma_start3A_806 = tpu.memref_squeeze %dma_start3A_805 : memref<256x1x128xf32, #tpu.memory_space<hbm>> -> memref<256x128xf32, #tpu.memory_space<hbm>>
    %dma_start3A_807 = arith.constant 0 : i32
    %dma_start3A_808 = tpu.memref_slice %arg4[%add3A_803, %select_n3A_800, %dma_start3A_807] : memref<4096x32x128xf32, #tpu.memory_space<hbm>> -> memref<256x1x128xf32, #tpu.memory_space<hbm>>
    %dma_start3A_809 = tpu.memref_squeeze %dma_start3A_808 : memref<256x1x128xf32, #tpu.memory_space<hbm>> -> memref<256x128xf32, #tpu.memory_space<hbm>>
    tpu.enqueue_dma source(%arg5 : memref<256x128xf32, #tpu.memory_space<vmem>>) target(%dma_start3A_809 : memref<256x128xf32, #tpu.memory_space<hbm>>) target_semaphore(%arg13 : memref<!tpu.dma_semaphore, #tpu.memory_space<semaphore_mem>>)
    %mul3A_810 = arith.constant 16 : i32
    %mul3A_811 = arith.muli %add3A, %mul3A_810 : i32
    %add3A_812 = arith.constant 8 : i32
    %add3A_813 = arith.addi %mul3A_811, %add3A_812 : i32
    %mul3A_814 = arith.constant 256 : i32
    %mul3A_815 = arith.muli %add3A_813, %mul3A_814 : i32
    %dma_start3A_816 = tpu.memref_slice %arg3[%mul3A_815] : memref<131072xi32, #tpu.memory_space<hbm>> -> memref<256xi32, #tpu.memory_space<hbm>>
    %dma_start3A_817 = tpu.memref_slice %arg3[%mul3A_815] : memref<131072xi32, #tpu.memory_space<hbm>> -> memref<256xi32, #tpu.memory_space<hbm>>
    tpu.enqueue_dma source(%dma_start3A_817 : memref<256xi32, #tpu.memory_space<hbm>>) target(%arg7 : memref<256xi32, #tpu.memory_space<vmem>>) target_semaphore(%arg9 : memref<!tpu.dma_semaphore, #tpu.memory_space<semaphore_mem>>)
    %dma_wait3A_818 = arith.constant 0 : i32
    %dma_wait3A_819 = tpu.memref_slice %arg4[%add3A_803, %select_n3A_800, %dma_wait3A_818] : memref<4096x32x128xf32, #tpu.memory_space<hbm>> -> memref<256x1x128xf32, #tpu.memory_space<hbm>>
    %dma_wait3A_820 = tpu.memref_squeeze %dma_wait3A_819 : memref<256x1x128xf32, #tpu.memory_space<hbm>> -> memref<256x128xf32, #tpu.memory_space<hbm>>
    %dma_wait3A_821 = arith.constant 0 : i32
    %dma_wait3A_822 = tpu.memref_slice %arg4[%add3A_803, %select_n3A_800, %dma_wait3A_821] : memref<4096x32x128xf32, #tpu.memory_space<hbm>> -> memref<256x1x128xf32, #tpu.memory_space<hbm>>
    %dma_wait3A_823 = tpu.memref_squeeze %dma_wait3A_822 : memref<256x1x128xf32, #tpu.memory_space<hbm>> -> memref<256x128xf32, #tpu.memory_space<hbm>>
    tpu.wait_dma2 semaphore(%arg13 : memref<!tpu.dma_semaphore, #tpu.memory_space<semaphore_mem>>) src(%arg5 : memref<256x128xf32, #tpu.memory_space<vmem>>) dst(%dma_wait3A_823 : memref<256x128xf32, #tpu.memory_space<hbm>>)
    %dma_wait3A_824 = tpu.memref_slice %arg3[%mul3A_698] : memref<131072xi32, #tpu.memory_space<hbm>> -> memref<256xi32, #tpu.memory_space<hbm>>
    %dma_wait3A_825 = tpu.memref_slice %arg3[%mul3A_698] : memref<131072xi32, #tpu.memory_space<hbm>> -> memref<256xi32, #tpu.memory_space<hbm>>
    tpu.wait_dma2 semaphore(%arg10 : memref<!tpu.dma_semaphore, #tpu.memory_space<semaphore_mem>>) src(%dma_wait3A_825 : memref<256xi32, #tpu.memory_space<hbm>>) dst(%arg8 : memref<256xi32, #tpu.memory_space<vmem>>)
    %dma_start3A_826 = arith.constant 0 : i32
    %dma_start3A_827 = arith.constant 0 : i32
    %dma_start3A_828 = tpu.memref_slice %arg2[%dma_start3A_826, %dma_start3A_827] : memref<131072x128xf32, #tpu.memory_space<hbm>> -> memref<131072x128xf32, #tpu.memory_space<hbm>>
    tpu.enqueue_indirect_dma source(%dma_start3A_828 : memref<131072x128xf32, #tpu.memory_space<hbm>>) target(%arg6 : memref<256x128xf32, #tpu.memory_space<vmem>>) offsets(%arg8 : memref<256xi32, #tpu.memory_space<vmem>>) semaphore(%arg12 : memref<!tpu.dma_semaphore, #tpu.memory_space<semaphore_mem>>)
    %dma_wait3A_829 = arith.constant 0 : i32
    %dma_wait3A_830 = arith.constant 0 : i32
    %dma_wait3A_831 = tpu.memref_slice %arg2[%dma_wait3A_829, %dma_wait3A_830] : memref<131072x128xf32, #tpu.memory_space<hbm>> -> memref<131072x128xf32, #tpu.memory_space<hbm>>
    tpu.wait_indirect_dma semaphore(%arg12 : memref<!tpu.dma_semaphore, #tpu.memory_space<semaphore_mem>>) src(%dma_wait3A_831 : memref<131072x128xf32, #tpu.memory_space<hbm>>) dst(%arg6 : memref<256x128xf32, #tpu.memory_space<vmem>>)
    %mul3A_832 = arith.constant 16 : i32
    %mul3A_833 = arith.muli %add3A, %mul3A_832 : i32
    %add3A_834 = arith.constant 7 : i32
    %add3A_835 = arith.addi %mul3A_833, %add3A_834 : i32
    %jit3A_836 = arith.constant 8 : i32
    %div3A_837 = arith.divsi %add3A_835, %jit3A_836 : i32
    %sign3A_838 = arith.constant 0 : i32
    %sign3A_839 = arith.cmpi sgt, %add3A_835, %sign3A_838 : i32
    %sign3A_840 = arith.extui %sign3A_839 : i1 to i32
    %sign3A_841 = arith.constant 0 : i32
    %sign3A_842 = arith.cmpi slt, %add3A_835, %sign3A_841 : i32
    %sign3A_843 = arith.extui %sign3A_842 : i1 to i32
    %sign3A_844 = arith.subi %sign3A_840, %sign3A_843 : i32
    %sign3A_845 = arith.constant 0 : i32
    %sign3A_846 = arith.cmpi sgt, %jit3A_836, %sign3A_845 : i32
    %sign3A_847 = arith.extui %sign3A_846 : i1 to i32
    %sign3A_848 = arith.constant 0 : i32
    %sign3A_849 = arith.cmpi slt, %jit3A_836, %sign3A_848 : i32
    %sign3A_850 = arith.extui %sign3A_849 : i1 to i32
    %sign3A_851 = arith.subi %sign3A_847, %sign3A_850 : i32
    %ne3A_852 = arith.cmpi ne, %sign3A_844, %sign3A_851 : i32
    %rem3A_853 = arith.remsi %add3A_835, %jit3A_836 : i32
    %ne3A_854 = arith.constant 0 : i32
    %ne3A_855 = arith.cmpi ne, %rem3A_853, %ne3A_854 : i32
    %and3A_856 = arith.andi %ne3A_852, %ne3A_855 : i1
    %sub3A_857 = arith.constant 1 : i32
    %sub3A_858 = arith.subi %div3A_837, %sub3A_857 : i32
    %select_n3A_859 = arith.select %and3A_856, %sub3A_858, %div3A_837 : i32
    %jit3A_860 = arith.constant 8 : i32
    %eq3A_861 = arith.constant 0 : i32
    %eq3A_862 = arith.cmpi eq, %jit3A_860, %eq3A_861 : i32
    %jit3A_863 = arith.constant 1 : i32
    %select_n3A_864 = arith.select %eq3A_862, %jit3A_863, %jit3A_860 : i32
    %rem3A_865 = arith.remsi %add3A_835, %select_n3A_864 : i32
    %ne3A_866 = arith.constant 0 : i32
    %ne3A_867 = arith.cmpi ne, %rem3A_865, %ne3A_866 : i32
    %lt3A_868 = arith.constant 0 : i32
    %lt3A_869 = arith.cmpi slt, %rem3A_865, %lt3A_868 : i32
    %lt3A_870 = arith.constant 0 : i32
    %lt3A_871 = arith.cmpi slt, %select_n3A_864, %lt3A_870 : i32
    %ne3A_872 = arith.xori %lt3A_869, %lt3A_871 : i1
    %and3A_873 = arith.andi %ne3A_872, %ne3A_867 : i1
    %add3A_874 = arith.addi %rem3A_865, %select_n3A_864 : i32
    %select_n3A_875 = arith.select %and3A_873, %add3A_874, %rem3A_865 : i32
    %mul3A_876 = arith.constant 256 : i32
    %mul3A_877 = arith.muli %select_n3A_875, %mul3A_876 : i32
    %jit3A_878 = arith.constant 32 : i32
    %div3A_879 = arith.divsi %select_n3A_859, %jit3A_878 : i32
    %sign3A_880 = arith.constant 0 : i32
    %sign3A_881 = arith.cmpi sgt, %select_n3A_859, %sign3A_880 : i32
    %sign3A_882 = arith.extui %sign3A_881 : i1 to i32
    %sign3A_883 = arith.constant 0 : i32
    %sign3A_884 = arith.cmpi slt, %select_n3A_859, %sign3A_883 : i32
    %sign3A_885 = arith.extui %sign3A_884 : i1 to i32
    %sign3A_886 = arith.subi %sign3A_882, %sign3A_885 : i32
    %sign3A_887 = arith.constant 0 : i32
    %sign3A_888 = arith.cmpi sgt, %jit3A_878, %sign3A_887 : i32
    %sign3A_889 = arith.extui %sign3A_888 : i1 to i32
    %sign3A_890 = arith.constant 0 : i32
    %sign3A_891 = arith.cmpi slt, %jit3A_878, %sign3A_890 : i32
    %sign3A_892 = arith.extui %sign3A_891 : i1 to i32
    %sign3A_893 = arith.subi %sign3A_889, %sign3A_892 : i32
    %ne3A_894 = arith.cmpi ne, %sign3A_886, %sign3A_893 : i32
    %rem3A_895 = arith.remsi %select_n3A_859, %jit3A_878 : i32
    %ne3A_896 = arith.constant 0 : i32
    %ne3A_897 = arith.cmpi ne, %rem3A_895, %ne3A_896 : i32
    %and3A_898 = arith.andi %ne3A_894, %ne3A_897 : i1
    %sub3A_899 = arith.constant 1 : i32
    %sub3A_900 = arith.subi %div3A_879, %sub3A_899 : i32
    %select_n3A_901 = arith.select %and3A_898, %sub3A_900, %div3A_879 : i32
    %jit3A_902 = arith.constant 32 : i32
    %eq3A_903 = arith.constant 0 : i32
    %eq3A_904 = arith.cmpi eq, %jit3A_902, %eq3A_903 : i32
    %jit3A_905 = arith.constant 1 : i32
    %select_n3A_906 = arith.select %eq3A_904, %jit3A_905, %jit3A_902 : i32
    %rem3A_907 = arith.remsi %select_n3A_859, %select_n3A_906 : i32
    %ne3A_908 = arith.constant 0 : i32
    %ne3A_909 = arith.cmpi ne, %rem3A_907, %ne3A_908 : i32
    %lt3A_910 = arith.constant 0 : i32
    %lt3A_911 = arith.cmpi slt, %rem3A_907, %lt3A_910 : i32
    %lt3A_912 = arith.constant 0 : i32
    %lt3A_913 = arith.cmpi slt, %select_n3A_906, %lt3A_912 : i32
    %ne3A_914 = arith.xori %lt3A_911, %lt3A_913 : i1
    %and3A_915 = arith.andi %ne3A_914, %ne3A_909 : i1
    %add3A_916 = arith.addi %rem3A_907, %select_n3A_906 : i32
    %select_n3A_917 = arith.select %and3A_915, %add3A_916, %rem3A_907 : i32
    %mul3A_918 = arith.constant 2048 : i32
    %mul3A_919 = arith.muli %select_n3A_901, %mul3A_918 : i32
    %add3A_920 = arith.addi %mul3A_919, %mul3A_877 : i32
    %dma_start3A_921 = arith.constant 0 : i32
    %dma_start3A_922 = tpu.memref_slice %arg4[%add3A_920, %select_n3A_917, %dma_start3A_921] : memref<4096x32x128xf32, #tpu.memory_space<hbm>> -> memref<256x1x128xf32, #tpu.memory_space<hbm>>
    %dma_start3A_923 = tpu.memref_squeeze %dma_start3A_922 : memref<256x1x128xf32, #tpu.memory_space<hbm>> -> memref<256x128xf32, #tpu.memory_space<hbm>>
    %dma_start3A_924 = arith.constant 0 : i32
    %dma_start3A_925 = tpu.memref_slice %arg4[%add3A_920, %select_n3A_917, %dma_start3A_924] : memref<4096x32x128xf32, #tpu.memory_space<hbm>> -> memref<256x1x128xf32, #tpu.memory_space<hbm>>
    %dma_start3A_926 = tpu.memref_squeeze %dma_start3A_925 : memref<256x1x128xf32, #tpu.memory_space<hbm>> -> memref<256x128xf32, #tpu.memory_space<hbm>>
    tpu.enqueue_dma source(%arg6 : memref<256x128xf32, #tpu.memory_space<vmem>>) target(%dma_start3A_926 : memref<256x128xf32, #tpu.memory_space<hbm>>) target_semaphore(%arg14 : memref<!tpu.dma_semaphore, #tpu.memory_space<semaphore_mem>>)
    %mul3A_927 = arith.constant 16 : i32
    %mul3A_928 = arith.muli %add3A, %mul3A_927 : i32
    %add3A_929 = arith.constant 9 : i32
    %add3A_930 = arith.addi %mul3A_928, %add3A_929 : i32
    %mul3A_931 = arith.constant 256 : i32
    %mul3A_932 = arith.muli %add3A_930, %mul3A_931 : i32
    %dma_start3A_933 = tpu.memref_slice %arg3[%mul3A_932] : memref<131072xi32, #tpu.memory_space<hbm>> -> memref<256xi32, #tpu.memory_space<hbm>>
    %dma_start3A_934 = tpu.memref_slice %arg3[%mul3A_932] : memref<131072xi32, #tpu.memory_space<hbm>> -> memref<256xi32, #tpu.memory_space<hbm>>
    tpu.enqueue_dma source(%dma_start3A_934 : memref<256xi32, #tpu.memory_space<hbm>>) target(%arg8 : memref<256xi32, #tpu.memory_space<vmem>>) target_semaphore(%arg10 : memref<!tpu.dma_semaphore, #tpu.memory_space<semaphore_mem>>)
    %dma_wait3A_935 = arith.constant 0 : i32
    %dma_wait3A_936 = tpu.memref_slice %arg4[%add3A_920, %select_n3A_917, %dma_wait3A_935] : memref<4096x32x128xf32, #tpu.memory_space<hbm>> -> memref<256x1x128xf32, #tpu.memory_space<hbm>>
    %dma_wait3A_937 = tpu.memref_squeeze %dma_wait3A_936 : memref<256x1x128xf32, #tpu.memory_space<hbm>> -> memref<256x128xf32, #tpu.memory_space<hbm>>
    %dma_wait3A_938 = arith.constant 0 : i32
    %dma_wait3A_939 = tpu.memref_slice %arg4[%add3A_920, %select_n3A_917, %dma_wait3A_938] : memref<4096x32x128xf32, #tpu.memory_space<hbm>> -> memref<256x1x128xf32, #tpu.memory_space<hbm>>
    %dma_wait3A_940 = tpu.memref_squeeze %dma_wait3A_939 : memref<256x1x128xf32, #tpu.memory_space<hbm>> -> memref<256x128xf32, #tpu.memory_space<hbm>>
    tpu.wait_dma2 semaphore(%arg14 : memref<!tpu.dma_semaphore, #tpu.memory_space<semaphore_mem>>) src(%arg6 : memref<256x128xf32, #tpu.memory_space<vmem>>) dst(%dma_wait3A_940 : memref<256x128xf32, #tpu.memory_space<hbm>>)
    %dma_wait3A_941 = tpu.memref_slice %arg3[%mul3A_815] : memref<131072xi32, #tpu.memory_space<hbm>> -> memref<256xi32, #tpu.memory_space<hbm>>
    %dma_wait3A_942 = tpu.memref_slice %arg3[%mul3A_815] : memref<131072xi32, #tpu.memory_space<hbm>> -> memref<256xi32, #tpu.memory_space<hbm>>
    tpu.wait_dma2 semaphore(%arg9 : memref<!tpu.dma_semaphore, #tpu.memory_space<semaphore_mem>>) src(%dma_wait3A_942 : memref<256xi32, #tpu.memory_space<hbm>>) dst(%arg7 : memref<256xi32, #tpu.memory_space<vmem>>)
    %dma_start3A_943 = arith.constant 0 : i32
    %dma_start3A_944 = arith.constant 0 : i32
    %dma_start3A_945 = tpu.memref_slice %arg2[%dma_start3A_943, %dma_start3A_944] : memref<131072x128xf32, #tpu.memory_space<hbm>> -> memref<131072x128xf32, #tpu.memory_space<hbm>>
    tpu.enqueue_indirect_dma source(%dma_start3A_945 : memref<131072x128xf32, #tpu.memory_space<hbm>>) target(%arg5 : memref<256x128xf32, #tpu.memory_space<vmem>>) offsets(%arg7 : memref<256xi32, #tpu.memory_space<vmem>>) semaphore(%arg11 : memref<!tpu.dma_semaphore, #tpu.memory_space<semaphore_mem>>)
    %dma_wait3A_946 = arith.constant 0 : i32
    %dma_wait3A_947 = arith.constant 0 : i32
    %dma_wait3A_948 = tpu.memref_slice %arg2[%dma_wait3A_946, %dma_wait3A_947] : memref<131072x128xf32, #tpu.memory_space<hbm>> -> memref<131072x128xf32, #tpu.memory_space<hbm>>
    tpu.wait_indirect_dma semaphore(%arg11 : memref<!tpu.dma_semaphore, #tpu.memory_space<semaphore_mem>>) src(%dma_wait3A_948 : memref<131072x128xf32, #tpu.memory_space<hbm>>) dst(%arg5 : memref<256x128xf32, #tpu.memory_space<vmem>>)
    %mul3A_949 = arith.constant 16 : i32
    %mul3A_950 = arith.muli %add3A, %mul3A_949 : i32
    %add3A_951 = arith.constant 8 : i32
    %add3A_952 = arith.addi %mul3A_950, %add3A_951 : i32
    %jit3A_953 = arith.constant 8 : i32
    %div3A_954 = arith.divsi %add3A_952, %jit3A_953 : i32
    %sign3A_955 = arith.constant 0 : i32
    %sign3A_956 = arith.cmpi sgt, %add3A_952, %sign3A_955 : i32
    %sign3A_957 = arith.extui %sign3A_956 : i1 to i32
    %sign3A_958 = arith.constant 0 : i32
    %sign3A_959 = arith.cmpi slt, %add3A_952, %sign3A_958 : i32
    %sign3A_960 = arith.extui %sign3A_959 : i1 to i32
    %sign3A_961 = arith.subi %sign3A_957, %sign3A_960 : i32
    %sign3A_962 = arith.constant 0 : i32
    %sign3A_963 = arith.cmpi sgt, %jit3A_953, %sign3A_962 : i32
    %sign3A_964 = arith.extui %sign3A_963 : i1 to i32
    %sign3A_965 = arith.constant 0 : i32
    %sign3A_966 = arith.cmpi slt, %jit3A_953, %sign3A_965 : i32
    %sign3A_967 = arith.extui %sign3A_966 : i1 to i32
    %sign3A_968 = arith.subi %sign3A_964, %sign3A_967 : i32
    %ne3A_969 = arith.cmpi ne, %sign3A_961, %sign3A_968 : i32
    %rem3A_970 = arith.remsi %add3A_952, %jit3A_953 : i32
    %ne3A_971 = arith.constant 0 : i32
    %ne3A_972 = arith.cmpi ne, %rem3A_970, %ne3A_971 : i32
    %and3A_973 = arith.andi %ne3A_969, %ne3A_972 : i1
    %sub3A_974 = arith.constant 1 : i32
    %sub3A_975 = arith.subi %div3A_954, %sub3A_974 : i32
    %select_n3A_976 = arith.select %and3A_973, %sub3A_975, %div3A_954 : i32
    %jit3A_977 = arith.constant 8 : i32
    %eq3A_978 = arith.constant 0 : i32
    %eq3A_979 = arith.cmpi eq, %jit3A_977, %eq3A_978 : i32
    %jit3A_980 = arith.constant 1 : i32
    %select_n3A_981 = arith.select %eq3A_979, %jit3A_980, %jit3A_977 : i32
    %rem3A_982 = arith.remsi %add3A_952, %select_n3A_981 : i32
    %ne3A_983 = arith.constant 0 : i32
    %ne3A_984 = arith.cmpi ne, %rem3A_982, %ne3A_983 : i32
    %lt3A_985 = arith.constant 0 : i32
    %lt3A_986 = arith.cmpi slt, %rem3A_982, %lt3A_985 : i32
    %lt3A_987 = arith.constant 0 : i32
    %lt3A_988 = arith.cmpi slt, %select_n3A_981, %lt3A_987 : i32
    %ne3A_989 = arith.xori %lt3A_986, %lt3A_988 : i1
    %and3A_990 = arith.andi %ne3A_989, %ne3A_984 : i1
    %add3A_991 = arith.addi %rem3A_982, %select_n3A_981 : i32
    %select_n3A_992 = arith.select %and3A_990, %add3A_991, %rem3A_982 : i32
    %mul3A_993 = arith.constant 256 : i32
    %mul3A_994 = arith.muli %select_n3A_992, %mul3A_993 : i32
    %jit3A_995 = arith.constant 32 : i32
    %div3A_996 = arith.divsi %select_n3A_976, %jit3A_995 : i32
    %sign3A_997 = arith.constant 0 : i32
    %sign3A_998 = arith.cmpi sgt, %select_n3A_976, %sign3A_997 : i32
    %sign3A_999 = arith.extui %sign3A_998 : i1 to i32
    %sign3A_1000 = arith.constant 0 : i32
    %sign3A_1001 = arith.cmpi slt, %select_n3A_976, %sign3A_1000 : i32
    %sign3A_1002 = arith.extui %sign3A_1001 : i1 to i32
    %sign3A_1003 = arith.subi %sign3A_999, %sign3A_1002 : i32
    %sign3A_1004 = arith.constant 0 : i32
    %sign3A_1005 = arith.cmpi sgt, %jit3A_995, %sign3A_1004 : i32
    %sign3A_1006 = arith.extui %sign3A_1005 : i1 to i32
    %sign3A_1007 = arith.constant 0 : i32
    %sign3A_1008 = arith.cmpi slt, %jit3A_995, %sign3A_1007 : i32
    %sign3A_1009 = arith.extui %sign3A_1008 : i1 to i32
    %sign3A_1010 = arith.subi %sign3A_1006, %sign3A_1009 : i32
    %ne3A_1011 = arith.cmpi ne, %sign3A_1003, %sign3A_1010 : i32
    %rem3A_1012 = arith.remsi %select_n3A_976, %jit3A_995 : i32
    %ne3A_1013 = arith.constant 0 : i32
    %ne3A_1014 = arith.cmpi ne, %rem3A_1012, %ne3A_1013 : i32
    %and3A_1015 = arith.andi %ne3A_1011, %ne3A_1014 : i1
    %sub3A_1016 = arith.constant 1 : i32
    %sub3A_1017 = arith.subi %div3A_996, %sub3A_1016 : i32
    %select_n3A_1018 = arith.select %and3A_1015, %sub3A_1017, %div3A_996 : i32
    %jit3A_1019 = arith.constant 32 : i32
    %eq3A_1020 = arith.constant 0 : i32
    %eq3A_1021 = arith.cmpi eq, %jit3A_1019, %eq3A_1020 : i32
    %jit3A_1022 = arith.constant 1 : i32
    %select_n3A_1023 = arith.select %eq3A_1021, %jit3A_1022, %jit3A_1019 : i32
    %rem3A_1024 = arith.remsi %select_n3A_976, %select_n3A_1023 : i32
    %ne3A_1025 = arith.constant 0 : i32
    %ne3A_1026 = arith.cmpi ne, %rem3A_1024, %ne3A_1025 : i32
    %lt3A_1027 = arith.constant 0 : i32
    %lt3A_1028 = arith.cmpi slt, %rem3A_1024, %lt3A_1027 : i32
    %lt3A_1029 = arith.constant 0 : i32
    %lt3A_1030 = arith.cmpi slt, %select_n3A_1023, %lt3A_1029 : i32
    %ne3A_1031 = arith.xori %lt3A_1028, %lt3A_1030 : i1
    %and3A_1032 = arith.andi %ne3A_1031, %ne3A_1026 : i1
    %add3A_1033 = arith.addi %rem3A_1024, %select_n3A_1023 : i32
    %select_n3A_1034 = arith.select %and3A_1032, %add3A_1033, %rem3A_1024 : i32
    %mul3A_1035 = arith.constant 2048 : i32
    %mul3A_1036 = arith.muli %select_n3A_1018, %mul3A_1035 : i32
    %add3A_1037 = arith.addi %mul3A_1036, %mul3A_994 : i32
    %dma_start3A_1038 = arith.constant 0 : i32
    %dma_start3A_1039 = tpu.memref_slice %arg4[%add3A_1037, %select_n3A_1034, %dma_start3A_1038] : memref<4096x32x128xf32, #tpu.memory_space<hbm>> -> memref<256x1x128xf32, #tpu.memory_space<hbm>>
    %dma_start3A_1040 = tpu.memref_squeeze %dma_start3A_1039 : memref<256x1x128xf32, #tpu.memory_space<hbm>> -> memref<256x128xf32, #tpu.memory_space<hbm>>
    %dma_start3A_1041 = arith.constant 0 : i32
    %dma_start3A_1042 = tpu.memref_slice %arg4[%add3A_1037, %select_n3A_1034, %dma_start3A_1041] : memref<4096x32x128xf32, #tpu.memory_space<hbm>> -> memref<256x1x128xf32, #tpu.memory_space<hbm>>
    %dma_start3A_1043 = tpu.memref_squeeze %dma_start3A_1042 : memref<256x1x128xf32, #tpu.memory_space<hbm>> -> memref<256x128xf32, #tpu.memory_space<hbm>>
    tpu.enqueue_dma source(%arg5 : memref<256x128xf32, #tpu.memory_space<vmem>>) target(%dma_start3A_1043 : memref<256x128xf32, #tpu.memory_space<hbm>>) target_semaphore(%arg13 : memref<!tpu.dma_semaphore, #tpu.memory_space<semaphore_mem>>)
    %mul3A_1044 = arith.constant 16 : i32
    %mul3A_1045 = arith.muli %add3A, %mul3A_1044 : i32
    %add3A_1046 = arith.constant 10 : i32
    %add3A_1047 = arith.addi %mul3A_1045, %add3A_1046 : i32
    %mul3A_1048 = arith.constant 256 : i32
    %mul3A_1049 = arith.muli %add3A_1047, %mul3A_1048 : i32
    %dma_start3A_1050 = tpu.memref_slice %arg3[%mul3A_1049] : memref<131072xi32, #tpu.memory_space<hbm>> -> memref<256xi32, #tpu.memory_space<hbm>>
    %dma_start3A_1051 = tpu.memref_slice %arg3[%mul3A_1049] : memref<131072xi32, #tpu.memory_space<hbm>> -> memref<256xi32, #tpu.memory_space<hbm>>
    tpu.enqueue_dma source(%dma_start3A_1051 : memref<256xi32, #tpu.memory_space<hbm>>) target(%arg7 : memref<256xi32, #tpu.memory_space<vmem>>) target_semaphore(%arg9 : memref<!tpu.dma_semaphore, #tpu.memory_space<semaphore_mem>>)
    %dma_wait3A_1052 = arith.constant 0 : i32
    %dma_wait3A_1053 = tpu.memref_slice %arg4[%add3A_1037, %select_n3A_1034, %dma_wait3A_1052] : memref<4096x32x128xf32, #tpu.memory_space<hbm>> -> memref<256x1x128xf32, #tpu.memory_space<hbm>>
    %dma_wait3A_1054 = tpu.memref_squeeze %dma_wait3A_1053 : memref<256x1x128xf32, #tpu.memory_space<hbm>> -> memref<256x128xf32, #tpu.memory_space<hbm>>
    %dma_wait3A_1055 = arith.constant 0 : i32
    %dma_wait3A_1056 = tpu.memref_slice %arg4[%add3A_1037, %select_n3A_1034, %dma_wait3A_1055] : memref<4096x32x128xf32, #tpu.memory_space<hbm>> -> memref<256x1x128xf32, #tpu.memory_space<hbm>>
    %dma_wait3A_1057 = tpu.memref_squeeze %dma_wait3A_1056 : memref<256x1x128xf32, #tpu.memory_space<hbm>> -> memref<256x128xf32, #tpu.memory_space<hbm>>
    tpu.wait_dma2 semaphore(%arg13 : memref<!tpu.dma_semaphore, #tpu.memory_space<semaphore_mem>>) src(%arg5 : memref<256x128xf32, #tpu.memory_space<vmem>>) dst(%dma_wait3A_1057 : memref<256x128xf32, #tpu.memory_space<hbm>>)
    %dma_wait3A_1058 = tpu.memref_slice %arg3[%mul3A_932] : memref<131072xi32, #tpu.memory_space<hbm>> -> memref<256xi32, #tpu.memory_space<hbm>>
    %dma_wait3A_1059 = tpu.memref_slice %arg3[%mul3A_932] : memref<131072xi32, #tpu.memory_space<hbm>> -> memref<256xi32, #tpu.memory_space<hbm>>
    tpu.wait_dma2 semaphore(%arg10 : memref<!tpu.dma_semaphore, #tpu.memory_space<semaphore_mem>>) src(%dma_wait3A_1059 : memref<256xi32, #tpu.memory_space<hbm>>) dst(%arg8 : memref<256xi32, #tpu.memory_space<vmem>>)
    %dma_start3A_1060 = arith.constant 0 : i32
    %dma_start3A_1061 = arith.constant 0 : i32
    %dma_start3A_1062 = tpu.memref_slice %arg2[%dma_start3A_1060, %dma_start3A_1061] : memref<131072x128xf32, #tpu.memory_space<hbm>> -> memref<131072x128xf32, #tpu.memory_space<hbm>>
    tpu.enqueue_indirect_dma source(%dma_start3A_1062 : memref<131072x128xf32, #tpu.memory_space<hbm>>) target(%arg6 : memref<256x128xf32, #tpu.memory_space<vmem>>) offsets(%arg8 : memref<256xi32, #tpu.memory_space<vmem>>) semaphore(%arg12 : memref<!tpu.dma_semaphore, #tpu.memory_space<semaphore_mem>>)
    %dma_wait3A_1063 = arith.constant 0 : i32
    %dma_wait3A_1064 = arith.constant 0 : i32
    %dma_wait3A_1065 = tpu.memref_slice %arg2[%dma_wait3A_1063, %dma_wait3A_1064] : memref<131072x128xf32, #tpu.memory_space<hbm>> -> memref<131072x128xf32, #tpu.memory_space<hbm>>
    tpu.wait_indirect_dma semaphore(%arg12 : memref<!tpu.dma_semaphore, #tpu.memory_space<semaphore_mem>>) src(%dma_wait3A_1065 : memref<131072x128xf32, #tpu.memory_space<hbm>>) dst(%arg6 : memref<256x128xf32, #tpu.memory_space<vmem>>)
    %mul3A_1066 = arith.constant 16 : i32
    %mul3A_1067 = arith.muli %add3A, %mul3A_1066 : i32
    %add3A_1068 = arith.constant 9 : i32
    %add3A_1069 = arith.addi %mul3A_1067, %add3A_1068 : i32
    %jit3A_1070 = arith.constant 8 : i32
    %div3A_1071 = arith.divsi %add3A_1069, %jit3A_1070 : i32
    %sign3A_1072 = arith.constant 0 : i32
    %sign3A_1073 = arith.cmpi sgt, %add3A_1069, %sign3A_1072 : i32
    %sign3A_1074 = arith.extui %sign3A_1073 : i1 to i32
    %sign3A_1075 = arith.constant 0 : i32
    %sign3A_1076 = arith.cmpi slt, %add3A_1069, %sign3A_1075 : i32
    %sign3A_1077 = arith.extui %sign3A_1076 : i1 to i32
    %sign3A_1078 = arith.subi %sign3A_1074, %sign3A_1077 : i32
    %sign3A_1079 = arith.constant 0 : i32
    %sign3A_1080 = arith.cmpi sgt, %jit3A_1070, %sign3A_1079 : i32
    %sign3A_1081 = arith.extui %sign3A_1080 : i1 to i32
    %sign3A_1082 = arith.constant 0 : i32
    %sign3A_1083 = arith.cmpi slt, %jit3A_1070, %sign3A_1082 : i32
    %sign3A_1084 = arith.extui %sign3A_1083 : i1 to i32
    %sign3A_1085 = arith.subi %sign3A_1081, %sign3A_1084 : i32
    %ne3A_1086 = arith.cmpi ne, %sign3A_1078, %sign3A_1085 : i32
    %rem3A_1087 = arith.remsi %add3A_1069, %jit3A_1070 : i32
    %ne3A_1088 = arith.constant 0 : i32
    %ne3A_1089 = arith.cmpi ne, %rem3A_1087, %ne3A_1088 : i32
    %and3A_1090 = arith.andi %ne3A_1086, %ne3A_1089 : i1
    %sub3A_1091 = arith.constant 1 : i32
    %sub3A_1092 = arith.subi %div3A_1071, %sub3A_1091 : i32
    %select_n3A_1093 = arith.select %and3A_1090, %sub3A_1092, %div3A_1071 : i32
    %jit3A_1094 = arith.constant 8 : i32
    %eq3A_1095 = arith.constant 0 : i32
    %eq3A_1096 = arith.cmpi eq, %jit3A_1094, %eq3A_1095 : i32
    %jit3A_1097 = arith.constant 1 : i32
    %select_n3A_1098 = arith.select %eq3A_1096, %jit3A_1097, %jit3A_1094 : i32
    %rem3A_1099 = arith.remsi %add3A_1069, %select_n3A_1098 : i32
    %ne3A_1100 = arith.constant 0 : i32
    %ne3A_1101 = arith.cmpi ne, %rem3A_1099, %ne3A_1100 : i32
    %lt3A_1102 = arith.constant 0 : i32
    %lt3A_1103 = arith.cmpi slt, %rem3A_1099, %lt3A_1102 : i32
    %lt3A_1104 = arith.constant 0 : i32
    %lt3A_1105 = arith.cmpi slt, %select_n3A_1098, %lt3A_1104 : i32
    %ne3A_1106 = arith.xori %lt3A_1103, %lt3A_1105 : i1
    %and3A_1107 = arith.andi %ne3A_1106, %ne3A_1101 : i1
    %add3A_1108 = arith.addi %rem3A_1099, %select_n3A_1098 : i32
    %select_n3A_1109 = arith.select %and3A_1107, %add3A_1108, %rem3A_1099 : i32
    %mul3A_1110 = arith.constant 256 : i32
    %mul3A_1111 = arith.muli %select_n3A_1109, %mul3A_1110 : i32
    %jit3A_1112 = arith.constant 32 : i32
    %div3A_1113 = arith.divsi %select_n3A_1093, %jit3A_1112 : i32
    %sign3A_1114 = arith.constant 0 : i32
    %sign3A_1115 = arith.cmpi sgt, %select_n3A_1093, %sign3A_1114 : i32
    %sign3A_1116 = arith.extui %sign3A_1115 : i1 to i32
    %sign3A_1117 = arith.constant 0 : i32
    %sign3A_1118 = arith.cmpi slt, %select_n3A_1093, %sign3A_1117 : i32
    %sign3A_1119 = arith.extui %sign3A_1118 : i1 to i32
    %sign3A_1120 = arith.subi %sign3A_1116, %sign3A_1119 : i32
    %sign3A_1121 = arith.constant 0 : i32
    %sign3A_1122 = arith.cmpi sgt, %jit3A_1112, %sign3A_1121 : i32
    %sign3A_1123 = arith.extui %sign3A_1122 : i1 to i32
    %sign3A_1124 = arith.constant 0 : i32
    %sign3A_1125 = arith.cmpi slt, %jit3A_1112, %sign3A_1124 : i32
    %sign3A_1126 = arith.extui %sign3A_1125 : i1 to i32
    %sign3A_1127 = arith.subi %sign3A_1123, %sign3A_1126 : i32
    %ne3A_1128 = arith.cmpi ne, %sign3A_1120, %sign3A_1127 : i32
    %rem3A_1129 = arith.remsi %select_n3A_1093, %jit3A_1112 : i32
    %ne3A_1130 = arith.constant 0 : i32
    %ne3A_1131 = arith.cmpi ne, %rem3A_1129, %ne3A_1130 : i32
    %and3A_1132 = arith.andi %ne3A_1128, %ne3A_1131 : i1
    %sub3A_1133 = arith.constant 1 : i32
    %sub3A_1134 = arith.subi %div3A_1113, %sub3A_1133 : i32
    %select_n3A_1135 = arith.select %and3A_1132, %sub3A_1134, %div3A_1113 : i32
    %jit3A_1136 = arith.constant 32 : i32
    %eq3A_1137 = arith.constant 0 : i32
    %eq3A_1138 = arith.cmpi eq, %jit3A_1136, %eq3A_1137 : i32
    %jit3A_1139 = arith.constant 1 : i32
    %select_n3A_1140 = arith.select %eq3A_1138, %jit3A_1139, %jit3A_1136 : i32
    %rem3A_1141 = arith.remsi %select_n3A_1093, %select_n3A_1140 : i32
    %ne3A_1142 = arith.constant 0 : i32
    %ne3A_1143 = arith.cmpi ne, %rem3A_1141, %ne3A_1142 : i32
    %lt3A_1144 = arith.constant 0 : i32
    %lt3A_1145 = arith.cmpi slt, %rem3A_1141, %lt3A_1144 : i32
    %lt3A_1146 = arith.constant 0 : i32
    %lt3A_1147 = arith.cmpi slt, %select_n3A_1140, %lt3A_1146 : i32
    %ne3A_1148 = arith.xori %lt3A_1145, %lt3A_1147 : i1
    %and3A_1149 = arith.andi %ne3A_1148, %ne3A_1143 : i1
    %add3A_1150 = arith.addi %rem3A_1141, %select_n3A_1140 : i32
    %select_n3A_1151 = arith.select %and3A_1149, %add3A_1150, %rem3A_1141 : i32
    %mul3A_1152 = arith.constant 2048 : i32
    %mul3A_1153 = arith.muli %select_n3A_1135, %mul3A_1152 : i32
    %add3A_1154 = arith.addi %mul3A_1153, %mul3A_1111 : i32
    %dma_start3A_1155 = arith.constant 0 : i32
    %dma_start3A_1156 = tpu.memref_slice %arg4[%add3A_1154, %select_n3A_1151, %dma_start3A_1155] : memref<4096x32x128xf32, #tpu.memory_space<hbm>> -> memref<256x1x128xf32, #tpu.memory_space<hbm>>
    %dma_start3A_1157 = tpu.memref_squeeze %dma_start3A_1156 : memref<256x1x128xf32, #tpu.memory_space<hbm>> -> memref<256x128xf32, #tpu.memory_space<hbm>>
    %dma_start3A_1158 = arith.constant 0 : i32
    %dma_start3A_1159 = tpu.memref_slice %arg4[%add3A_1154, %select_n3A_1151, %dma_start3A_1158] : memref<4096x32x128xf32, #tpu.memory_space<hbm>> -> memref<256x1x128xf32, #tpu.memory_space<hbm>>
    %dma_start3A_1160 = tpu.memref_squeeze %dma_start3A_1159 : memref<256x1x128xf32, #tpu.memory_space<hbm>> -> memref<256x128xf32, #tpu.memory_space<hbm>>
    tpu.enqueue_dma source(%arg6 : memref<256x128xf32, #tpu.memory_space<vmem>>) target(%dma_start3A_1160 : memref<256x128xf32, #tpu.memory_space<hbm>>) target_semaphore(%arg14 : memref<!tpu.dma_semaphore, #tpu.memory_space<semaphore_mem>>)
    %mul3A_1161 = arith.constant 16 : i32
    %mul3A_1162 = arith.muli %add3A, %mul3A_1161 : i32
    %add3A_1163 = arith.constant 11 : i32
    %add3A_1164 = arith.addi %mul3A_1162, %add3A_1163 : i32
    %mul3A_1165 = arith.constant 256 : i32
    %mul3A_1166 = arith.muli %add3A_1164, %mul3A_1165 : i32
    %dma_start3A_1167 = tpu.memref_slice %arg3[%mul3A_1166] : memref<131072xi32, #tpu.memory_space<hbm>> -> memref<256xi32, #tpu.memory_space<hbm>>
    %dma_start3A_1168 = tpu.memref_slice %arg3[%mul3A_1166] : memref<131072xi32, #tpu.memory_space<hbm>> -> memref<256xi32, #tpu.memory_space<hbm>>
    tpu.enqueue_dma source(%dma_start3A_1168 : memref<256xi32, #tpu.memory_space<hbm>>) target(%arg8 : memref<256xi32, #tpu.memory_space<vmem>>) target_semaphore(%arg10 : memref<!tpu.dma_semaphore, #tpu.memory_space<semaphore_mem>>)
    %dma_wait3A_1169 = arith.constant 0 : i32
    %dma_wait3A_1170 = tpu.memref_slice %arg4[%add3A_1154, %select_n3A_1151, %dma_wait3A_1169] : memref<4096x32x128xf32, #tpu.memory_space<hbm>> -> memref<256x1x128xf32, #tpu.memory_space<hbm>>
    %dma_wait3A_1171 = tpu.memref_squeeze %dma_wait3A_1170 : memref<256x1x128xf32, #tpu.memory_space<hbm>> -> memref<256x128xf32, #tpu.memory_space<hbm>>
    %dma_wait3A_1172 = arith.constant 0 : i32
    %dma_wait3A_1173 = tpu.memref_slice %arg4[%add3A_1154, %select_n3A_1151, %dma_wait3A_1172] : memref<4096x32x128xf32, #tpu.memory_space<hbm>> -> memref<256x1x128xf32, #tpu.memory_space<hbm>>
    %dma_wait3A_1174 = tpu.memref_squeeze %dma_wait3A_1173 : memref<256x1x128xf32, #tpu.memory_space<hbm>> -> memref<256x128xf32, #tpu.memory_space<hbm>>
    tpu.wait_dma2 semaphore(%arg14 : memref<!tpu.dma_semaphore, #tpu.memory_space<semaphore_mem>>) src(%arg6 : memref<256x128xf32, #tpu.memory_space<vmem>>) dst(%dma_wait3A_1174 : memref<256x128xf32, #tpu.memory_space<hbm>>)
    %dma_wait3A_1175 = tpu.memref_slice %arg3[%mul3A_1049] : memref<131072xi32, #tpu.memory_space<hbm>> -> memref<256xi32, #tpu.memory_space<hbm>>
    %dma_wait3A_1176 = tpu.memref_slice %arg3[%mul3A_1049] : memref<131072xi32, #tpu.memory_space<hbm>> -> memref<256xi32, #tpu.memory_space<hbm>>
    tpu.wait_dma2 semaphore(%arg9 : memref<!tpu.dma_semaphore, #tpu.memory_space<semaphore_mem>>) src(%dma_wait3A_1176 : memref<256xi32, #tpu.memory_space<hbm>>) dst(%arg7 : memref<256xi32, #tpu.memory_space<vmem>>)
    %dma_start3A_1177 = arith.constant 0 : i32
    %dma_start3A_1178 = arith.constant 0 : i32
    %dma_start3A_1179 = tpu.memref_slice %arg2[%dma_start3A_1177, %dma_start3A_1178] : memref<131072x128xf32, #tpu.memory_space<hbm>> -> memref<131072x128xf32, #tpu.memory_space<hbm>>
    tpu.enqueue_indirect_dma source(%dma_start3A_1179 : memref<131072x128xf32, #tpu.memory_space<hbm>>) target(%arg5 : memref<256x128xf32, #tpu.memory_space<vmem>>) offsets(%arg7 : memref<256xi32, #tpu.memory_space<vmem>>) semaphore(%arg11 : memref<!tpu.dma_semaphore, #tpu.memory_space<semaphore_mem>>)
    %dma_wait3A_1180 = arith.constant 0 : i32
    %dma_wait3A_1181 = arith.constant 0 : i32
    %dma_wait3A_1182 = tpu.memref_slice %arg2[%dma_wait3A_1180, %dma_wait3A_1181] : memref<131072x128xf32, #tpu.memory_space<hbm>> -> memref<131072x128xf32, #tpu.memory_space<hbm>>
    tpu.wait_indirect_dma semaphore(%arg11 : memref<!tpu.dma_semaphore, #tpu.memory_space<semaphore_mem>>) src(%dma_wait3A_1182 : memref<131072x128xf32, #tpu.memory_space<hbm>>) dst(%arg5 : memref<256x128xf32, #tpu.memory_space<vmem>>)
    %mul3A_1183 = arith.constant 16 : i32
    %mul3A_1184 = arith.muli %add3A, %mul3A_1183 : i32
    %add3A_1185 = arith.constant 10 : i32
    %add3A_1186 = arith.addi %mul3A_1184, %add3A_1185 : i32
    %jit3A_1187 = arith.constant 8 : i32
    %div3A_1188 = arith.divsi %add3A_1186, %jit3A_1187 : i32
    %sign3A_1189 = arith.constant 0 : i32
    %sign3A_1190 = arith.cmpi sgt, %add3A_1186, %sign3A_1189 : i32
    %sign3A_1191 = arith.extui %sign3A_1190 : i1 to i32
    %sign3A_1192 = arith.constant 0 : i32
    %sign3A_1193 = arith.cmpi slt, %add3A_1186, %sign3A_1192 : i32
    %sign3A_1194 = arith.extui %sign3A_1193 : i1 to i32
    %sign3A_1195 = arith.subi %sign3A_1191, %sign3A_1194 : i32
    %sign3A_1196 = arith.constant 0 : i32
    %sign3A_1197 = arith.cmpi sgt, %jit3A_1187, %sign3A_1196 : i32
    %sign3A_1198 = arith.extui %sign3A_1197 : i1 to i32
    %sign3A_1199 = arith.constant 0 : i32
    %sign3A_1200 = arith.cmpi slt, %jit3A_1187, %sign3A_1199 : i32
    %sign3A_1201 = arith.extui %sign3A_1200 : i1 to i32
    %sign3A_1202 = arith.subi %sign3A_1198, %sign3A_1201 : i32
    %ne3A_1203 = arith.cmpi ne, %sign3A_1195, %sign3A_1202 : i32
    %rem3A_1204 = arith.remsi %add3A_1186, %jit3A_1187 : i32
    %ne3A_1205 = arith.constant 0 : i32
    %ne3A_1206 = arith.cmpi ne, %rem3A_1204, %ne3A_1205 : i32
    %and3A_1207 = arith.andi %ne3A_1203, %ne3A_1206 : i1
    %sub3A_1208 = arith.constant 1 : i32
    %sub3A_1209 = arith.subi %div3A_1188, %sub3A_1208 : i32
    %select_n3A_1210 = arith.select %and3A_1207, %sub3A_1209, %div3A_1188 : i32
    %jit3A_1211 = arith.constant 8 : i32
    %eq3A_1212 = arith.constant 0 : i32
    %eq3A_1213 = arith.cmpi eq, %jit3A_1211, %eq3A_1212 : i32
    %jit3A_1214 = arith.constant 1 : i32
    %select_n3A_1215 = arith.select %eq3A_1213, %jit3A_1214, %jit3A_1211 : i32
    %rem3A_1216 = arith.remsi %add3A_1186, %select_n3A_1215 : i32
    %ne3A_1217 = arith.constant 0 : i32
    %ne3A_1218 = arith.cmpi ne, %rem3A_1216, %ne3A_1217 : i32
    %lt3A_1219 = arith.constant 0 : i32
    %lt3A_1220 = arith.cmpi slt, %rem3A_1216, %lt3A_1219 : i32
    %lt3A_1221 = arith.constant 0 : i32
    %lt3A_1222 = arith.cmpi slt, %select_n3A_1215, %lt3A_1221 : i32
    %ne3A_1223 = arith.xori %lt3A_1220, %lt3A_1222 : i1
    %and3A_1224 = arith.andi %ne3A_1223, %ne3A_1218 : i1
    %add3A_1225 = arith.addi %rem3A_1216, %select_n3A_1215 : i32
    %select_n3A_1226 = arith.select %and3A_1224, %add3A_1225, %rem3A_1216 : i32
    %mul3A_1227 = arith.constant 256 : i32
    %mul3A_1228 = arith.muli %select_n3A_1226, %mul3A_1227 : i32
    %jit3A_1229 = arith.constant 32 : i32
    %div3A_1230 = arith.divsi %select_n3A_1210, %jit3A_1229 : i32
    %sign3A_1231 = arith.constant 0 : i32
    %sign3A_1232 = arith.cmpi sgt, %select_n3A_1210, %sign3A_1231 : i32
    %sign3A_1233 = arith.extui %sign3A_1232 : i1 to i32
    %sign3A_1234 = arith.constant 0 : i32
    %sign3A_1235 = arith.cmpi slt, %select_n3A_1210, %sign3A_1234 : i32
    %sign3A_1236 = arith.extui %sign3A_1235 : i1 to i32
    %sign3A_1237 = arith.subi %sign3A_1233, %sign3A_1236 : i32
    %sign3A_1238 = arith.constant 0 : i32
    %sign3A_1239 = arith.cmpi sgt, %jit3A_1229, %sign3A_1238 : i32
    %sign3A_1240 = arith.extui %sign3A_1239 : i1 to i32
    %sign3A_1241 = arith.constant 0 : i32
    %sign3A_1242 = arith.cmpi slt, %jit3A_1229, %sign3A_1241 : i32
    %sign3A_1243 = arith.extui %sign3A_1242 : i1 to i32
    %sign3A_1244 = arith.subi %sign3A_1240, %sign3A_1243 : i32
    %ne3A_1245 = arith.cmpi ne, %sign3A_1237, %sign3A_1244 : i32
    %rem3A_1246 = arith.remsi %select_n3A_1210, %jit3A_1229 : i32
    %ne3A_1247 = arith.constant 0 : i32
    %ne3A_1248 = arith.cmpi ne, %rem3A_1246, %ne3A_1247 : i32
    %and3A_1249 = arith.andi %ne3A_1245, %ne3A_1248 : i1
    %sub3A_1250 = arith.constant 1 : i32
    %sub3A_1251 = arith.subi %div3A_1230, %sub3A_1250 : i32
    %select_n3A_1252 = arith.select %and3A_1249, %sub3A_1251, %div3A_1230 : i32
    %jit3A_1253 = arith.constant 32 : i32
    %eq3A_1254 = arith.constant 0 : i32
    %eq3A_1255 = arith.cmpi eq, %jit3A_1253, %eq3A_1254 : i32
    %jit3A_1256 = arith.constant 1 : i32
    %select_n3A_1257 = arith.select %eq3A_1255, %jit3A_1256, %jit3A_1253 : i32
    %rem3A_1258 = arith.remsi %select_n3A_1210, %select_n3A_1257 : i32
    %ne3A_1259 = arith.constant 0 : i32
    %ne3A_1260 = arith.cmpi ne, %rem3A_1258, %ne3A_1259 : i32
    %lt3A_1261 = arith.constant 0 : i32
    %lt3A_1262 = arith.cmpi slt, %rem3A_1258, %lt3A_1261 : i32
    %lt3A_1263 = arith.constant 0 : i32
    %lt3A_1264 = arith.cmpi slt, %select_n3A_1257, %lt3A_1263 : i32
    %ne3A_1265 = arith.xori %lt3A_1262, %lt3A_1264 : i1
    %and3A_1266 = arith.andi %ne3A_1265, %ne3A_1260 : i1
    %add3A_1267 = arith.addi %rem3A_1258, %select_n3A_1257 : i32
    %select_n3A_1268 = arith.select %and3A_1266, %add3A_1267, %rem3A_1258 : i32
    %mul3A_1269 = arith.constant 2048 : i32
    %mul3A_1270 = arith.muli %select_n3A_1252, %mul3A_1269 : i32
    %add3A_1271 = arith.addi %mul3A_1270, %mul3A_1228 : i32
    %dma_start3A_1272 = arith.constant 0 : i32
    %dma_start3A_1273 = tpu.memref_slice %arg4[%add3A_1271, %select_n3A_1268, %dma_start3A_1272] : memref<4096x32x128xf32, #tpu.memory_space<hbm>> -> memref<256x1x128xf32, #tpu.memory_space<hbm>>
    %dma_start3A_1274 = tpu.memref_squeeze %dma_start3A_1273 : memref<256x1x128xf32, #tpu.memory_space<hbm>> -> memref<256x128xf32, #tpu.memory_space<hbm>>
    %dma_start3A_1275 = arith.constant 0 : i32
    %dma_start3A_1276 = tpu.memref_slice %arg4[%add3A_1271, %select_n3A_1268, %dma_start3A_1275] : memref<4096x32x128xf32, #tpu.memory_space<hbm>> -> memref<256x1x128xf32, #tpu.memory_space<hbm>>
    %dma_start3A_1277 = tpu.memref_squeeze %dma_start3A_1276 : memref<256x1x128xf32, #tpu.memory_space<hbm>> -> memref<256x128xf32, #tpu.memory_space<hbm>>
    tpu.enqueue_dma source(%arg5 : memref<256x128xf32, #tpu.memory_space<vmem>>) target(%dma_start3A_1277 : memref<256x128xf32, #tpu.memory_space<hbm>>) target_semaphore(%arg13 : memref<!tpu.dma_semaphore, #tpu.memory_space<semaphore_mem>>)
    %mul3A_1278 = arith.constant 16 : i32
    %mul3A_1279 = arith.muli %add3A, %mul3A_1278 : i32
    %add3A_1280 = arith.constant 12 : i32
    %add3A_1281 = arith.addi %mul3A_1279, %add3A_1280 : i32
    %mul3A_1282 = arith.constant 256 : i32
    %mul3A_1283 = arith.muli %add3A_1281, %mul3A_1282 : i32
    %dma_start3A_1284 = tpu.memref_slice %arg3[%mul3A_1283] : memref<131072xi32, #tpu.memory_space<hbm>> -> memref<256xi32, #tpu.memory_space<hbm>>
    %dma_start3A_1285 = tpu.memref_slice %arg3[%mul3A_1283] : memref<131072xi32, #tpu.memory_space<hbm>> -> memref<256xi32, #tpu.memory_space<hbm>>
    tpu.enqueue_dma source(%dma_start3A_1285 : memref<256xi32, #tpu.memory_space<hbm>>) target(%arg7 : memref<256xi32, #tpu.memory_space<vmem>>) target_semaphore(%arg9 : memref<!tpu.dma_semaphore, #tpu.memory_space<semaphore_mem>>)
    %dma_wait3A_1286 = arith.constant 0 : i32
    %dma_wait3A_1287 = tpu.memref_slice %arg4[%add3A_1271, %select_n3A_1268, %dma_wait3A_1286] : memref<4096x32x128xf32, #tpu.memory_space<hbm>> -> memref<256x1x128xf32, #tpu.memory_space<hbm>>
    %dma_wait3A_1288 = tpu.memref_squeeze %dma_wait3A_1287 : memref<256x1x128xf32, #tpu.memory_space<hbm>> -> memref<256x128xf32, #tpu.memory_space<hbm>>
    %dma_wait3A_1289 = arith.constant 0 : i32
    %dma_wait3A_1290 = tpu.memref_slice %arg4[%add3A_1271, %select_n3A_1268, %dma_wait3A_1289] : memref<4096x32x128xf32, #tpu.memory_space<hbm>> -> memref<256x1x128xf32, #tpu.memory_space<hbm>>
    %dma_wait3A_1291 = tpu.memref_squeeze %dma_wait3A_1290 : memref<256x1x128xf32, #tpu.memory_space<hbm>> -> memref<256x128xf32, #tpu.memory_space<hbm>>
    tpu.wait_dma2 semaphore(%arg13 : memref<!tpu.dma_semaphore, #tpu.memory_space<semaphore_mem>>) src(%arg5 : memref<256x128xf32, #tpu.memory_space<vmem>>) dst(%dma_wait3A_1291 : memref<256x128xf32, #tpu.memory_space<hbm>>)
    %dma_wait3A_1292 = tpu.memref_slice %arg3[%mul3A_1166] : memref<131072xi32, #tpu.memory_space<hbm>> -> memref<256xi32, #tpu.memory_space<hbm>>
    %dma_wait3A_1293 = tpu.memref_slice %arg3[%mul3A_1166] : memref<131072xi32, #tpu.memory_space<hbm>> -> memref<256xi32, #tpu.memory_space<hbm>>
    tpu.wait_dma2 semaphore(%arg10 : memref<!tpu.dma_semaphore, #tpu.memory_space<semaphore_mem>>) src(%dma_wait3A_1293 : memref<256xi32, #tpu.memory_space<hbm>>) dst(%arg8 : memref<256xi32, #tpu.memory_space<vmem>>)
    %dma_start3A_1294 = arith.constant 0 : i32
    %dma_start3A_1295 = arith.constant 0 : i32
    %dma_start3A_1296 = tpu.memref_slice %arg2[%dma_start3A_1294, %dma_start3A_1295] : memref<131072x128xf32, #tpu.memory_space<hbm>> -> memref<131072x128xf32, #tpu.memory_space<hbm>>
    tpu.enqueue_indirect_dma source(%dma_start3A_1296 : memref<131072x128xf32, #tpu.memory_space<hbm>>) target(%arg6 : memref<256x128xf32, #tpu.memory_space<vmem>>) offsets(%arg8 : memref<256xi32, #tpu.memory_space<vmem>>) semaphore(%arg12 : memref<!tpu.dma_semaphore, #tpu.memory_space<semaphore_mem>>)
    %dma_wait3A_1297 = arith.constant 0 : i32
    %dma_wait3A_1298 = arith.constant 0 : i32
    %dma_wait3A_1299 = tpu.memref_slice %arg2[%dma_wait3A_1297, %dma_wait3A_1298] : memref<131072x128xf32, #tpu.memory_space<hbm>> -> memref<131072x128xf32, #tpu.memory_space<hbm>>
    tpu.wait_indirect_dma semaphore(%arg12 : memref<!tpu.dma_semaphore, #tpu.memory_space<semaphore_mem>>) src(%dma_wait3A_1299 : memref<131072x128xf32, #tpu.memory_space<hbm>>) dst(%arg6 : memref<256x128xf32, #tpu.memory_space<vmem>>)
    %mul3A_1300 = arith.constant 16 : i32
    %mul3A_1301 = arith.muli %add3A, %mul3A_1300 : i32
    %add3A_1302 = arith.constant 11 : i32
    %add3A_1303 = arith.addi %mul3A_1301, %add3A_1302 : i32
    %jit3A_1304 = arith.constant 8 : i32
    %div3A_1305 = arith.divsi %add3A_1303, %jit3A_1304 : i32
    %sign3A_1306 = arith.constant 0 : i32
    %sign3A_1307 = arith.cmpi sgt, %add3A_1303, %sign3A_1306 : i32
    %sign3A_1308 = arith.extui %sign3A_1307 : i1 to i32
    %sign3A_1309 = arith.constant 0 : i32
    %sign3A_1310 = arith.cmpi slt, %add3A_1303, %sign3A_1309 : i32
    %sign3A_1311 = arith.extui %sign3A_1310 : i1 to i32
    %sign3A_1312 = arith.subi %sign3A_1308, %sign3A_1311 : i32
    %sign3A_1313 = arith.constant 0 : i32
    %sign3A_1314 = arith.cmpi sgt, %jit3A_1304, %sign3A_1313 : i32
    %sign3A_1315 = arith.extui %sign3A_1314 : i1 to i32
    %sign3A_1316 = arith.constant 0 : i32
    %sign3A_1317 = arith.cmpi slt, %jit3A_1304, %sign3A_1316 : i32
    %sign3A_1318 = arith.extui %sign3A_1317 : i1 to i32
    %sign3A_1319 = arith.subi %sign3A_1315, %sign3A_1318 : i32
    %ne3A_1320 = arith.cmpi ne, %sign3A_1312, %sign3A_1319 : i32
    %rem3A_1321 = arith.remsi %add3A_1303, %jit3A_1304 : i32
    %ne3A_1322 = arith.constant 0 : i32
    %ne3A_1323 = arith.cmpi ne, %rem3A_1321, %ne3A_1322 : i32
    %and3A_1324 = arith.andi %ne3A_1320, %ne3A_1323 : i1
    %sub3A_1325 = arith.constant 1 : i32
    %sub3A_1326 = arith.subi %div3A_1305, %sub3A_1325 : i32
    %select_n3A_1327 = arith.select %and3A_1324, %sub3A_1326, %div3A_1305 : i32
    %jit3A_1328 = arith.constant 8 : i32
    %eq3A_1329 = arith.constant 0 : i32
    %eq3A_1330 = arith.cmpi eq, %jit3A_1328, %eq3A_1329 : i32
    %jit3A_1331 = arith.constant 1 : i32
    %select_n3A_1332 = arith.select %eq3A_1330, %jit3A_1331, %jit3A_1328 : i32
    %rem3A_1333 = arith.remsi %add3A_1303, %select_n3A_1332 : i32
    %ne3A_1334 = arith.constant 0 : i32
    %ne3A_1335 = arith.cmpi ne, %rem3A_1333, %ne3A_1334 : i32
    %lt3A_1336 = arith.constant 0 : i32
    %lt3A_1337 = arith.cmpi slt, %rem3A_1333, %lt3A_1336 : i32
    %lt3A_1338 = arith.constant 0 : i32
    %lt3A_1339 = arith.cmpi slt, %select_n3A_1332, %lt3A_1338 : i32
    %ne3A_1340 = arith.xori %lt3A_1337, %lt3A_1339 : i1
    %and3A_1341 = arith.andi %ne3A_1340, %ne3A_1335 : i1
    %add3A_1342 = arith.addi %rem3A_1333, %select_n3A_1332 : i32
    %select_n3A_1343 = arith.select %and3A_1341, %add3A_1342, %rem3A_1333 : i32
    %mul3A_1344 = arith.constant 256 : i32
    %mul3A_1345 = arith.muli %select_n3A_1343, %mul3A_1344 : i32
    %jit3A_1346 = arith.constant 32 : i32
    %div3A_1347 = arith.divsi %select_n3A_1327, %jit3A_1346 : i32
    %sign3A_1348 = arith.constant 0 : i32
    %sign3A_1349 = arith.cmpi sgt, %select_n3A_1327, %sign3A_1348 : i32
    %sign3A_1350 = arith.extui %sign3A_1349 : i1 to i32
    %sign3A_1351 = arith.constant 0 : i32
    %sign3A_1352 = arith.cmpi slt, %select_n3A_1327, %sign3A_1351 : i32
    %sign3A_1353 = arith.extui %sign3A_1352 : i1 to i32
    %sign3A_1354 = arith.subi %sign3A_1350, %sign3A_1353 : i32
    %sign3A_1355 = arith.constant 0 : i32
    %sign3A_1356 = arith.cmpi sgt, %jit3A_1346, %sign3A_1355 : i32
    %sign3A_1357 = arith.extui %sign3A_1356 : i1 to i32
    %sign3A_1358 = arith.constant 0 : i32
    %sign3A_1359 = arith.cmpi slt, %jit3A_1346, %sign3A_1358 : i32
    %sign3A_1360 = arith.extui %sign3A_1359 : i1 to i32
    %sign3A_1361 = arith.subi %sign3A_1357, %sign3A_1360 : i32
    %ne3A_1362 = arith.cmpi ne, %sign3A_1354, %sign3A_1361 : i32
    %rem3A_1363 = arith.remsi %select_n3A_1327, %jit3A_1346 : i32
    %ne3A_1364 = arith.constant 0 : i32
    %ne3A_1365 = arith.cmpi ne, %rem3A_1363, %ne3A_1364 : i32
    %and3A_1366 = arith.andi %ne3A_1362, %ne3A_1365 : i1
    %sub3A_1367 = arith.constant 1 : i32
    %sub3A_1368 = arith.subi %div3A_1347, %sub3A_1367 : i32
    %select_n3A_1369 = arith.select %and3A_1366, %sub3A_1368, %div3A_1347 : i32
    %jit3A_1370 = arith.constant 32 : i32
    %eq3A_1371 = arith.constant 0 : i32
    %eq3A_1372 = arith.cmpi eq, %jit3A_1370, %eq3A_1371 : i32
    %jit3A_1373 = arith.constant 1 : i32
    %select_n3A_1374 = arith.select %eq3A_1372, %jit3A_1373, %jit3A_1370 : i32
    %rem3A_1375 = arith.remsi %select_n3A_1327, %select_n3A_1374 : i32
    %ne3A_1376 = arith.constant 0 : i32
    %ne3A_1377 = arith.cmpi ne, %rem3A_1375, %ne3A_1376 : i32
    %lt3A_1378 = arith.constant 0 : i32
    %lt3A_1379 = arith.cmpi slt, %rem3A_1375, %lt3A_1378 : i32
    %lt3A_1380 = arith.constant 0 : i32
    %lt3A_1381 = arith.cmpi slt, %select_n3A_1374, %lt3A_1380 : i32
    %ne3A_1382 = arith.xori %lt3A_1379, %lt3A_1381 : i1
    %and3A_1383 = arith.andi %ne3A_1382, %ne3A_1377 : i1
    %add3A_1384 = arith.addi %rem3A_1375, %select_n3A_1374 : i32
    %select_n3A_1385 = arith.select %and3A_1383, %add3A_1384, %rem3A_1375 : i32
    %mul3A_1386 = arith.constant 2048 : i32
    %mul3A_1387 = arith.muli %select_n3A_1369, %mul3A_1386 : i32
    %add3A_1388 = arith.addi %mul3A_1387, %mul3A_1345 : i32
    %dma_start3A_1389 = arith.constant 0 : i32
    %dma_start3A_1390 = tpu.memref_slice %arg4[%add3A_1388, %select_n3A_1385, %dma_start3A_1389] : memref<4096x32x128xf32, #tpu.memory_space<hbm>> -> memref<256x1x128xf32, #tpu.memory_space<hbm>>
    %dma_start3A_1391 = tpu.memref_squeeze %dma_start3A_1390 : memref<256x1x128xf32, #tpu.memory_space<hbm>> -> memref<256x128xf32, #tpu.memory_space<hbm>>
    %dma_start3A_1392 = arith.constant 0 : i32
    %dma_start3A_1393 = tpu.memref_slice %arg4[%add3A_1388, %select_n3A_1385, %dma_start3A_1392] : memref<4096x32x128xf32, #tpu.memory_space<hbm>> -> memref<256x1x128xf32, #tpu.memory_space<hbm>>
    %dma_start3A_1394 = tpu.memref_squeeze %dma_start3A_1393 : memref<256x1x128xf32, #tpu.memory_space<hbm>> -> memref<256x128xf32, #tpu.memory_space<hbm>>
    tpu.enqueue_dma source(%arg6 : memref<256x128xf32, #tpu.memory_space<vmem>>) target(%dma_start3A_1394 : memref<256x128xf32, #tpu.memory_space<hbm>>) target_semaphore(%arg14 : memref<!tpu.dma_semaphore, #tpu.memory_space<semaphore_mem>>)
    %mul3A_1395 = arith.constant 16 : i32
    %mul3A_1396 = arith.muli %add3A, %mul3A_1395 : i32
    %add3A_1397 = arith.constant 13 : i32
    %add3A_1398 = arith.addi %mul3A_1396, %add3A_1397 : i32
    %mul3A_1399 = arith.constant 256 : i32
    %mul3A_1400 = arith.muli %add3A_1398, %mul3A_1399 : i32
    %dma_start3A_1401 = tpu.memref_slice %arg3[%mul3A_1400] : memref<131072xi32, #tpu.memory_space<hbm>> -> memref<256xi32, #tpu.memory_space<hbm>>
    %dma_start3A_1402 = tpu.memref_slice %arg3[%mul3A_1400] : memref<131072xi32, #tpu.memory_space<hbm>> -> memref<256xi32, #tpu.memory_space<hbm>>
    tpu.enqueue_dma source(%dma_start3A_1402 : memref<256xi32, #tpu.memory_space<hbm>>) target(%arg8 : memref<256xi32, #tpu.memory_space<vmem>>) target_semaphore(%arg10 : memref<!tpu.dma_semaphore, #tpu.memory_space<semaphore_mem>>)
    %dma_wait3A_1403 = arith.constant 0 : i32
    %dma_wait3A_1404 = tpu.memref_slice %arg4[%add3A_1388, %select_n3A_1385, %dma_wait3A_1403] : memref<4096x32x128xf32, #tpu.memory_space<hbm>> -> memref<256x1x128xf32, #tpu.memory_space<hbm>>
    %dma_wait3A_1405 = tpu.memref_squeeze %dma_wait3A_1404 : memref<256x1x128xf32, #tpu.memory_space<hbm>> -> memref<256x128xf32, #tpu.memory_space<hbm>>
    %dma_wait3A_1406 = arith.constant 0 : i32
    %dma_wait3A_1407 = tpu.memref_slice %arg4[%add3A_1388, %select_n3A_1385, %dma_wait3A_1406] : memref<4096x32x128xf32, #tpu.memory_space<hbm>> -> memref<256x1x128xf32, #tpu.memory_space<hbm>>
    %dma_wait3A_1408 = tpu.memref_squeeze %dma_wait3A_1407 : memref<256x1x128xf32, #tpu.memory_space<hbm>> -> memref<256x128xf32, #tpu.memory_space<hbm>>
    tpu.wait_dma2 semaphore(%arg14 : memref<!tpu.dma_semaphore, #tpu.memory_space<semaphore_mem>>) src(%arg6 : memref<256x128xf32, #tpu.memory_space<vmem>>) dst(%dma_wait3A_1408 : memref<256x128xf32, #tpu.memory_space<hbm>>)
    %dma_wait3A_1409 = tpu.memref_slice %arg3[%mul3A_1283] : memref<131072xi32, #tpu.memory_space<hbm>> -> memref<256xi32, #tpu.memory_space<hbm>>
    %dma_wait3A_1410 = tpu.memref_slice %arg3[%mul3A_1283] : memref<131072xi32, #tpu.memory_space<hbm>> -> memref<256xi32, #tpu.memory_space<hbm>>
    tpu.wait_dma2 semaphore(%arg9 : memref<!tpu.dma_semaphore, #tpu.memory_space<semaphore_mem>>) src(%dma_wait3A_1410 : memref<256xi32, #tpu.memory_space<hbm>>) dst(%arg7 : memref<256xi32, #tpu.memory_space<vmem>>)
    %dma_start3A_1411 = arith.constant 0 : i32
    %dma_start3A_1412 = arith.constant 0 : i32
    %dma_start3A_1413 = tpu.memref_slice %arg2[%dma_start3A_1411, %dma_start3A_1412] : memref<131072x128xf32, #tpu.memory_space<hbm>> -> memref<131072x128xf32, #tpu.memory_space<hbm>>
    tpu.enqueue_indirect_dma source(%dma_start3A_1413 : memref<131072x128xf32, #tpu.memory_space<hbm>>) target(%arg5 : memref<256x128xf32, #tpu.memory_space<vmem>>) offsets(%arg7 : memref<256xi32, #tpu.memory_space<vmem>>) semaphore(%arg11 : memref<!tpu.dma_semaphore, #tpu.memory_space<semaphore_mem>>)
    %dma_wait3A_1414 = arith.constant 0 : i32
    %dma_wait3A_1415 = arith.constant 0 : i32
    %dma_wait3A_1416 = tpu.memref_slice %arg2[%dma_wait3A_1414, %dma_wait3A_1415] : memref<131072x128xf32, #tpu.memory_space<hbm>> -> memref<131072x128xf32, #tpu.memory_space<hbm>>
    tpu.wait_indirect_dma semaphore(%arg11 : memref<!tpu.dma_semaphore, #tpu.memory_space<semaphore_mem>>) src(%dma_wait3A_1416 : memref<131072x128xf32, #tpu.memory_space<hbm>>) dst(%arg5 : memref<256x128xf32, #tpu.memory_space<vmem>>)
    %mul3A_1417 = arith.constant 16 : i32
    %mul3A_1418 = arith.muli %add3A, %mul3A_1417 : i32
    %add3A_1419 = arith.constant 12 : i32
    %add3A_1420 = arith.addi %mul3A_1418, %add3A_1419 : i32
    %jit3A_1421 = arith.constant 8 : i32
    %div3A_1422 = arith.divsi %add3A_1420, %jit3A_1421 : i32
    %sign3A_1423 = arith.constant 0 : i32
    %sign3A_1424 = arith.cmpi sgt, %add3A_1420, %sign3A_1423 : i32
    %sign3A_1425 = arith.extui %sign3A_1424 : i1 to i32
    %sign3A_1426 = arith.constant 0 : i32
    %sign3A_1427 = arith.cmpi slt, %add3A_1420, %sign3A_1426 : i32
    %sign3A_1428 = arith.extui %sign3A_1427 : i1 to i32
    %sign3A_1429 = arith.subi %sign3A_1425, %sign3A_1428 : i32
    %sign3A_1430 = arith.constant 0 : i32
    %sign3A_1431 = arith.cmpi sgt, %jit3A_1421, %sign3A_1430 : i32
    %sign3A_1432 = arith.extui %sign3A_1431 : i1 to i32
    %sign3A_1433 = arith.constant 0 : i32
    %sign3A_1434 = arith.cmpi slt, %jit3A_1421, %sign3A_1433 : i32
    %sign3A_1435 = arith.extui %sign3A_1434 : i1 to i32
    %sign3A_1436 = arith.subi %sign3A_1432, %sign3A_1435 : i32
    %ne3A_1437 = arith.cmpi ne, %sign3A_1429, %sign3A_1436 : i32
    %rem3A_1438 = arith.remsi %add3A_1420, %jit3A_1421 : i32
    %ne3A_1439 = arith.constant 0 : i32
    %ne3A_1440 = arith.cmpi ne, %rem3A_1438, %ne3A_1439 : i32
    %and3A_1441 = arith.andi %ne3A_1437, %ne3A_1440 : i1
    %sub3A_1442 = arith.constant 1 : i32
    %sub3A_1443 = arith.subi %div3A_1422, %sub3A_1442 : i32
    %select_n3A_1444 = arith.select %and3A_1441, %sub3A_1443, %div3A_1422 : i32
    %jit3A_1445 = arith.constant 8 : i32
    %eq3A_1446 = arith.constant 0 : i32
    %eq3A_1447 = arith.cmpi eq, %jit3A_1445, %eq3A_1446 : i32
    %jit3A_1448 = arith.constant 1 : i32
    %select_n3A_1449 = arith.select %eq3A_1447, %jit3A_1448, %jit3A_1445 : i32
    %rem3A_1450 = arith.remsi %add3A_1420, %select_n3A_1449 : i32
    %ne3A_1451 = arith.constant 0 : i32
    %ne3A_1452 = arith.cmpi ne, %rem3A_1450, %ne3A_1451 : i32
    %lt3A_1453 = arith.constant 0 : i32
    %lt3A_1454 = arith.cmpi slt, %rem3A_1450, %lt3A_1453 : i32
    %lt3A_1455 = arith.constant 0 : i32
    %lt3A_1456 = arith.cmpi slt, %select_n3A_1449, %lt3A_1455 : i32
    %ne3A_1457 = arith.xori %lt3A_1454, %lt3A_1456 : i1
    %and3A_1458 = arith.andi %ne3A_1457, %ne3A_1452 : i1
    %add3A_1459 = arith.addi %rem3A_1450, %select_n3A_1449 : i32
    %select_n3A_1460 = arith.select %and3A_1458, %add3A_1459, %rem3A_1450 : i32
    %mul3A_1461 = arith.constant 256 : i32
    %mul3A_1462 = arith.muli %select_n3A_1460, %mul3A_1461 : i32
    %jit3A_1463 = arith.constant 32 : i32
    %div3A_1464 = arith.divsi %select_n3A_1444, %jit3A_1463 : i32
    %sign3A_1465 = arith.constant 0 : i32
    %sign3A_1466 = arith.cmpi sgt, %select_n3A_1444, %sign3A_1465 : i32
    %sign3A_1467 = arith.extui %sign3A_1466 : i1 to i32
    %sign3A_1468 = arith.constant 0 : i32
    %sign3A_1469 = arith.cmpi slt, %select_n3A_1444, %sign3A_1468 : i32
    %sign3A_1470 = arith.extui %sign3A_1469 : i1 to i32
    %sign3A_1471 = arith.subi %sign3A_1467, %sign3A_1470 : i32
    %sign3A_1472 = arith.constant 0 : i32
    %sign3A_1473 = arith.cmpi sgt, %jit3A_1463, %sign3A_1472 : i32
    %sign3A_1474 = arith.extui %sign3A_1473 : i1 to i32
    %sign3A_1475 = arith.constant 0 : i32
    %sign3A_1476 = arith.cmpi slt, %jit3A_1463, %sign3A_1475 : i32
    %sign3A_1477 = arith.extui %sign3A_1476 : i1 to i32
    %sign3A_1478 = arith.subi %sign3A_1474, %sign3A_1477 : i32
    %ne3A_1479 = arith.cmpi ne, %sign3A_1471, %sign3A_1478 : i32
    %rem3A_1480 = arith.remsi %select_n3A_1444, %jit3A_1463 : i32
    %ne3A_1481 = arith.constant 0 : i32
    %ne3A_1482 = arith.cmpi ne, %rem3A_1480, %ne3A_1481 : i32
    %and3A_1483 = arith.andi %ne3A_1479, %ne3A_1482 : i1
    %sub3A_1484 = arith.constant 1 : i32
    %sub3A_1485 = arith.subi %div3A_1464, %sub3A_1484 : i32
    %select_n3A_1486 = arith.select %and3A_1483, %sub3A_1485, %div3A_1464 : i32
    %jit3A_1487 = arith.constant 32 : i32
    %eq3A_1488 = arith.constant 0 : i32
    %eq3A_1489 = arith.cmpi eq, %jit3A_1487, %eq3A_1488 : i32
    %jit3A_1490 = arith.constant 1 : i32
    %select_n3A_1491 = arith.select %eq3A_1489, %jit3A_1490, %jit3A_1487 : i32
    %rem3A_1492 = arith.remsi %select_n3A_1444, %select_n3A_1491 : i32
    %ne3A_1493 = arith.constant 0 : i32
    %ne3A_1494 = arith.cmpi ne, %rem3A_1492, %ne3A_1493 : i32
    %lt3A_1495 = arith.constant 0 : i32
    %lt3A_1496 = arith.cmpi slt, %rem3A_1492, %lt3A_1495 : i32
    %lt3A_1497 = arith.constant 0 : i32
    %lt3A_1498 = arith.cmpi slt, %select_n3A_1491, %lt3A_1497 : i32
    %ne3A_1499 = arith.xori %lt3A_1496, %lt3A_1498 : i1
    %and3A_1500 = arith.andi %ne3A_1499, %ne3A_1494 : i1
    %add3A_1501 = arith.addi %rem3A_1492, %select_n3A_1491 : i32
    %select_n3A_1502 = arith.select %and3A_1500, %add3A_1501, %rem3A_1492 : i32
    %mul3A_1503 = arith.constant 2048 : i32
    %mul3A_1504 = arith.muli %select_n3A_1486, %mul3A_1503 : i32
    %add3A_1505 = arith.addi %mul3A_1504, %mul3A_1462 : i32
    %dma_start3A_1506 = arith.constant 0 : i32
    %dma_start3A_1507 = tpu.memref_slice %arg4[%add3A_1505, %select_n3A_1502, %dma_start3A_1506] : memref<4096x32x128xf32, #tpu.memory_space<hbm>> -> memref<256x1x128xf32, #tpu.memory_space<hbm>>
    %dma_start3A_1508 = tpu.memref_squeeze %dma_start3A_1507 : memref<256x1x128xf32, #tpu.memory_space<hbm>> -> memref<256x128xf32, #tpu.memory_space<hbm>>
    %dma_start3A_1509 = arith.constant 0 : i32
    %dma_start3A_1510 = tpu.memref_slice %arg4[%add3A_1505, %select_n3A_1502, %dma_start3A_1509] : memref<4096x32x128xf32, #tpu.memory_space<hbm>> -> memref<256x1x128xf32, #tpu.memory_space<hbm>>
    %dma_start3A_1511 = tpu.memref_squeeze %dma_start3A_1510 : memref<256x1x128xf32, #tpu.memory_space<hbm>> -> memref<256x128xf32, #tpu.memory_space<hbm>>
    tpu.enqueue_dma source(%arg5 : memref<256x128xf32, #tpu.memory_space<vmem>>) target(%dma_start3A_1511 : memref<256x128xf32, #tpu.memory_space<hbm>>) target_semaphore(%arg13 : memref<!tpu.dma_semaphore, #tpu.memory_space<semaphore_mem>>)
    %mul3A_1512 = arith.constant 16 : i32
    %mul3A_1513 = arith.muli %add3A, %mul3A_1512 : i32
    %add3A_1514 = arith.constant 14 : i32
    %add3A_1515 = arith.addi %mul3A_1513, %add3A_1514 : i32
    %mul3A_1516 = arith.constant 256 : i32
    %mul3A_1517 = arith.muli %add3A_1515, %mul3A_1516 : i32
    %dma_start3A_1518 = tpu.memref_slice %arg3[%mul3A_1517] : memref<131072xi32, #tpu.memory_space<hbm>> -> memref<256xi32, #tpu.memory_space<hbm>>
    %dma_start3A_1519 = tpu.memref_slice %arg3[%mul3A_1517] : memref<131072xi32, #tpu.memory_space<hbm>> -> memref<256xi32, #tpu.memory_space<hbm>>
    tpu.enqueue_dma source(%dma_start3A_1519 : memref<256xi32, #tpu.memory_space<hbm>>) target(%arg7 : memref<256xi32, #tpu.memory_space<vmem>>) target_semaphore(%arg9 : memref<!tpu.dma_semaphore, #tpu.memory_space<semaphore_mem>>)
    %dma_wait3A_1520 = arith.constant 0 : i32
    %dma_wait3A_1521 = tpu.memref_slice %arg4[%add3A_1505, %select_n3A_1502, %dma_wait3A_1520] : memref<4096x32x128xf32, #tpu.memory_space<hbm>> -> memref<256x1x128xf32, #tpu.memory_space<hbm>>
    %dma_wait3A_1522 = tpu.memref_squeeze %dma_wait3A_1521 : memref<256x1x128xf32, #tpu.memory_space<hbm>> -> memref<256x128xf32, #tpu.memory_space<hbm>>
    %dma_wait3A_1523 = arith.constant 0 : i32
    %dma_wait3A_1524 = tpu.memref_slice %arg4[%add3A_1505, %select_n3A_1502, %dma_wait3A_1523] : memref<4096x32x128xf32, #tpu.memory_space<hbm>> -> memref<256x1x128xf32, #tpu.memory_space<hbm>>
    %dma_wait3A_1525 = tpu.memref_squeeze %dma_wait3A_1524 : memref<256x1x128xf32, #tpu.memory_space<hbm>> -> memref<256x128xf32, #tpu.memory_space<hbm>>
    tpu.wait_dma2 semaphore(%arg13 : memref<!tpu.dma_semaphore, #tpu.memory_space<semaphore_mem>>) src(%arg5 : memref<256x128xf32, #tpu.memory_space<vmem>>) dst(%dma_wait3A_1525 : memref<256x128xf32, #tpu.memory_space<hbm>>)
    %dma_wait3A_1526 = tpu.memref_slice %arg3[%mul3A_1400] : memref<131072xi32, #tpu.memory_space<hbm>> -> memref<256xi32, #tpu.memory_space<hbm>>
    %dma_wait3A_1527 = tpu.memref_slice %arg3[%mul3A_1400] : memref<131072xi32, #tpu.memory_space<hbm>> -> memref<256xi32, #tpu.memory_space<hbm>>
    tpu.wait_dma2 semaphore(%arg10 : memref<!tpu.dma_semaphore, #tpu.memory_space<semaphore_mem>>) src(%dma_wait3A_1527 : memref<256xi32, #tpu.memory_space<hbm>>) dst(%arg8 : memref<256xi32, #tpu.memory_space<vmem>>)
    %dma_start3A_1528 = arith.constant 0 : i32
    %dma_start3A_1529 = arith.constant 0 : i32
    %dma_start3A_1530 = tpu.memref_slice %arg2[%dma_start3A_1528, %dma_start3A_1529] : memref<131072x128xf32, #tpu.memory_space<hbm>> -> memref<131072x128xf32, #tpu.memory_space<hbm>>
    tpu.enqueue_indirect_dma source(%dma_start3A_1530 : memref<131072x128xf32, #tpu.memory_space<hbm>>) target(%arg6 : memref<256x128xf32, #tpu.memory_space<vmem>>) offsets(%arg8 : memref<256xi32, #tpu.memory_space<vmem>>) semaphore(%arg12 : memref<!tpu.dma_semaphore, #tpu.memory_space<semaphore_mem>>)
    %dma_wait3A_1531 = arith.constant 0 : i32
    %dma_wait3A_1532 = arith.constant 0 : i32
    %dma_wait3A_1533 = tpu.memref_slice %arg2[%dma_wait3A_1531, %dma_wait3A_1532] : memref<131072x128xf32, #tpu.memory_space<hbm>> -> memref<131072x128xf32, #tpu.memory_space<hbm>>
    tpu.wait_indirect_dma semaphore(%arg12 : memref<!tpu.dma_semaphore, #tpu.memory_space<semaphore_mem>>) src(%dma_wait3A_1533 : memref<131072x128xf32, #tpu.memory_space<hbm>>) dst(%arg6 : memref<256x128xf32, #tpu.memory_space<vmem>>)
    %mul3A_1534 = arith.constant 16 : i32
    %mul3A_1535 = arith.muli %add3A, %mul3A_1534 : i32
    %add3A_1536 = arith.constant 13 : i32
    %add3A_1537 = arith.addi %mul3A_1535, %add3A_1536 : i32
    %jit3A_1538 = arith.constant 8 : i32
    %div3A_1539 = arith.divsi %add3A_1537, %jit3A_1538 : i32
    %sign3A_1540 = arith.constant 0 : i32
    %sign3A_1541 = arith.cmpi sgt, %add3A_1537, %sign3A_1540 : i32
    %sign3A_1542 = arith.extui %sign3A_1541 : i1 to i32
    %sign3A_1543 = arith.constant 0 : i32
    %sign3A_1544 = arith.cmpi slt, %add3A_1537, %sign3A_1543 : i32
    %sign3A_1545 = arith.extui %sign3A_1544 : i1 to i32
    %sign3A_1546 = arith.subi %sign3A_1542, %sign3A_1545 : i32
    %sign3A_1547 = arith.constant 0 : i32
    %sign3A_1548 = arith.cmpi sgt, %jit3A_1538, %sign3A_1547 : i32
    %sign3A_1549 = arith.extui %sign3A_1548 : i1 to i32
    %sign3A_1550 = arith.constant 0 : i32
    %sign3A_1551 = arith.cmpi slt, %jit3A_1538, %sign3A_1550 : i32
    %sign3A_1552 = arith.extui %sign3A_1551 : i1 to i32
    %sign3A_1553 = arith.subi %sign3A_1549, %sign3A_1552 : i32
    %ne3A_1554 = arith.cmpi ne, %sign3A_1546, %sign3A_1553 : i32
    %rem3A_1555 = arith.remsi %add3A_1537, %jit3A_1538 : i32
    %ne3A_1556 = arith.constant 0 : i32
    %ne3A_1557 = arith.cmpi ne, %rem3A_1555, %ne3A_1556 : i32
    %and3A_1558 = arith.andi %ne3A_1554, %ne3A_1557 : i1
    %sub3A_1559 = arith.constant 1 : i32
    %sub3A_1560 = arith.subi %div3A_1539, %sub3A_1559 : i32
    %select_n3A_1561 = arith.select %and3A_1558, %sub3A_1560, %div3A_1539 : i32
    %jit3A_1562 = arith.constant 8 : i32
    %eq3A_1563 = arith.constant 0 : i32
    %eq3A_1564 = arith.cmpi eq, %jit3A_1562, %eq3A_1563 : i32
    %jit3A_1565 = arith.constant 1 : i32
    %select_n3A_1566 = arith.select %eq3A_1564, %jit3A_1565, %jit3A_1562 : i32
    %rem3A_1567 = arith.remsi %add3A_1537, %select_n3A_1566 : i32
    %ne3A_1568 = arith.constant 0 : i32
    %ne3A_1569 = arith.cmpi ne, %rem3A_1567, %ne3A_1568 : i32
    %lt3A_1570 = arith.constant 0 : i32
    %lt3A_1571 = arith.cmpi slt, %rem3A_1567, %lt3A_1570 : i32
    %lt3A_1572 = arith.constant 0 : i32
    %lt3A_1573 = arith.cmpi slt, %select_n3A_1566, %lt3A_1572 : i32
    %ne3A_1574 = arith.xori %lt3A_1571, %lt3A_1573 : i1
    %and3A_1575 = arith.andi %ne3A_1574, %ne3A_1569 : i1
    %add3A_1576 = arith.addi %rem3A_1567, %select_n3A_1566 : i32
    %select_n3A_1577 = arith.select %and3A_1575, %add3A_1576, %rem3A_1567 : i32
    %mul3A_1578 = arith.constant 256 : i32
    %mul3A_1579 = arith.muli %select_n3A_1577, %mul3A_1578 : i32
    %jit3A_1580 = arith.constant 32 : i32
    %div3A_1581 = arith.divsi %select_n3A_1561, %jit3A_1580 : i32
    %sign3A_1582 = arith.constant 0 : i32
    %sign3A_1583 = arith.cmpi sgt, %select_n3A_1561, %sign3A_1582 : i32
    %sign3A_1584 = arith.extui %sign3A_1583 : i1 to i32
    %sign3A_1585 = arith.constant 0 : i32
    %sign3A_1586 = arith.cmpi slt, %select_n3A_1561, %sign3A_1585 : i32
    %sign3A_1587 = arith.extui %sign3A_1586 : i1 to i32
    %sign3A_1588 = arith.subi %sign3A_1584, %sign3A_1587 : i32
    %sign3A_1589 = arith.constant 0 : i32
    %sign3A_1590 = arith.cmpi sgt, %jit3A_1580, %sign3A_1589 : i32
    %sign3A_1591 = arith.extui %sign3A_1590 : i1 to i32
    %sign3A_1592 = arith.constant 0 : i32
    %sign3A_1593 = arith.cmpi slt, %jit3A_1580, %sign3A_1592 : i32
    %sign3A_1594 = arith.extui %sign3A_1593 : i1 to i32
    %sign3A_1595 = arith.subi %sign3A_1591, %sign3A_1594 : i32
    %ne3A_1596 = arith.cmpi ne, %sign3A_1588, %sign3A_1595 : i32
    %rem3A_1597 = arith.remsi %select_n3A_1561, %jit3A_1580 : i32
    %ne3A_1598 = arith.constant 0 : i32
    %ne3A_1599 = arith.cmpi ne, %rem3A_1597, %ne3A_1598 : i32
    %and3A_1600 = arith.andi %ne3A_1596, %ne3A_1599 : i1
    %sub3A_1601 = arith.constant 1 : i32
    %sub3A_1602 = arith.subi %div3A_1581, %sub3A_1601 : i32
    %select_n3A_1603 = arith.select %and3A_1600, %sub3A_1602, %div3A_1581 : i32
    %jit3A_1604 = arith.constant 32 : i32
    %eq3A_1605 = arith.constant 0 : i32
    %eq3A_1606 = arith.cmpi eq, %jit3A_1604, %eq3A_1605 : i32
    %jit3A_1607 = arith.constant 1 : i32
    %select_n3A_1608 = arith.select %eq3A_1606, %jit3A_1607, %jit3A_1604 : i32
    %rem3A_1609 = arith.remsi %select_n3A_1561, %select_n3A_1608 : i32
    %ne3A_1610 = arith.constant 0 : i32
    %ne3A_1611 = arith.cmpi ne, %rem3A_1609, %ne3A_1610 : i32
    %lt3A_1612 = arith.constant 0 : i32
    %lt3A_1613 = arith.cmpi slt, %rem3A_1609, %lt3A_1612 : i32
    %lt3A_1614 = arith.constant 0 : i32
    %lt3A_1615 = arith.cmpi slt, %select_n3A_1608, %lt3A_1614 : i32
    %ne3A_1616 = arith.xori %lt3A_1613, %lt3A_1615 : i1
    %and3A_1617 = arith.andi %ne3A_1616, %ne3A_1611 : i1
    %add3A_1618 = arith.addi %rem3A_1609, %select_n3A_1608 : i32
    %select_n3A_1619 = arith.select %and3A_1617, %add3A_1618, %rem3A_1609 : i32
    %mul3A_1620 = arith.constant 2048 : i32
    %mul3A_1621 = arith.muli %select_n3A_1603, %mul3A_1620 : i32
    %add3A_1622 = arith.addi %mul3A_1621, %mul3A_1579 : i32
    %dma_start3A_1623 = arith.constant 0 : i32
    %dma_start3A_1624 = tpu.memref_slice %arg4[%add3A_1622, %select_n3A_1619, %dma_start3A_1623] : memref<4096x32x128xf32, #tpu.memory_space<hbm>> -> memref<256x1x128xf32, #tpu.memory_space<hbm>>
    %dma_start3A_1625 = tpu.memref_squeeze %dma_start3A_1624 : memref<256x1x128xf32, #tpu.memory_space<hbm>> -> memref<256x128xf32, #tpu.memory_space<hbm>>
    %dma_start3A_1626 = arith.constant 0 : i32
    %dma_start3A_1627 = tpu.memref_slice %arg4[%add3A_1622, %select_n3A_1619, %dma_start3A_1626] : memref<4096x32x128xf32, #tpu.memory_space<hbm>> -> memref<256x1x128xf32, #tpu.memory_space<hbm>>
    %dma_start3A_1628 = tpu.memref_squeeze %dma_start3A_1627 : memref<256x1x128xf32, #tpu.memory_space<hbm>> -> memref<256x128xf32, #tpu.memory_space<hbm>>
    tpu.enqueue_dma source(%arg6 : memref<256x128xf32, #tpu.memory_space<vmem>>) target(%dma_start3A_1628 : memref<256x128xf32, #tpu.memory_space<hbm>>) target_semaphore(%arg14 : memref<!tpu.dma_semaphore, #tpu.memory_space<semaphore_mem>>)
    %mul3A_1629 = arith.constant 16 : i32
    %mul3A_1630 = arith.muli %add3A, %mul3A_1629 : i32
    %add3A_1631 = arith.constant 15 : i32
    %add3A_1632 = arith.addi %mul3A_1630, %add3A_1631 : i32
    %mul3A_1633 = arith.constant 256 : i32
    %mul3A_1634 = arith.muli %add3A_1632, %mul3A_1633 : i32
    %dma_start3A_1635 = tpu.memref_slice %arg3[%mul3A_1634] : memref<131072xi32, #tpu.memory_space<hbm>> -> memref<256xi32, #tpu.memory_space<hbm>>
    %dma_start3A_1636 = tpu.memref_slice %arg3[%mul3A_1634] : memref<131072xi32, #tpu.memory_space<hbm>> -> memref<256xi32, #tpu.memory_space<hbm>>
    tpu.enqueue_dma source(%dma_start3A_1636 : memref<256xi32, #tpu.memory_space<hbm>>) target(%arg8 : memref<256xi32, #tpu.memory_space<vmem>>) target_semaphore(%arg10 : memref<!tpu.dma_semaphore, #tpu.memory_space<semaphore_mem>>)
    %dma_wait3A_1637 = arith.constant 0 : i32
    %dma_wait3A_1638 = tpu.memref_slice %arg4[%add3A_1622, %select_n3A_1619, %dma_wait3A_1637] : memref<4096x32x128xf32, #tpu.memory_space<hbm>> -> memref<256x1x128xf32, #tpu.memory_space<hbm>>
    %dma_wait3A_1639 = tpu.memref_squeeze %dma_wait3A_1638 : memref<256x1x128xf32, #tpu.memory_space<hbm>> -> memref<256x128xf32, #tpu.memory_space<hbm>>
    %dma_wait3A_1640 = arith.constant 0 : i32
    %dma_wait3A_1641 = tpu.memref_slice %arg4[%add3A_1622, %select_n3A_1619, %dma_wait3A_1640] : memref<4096x32x128xf32, #tpu.memory_space<hbm>> -> memref<256x1x128xf32, #tpu.memory_space<hbm>>
    %dma_wait3A_1642 = tpu.memref_squeeze %dma_wait3A_1641 : memref<256x1x128xf32, #tpu.memory_space<hbm>> -> memref<256x128xf32, #tpu.memory_space<hbm>>
    tpu.wait_dma2 semaphore(%arg14 : memref<!tpu.dma_semaphore, #tpu.memory_space<semaphore_mem>>) src(%arg6 : memref<256x128xf32, #tpu.memory_space<vmem>>) dst(%dma_wait3A_1642 : memref<256x128xf32, #tpu.memory_space<hbm>>)
    %dma_wait3A_1643 = tpu.memref_slice %arg3[%mul3A_1517] : memref<131072xi32, #tpu.memory_space<hbm>> -> memref<256xi32, #tpu.memory_space<hbm>>
    %dma_wait3A_1644 = tpu.memref_slice %arg3[%mul3A_1517] : memref<131072xi32, #tpu.memory_space<hbm>> -> memref<256xi32, #tpu.memory_space<hbm>>
    tpu.wait_dma2 semaphore(%arg9 : memref<!tpu.dma_semaphore, #tpu.memory_space<semaphore_mem>>) src(%dma_wait3A_1644 : memref<256xi32, #tpu.memory_space<hbm>>) dst(%arg7 : memref<256xi32, #tpu.memory_space<vmem>>)
    %dma_start3A_1645 = arith.constant 0 : i32
    %dma_start3A_1646 = arith.constant 0 : i32
    %dma_start3A_1647 = tpu.memref_slice %arg2[%dma_start3A_1645, %dma_start3A_1646] : memref<131072x128xf32, #tpu.memory_space<hbm>> -> memref<131072x128xf32, #tpu.memory_space<hbm>>
    tpu.enqueue_indirect_dma source(%dma_start3A_1647 : memref<131072x128xf32, #tpu.memory_space<hbm>>) target(%arg5 : memref<256x128xf32, #tpu.memory_space<vmem>>) offsets(%arg7 : memref<256xi32, #tpu.memory_space<vmem>>) semaphore(%arg11 : memref<!tpu.dma_semaphore, #tpu.memory_space<semaphore_mem>>)
    %dma_wait3A_1648 = arith.constant 0 : i32
    %dma_wait3A_1649 = arith.constant 0 : i32
    %dma_wait3A_1650 = tpu.memref_slice %arg2[%dma_wait3A_1648, %dma_wait3A_1649] : memref<131072x128xf32, #tpu.memory_space<hbm>> -> memref<131072x128xf32, #tpu.memory_space<hbm>>
    tpu.wait_indirect_dma semaphore(%arg11 : memref<!tpu.dma_semaphore, #tpu.memory_space<semaphore_mem>>) src(%dma_wait3A_1650 : memref<131072x128xf32, #tpu.memory_space<hbm>>) dst(%arg5 : memref<256x128xf32, #tpu.memory_space<vmem>>)
    %mul3A_1651 = arith.constant 16 : i32
    %mul3A_1652 = arith.muli %add3A, %mul3A_1651 : i32
    %add3A_1653 = arith.constant 14 : i32
    %add3A_1654 = arith.addi %mul3A_1652, %add3A_1653 : i32
    %jit3A_1655 = arith.constant 8 : i32
    %div3A_1656 = arith.divsi %add3A_1654, %jit3A_1655 : i32
    %sign3A_1657 = arith.constant 0 : i32
    %sign3A_1658 = arith.cmpi sgt, %add3A_1654, %sign3A_1657 : i32
    %sign3A_1659 = arith.extui %sign3A_1658 : i1 to i32
    %sign3A_1660 = arith.constant 0 : i32
    %sign3A_1661 = arith.cmpi slt, %add3A_1654, %sign3A_1660 : i32
    %sign3A_1662 = arith.extui %sign3A_1661 : i1 to i32
    %sign3A_1663 = arith.subi %sign3A_1659, %sign3A_1662 : i32
    %sign3A_1664 = arith.constant 0 : i32
    %sign3A_1665 = arith.cmpi sgt, %jit3A_1655, %sign3A_1664 : i32
    %sign3A_1666 = arith.extui %sign3A_1665 : i1 to i32
    %sign3A_1667 = arith.constant 0 : i32
    %sign3A_1668 = arith.cmpi slt, %jit3A_1655, %sign3A_1667 : i32
    %sign3A_1669 = arith.extui %sign3A_1668 : i1 to i32
    %sign3A_1670 = arith.subi %sign3A_1666, %sign3A_1669 : i32
    %ne3A_1671 = arith.cmpi ne, %sign3A_1663, %sign3A_1670 : i32
    %rem3A_1672 = arith.remsi %add3A_1654, %jit3A_1655 : i32
    %ne3A_1673 = arith.constant 0 : i32
    %ne3A_1674 = arith.cmpi ne, %rem3A_1672, %ne3A_1673 : i32
    %and3A_1675 = arith.andi %ne3A_1671, %ne3A_1674 : i1
    %sub3A_1676 = arith.constant 1 : i32
    %sub3A_1677 = arith.subi %div3A_1656, %sub3A_1676 : i32
    %select_n3A_1678 = arith.select %and3A_1675, %sub3A_1677, %div3A_1656 : i32
    %jit3A_1679 = arith.constant 8 : i32
    %eq3A_1680 = arith.constant 0 : i32
    %eq3A_1681 = arith.cmpi eq, %jit3A_1679, %eq3A_1680 : i32
    %jit3A_1682 = arith.constant 1 : i32
    %select_n3A_1683 = arith.select %eq3A_1681, %jit3A_1682, %jit3A_1679 : i32
    %rem3A_1684 = arith.remsi %add3A_1654, %select_n3A_1683 : i32
    %ne3A_1685 = arith.constant 0 : i32
    %ne3A_1686 = arith.cmpi ne, %rem3A_1684, %ne3A_1685 : i32
    %lt3A_1687 = arith.constant 0 : i32
    %lt3A_1688 = arith.cmpi slt, %rem3A_1684, %lt3A_1687 : i32
    %lt3A_1689 = arith.constant 0 : i32
    %lt3A_1690 = arith.cmpi slt, %select_n3A_1683, %lt3A_1689 : i32
    %ne3A_1691 = arith.xori %lt3A_1688, %lt3A_1690 : i1
    %and3A_1692 = arith.andi %ne3A_1691, %ne3A_1686 : i1
    %add3A_1693 = arith.addi %rem3A_1684, %select_n3A_1683 : i32
    %select_n3A_1694 = arith.select %and3A_1692, %add3A_1693, %rem3A_1684 : i32
    %mul3A_1695 = arith.constant 256 : i32
    %mul3A_1696 = arith.muli %select_n3A_1694, %mul3A_1695 : i32
    %jit3A_1697 = arith.constant 32 : i32
    %div3A_1698 = arith.divsi %select_n3A_1678, %jit3A_1697 : i32
    %sign3A_1699 = arith.constant 0 : i32
    %sign3A_1700 = arith.cmpi sgt, %select_n3A_1678, %sign3A_1699 : i32
    %sign3A_1701 = arith.extui %sign3A_1700 : i1 to i32
    %sign3A_1702 = arith.constant 0 : i32
    %sign3A_1703 = arith.cmpi slt, %select_n3A_1678, %sign3A_1702 : i32
    %sign3A_1704 = arith.extui %sign3A_1703 : i1 to i32
    %sign3A_1705 = arith.subi %sign3A_1701, %sign3A_1704 : i32
    %sign3A_1706 = arith.constant 0 : i32
    %sign3A_1707 = arith.cmpi sgt, %jit3A_1697, %sign3A_1706 : i32
    %sign3A_1708 = arith.extui %sign3A_1707 : i1 to i32
    %sign3A_1709 = arith.constant 0 : i32
    %sign3A_1710 = arith.cmpi slt, %jit3A_1697, %sign3A_1709 : i32
    %sign3A_1711 = arith.extui %sign3A_1710 : i1 to i32
    %sign3A_1712 = arith.subi %sign3A_1708, %sign3A_1711 : i32
    %ne3A_1713 = arith.cmpi ne, %sign3A_1705, %sign3A_1712 : i32
    %rem3A_1714 = arith.remsi %select_n3A_1678, %jit3A_1697 : i32
    %ne3A_1715 = arith.constant 0 : i32
    %ne3A_1716 = arith.cmpi ne, %rem3A_1714, %ne3A_1715 : i32
    %and3A_1717 = arith.andi %ne3A_1713, %ne3A_1716 : i1
    %sub3A_1718 = arith.constant 1 : i32
    %sub3A_1719 = arith.subi %div3A_1698, %sub3A_1718 : i32
    %select_n3A_1720 = arith.select %and3A_1717, %sub3A_1719, %div3A_1698 : i32
    %jit3A_1721 = arith.constant 32 : i32
    %eq3A_1722 = arith.constant 0 : i32
    %eq3A_1723 = arith.cmpi eq, %jit3A_1721, %eq3A_1722 : i32
    %jit3A_1724 = arith.constant 1 : i32
    %select_n3A_1725 = arith.select %eq3A_1723, %jit3A_1724, %jit3A_1721 : i32
    %rem3A_1726 = arith.remsi %select_n3A_1678, %select_n3A_1725 : i32
    %ne3A_1727 = arith.constant 0 : i32
    %ne3A_1728 = arith.cmpi ne, %rem3A_1726, %ne3A_1727 : i32
    %lt3A_1729 = arith.constant 0 : i32
    %lt3A_1730 = arith.cmpi slt, %rem3A_1726, %lt3A_1729 : i32
    %lt3A_1731 = arith.constant 0 : i32
    %lt3A_1732 = arith.cmpi slt, %select_n3A_1725, %lt3A_1731 : i32
    %ne3A_1733 = arith.xori %lt3A_1730, %lt3A_1732 : i1
    %and3A_1734 = arith.andi %ne3A_1733, %ne3A_1728 : i1
    %add3A_1735 = arith.addi %rem3A_1726, %select_n3A_1725 : i32
    %select_n3A_1736 = arith.select %and3A_1734, %add3A_1735, %rem3A_1726 : i32
    %mul3A_1737 = arith.constant 2048 : i32
    %mul3A_1738 = arith.muli %select_n3A_1720, %mul3A_1737 : i32
    %add3A_1739 = arith.addi %mul3A_1738, %mul3A_1696 : i32
    %dma_start3A_1740 = arith.constant 0 : i32
    %dma_start3A_1741 = tpu.memref_slice %arg4[%add3A_1739, %select_n3A_1736, %dma_start3A_1740] : memref<4096x32x128xf32, #tpu.memory_space<hbm>> -> memref<256x1x128xf32, #tpu.memory_space<hbm>>
    %dma_start3A_1742 = tpu.memref_squeeze %dma_start3A_1741 : memref<256x1x128xf32, #tpu.memory_space<hbm>> -> memref<256x128xf32, #tpu.memory_space<hbm>>
    %dma_start3A_1743 = arith.constant 0 : i32
    %dma_start3A_1744 = tpu.memref_slice %arg4[%add3A_1739, %select_n3A_1736, %dma_start3A_1743] : memref<4096x32x128xf32, #tpu.memory_space<hbm>> -> memref<256x1x128xf32, #tpu.memory_space<hbm>>
    %dma_start3A_1745 = tpu.memref_squeeze %dma_start3A_1744 : memref<256x1x128xf32, #tpu.memory_space<hbm>> -> memref<256x128xf32, #tpu.memory_space<hbm>>
    tpu.enqueue_dma source(%arg5 : memref<256x128xf32, #tpu.memory_space<vmem>>) target(%dma_start3A_1745 : memref<256x128xf32, #tpu.memory_space<hbm>>) target_semaphore(%arg13 : memref<!tpu.dma_semaphore, #tpu.memory_space<semaphore_mem>>)
    %dma_wait3A_1746 = arith.constant 0 : i32
    %dma_wait3A_1747 = tpu.memref_slice %arg4[%add3A_1739, %select_n3A_1736, %dma_wait3A_1746] : memref<4096x32x128xf32, #tpu.memory_space<hbm>> -> memref<256x1x128xf32, #tpu.memory_space<hbm>>
    %dma_wait3A_1748 = tpu.memref_squeeze %dma_wait3A_1747 : memref<256x1x128xf32, #tpu.memory_space<hbm>> -> memref<256x128xf32, #tpu.memory_space<hbm>>
    %dma_wait3A_1749 = arith.constant 0 : i32
    %dma_wait3A_1750 = tpu.memref_slice %arg4[%add3A_1739, %select_n3A_1736, %dma_wait3A_1749] : memref<4096x32x128xf32, #tpu.memory_space<hbm>> -> memref<256x1x128xf32, #tpu.memory_space<hbm>>
    %dma_wait3A_1751 = tpu.memref_squeeze %dma_wait3A_1750 : memref<256x1x128xf32, #tpu.memory_space<hbm>> -> memref<256x128xf32, #tpu.memory_space<hbm>>
    tpu.wait_dma2 semaphore(%arg13 : memref<!tpu.dma_semaphore, #tpu.memory_space<semaphore_mem>>) src(%arg5 : memref<256x128xf32, #tpu.memory_space<vmem>>) dst(%dma_wait3A_1751 : memref<256x128xf32, #tpu.memory_space<hbm>>)
    %dma_wait3A_1752 = tpu.memref_slice %arg3[%mul3A_1634] : memref<131072xi32, #tpu.memory_space<hbm>> -> memref<256xi32, #tpu.memory_space<hbm>>
    %dma_wait3A_1753 = tpu.memref_slice %arg3[%mul3A_1634] : memref<131072xi32, #tpu.memory_space<hbm>> -> memref<256xi32, #tpu.memory_space<hbm>>
    tpu.wait_dma2 semaphore(%arg10 : memref<!tpu.dma_semaphore, #tpu.memory_space<semaphore_mem>>) src(%dma_wait3A_1753 : memref<256xi32, #tpu.memory_space<hbm>>) dst(%arg8 : memref<256xi32, #tpu.memory_space<vmem>>)
    %dma_start3A_1754 = arith.constant 0 : i32
    %dma_start3A_1755 = arith.constant 0 : i32
    %dma_start3A_1756 = tpu.memref_slice %arg2[%dma_start3A_1754, %dma_start3A_1755] : memref<131072x128xf32, #tpu.memory_space<hbm>> -> memref<131072x128xf32, #tpu.memory_space<hbm>>
    tpu.enqueue_indirect_dma source(%dma_start3A_1756 : memref<131072x128xf32, #tpu.memory_space<hbm>>) target(%arg6 : memref<256x128xf32, #tpu.memory_space<vmem>>) offsets(%arg8 : memref<256xi32, #tpu.memory_space<vmem>>) semaphore(%arg12 : memref<!tpu.dma_semaphore, #tpu.memory_space<semaphore_mem>>)
    %dma_wait3A_1757 = arith.constant 0 : i32
    %dma_wait3A_1758 = arith.constant 0 : i32
    %dma_wait3A_1759 = tpu.memref_slice %arg2[%dma_wait3A_1757, %dma_wait3A_1758] : memref<131072x128xf32, #tpu.memory_space<hbm>> -> memref<131072x128xf32, #tpu.memory_space<hbm>>
    tpu.wait_indirect_dma semaphore(%arg12 : memref<!tpu.dma_semaphore, #tpu.memory_space<semaphore_mem>>) src(%dma_wait3A_1759 : memref<131072x128xf32, #tpu.memory_space<hbm>>) dst(%arg6 : memref<256x128xf32, #tpu.memory_space<vmem>>)
    %mul3A_1760 = arith.constant 16 : i32
    %mul3A_1761 = arith.muli %add3A, %mul3A_1760 : i32
    %add3A_1762 = arith.constant 15 : i32
    %add3A_1763 = arith.addi %mul3A_1761, %add3A_1762 : i32
    %jit3A_1764 = arith.constant 8 : i32
    %div3A_1765 = arith.divsi %add3A_1763, %jit3A_1764 : i32
    %sign3A_1766 = arith.constant 0 : i32
    %sign3A_1767 = arith.cmpi sgt, %add3A_1763, %sign3A_1766 : i32
    %sign3A_1768 = arith.extui %sign3A_1767 : i1 to i32
    %sign3A_1769 = arith.constant 0 : i32
    %sign3A_1770 = arith.cmpi slt, %add3A_1763, %sign3A_1769 : i32
    %sign3A_1771 = arith.extui %sign3A_1770 : i1 to i32
    %sign3A_1772 = arith.subi %sign3A_1768, %sign3A_1771 : i32
    %sign3A_1773 = arith.constant 0 : i32
    %sign3A_1774 = arith.cmpi sgt, %jit3A_1764, %sign3A_1773 : i32
    %sign3A_1775 = arith.extui %sign3A_1774 : i1 to i32
    %sign3A_1776 = arith.constant 0 : i32
    %sign3A_1777 = arith.cmpi slt, %jit3A_1764, %sign3A_1776 : i32
    %sign3A_1778 = arith.extui %sign3A_1777 : i1 to i32
    %sign3A_1779 = arith.subi %sign3A_1775, %sign3A_1778 : i32
    %ne3A_1780 = arith.cmpi ne, %sign3A_1772, %sign3A_1779 : i32
    %rem3A_1781 = arith.remsi %add3A_1763, %jit3A_1764 : i32
    %ne3A_1782 = arith.constant 0 : i32
    %ne3A_1783 = arith.cmpi ne, %rem3A_1781, %ne3A_1782 : i32
    %and3A_1784 = arith.andi %ne3A_1780, %ne3A_1783 : i1
    %sub3A_1785 = arith.constant 1 : i32
    %sub3A_1786 = arith.subi %div3A_1765, %sub3A_1785 : i32
    %select_n3A_1787 = arith.select %and3A_1784, %sub3A_1786, %div3A_1765 : i32
    %jit3A_1788 = arith.constant 8 : i32
    %eq3A_1789 = arith.constant 0 : i32
    %eq3A_1790 = arith.cmpi eq, %jit3A_1788, %eq3A_1789 : i32
    %jit3A_1791 = arith.constant 1 : i32
    %select_n3A_1792 = arith.select %eq3A_1790, %jit3A_1791, %jit3A_1788 : i32
    %rem3A_1793 = arith.remsi %add3A_1763, %select_n3A_1792 : i32
    %ne3A_1794 = arith.constant 0 : i32
    %ne3A_1795 = arith.cmpi ne, %rem3A_1793, %ne3A_1794 : i32
    %lt3A_1796 = arith.constant 0 : i32
    %lt3A_1797 = arith.cmpi slt, %rem3A_1793, %lt3A_1796 : i32
    %lt3A_1798 = arith.constant 0 : i32
    %lt3A_1799 = arith.cmpi slt, %select_n3A_1792, %lt3A_1798 : i32
    %ne3A_1800 = arith.xori %lt3A_1797, %lt3A_1799 : i1
    %and3A_1801 = arith.andi %ne3A_1800, %ne3A_1795 : i1
    %add3A_1802 = arith.addi %rem3A_1793, %select_n3A_1792 : i32
    %select_n3A_1803 = arith.select %and3A_1801, %add3A_1802, %rem3A_1793 : i32
    %mul3A_1804 = arith.constant 256 : i32
    %mul3A_1805 = arith.muli %select_n3A_1803, %mul3A_1804 : i32
    %jit3A_1806 = arith.constant 32 : i32
    %div3A_1807 = arith.divsi %select_n3A_1787, %jit3A_1806 : i32
    %sign3A_1808 = arith.constant 0 : i32
    %sign3A_1809 = arith.cmpi sgt, %select_n3A_1787, %sign3A_1808 : i32
    %sign3A_1810 = arith.extui %sign3A_1809 : i1 to i32
    %sign3A_1811 = arith.constant 0 : i32
    %sign3A_1812 = arith.cmpi slt, %select_n3A_1787, %sign3A_1811 : i32
    %sign3A_1813 = arith.extui %sign3A_1812 : i1 to i32
    %sign3A_1814 = arith.subi %sign3A_1810, %sign3A_1813 : i32
    %sign3A_1815 = arith.constant 0 : i32
    %sign3A_1816 = arith.cmpi sgt, %jit3A_1806, %sign3A_1815 : i32
    %sign3A_1817 = arith.extui %sign3A_1816 : i1 to i32
    %sign3A_1818 = arith.constant 0 : i32
    %sign3A_1819 = arith.cmpi slt, %jit3A_1806, %sign3A_1818 : i32
    %sign3A_1820 = arith.extui %sign3A_1819 : i1 to i32
    %sign3A_1821 = arith.subi %sign3A_1817, %sign3A_1820 : i32
    %ne3A_1822 = arith.cmpi ne, %sign3A_1814, %sign3A_1821 : i32
    %rem3A_1823 = arith.remsi %select_n3A_1787, %jit3A_1806 : i32
    %ne3A_1824 = arith.constant 0 : i32
    %ne3A_1825 = arith.cmpi ne, %rem3A_1823, %ne3A_1824 : i32
    %and3A_1826 = arith.andi %ne3A_1822, %ne3A_1825 : i1
    %sub3A_1827 = arith.constant 1 : i32
    %sub3A_1828 = arith.subi %div3A_1807, %sub3A_1827 : i32
    %select_n3A_1829 = arith.select %and3A_1826, %sub3A_1828, %div3A_1807 : i32
    %jit3A_1830 = arith.constant 32 : i32
    %eq3A_1831 = arith.constant 0 : i32
    %eq3A_1832 = arith.cmpi eq, %jit3A_1830, %eq3A_1831 : i32
    %jit3A_1833 = arith.constant 1 : i32
    %select_n3A_1834 = arith.select %eq3A_1832, %jit3A_1833, %jit3A_1830 : i32
    %rem3A_1835 = arith.remsi %select_n3A_1787, %select_n3A_1834 : i32
    %ne3A_1836 = arith.constant 0 : i32
    %ne3A_1837 = arith.cmpi ne, %rem3A_1835, %ne3A_1836 : i32
    %lt3A_1838 = arith.constant 0 : i32
    %lt3A_1839 = arith.cmpi slt, %rem3A_1835, %lt3A_1838 : i32
    %lt3A_1840 = arith.constant 0 : i32
    %lt3A_1841 = arith.cmpi slt, %select_n3A_1834, %lt3A_1840 : i32
    %ne3A_1842 = arith.xori %lt3A_1839, %lt3A_1841 : i1
    %and3A_1843 = arith.andi %ne3A_1842, %ne3A_1837 : i1
    %add3A_1844 = arith.addi %rem3A_1835, %select_n3A_1834 : i32
    %select_n3A_1845 = arith.select %and3A_1843, %add3A_1844, %rem3A_1835 : i32
    %mul3A_1846 = arith.constant 2048 : i32
    %mul3A_1847 = arith.muli %select_n3A_1829, %mul3A_1846 : i32
    %add3A_1848 = arith.addi %mul3A_1847, %mul3A_1805 : i32
    %dma_start3A_1849 = arith.constant 0 : i32
    %dma_start3A_1850 = tpu.memref_slice %arg4[%add3A_1848, %select_n3A_1845, %dma_start3A_1849] : memref<4096x32x128xf32, #tpu.memory_space<hbm>> -> memref<256x1x128xf32, #tpu.memory_space<hbm>>
    %dma_start3A_1851 = tpu.memref_squeeze %dma_start3A_1850 : memref<256x1x128xf32, #tpu.memory_space<hbm>> -> memref<256x128xf32, #tpu.memory_space<hbm>>
    %dma_start3A_1852 = arith.constant 0 : i32
    %dma_start3A_1853 = tpu.memref_slice %arg4[%add3A_1848, %select_n3A_1845, %dma_start3A_1852] : memref<4096x32x128xf32, #tpu.memory_space<hbm>> -> memref<256x1x128xf32, #tpu.memory_space<hbm>>
    %dma_start3A_1854 = tpu.memref_squeeze %dma_start3A_1853 : memref<256x1x128xf32, #tpu.memory_space<hbm>> -> memref<256x128xf32, #tpu.memory_space<hbm>>
    tpu.enqueue_dma source(%arg6 : memref<256x128xf32, #tpu.memory_space<vmem>>) target(%dma_start3A_1854 : memref<256x128xf32, #tpu.memory_space<hbm>>) target_semaphore(%arg14 : memref<!tpu.dma_semaphore, #tpu.memory_space<semaphore_mem>>)
    %dma_wait3A_1855 = arith.constant 0 : i32
    %dma_wait3A_1856 = tpu.memref_slice %arg4[%add3A_1848, %select_n3A_1845, %dma_wait3A_1855] : memref<4096x32x128xf32, #tpu.memory_space<hbm>> -> memref<256x1x128xf32, #tpu.memory_space<hbm>>
    %dma_wait3A_1857 = tpu.memref_squeeze %dma_wait3A_1856 : memref<256x1x128xf32, #tpu.memory_space<hbm>> -> memref<256x128xf32, #tpu.memory_space<hbm>>
    %dma_wait3A_1858 = arith.constant 0 : i32
    %dma_wait3A_1859 = tpu.memref_slice %arg4[%add3A_1848, %select_n3A_1845, %dma_wait3A_1858] : memref<4096x32x128xf32, #tpu.memory_space<hbm>> -> memref<256x1x128xf32, #tpu.memory_space<hbm>>
    %dma_wait3A_1860 = tpu.memref_squeeze %dma_wait3A_1859 : memref<256x1x128xf32, #tpu.memory_space<hbm>> -> memref<256x128xf32, #tpu.memory_space<hbm>>
    tpu.wait_dma2 semaphore(%arg14 : memref<!tpu.dma_semaphore, #tpu.memory_space<semaphore_mem>>) src(%arg6 : memref<256x128xf32, #tpu.memory_space<vmem>>) dst(%dma_wait3A_1860 : memref<256x128xf32, #tpu.memory_space<hbm>>)
    return
  }
}

module attributes {stable_mosaic.version = 14 : i64} {
  func.func @_hash_body(%arg0: i32, %arg1: memref<1x2048x128xf32, #tpu.memory_space<vmem>>, %arg2: memref<1x2048x128xf32, #tpu.memory_space<vmem>>, %arg3: memref<1x2048x128xf32, #tpu.memory_space<vmem>>, %arg4: memref<1x1x128xf32, #tpu.memory_space<vmem>>, %arg5: memref<1x1x128xf32, #tpu.memory_space<vmem>>, %arg6: memref<1x1x1xf32, #tpu.memory_space<vmem>>, %arg7: memref<1x1x1xf32, #tpu.memory_space<vmem>>, %arg8: memref<2048x128xf32, #tpu.memory_space<vmem>>, %arg9: memref<1x1x2048xf32, #tpu.memory_space<vmem>>) attributes {dimension_semantics = [#tpu.dimension_semantics<arbitrary>], iteration_bounds = array<i64: 64>, scalar_prefetch = 0 : i64, scratch_operands = 0 : i64, tpu.core_type = #tpu.core_type<tc>, window_params = [{transform_indices = @transform_0, window_bounds = array<i64: 1, 2048, 128>}, {transform_indices = @transform_1, window_bounds = array<i64: 1, 2048, 128>}, {transform_indices = @transform_2, window_bounds = array<i64: 1, 2048, 128>}, {transform_indices = @transform_3, window_bounds = array<i64: 1, 1, 128>}, {transform_indices = @transform_4, window_bounds = array<i64: 1, 1, 128>}, {transform_indices = @transform_5, window_bounds = array<i64: 1, 1, 1>}, {transform_indices = @transform_6, window_bounds = array<i64: 1, 1, 1>}, {transform_indices = @transform_7, window_bounds = array<i64: 2048, 128>}, {transform_indices = @transform_8, window_bounds = array<i64: 1, 1, 2048>}]} {
    %get3A = arith.constant 0 : index
    %get3A_0 = arith.constant 0 : index
    %get3A_1 = arith.constant 0 : index
    %get3A_2 = vector.load %arg4[%get3A, %get3A_0, %get3A_1] : memref<1x1x128xf32, #tpu.memory_space<vmem>>, vector<1x1x128xf32>
    %get3A_3 = vector.shape_cast %get3A_2 : vector<1x1x128xf32> to vector<1x128xf32>
    %get3A_4 = arith.constant 0 : index
    %get3A_5 = arith.constant 0 : index
    %get3A_6 = arith.constant 0 : index
    %get3A_7 = vector.load %arg2[%get3A_4, %get3A_5, %get3A_6] : memref<1x2048x128xf32, #tpu.memory_space<vmem>>, vector<1x2048x128xf32>
    %get3A_8 = vector.shape_cast %get3A_7 : vector<1x2048x128xf32> to vector<2048x128xf32>
    %dot_general3A = arith.constant dense<0.000000e+00> : vector<1x2048xf32>
    %dot_general3A_9 = tpu.matmul %get3A_3, %get3A_8, %dot_general3A {dimension_numbers = #tpu.dot_dimension_numbers<[1], [1], [0], [0], [0, 0, 1, 0], [], []>, transpose_lhs_hint = false} : vector<1x128xf32>, vector<2048x128xf32>, vector<1x2048xf32> -> vector<1x2048xf32>
    %get3A_10 = arith.constant 0 : index
    %get3A_11 = arith.constant 0 : index
    %get3A_12 = arith.constant 0 : index
    %get3A_13 = vector.load %arg6[%get3A_10, %get3A_11, %get3A_12] : memref<1x1x1xf32, #tpu.memory_space<vmem>>, vector<1x1x1xf32>
    %get3A_14 = vector.extract %get3A_13[0, 0, 0] : f32 from vector<1x1x1xf32>
    %add3A = vector.broadcast %get3A_14 : f32 to vector<1x2048xf32>
    %add3A_15 = arith.addf %dot_general3A_9, %add3A : vector<1x2048xf32>
    %get3A_16 = arith.constant 0 : index
    %get3A_17 = arith.constant 0 : index
    %get3A_18 = arith.constant 0 : index
    %get3A_19 = vector.load %arg5[%get3A_16, %get3A_17, %get3A_18] : memref<1x1x128xf32, #tpu.memory_space<vmem>>, vector<1x1x128xf32>
    %get3A_20 = vector.shape_cast %get3A_19 : vector<1x1x128xf32> to vector<1x128xf32>
    %get3A_21 = arith.constant 0 : index
    %get3A_22 = arith.constant 0 : index
    %get3A_23 = arith.constant 0 : index
    %get3A_24 = vector.load %arg3[%get3A_21, %get3A_22, %get3A_23] : memref<1x2048x128xf32, #tpu.memory_space<vmem>>, vector<1x2048x128xf32>
    %get3A_25 = vector.shape_cast %get3A_24 : vector<1x2048x128xf32> to vector<2048x128xf32>
    %dot_general3A_26 = arith.constant dense<0.000000e+00> : vector<1x2048xf32>
    %dot_general3A_27 = tpu.matmul %get3A_20, %get3A_25, %dot_general3A_26 {dimension_numbers = #tpu.dot_dimension_numbers<[1], [1], [0], [0], [0, 0, 1, 0], [], []>, transpose_lhs_hint = false} : vector<1x128xf32>, vector<2048x128xf32>, vector<1x2048xf32> -> vector<1x2048xf32>
    %get3A_28 = arith.constant 0 : index
    %get3A_29 = arith.constant 0 : index
    %get3A_30 = arith.constant 0 : index
    %get3A_31 = vector.load %arg7[%get3A_28, %get3A_29, %get3A_30] : memref<1x1x1xf32, #tpu.memory_space<vmem>>, vector<1x1x1xf32>
    %get3A_32 = vector.extract %get3A_31[0, 0, 0] : f32 from vector<1x1x1xf32>
    %add3A_33 = vector.broadcast %get3A_32 : f32 to vector<1x2048xf32>
    %add3A_34 = arith.addf %dot_general3A_27, %add3A_33 : vector<1x2048xf32>
    %add3A_35 = arith.constant 9.99999974E-5 : f32
    %add3A_36 = vector.broadcast %add3A_35 : f32 to vector<1x2048xf32>
    %add3A_37 = arith.addf %add3A_34, %add3A_36 : vector<1x2048xf32>
    %div3A = arith.divf %add3A_15, %add3A_37 : vector<1x2048xf32>
    %broadcast_in_dim3A = vector.shape_cast %div3A : vector<1x2048xf32> to vector<1x1x2048xf32>
    %swap3A = arith.constant 0 : index
    %swap3A_38 = arith.constant 0 : index
    %swap3A_39 = arith.constant 0 : index
    %swap3A_40 = vector.load %arg9[%swap3A, %swap3A_38, %swap3A_39] : memref<1x1x2048xf32, #tpu.memory_space<vmem>>, vector<1x1x2048xf32>
    tpu.vector_store %arg9[%swap3A, %swap3A_38, %swap3A_39], %broadcast_in_dim3A {strides = array<i32>} : memref<1x1x2048xf32, #tpu.memory_space<vmem>>, vector<1x1x2048xf32>,
    %get3A_41 = arith.constant 0 : index
    %get3A_42 = arith.constant 0 : index
    %get3A_43 = arith.constant 0 : index
    %get3A_44 = vector.load %arg1[%get3A_41, %get3A_42, %get3A_43] : memref<1x2048x128xf32, #tpu.memory_space<vmem>>, vector<1x2048x128xf32>
    %get3A_45 = vector.shape_cast %get3A_44 : vector<1x2048x128xf32> to vector<2048x128xf32>
    %swap3A_46 = arith.constant 0 : index
    %swap3A_47 = arith.constant 0 : index
    %swap3A_48 = vector.load %arg8[%swap3A_46, %swap3A_47] : memref<2048x128xf32, #tpu.memory_space<vmem>>, vector<2048x128xf32>
    tpu.vector_store %arg8[%swap3A_46, %swap3A_47], %get3A_45 {strides = array<i32>} : memref<2048x128xf32, #tpu.memory_space<vmem>>, vector<2048x128xf32>,
    return
  }
  func.func @transform_0(%arg0: i32) -> (i32, i32, i32) {
    %jit3A = arith.constant 32 : i32
    %div3A = arith.divsi %arg0, %jit3A : i32
    %sign3A = arith.constant 0 : i32
    %sign3A_0 = arith.cmpi sgt, %arg0, %sign3A : i32
    %sign3A_1 = arith.extui %sign3A_0 : i1 to i32
    %sign3A_2 = arith.constant 0 : i32
    %sign3A_3 = arith.cmpi slt, %arg0, %sign3A_2 : i32
    %sign3A_4 = arith.extui %sign3A_3 : i1 to i32
    %sign3A_5 = arith.subi %sign3A_1, %sign3A_4 : i32
    %sign3A_6 = arith.constant 0 : i32
    %sign3A_7 = arith.cmpi sgt, %jit3A, %sign3A_6 : i32
    %sign3A_8 = arith.extui %sign3A_7 : i1 to i32
    %sign3A_9 = arith.constant 0 : i32
    %sign3A_10 = arith.cmpi slt, %jit3A, %sign3A_9 : i32
    %sign3A_11 = arith.extui %sign3A_10 : i1 to i32
    %sign3A_12 = arith.subi %sign3A_8, %sign3A_11 : i32
    %ne3A = arith.cmpi ne, %sign3A_5, %sign3A_12 : i32
    %rem3A = arith.remsi %arg0, %jit3A : i32
    %ne3A_13 = arith.constant 0 : i32
    %ne3A_14 = arith.cmpi ne, %rem3A, %ne3A_13 : i32
    %and3A = arith.andi %ne3A, %ne3A_14 : i1
    %sub3A = arith.constant 1 : i32
    %sub3A_15 = arith.subi %div3A, %sub3A : i32
    %select_n3A = arith.select %and3A, %sub3A_15, %div3A : i32
    %jit3A_16 = arith.constant 32 : i32
    %eq3A = arith.constant 0 : i32
    %eq3A_17 = arith.cmpi eq, %jit3A_16, %eq3A : i32
    %jit3A_18 = arith.constant 1 : i32
    %select_n3A_19 = arith.select %eq3A_17, %jit3A_18, %jit3A_16 : i32
    %rem3A_20 = arith.remsi %arg0, %select_n3A_19 : i32
    %ne3A_21 = arith.constant 0 : i32
    %ne3A_22 = arith.cmpi ne, %rem3A_20, %ne3A_21 : i32
    %lt3A = arith.constant 0 : i32
    %lt3A_23 = arith.cmpi slt, %rem3A_20, %lt3A : i32
    %lt3A_24 = arith.constant 0 : i32
    %lt3A_25 = arith.cmpi slt, %select_n3A_19, %lt3A_24 : i32
    %ne3A_26 = arith.xori %lt3A_23, %lt3A_25 : i1
    %and3A_27 = arith.andi %ne3A_26, %ne3A_22 : i1
    %add3A = arith.addi %rem3A_20, %select_n3A_19 : i32
    %select_n3A_28 = arith.select %and3A_27, %add3A, %rem3A_20 : i32
    %c0_i32 = arith.constant 0 : i32
    %c0_i32_29 = arith.constant 0 : i32
    return %select_n3A, %c0_i32, %select_n3A_28 : i32, i32, i32
  }
  func.func @transform_1(%arg0: i32) -> (i32, i32, i32) {
    %jit3A = arith.constant 32 : i32
    %div3A = arith.divsi %arg0, %jit3A : i32
    %sign3A = arith.constant 0 : i32
    %sign3A_0 = arith.cmpi sgt, %arg0, %sign3A : i32
    %sign3A_1 = arith.extui %sign3A_0 : i1 to i32
    %sign3A_2 = arith.constant 0 : i32
    %sign3A_3 = arith.cmpi slt, %arg0, %sign3A_2 : i32
    %sign3A_4 = arith.extui %sign3A_3 : i1 to i32
    %sign3A_5 = arith.subi %sign3A_1, %sign3A_4 : i32
    %sign3A_6 = arith.constant 0 : i32
    %sign3A_7 = arith.cmpi sgt, %jit3A, %sign3A_6 : i32
    %sign3A_8 = arith.extui %sign3A_7 : i1 to i32
    %sign3A_9 = arith.constant 0 : i32
    %sign3A_10 = arith.cmpi slt, %jit3A, %sign3A_9 : i32
    %sign3A_11 = arith.extui %sign3A_10 : i1 to i32
    %sign3A_12 = arith.subi %sign3A_8, %sign3A_11 : i32
    %ne3A = arith.cmpi ne, %sign3A_5, %sign3A_12 : i32
    %rem3A = arith.remsi %arg0, %jit3A : i32
    %ne3A_13 = arith.constant 0 : i32
    %ne3A_14 = arith.cmpi ne, %rem3A, %ne3A_13 : i32
    %and3A = arith.andi %ne3A, %ne3A_14 : i1
    %sub3A = arith.constant 1 : i32
    %sub3A_15 = arith.subi %div3A, %sub3A : i32
    %select_n3A = arith.select %and3A, %sub3A_15, %div3A : i32
    %jit3A_16 = arith.constant 32 : i32
    %eq3A = arith.constant 0 : i32
    %eq3A_17 = arith.cmpi eq, %jit3A_16, %eq3A : i32
    %jit3A_18 = arith.constant 1 : i32
    %select_n3A_19 = arith.select %eq3A_17, %jit3A_18, %jit3A_16 : i32
    %rem3A_20 = arith.remsi %arg0, %select_n3A_19 : i32
    %ne3A_21 = arith.constant 0 : i32
    %ne3A_22 = arith.cmpi ne, %rem3A_20, %ne3A_21 : i32
    %lt3A = arith.constant 0 : i32
    %lt3A_23 = arith.cmpi slt, %rem3A_20, %lt3A : i32
    %lt3A_24 = arith.constant 0 : i32
    %lt3A_25 = arith.cmpi slt, %select_n3A_19, %lt3A_24 : i32
    %ne3A_26 = arith.xori %lt3A_23, %lt3A_25 : i1
    %and3A_27 = arith.andi %ne3A_26, %ne3A_22 : i1
    %add3A = arith.addi %rem3A_20, %select_n3A_19 : i32
    %select_n3A_28 = arith.select %and3A_27, %add3A, %rem3A_20 : i32
    %jit3A_29 = arith.constant 2 : i32
    %div3A_30 = arith.divsi %select_n3A_28, %jit3A_29 : i32
    %sign3A_31 = arith.constant 0 : i32
    %sign3A_32 = arith.cmpi sgt, %select_n3A_28, %sign3A_31 : i32
    %sign3A_33 = arith.extui %sign3A_32 : i1 to i32
    %sign3A_34 = arith.constant 0 : i32
    %sign3A_35 = arith.cmpi slt, %select_n3A_28, %sign3A_34 : i32
    %sign3A_36 = arith.extui %sign3A_35 : i1 to i32
    %sign3A_37 = arith.subi %sign3A_33, %sign3A_36 : i32
    %sign3A_38 = arith.constant 0 : i32
    %sign3A_39 = arith.cmpi sgt, %jit3A_29, %sign3A_38 : i32
    %sign3A_40 = arith.extui %sign3A_39 : i1 to i32
    %sign3A_41 = arith.constant 0 : i32
    %sign3A_42 = arith.cmpi slt, %jit3A_29, %sign3A_41 : i32
    %sign3A_43 = arith.extui %sign3A_42 : i1 to i32
    %sign3A_44 = arith.subi %sign3A_40, %sign3A_43 : i32
    %ne3A_45 = arith.cmpi ne, %sign3A_37, %sign3A_44 : i32
    %rem3A_46 = arith.remsi %select_n3A_28, %jit3A_29 : i32
    %ne3A_47 = arith.constant 0 : i32
    %ne3A_48 = arith.cmpi ne, %rem3A_46, %ne3A_47 : i32
    %and3A_49 = arith.andi %ne3A_45, %ne3A_48 : i1
    %sub3A_50 = arith.constant 1 : i32
    %sub3A_51 = arith.subi %div3A_30, %sub3A_50 : i32
    %select_n3A_52 = arith.select %and3A_49, %sub3A_51, %div3A_30 : i32
    %c0_i32 = arith.constant 0 : i32
    %c0_i32_53 = arith.constant 0 : i32
    return %select_n3A, %c0_i32, %select_n3A_52 : i32, i32, i32
  }
  func.func @transform_2(%arg0: i32) -> (i32, i32, i32) {
    %jit3A = arith.constant 32 : i32
    %div3A = arith.divsi %arg0, %jit3A : i32
    %sign3A = arith.constant 0 : i32
    %sign3A_0 = arith.cmpi sgt, %arg0, %sign3A : i32
    %sign3A_1 = arith.extui %sign3A_0 : i1 to i32
    %sign3A_2 = arith.constant 0 : i32
    %sign3A_3 = arith.cmpi slt, %arg0, %sign3A_2 : i32
    %sign3A_4 = arith.extui %sign3A_3 : i1 to i32
    %sign3A_5 = arith.subi %sign3A_1, %sign3A_4 : i32
    %sign3A_6 = arith.constant 0 : i32
    %sign3A_7 = arith.cmpi sgt, %jit3A, %sign3A_6 : i32
    %sign3A_8 = arith.extui %sign3A_7 : i1 to i32
    %sign3A_9 = arith.constant 0 : i32
    %sign3A_10 = arith.cmpi slt, %jit3A, %sign3A_9 : i32
    %sign3A_11 = arith.extui %sign3A_10 : i1 to i32
    %sign3A_12 = arith.subi %sign3A_8, %sign3A_11 : i32
    %ne3A = arith.cmpi ne, %sign3A_5, %sign3A_12 : i32
    %rem3A = arith.remsi %arg0, %jit3A : i32
    %ne3A_13 = arith.constant 0 : i32
    %ne3A_14 = arith.cmpi ne, %rem3A, %ne3A_13 : i32
    %and3A = arith.andi %ne3A, %ne3A_14 : i1
    %sub3A = arith.constant 1 : i32
    %sub3A_15 = arith.subi %div3A, %sub3A : i32
    %select_n3A = arith.select %and3A, %sub3A_15, %div3A : i32
    %jit3A_16 = arith.constant 32 : i32
    %eq3A = arith.constant 0 : i32
    %eq3A_17 = arith.cmpi eq, %jit3A_16, %eq3A : i32
    %jit3A_18 = arith.constant 1 : i32
    %select_n3A_19 = arith.select %eq3A_17, %jit3A_18, %jit3A_16 : i32
    %rem3A_20 = arith.remsi %arg0, %select_n3A_19 : i32
    %ne3A_21 = arith.constant 0 : i32
    %ne3A_22 = arith.cmpi ne, %rem3A_20, %ne3A_21 : i32
    %lt3A = arith.constant 0 : i32
    %lt3A_23 = arith.cmpi slt, %rem3A_20, %lt3A : i32
    %lt3A_24 = arith.constant 0 : i32
    %lt3A_25 = arith.cmpi slt, %select_n3A_19, %lt3A_24 : i32
    %ne3A_26 = arith.xori %lt3A_23, %lt3A_25 : i1
    %and3A_27 = arith.andi %ne3A_26, %ne3A_22 : i1
    %add3A = arith.addi %rem3A_20, %select_n3A_19 : i32
    %select_n3A_28 = arith.select %and3A_27, %add3A, %rem3A_20 : i32
    %jit3A_29 = arith.constant 2 : i32
    %div3A_30 = arith.divsi %select_n3A_28, %jit3A_29 : i32
    %sign3A_31 = arith.constant 0 : i32
    %sign3A_32 = arith.cmpi sgt, %select_n3A_28, %sign3A_31 : i32
    %sign3A_33 = arith.extui %sign3A_32 : i1 to i32
    %sign3A_34 = arith.constant 0 : i32
    %sign3A_35 = arith.cmpi slt, %select_n3A_28, %sign3A_34 : i32
    %sign3A_36 = arith.extui %sign3A_35 : i1 to i32
    %sign3A_37 = arith.subi %sign3A_33, %sign3A_36 : i32
    %sign3A_38 = arith.constant 0 : i32
    %sign3A_39 = arith.cmpi sgt, %jit3A_29, %sign3A_38 : i32
    %sign3A_40 = arith.extui %sign3A_39 : i1 to i32
    %sign3A_41 = arith.constant 0 : i32
    %sign3A_42 = arith.cmpi slt, %jit3A_29, %sign3A_41 : i32
    %sign3A_43 = arith.extui %sign3A_42 : i1 to i32
    %sign3A_44 = arith.subi %sign3A_40, %sign3A_43 : i32
    %ne3A_45 = arith.cmpi ne, %sign3A_37, %sign3A_44 : i32
    %rem3A_46 = arith.remsi %select_n3A_28, %jit3A_29 : i32
    %ne3A_47 = arith.constant 0 : i32
    %ne3A_48 = arith.cmpi ne, %rem3A_46, %ne3A_47 : i32
    %and3A_49 = arith.andi %ne3A_45, %ne3A_48 : i1
    %sub3A_50 = arith.constant 1 : i32
    %sub3A_51 = arith.subi %div3A_30, %sub3A_50 : i32
    %select_n3A_52 = arith.select %and3A_49, %sub3A_51, %div3A_30 : i32
    %add3A_53 = arith.constant 16 : i32
    %add3A_54 = arith.addi %add3A_53, %select_n3A_52 : i32
    %c0_i32 = arith.constant 0 : i32
    %c0_i32_55 = arith.constant 0 : i32
    return %select_n3A, %c0_i32, %add3A_54 : i32, i32, i32
  }
  func.func @transform_3(%arg0: i32) -> (i32, i32, i32) {
    %jit3A = arith.constant 32 : i32
    %eq3A = arith.constant 0 : i32
    %eq3A_0 = arith.cmpi eq, %jit3A, %eq3A : i32
    %jit3A_1 = arith.constant 1 : i32
    %select_n3A = arith.select %eq3A_0, %jit3A_1, %jit3A : i32
    %rem3A = arith.remsi %arg0, %select_n3A : i32
    %ne3A = arith.constant 0 : i32
    %ne3A_2 = arith.cmpi ne, %rem3A, %ne3A : i32
    %lt3A = arith.constant 0 : i32
    %lt3A_3 = arith.cmpi slt, %rem3A, %lt3A : i32
    %lt3A_4 = arith.constant 0 : i32
    %lt3A_5 = arith.cmpi slt, %select_n3A, %lt3A_4 : i32
    %ne3A_6 = arith.xori %lt3A_3, %lt3A_5 : i1
    %and3A = arith.andi %ne3A_6, %ne3A_2 : i1
    %add3A = arith.addi %rem3A, %select_n3A : i32
    %select_n3A_7 = arith.select %and3A, %add3A, %rem3A : i32
    %c0_i32 = arith.constant 0 : i32
    %c0_i32_8 = arith.constant 0 : i32
    %c0_i32_9 = arith.constant 0 : i32
    return %select_n3A_7, %c0_i32, %c0_i32_8 : i32, i32, i32
  }
  func.func @transform_4(%arg0: i32) -> (i32, i32, i32) {
    %jit3A = arith.constant 32 : i32
    %eq3A = arith.constant 0 : i32
    %eq3A_0 = arith.cmpi eq, %jit3A, %eq3A : i32
    %jit3A_1 = arith.constant 1 : i32
    %select_n3A = arith.select %eq3A_0, %jit3A_1, %jit3A : i32
    %rem3A = arith.remsi %arg0, %select_n3A : i32
    %ne3A = arith.constant 0 : i32
    %ne3A_2 = arith.cmpi ne, %rem3A, %ne3A : i32
    %lt3A = arith.constant 0 : i32
    %lt3A_3 = arith.cmpi slt, %rem3A, %lt3A : i32
    %lt3A_4 = arith.constant 0 : i32
    %lt3A_5 = arith.cmpi slt, %select_n3A, %lt3A_4 : i32
    %ne3A_6 = arith.xori %lt3A_3, %lt3A_5 : i1
    %and3A = arith.andi %ne3A_6, %ne3A_2 : i1
    %add3A = arith.addi %rem3A, %select_n3A : i32
    %select_n3A_7 = arith.select %and3A, %add3A, %rem3A : i32
    %c0_i32 = arith.constant 0 : i32
    %c0_i32_8 = arith.constant 0 : i32
    %c0_i32_9 = arith.constant 0 : i32
    return %select_n3A_7, %c0_i32, %c0_i32_8 : i32, i32, i32
  }
  func.func @transform_5(%arg0: i32) -> (i32, i32, i32) {
    %jit3A = arith.constant 32 : i32
    %eq3A = arith.constant 0 : i32
    %eq3A_0 = arith.cmpi eq, %jit3A, %eq3A : i32
    %jit3A_1 = arith.constant 1 : i32
    %select_n3A = arith.select %eq3A_0, %jit3A_1, %jit3A : i32
    %rem3A = arith.remsi %arg0, %select_n3A : i32
    %ne3A = arith.constant 0 : i32
    %ne3A_2 = arith.cmpi ne, %rem3A, %ne3A : i32
    %lt3A = arith.constant 0 : i32
    %lt3A_3 = arith.cmpi slt, %rem3A, %lt3A : i32
    %lt3A_4 = arith.constant 0 : i32
    %lt3A_5 = arith.cmpi slt, %select_n3A, %lt3A_4 : i32
    %ne3A_6 = arith.xori %lt3A_3, %lt3A_5 : i1
    %and3A = arith.andi %ne3A_6, %ne3A_2 : i1
    %add3A = arith.addi %rem3A, %select_n3A : i32
    %select_n3A_7 = arith.select %and3A, %add3A, %rem3A : i32
    %c0_i32 = arith.constant 0 : i32
    %c0_i32_8 = arith.constant 0 : i32
    %c0_i32_9 = arith.constant 0 : i32
    return %select_n3A_7, %c0_i32, %c0_i32_8 : i32, i32, i32
  }
  func.func @transform_6(%arg0: i32) -> (i32, i32, i32) {
    %jit3A = arith.constant 32 : i32
    %eq3A = arith.constant 0 : i32
    %eq3A_0 = arith.cmpi eq, %jit3A, %eq3A : i32
    %jit3A_1 = arith.constant 1 : i32
    %select_n3A = arith.select %eq3A_0, %jit3A_1, %jit3A : i32
    %rem3A = arith.remsi %arg0, %select_n3A : i32
    %ne3A = arith.constant 0 : i32
    %ne3A_2 = arith.cmpi ne, %rem3A, %ne3A : i32
    %lt3A = arith.constant 0 : i32
    %lt3A_3 = arith.cmpi slt, %rem3A, %lt3A : i32
    %lt3A_4 = arith.constant 0 : i32
    %lt3A_5 = arith.cmpi slt, %select_n3A, %lt3A_4 : i32
    %ne3A_6 = arith.xori %lt3A_3, %lt3A_5 : i1
    %and3A = arith.andi %ne3A_6, %ne3A_2 : i1
    %add3A = arith.addi %rem3A, %select_n3A : i32
    %select_n3A_7 = arith.select %and3A, %add3A, %rem3A : i32
    %c0_i32 = arith.constant 0 : i32
    %c0_i32_8 = arith.constant 0 : i32
    %c0_i32_9 = arith.constant 0 : i32
    return %select_n3A_7, %c0_i32, %c0_i32_8 : i32, i32, i32
  }
  func.func @transform_7(%arg0: i32) -> (i32, i32) {
    %c0_i32 = arith.constant 0 : i32
    %c0_i32_0 = arith.constant 0 : i32
    return %arg0, %c0_i32 : i32, i32
  }
  func.func @transform_8(%arg0: i32) -> (i32, i32, i32) {
    %c0_i32 = arith.constant 0 : i32
    %c0_i32_0 = arith.constant 0 : i32
    %c0_i32_1 = arith.constant 0 : i32
    return %arg0, %c0_i32, %c0_i32_0 : i32, i32, i32
  }
}

module attributes {stable_mosaic.version = 14 : i64} {
  func.func @_rank_body(%arg0: i32, %arg1: memref<1x1x2048xf32, #tpu.memory_space<vmem>>, %arg2: memref<1x2048x1xf32, #tpu.memory_space<vmem>>, %arg3: memref<2048xi32, #tpu.memory_space<vmem>>) attributes {dimension_semantics = [#tpu.dimension_semantics<arbitrary>], iteration_bounds = array<i64: 64>, scalar_prefetch = 0 : i64, scratch_operands = 0 : i64, tpu.core_type = #tpu.core_type<tc>, window_params = [{transform_indices = @transform_0, window_bounds = array<i64: 1, 1, 2048>}, {transform_indices = @transform_1, window_bounds = array<i64: 1, 2048, 1>}, {transform_indices = @transform_2, window_bounds = array<i64: 2048>}]} {
    %get3A = arith.constant 0 : index
    %get3A_0 = arith.constant 0 : index
    %get3A_1 = arith.constant 0 : index
    %get3A_2 = vector.load %arg1[%get3A, %get3A_0, %get3A_1] : memref<1x1x2048xf32, #tpu.memory_space<vmem>>, vector<1x1x2048xf32>
    %get3A_3 = vector.shape_cast %get3A_2 : vector<1x1x2048xf32> to vector<1x2048xf32>
    %bitcast_convert_type3A = tpu.bitcast %get3A_3 : vector<1x2048xf32> -> vector<1x2048xi32>
    %shift_right_arithmetic3A = arith.constant 31 : i32
    %shift_right_arithmetic3A_4 = vector.broadcast %shift_right_arithmetic3A : i32 to vector<1x2048xi32>
    %shift_right_arithmetic3A_5 = arith.shrsi %bitcast_convert_type3A, %shift_right_arithmetic3A_4 : vector<1x2048xi32>
    %and3A = arith.constant 2147483647 : i32
    %and3A_6 = vector.broadcast %and3A : i32 to vector<1x2048xi32>
    %and3A_7 = arith.andi %shift_right_arithmetic3A_5, %and3A_6 : vector<1x2048xi32>
    %xor3A = arith.xori %bitcast_convert_type3A, %and3A_7 : vector<1x2048xi32>
    %get3A_8 = arith.constant 0 : index
    %get3A_9 = arith.constant 0 : index
    %get3A_10 = arith.constant 0 : index
    %get3A_11 = vector.load %arg2[%get3A_8, %get3A_9, %get3A_10] : memref<1x2048x1xf32, #tpu.memory_space<vmem>>, vector<1x2048x1xf32>
    %get3A_12 = vector.shape_cast %get3A_11 : vector<1x2048x1xf32> to vector<2048x1xf32>
    %bitcast_convert_type3A_13 = tpu.bitcast %get3A_12 : vector<2048x1xf32> -> vector<2048x1xi32>
    %shift_right_arithmetic3A_14 = arith.constant 31 : i32
    %shift_right_arithmetic3A_15 = vector.broadcast %shift_right_arithmetic3A_14 : i32 to vector<2048x1xi32>
    %shift_right_arithmetic3A_16 = arith.shrsi %bitcast_convert_type3A_13, %shift_right_arithmetic3A_15 : vector<2048x1xi32>
    %and3A_17 = arith.constant 2147483647 : i32
    %and3A_18 = vector.broadcast %and3A_17 : i32 to vector<2048x1xi32>
    %and3A_19 = arith.andi %shift_right_arithmetic3A_16, %and3A_18 : vector<2048x1xi32>
    %xor3A_20 = arith.xori %bitcast_convert_type3A_13, %and3A_19 : vector<2048x1xi32>
    %iota3A = tpu.iota {dimensions = array<i32: 1>} : vector<1x2048xi32>
    %broadcast_in_dim3A = arith.constant 0.000000e+00 : f32
    %broadcast_in_dim3A_21 = vector.broadcast %broadcast_in_dim3A : f32 to vector<1x2048xf32>
    %broadcast_in_dim3A_22 = arith.constant 1.000000e+00 : f32
    %broadcast_in_dim3A_23 = vector.broadcast %broadcast_in_dim3A_22 : f32 to vector<1x512xf32>
    %slice3A = vector.extract_strided_slice %xor3A_20 {offsets = [0, 0], sizes = [512, 1], strides = [1, 1]} : vector<2048x1xi32> to vector<512x1xi32>
    %iota3A_24 = tpu.iota {dimensions = array<i32: 0>} : vector<512x1xi32>
    %add3A = arith.constant 0 : i32
    %add3A_25 = vector.broadcast %add3A : i32 to vector<512x1xi32>
    %add3A_26 = arith.addi %iota3A_24, %add3A_25 : vector<512x1xi32>
    %lt3A = vector.broadcast %slice3A : vector<512x1xi32> to vector<512x2048xi32>
    %lt3A_27 = vector.broadcast %xor3A : vector<1x2048xi32> to vector<512x2048xi32>
    %lt3A_28 = arith.cmpi slt, %lt3A, %lt3A_27 : vector<512x2048xi32>
    %eq3A = vector.broadcast %slice3A : vector<512x1xi32> to vector<512x2048xi32>
    %eq3A_29 = vector.broadcast %xor3A : vector<1x2048xi32> to vector<512x2048xi32>
    %eq3A_30 = arith.cmpi eq, %eq3A, %eq3A_29 : vector<512x2048xi32>
    %lt3A_31 = vector.broadcast %add3A_26 : vector<512x1xi32> to vector<512x2048xi32>
    %lt3A_32 = vector.broadcast %iota3A : vector<1x2048xi32> to vector<512x2048xi32>
    %lt3A_33 = arith.cmpi slt, %lt3A_31, %lt3A_32 : vector<512x2048xi32>
    %and3A_34 = arith.andi %eq3A_30, %lt3A_33 : vector<512x2048xi1>
    %or3A = arith.ori %lt3A_28, %and3A_34 : vector<512x2048xi1>
    %jit3A = arith.constant 1.000000e+00 : f32
    %jit3A_35 = arith.constant 0.000000e+00 : f32
    %broadcast_in_dim3A_36 = vector.broadcast %jit3A : f32 to vector<512x2048xf32>
    %broadcast_in_dim3A_37 = vector.broadcast %jit3A_35 : f32 to vector<512x2048xf32>
    %select_n3A = arith.select %or3A, %broadcast_in_dim3A_36, %broadcast_in_dim3A_37 : vector<512x2048xi1>, vector<512x2048xf32>
    %dot_general3A = arith.constant dense<0.000000e+00> : vector<1x2048xf32>
    %dot_general3A_38 = tpu.matmul %broadcast_in_dim3A_23, %select_n3A, %dot_general3A {dimension_numbers = #tpu.dot_dimension_numbers<[1], [0], [0], [1], [0, 0, 1, 1], [], []>, transpose_lhs_hint = false} : vector<1x512xf32>, vector<512x2048xf32>, vector<1x2048xf32> -> vector<1x2048xf32>
    %add3A_39 = arith.addf %broadcast_in_dim3A_21, %dot_general3A_38 : vector<1x2048xf32>
    %slice3A_40 = vector.extract_strided_slice %xor3A_20 {offsets = [512, 0], sizes = [512, 1], strides = [1, 1]} : vector<2048x1xi32> to vector<512x1xi32>
    %iota3A_41 = tpu.iota {dimensions = array<i32: 0>} : vector<512x1xi32>
    %add3A_42 = arith.constant 512 : i32
    %add3A_43 = vector.broadcast %add3A_42 : i32 to vector<512x1xi32>
    %add3A_44 = arith.addi %iota3A_41, %add3A_43 : vector<512x1xi32>
    %lt3A_45 = vector.broadcast %slice3A_40 : vector<512x1xi32> to vector<512x2048xi32>
    %lt3A_46 = vector.broadcast %xor3A : vector<1x2048xi32> to vector<512x2048xi32>
    %lt3A_47 = arith.cmpi slt, %lt3A_45, %lt3A_46 : vector<512x2048xi32>
    %eq3A_48 = vector.broadcast %slice3A_40 : vector<512x1xi32> to vector<512x2048xi32>
    %eq3A_49 = vector.broadcast %xor3A : vector<1x2048xi32> to vector<512x2048xi32>
    %eq3A_50 = arith.cmpi eq, %eq3A_48, %eq3A_49 : vector<512x2048xi32>
    %lt3A_51 = vector.broadcast %add3A_44 : vector<512x1xi32> to vector<512x2048xi32>
    %lt3A_52 = vector.broadcast %iota3A : vector<1x2048xi32> to vector<512x2048xi32>
    %lt3A_53 = arith.cmpi slt, %lt3A_51, %lt3A_52 : vector<512x2048xi32>
    %and3A_54 = arith.andi %eq3A_50, %lt3A_53 : vector<512x2048xi1>
    %or3A_55 = arith.ori %lt3A_47, %and3A_54 : vector<512x2048xi1>
    %jit3A_56 = arith.constant 1.000000e+00 : f32
    %jit3A_57 = arith.constant 0.000000e+00 : f32
    %broadcast_in_dim3A_58 = vector.broadcast %jit3A_56 : f32 to vector<512x2048xf32>
    %broadcast_in_dim3A_59 = vector.broadcast %jit3A_57 : f32 to vector<512x2048xf32>
    %select_n3A_60 = arith.select %or3A_55, %broadcast_in_dim3A_58, %broadcast_in_dim3A_59 : vector<512x2048xi1>, vector<512x2048xf32>
    %dot_general3A_61 = arith.constant dense<0.000000e+00> : vector<1x2048xf32>
    %dot_general3A_62 = tpu.matmul %broadcast_in_dim3A_23, %select_n3A_60, %dot_general3A_61 {dimension_numbers = #tpu.dot_dimension_numbers<[1], [0], [0], [1], [0, 0, 1, 1], [], []>, transpose_lhs_hint = false} : vector<1x512xf32>, vector<512x2048xf32>, vector<1x2048xf32> -> vector<1x2048xf32>
    %add3A_63 = arith.addf %add3A_39, %dot_general3A_62 : vector<1x2048xf32>
    %slice3A_64 = vector.extract_strided_slice %xor3A_20 {offsets = [1024, 0], sizes = [512, 1], strides = [1, 1]} : vector<2048x1xi32> to vector<512x1xi32>
    %iota3A_65 = tpu.iota {dimensions = array<i32: 0>} : vector<512x1xi32>
    %add3A_66 = arith.constant 1024 : i32
    %add3A_67 = vector.broadcast %add3A_66 : i32 to vector<512x1xi32>
    %add3A_68 = arith.addi %iota3A_65, %add3A_67 : vector<512x1xi32>
    %lt3A_69 = vector.broadcast %slice3A_64 : vector<512x1xi32> to vector<512x2048xi32>
    %lt3A_70 = vector.broadcast %xor3A : vector<1x2048xi32> to vector<512x2048xi32>
    %lt3A_71 = arith.cmpi slt, %lt3A_69, %lt3A_70 : vector<512x2048xi32>
    %eq3A_72 = vector.broadcast %slice3A_64 : vector<512x1xi32> to vector<512x2048xi32>
    %eq3A_73 = vector.broadcast %xor3A : vector<1x2048xi32> to vector<512x2048xi32>
    %eq3A_74 = arith.cmpi eq, %eq3A_72, %eq3A_73 : vector<512x2048xi32>
    %lt3A_75 = vector.broadcast %add3A_68 : vector<512x1xi32> to vector<512x2048xi32>
    %lt3A_76 = vector.broadcast %iota3A : vector<1x2048xi32> to vector<512x2048xi32>
    %lt3A_77 = arith.cmpi slt, %lt3A_75, %lt3A_76 : vector<512x2048xi32>
    %and3A_78 = arith.andi %eq3A_74, %lt3A_77 : vector<512x2048xi1>
    %or3A_79 = arith.ori %lt3A_71, %and3A_78 : vector<512x2048xi1>
    %jit3A_80 = arith.constant 1.000000e+00 : f32
    %jit3A_81 = arith.constant 0.000000e+00 : f32
    %broadcast_in_dim3A_82 = vector.broadcast %jit3A_80 : f32 to vector<512x2048xf32>
    %broadcast_in_dim3A_83 = vector.broadcast %jit3A_81 : f32 to vector<512x2048xf32>
    %select_n3A_84 = arith.select %or3A_79, %broadcast_in_dim3A_82, %broadcast_in_dim3A_83 : vector<512x2048xi1>, vector<512x2048xf32>
    %dot_general3A_85 = arith.constant dense<0.000000e+00> : vector<1x2048xf32>
    %dot_general3A_86 = tpu.matmul %broadcast_in_dim3A_23, %select_n3A_84, %dot_general3A_85 {dimension_numbers = #tpu.dot_dimension_numbers<[1], [0], [0], [1], [0, 0, 1, 1], [], []>, transpose_lhs_hint = false} : vector<1x512xf32>, vector<512x2048xf32>, vector<1x2048xf32> -> vector<1x2048xf32>
    %add3A_87 = arith.addf %add3A_63, %dot_general3A_86 : vector<1x2048xf32>
    %slice3A_88 = vector.extract_strided_slice %xor3A_20 {offsets = [1536, 0], sizes = [512, 1], strides = [1, 1]} : vector<2048x1xi32> to vector<512x1xi32>
    %iota3A_89 = tpu.iota {dimensions = array<i32: 0>} : vector<512x1xi32>
    %add3A_90 = arith.constant 1536 : i32
    %add3A_91 = vector.broadcast %add3A_90 : i32 to vector<512x1xi32>
    %add3A_92 = arith.addi %iota3A_89, %add3A_91 : vector<512x1xi32>
    %lt3A_93 = vector.broadcast %slice3A_88 : vector<512x1xi32> to vector<512x2048xi32>
    %lt3A_94 = vector.broadcast %xor3A : vector<1x2048xi32> to vector<512x2048xi32>
    %lt3A_95 = arith.cmpi slt, %lt3A_93, %lt3A_94 : vector<512x2048xi32>
    %eq3A_96 = vector.broadcast %slice3A_88 : vector<512x1xi32> to vector<512x2048xi32>
    %eq3A_97 = vector.broadcast %xor3A : vector<1x2048xi32> to vector<512x2048xi32>
    %eq3A_98 = arith.cmpi eq, %eq3A_96, %eq3A_97 : vector<512x2048xi32>
    %lt3A_99 = vector.broadcast %add3A_92 : vector<512x1xi32> to vector<512x2048xi32>
    %lt3A_100 = vector.broadcast %iota3A : vector<1x2048xi32> to vector<512x2048xi32>
    %lt3A_101 = arith.cmpi slt, %lt3A_99, %lt3A_100 : vector<512x2048xi32>
    %and3A_102 = arith.andi %eq3A_98, %lt3A_101 : vector<512x2048xi1>
    %or3A_103 = arith.ori %lt3A_95, %and3A_102 : vector<512x2048xi1>
    %jit3A_104 = arith.constant 1.000000e+00 : f32
    %jit3A_105 = arith.constant 0.000000e+00 : f32
    %broadcast_in_dim3A_106 = vector.broadcast %jit3A_104 : f32 to vector<512x2048xf32>
    %broadcast_in_dim3A_107 = vector.broadcast %jit3A_105 : f32 to vector<512x2048xf32>
    %select_n3A_108 = arith.select %or3A_103, %broadcast_in_dim3A_106, %broadcast_in_dim3A_107 : vector<512x2048xi1>, vector<512x2048xf32>
    %dot_general3A_109 = arith.constant dense<0.000000e+00> : vector<1x2048xf32>
    %dot_general3A_110 = tpu.matmul %broadcast_in_dim3A_23, %select_n3A_108, %dot_general3A_109 {dimension_numbers = #tpu.dot_dimension_numbers<[1], [0], [0], [1], [0, 0, 1, 1], [], []>, transpose_lhs_hint = false} : vector<1x512xf32>, vector<512x2048xf32>, vector<1x2048xf32> -> vector<1x2048xf32>
    %add3A_111 = arith.addf %add3A_87, %dot_general3A_110 : vector<1x2048xf32>
    %mul3A = arith.constant 2048 : i32
    %mul3A_112 = arith.muli %arg0, %mul3A : i32
    %convert_element_type3A = arith.sitofp %mul3A_112 : i32 to f32
    %mul3A_113 = arith.constant 1.000000e+00 : f32
    %mul3A_114 = arith.mulf %mul3A_113, %convert_element_type3A : f32
    %add3A_115 = vector.broadcast %mul3A_114 : f32 to vector<1x2048xf32>
    %add3A_116 = arith.addf %add3A_111, %add3A_115 : vector<1x2048xf32>
    %convert_element_type3A_117 = arith.fptosi %add3A_116 : vector<1x2048xf32> to vector<1x2048xi32>
    %reshape3A = vector.shape_cast %convert_element_type3A_117 : vector<1x2048xi32> to vector<2048xi32>
    %swap3A = arith.constant 0 : index
    %swap3A_118 = vector.load %arg3[%swap3A] : memref<2048xi32, #tpu.memory_space<vmem>>, vector<2048xi32>
    tpu.vector_store %arg3[%swap3A], %reshape3A {strides = array<i32>} : memref<2048xi32, #tpu.memory_space<vmem>>, vector<2048xi32>,
    return
  }
  func.func @transform_0(%arg0: i32) -> (i32, i32, i32) {
    %c0_i32 = arith.constant 0 : i32
    %c0_i32_0 = arith.constant 0 : i32
    %c0_i32_1 = arith.constant 0 : i32
    return %arg0, %c0_i32, %c0_i32_0 : i32, i32, i32
  }
  func.func @transform_1(%arg0: i32) -> (i32, i32, i32) {
    %c0_i32 = arith.constant 0 : i32
    %c0_i32_0 = arith.constant 0 : i32
    %c0_i32_1 = arith.constant 0 : i32
    return %arg0, %c0_i32, %c0_i32_0 : i32, i32, i32
  }
  func.func @transform_2(%arg0: i32) -> i32 {
    %c0_i32 = arith.constant 0 : i32
    return %arg0 : i32
  }
}

module attributes {stable_mosaic.version = 14 : i64} {
  func.func @_conv_body(%arg0: i32, %arg1: memref<2048x128xf32, #tpu.memory_space<vmem>>, %arg2: memref<1x3x128x128xf32, #tpu.memory_space<vmem>>, %arg3: memref<1x1x128xf32, #tpu.memory_space<vmem>>, %arg4: memref<2048x128xf32, #tpu.memory_space<vmem>>) attributes {dimension_semantics = [#tpu.dimension_semantics<arbitrary>], iteration_bounds = array<i64: 64>, scalar_prefetch = 0 : i64, scratch_operands = 0 : i64, tpu.core_type = #tpu.core_type<tc>, window_params = [{transform_indices = @transform_0, window_bounds = array<i64: 2048, 128>}, {transform_indices = @transform_1, window_bounds = array<i64: 1, 3, 128, 128>}, {transform_indices = @transform_2, window_bounds = array<i64: 1, 1, 128>}, {transform_indices = @transform_3, window_bounds = array<i64: 2048, 128>}]} {
    %get3A = arith.constant 0 : index
    %get3A_0 = arith.constant 0 : index
    %get3A_1 = vector.load %arg1[%get3A, %get3A_0] : memref<2048x128xf32, #tpu.memory_space<vmem>>, vector<2048x128xf32>
    %roll3A = arith.constant 1 : i32
    %roll3A_2 = tpu.dynamic_rotate %get3A_1 by %roll3A dim 0 : vector<2048x128xf32>, i32 -> vector<2048x128xf32>
    %roll3A_3 = arith.constant 2047 : i32
    %roll3A_4 = tpu.dynamic_rotate %get3A_1 by %roll3A_3 dim 0 : vector<2048x128xf32>, i32 -> vector<2048x128xf32>
    %get3A_5 = arith.constant 0 : index
    %get3A_6 = arith.constant 0 : index
    %get3A_7 = arith.constant 0 : index
    %get3A_8 = arith.constant 0 : index
    %get3A_9 = vector.load %arg2[%get3A_5, %get3A_6, %get3A_7, %get3A_8] : memref<1x3x128x128xf32, #tpu.memory_space<vmem>>, vector<1x3x128x128xf32>
    %get3A_10 = vector.shape_cast %get3A_9 : vector<1x3x128x128xf32> to vector<3x128x128xf32>
    %slice3A = vector.extract_strided_slice %get3A_10 {offsets = [0, 0, 0], sizes = [1, 128, 128], strides = [1, 1, 1]} : vector<3x128x128xf32> to vector<1x128x128xf32>
    %squeeze3A = vector.shape_cast %slice3A : vector<1x128x128xf32> to vector<128x128xf32>
    %dot_general3A = arith.constant dense<0.000000e+00> : vector<2048x128xf32>
    %dot_general3A_11 = tpu.matmul %roll3A_2, %squeeze3A, %dot_general3A {dimension_numbers = #tpu.dot_dimension_numbers<[1], [0], [0], [1], [0, 0, 1, 1], [], []>, transpose_lhs_hint = false} : vector<2048x128xf32>, vector<128x128xf32>, vector<2048x128xf32> -> vector<2048x128xf32>
    %slice3A_12 = vector.extract_strided_slice %get3A_10 {offsets = [1, 0, 0], sizes = [1, 128, 128], strides = [1, 1, 1]} : vector<3x128x128xf32> to vector<1x128x128xf32>
    %squeeze3A_13 = vector.shape_cast %slice3A_12 : vector<1x128x128xf32> to vector<128x128xf32>
    %dot_general3A_14 = arith.constant dense<0.000000e+00> : vector<2048x128xf32>
    %dot_general3A_15 = tpu.matmul %get3A_1, %squeeze3A_13, %dot_general3A_14 {dimension_numbers = #tpu.dot_dimension_numbers<[1], [0], [0], [1], [0, 0, 1, 1], [], []>, transpose_lhs_hint = false} : vector<2048x128xf32>, vector<128x128xf32>, vector<2048x128xf32> -> vector<2048x128xf32>
    %add3A = arith.addf %dot_general3A_11, %dot_general3A_15 : vector<2048x128xf32>
    %slice3A_16 = vector.extract_strided_slice %get3A_10 {offsets = [2, 0, 0], sizes = [1, 128, 128], strides = [1, 1, 1]} : vector<3x128x128xf32> to vector<1x128x128xf32>
    %squeeze3A_17 = vector.shape_cast %slice3A_16 : vector<1x128x128xf32> to vector<128x128xf32>
    %dot_general3A_18 = arith.constant dense<0.000000e+00> : vector<2048x128xf32>
    %dot_general3A_19 = tpu.matmul %roll3A_4, %squeeze3A_17, %dot_general3A_18 {dimension_numbers = #tpu.dot_dimension_numbers<[1], [0], [0], [1], [0, 0, 1, 1], [], []>, transpose_lhs_hint = false} : vector<2048x128xf32>, vector<128x128xf32>, vector<2048x128xf32> -> vector<2048x128xf32>
    %add3A_20 = arith.addf %add3A, %dot_general3A_19 : vector<2048x128xf32>
    %get3A_21 = arith.constant 0 : index
    %get3A_22 = arith.constant 0 : index
    %get3A_23 = arith.constant 0 : index
    %get3A_24 = vector.load %arg3[%get3A_21, %get3A_22, %get3A_23] : memref<1x1x128xf32, #tpu.memory_space<vmem>>, vector<1x1x128xf32>
    %get3A_25 = vector.shape_cast %get3A_24 : vector<1x1x128xf32> to vector<1x128xf32>
    %add3A_26 = vector.broadcast %get3A_25 : vector<1x128xf32> to vector<2048x128xf32>
    %add3A_27 = arith.addf %add3A_20, %add3A_26 : vector<2048x128xf32>
    %swap3A = arith.constant 0 : index
    %swap3A_28 = arith.constant 0 : index
    %swap3A_29 = vector.load %arg4[%swap3A, %swap3A_28] : memref<2048x128xf32, #tpu.memory_space<vmem>>, vector<2048x128xf32>
    tpu.vector_store %arg4[%swap3A, %swap3A_28], %add3A_27 {strides = array<i32>} : memref<2048x128xf32, #tpu.memory_space<vmem>>, vector<2048x128xf32>,
    return
  }
  func.func @transform_0(%arg0: i32) -> (i32, i32) {
    %c0_i32 = arith.constant 0 : i32
    %c0_i32_0 = arith.constant 0 : i32
    return %arg0, %c0_i32 : i32, i32
  }
  func.func @transform_1(%arg0: i32) -> (i32, i32, i32, i32) {
    %jit3A = arith.constant 32 : i32
    %eq3A = arith.constant 0 : i32
    %eq3A_0 = arith.cmpi eq, %jit3A, %eq3A : i32
    %jit3A_1 = arith.constant 1 : i32
    %select_n3A = arith.select %eq3A_0, %jit3A_1, %jit3A : i32
    %rem3A = arith.remsi %arg0, %select_n3A : i32
    %ne3A = arith.constant 0 : i32
    %ne3A_2 = arith.cmpi ne, %rem3A, %ne3A : i32
    %lt3A = arith.constant 0 : i32
    %lt3A_3 = arith.cmpi slt, %rem3A, %lt3A : i32
    %lt3A_4 = arith.constant 0 : i32
    %lt3A_5 = arith.cmpi slt, %select_n3A, %lt3A_4 : i32
    %ne3A_6 = arith.xori %lt3A_3, %lt3A_5 : i1
    %and3A = arith.andi %ne3A_6, %ne3A_2 : i1
    %add3A = arith.addi %rem3A, %select_n3A : i32
    %select_n3A_7 = arith.select %and3A, %add3A, %rem3A : i32
    %c0_i32 = arith.constant 0 : i32
    %c0_i32_8 = arith.constant 0 : i32
    %c0_i32_9 = arith.constant 0 : i32
    %c0_i32_10 = arith.constant 0 : i32
    return %select_n3A_7, %c0_i32, %c0_i32_8, %c0_i32_9 : i32, i32, i32, i32
  }
  func.func @transform_2(%arg0: i32) -> (i32, i32, i32) {
    %jit3A = arith.constant 32 : i32
    %eq3A = arith.constant 0 : i32
    %eq3A_0 = arith.cmpi eq, %jit3A, %eq3A : i32
    %jit3A_1 = arith.constant 1 : i32
    %select_n3A = arith.select %eq3A_0, %jit3A_1, %jit3A : i32
    %rem3A = arith.remsi %arg0, %select_n3A : i32
    %ne3A = arith.constant 0 : i32
    %ne3A_2 = arith.cmpi ne, %rem3A, %ne3A : i32
    %lt3A = arith.constant 0 : i32
    %lt3A_3 = arith.cmpi slt, %rem3A, %lt3A : i32
    %lt3A_4 = arith.constant 0 : i32
    %lt3A_5 = arith.cmpi slt, %select_n3A, %lt3A_4 : i32
    %ne3A_6 = arith.xori %lt3A_3, %lt3A_5 : i1
    %and3A = arith.andi %ne3A_6, %ne3A_2 : i1
    %add3A = arith.addi %rem3A, %select_n3A : i32
    %select_n3A_7 = arith.select %and3A, %add3A, %rem3A : i32
    %c0_i32 = arith.constant 0 : i32
    %c0_i32_8 = arith.constant 0 : i32
    %c0_i32_9 = arith.constant 0 : i32
    return %select_n3A_7, %c0_i32, %c0_i32_8 : i32, i32, i32
  }
  func.func @transform_3(%arg0: i32) -> (i32, i32) {
    %c0_i32 = arith.constant 0 : i32
    %c0_i32_0 = arith.constant 0 : i32
    return %arg0, %c0_i32 : i32, i32
  }
}

</mosaic_0001>

<sc_bundles>
// kernel: kernel.10.cloned.1.call-start
scs
__scs_entry_jumppad:
0x0: {  	(pc) =	sbr.rel $0x88, $3  }
0x1: {  	(tag) =	ssettag $0x0;
	lr =	simm.s32 $0x1  }
0x2: {  	[smem:$0x3F9C] =	sst lr;
	_ =	strace $0xD0000000  }
0x3: {  	_ = 	snop  }
0x4: {  	_ = 	snop  }
0x5: {  	_ = 	snop  }
0x6: {  	_ = 	snop  }
0x7: {  	_ = 	snop  }
__scs_overlays_trampoline_lowered:
0x8: {  	[smem:$0x3FAB] =	sst s0  }
0x9: {  	[smem:$0x3FAC] =	sst s1  }
0xa: {  	[smem:$0x3FAD] =	sst s2  }
0xb: {  	[smem:$0x3FAE] =	sst s3  }
0xc: {  	[smem:$0x3FAF] =	sst s4  }
0xd: {  	[smem:$0x3FB0] =	sst s5  }
0xe: {  	[smem:$0x3FB1] =	sst s6  }
0xf: {  	[smem:$0x3FB2] =	sst s7  }
0x10: {  	[smem:$0x3FB3] =	sst s8  }
0x11: {  	[smem:$0x3FB4] =	sst s9;
	s0 =	simm.s32 @!p0 $0x0  }
0x12: {  	s1 =	sld [smem:$0x3F9A];
	s0 =	simm.s32 @p0 $0x1  }
0x13: {  	[smem:$0x3FB5] =	sst s0;
	s0 =	simm.s32 @!p1 $0x0  }
0x14: {  	s2 =	sld [smem:$0x3F99];
	s0 =	simm.s32 @p1 $0x1  }
0x15: {  	[smem:$0x3FB6] =	sst s0;
	s0 =	simm.s32 @!p2 $0x0  }
0x16: {  	s3 =	sld [smem:$0x3FDB];
	s0 =	simm.s32 @p2 $0x1  }
0x17: {  	s4 =	simm.s32 $0x1BF5;
	[smem:$0x3FB8] =	sst s0  }
0x18: {  	s0 =	sld [smem:$0x3F9B];
	_ =	swait.ge [sflag:s4], $0x0  }
0x19: {  	s7 =	sld [smem:$0x3F9C]  }
0x1a: {  	s8 =	sadd.s32 $0xFFFFE003, lr  }
0x1b: {  	s9 =	sadd.s32 $0xFFFFFEF7, lr;
	s5 =	simm.s32 $0xFFFFFFFF;
	p2 =	slt.u32 s8, $0xFFFFF086  }
0x1c: {  	p1 =	slt.u32 s9, $0xF7A;
	s5 =	simm.s32 @!p2 $0x0  }
0x1d: {  	s5 =	simm.s32 @p1 $0x1;
	p0 =	seq.s32 s7, s2  }
0x1e: {  	s7 =	smul.u32 @!p0 $0xF7A, s2;
	p2 =	seq.s32 @!p0 s5, $0x0  }
0x1f: {  	s9 =	smul.u32 $0xF7A, s1;
	s8 =	simm.s32 @!p0 $0x1BF5;
	p2 =	por !p2, p0  }
0x20: {  	[sflag:s8] =	ssyncset.s32 @!p0 $0xFFFFF086;
	s6 =	sadd.s32 @!p0 s3, s7;
	s7 =	simm.s32 @!p0 $0x108  }
0x21: {  	s3 =	sadd.s32 s3, s9;
	s6 =	sadd.s32 @!p0 $0x88, s6;
	s7 =	simm.s32 @p2 $0x1082  }
0x22: {  	[simem:s7], [sflag:s8] =	dma.local @!p0 [hbm:s6], $0xF7A  }
0x23: {  	s9 =	sor.u32 $0xD0000000, s2;
	s6 =	simm.s32 $0x108;
	_ =	swait.ge @!p0 [sflag:s8], $0x0  }
0x24: {  	s3 =	sadd.s32 $0x88, s3;
	s6 =	simm.s32 @!p1 $0x1082;
	[sflag:s4] =	ssyncset.s32 $0xFFFFF086  }
0x25: {  	[simem:s6], [sflag:s4] =	dma.local [hbm:s3], $0xF7A  }
0x26: {  	[smem:$0x3F9C] =	sst s1;
	(tag) =	ssettag s2;
	_ =	strace s9  }
0x27: {  	s1 =	sld [smem:$0x3FAC]  }
0x28: {  	s2 =	sld [smem:$0x3FAD]  }
0x29: {  	s4 =	sld [smem:$0x3FAF]  }
0x2a: {  	p0 =	seq.s32 s5, $0x0;
	s5 =	sld [smem:$0x3FB0]  }
0x2b: {  	s6 =	sld [smem:$0x3FB1]  }
0x2c: {  	s7 =	sld [smem:$0x3FB2]  }
0x2d: {  	s3 =	simm.s32 $0x108;
	s8 =	sld [smem:$0x3FB3]  }
0x2e: {  	s3 =	simm.s32 @!p0 $0x1082;
	s9 =	sld [smem:$0x3FB4]  }
0x2f: {  	lr =	sadd.s32 s0, s3;
	s0 =	sld [smem:$0x3FAB]  }
0x30: {  	s3 =	sld [smem:$0x3FAE]  }
0x31: {  	[smem:$0x3FB7] =	sst s10  }
0x32: {  	s10 =	sld [smem:$0x3FB5];
	_ =	sdelay $0x3  }
0x33: {  	p0 =	seq.s32 s10, $0x1;
	s10 =	sld [smem:$0x3FB7];
	_ =	sdelay $0x3  }
0x34: {  	[smem:$0x3FB7] =	sst s10  }
0x35: {  	s10 =	sld [smem:$0x3FB6];
	_ =	sdelay $0x3  }
0x36: {  	p1 =	seq.s32 s10, $0x1;
	s10 =	sld [smem:$0x3FB7];
	_ =	sdelay $0x3  }
0x37: {  	[smem:$0x3FB7] =	sst s10  }
0x38: {  	s10 =	sld [smem:$0x3FB8]  }
0x39: {  	_ = 	snop;
	(pc) =	sbr.ind lr, $3  }
0x3a: {  	_ = 	snop  }
0x3b: {  	_ = 	snop  }
0x3c: {  	p2 =	seq.s32 s10, $0x1;
	s10 =	sld [smem:$0x3FB7]  }
0x3d: {  	_ =	shalt  }
0x3e: {  	_ =	shalt  }
0x3f: {  	_ =	shalt  }
0x40: {  	_ =	shalt  }
0x41: {  	_ =	shalt  }
0x42: {  	_ =	shalt  }
0x43: {  	_ =	shalt  }
0x44: {  	_ =	shalt  }
0x45: {  	_ =	shalt  }
0x46: {  	_ =	shalt  }
0x47: {  	_ =	shalt  }
0x48: {  	_ =	shalt  }
0x49: {  	_ =	shalt  }
0x4a: {  	_ =	shalt  }
0x4b: {  	_ =	shalt  }
0x4c: {  	_ =	shalt  }
0x4d: {  	_ =	shalt  }
0x4e: {  	_ =	shalt  }
0x4f: {  	_ =	shalt  }
0x50: {  	_ =	shalt  }
0x51: {  	_ =	shalt  }
0x52: {  	_ =	shalt  }
0x53: {  	_ =	shalt  }
0x54: {  	_ =	shalt  }
0x55: {  	_ =	shalt  }
0x56: {  	_ =	shalt  }
0x57: {  	_ =	shalt  }
0x58: {  	_ =	shalt  }
0x59: {  	_ =	shalt  }
0x5a: {  	_ =	shalt  }
0x5b: {  	_ =	shalt  }
0x5c: {  	_ =	shalt  }
0x5d: {  	_ =	shalt  }
0x5e: {  	_ =	shalt  }
0x5f: {  	_ =	shalt  }
0x60: {  	_ =	shalt  }
0x61: {  	_ =	shalt  }
0x62: {  	_ =	shalt  }
0x63: {  	_ =	shalt  }
0x64: {  	_ =	shalt  }
0x65: {  	_ =	shalt  }
0x66: {  	_ =	shalt  }
0x67: {  	_ =	shalt  }
0x68: {  	_ =	shalt  }
0x69: {  	_ =	shalt  }
0x6a: {  	_ =	shalt  }
0x6b: {  	_ =	shalt  }
0x6c: {  	_ =	shalt  }
0x6d: {  	_ =	shalt  }
0x6e: {  	_ =	shalt  }
0x6f: {  	_ =	shalt  }
0x70: {  	_ =	shalt  }
0x71: {  	_ =	shalt  }
0x72: {  	_ =	shalt  }
0x73: {  	_ =	shalt  }
0x74: {  	_ =	shalt  }
0x75: {  	_ =	shalt  }
0x76: {  	_ =	shalt  }
0x77: {  	_ =	shalt  }
0x78: {  	_ =	shalt  }
0x79: {  	_ =	shalt  }
0x7a: {  	_ =	shalt  }
0x7b: {  	_ =	shalt  }
0x7c: {  	_ =	shalt  }
0x7d: {  	_ =	shalt  }
0x7e: {  	_ =	shalt  }
0x7f: {  	_ =	shalt  }
0x80: {  	_ =	shalt  }
0x81: {  	_ =	shalt  }
0x82: {  	_ =	shalt  }
0x83: {  	_ =	shalt  }
0x84: {  	_ =	shalt  }
0x85: {  	_ =	shalt  }
0x86: {  	_ =	shalt  }
0x87: {  	_ =	shalt  }
.Lfunc_end0:
.L_simem_size_0:
called_computation.1_lowered:
.L_overlay_start_0:
0x88: {  	s2 =	sld [smem:$0x3FD9]  }
0x89: {  	s3 =	sld [smem:$0x3FFE];
	_ =	sdelay $0x1  }
0x8a: {  	s1 =	srdreg.scid  }
0x8b: {  	s0 =	sand.u32 $0x1, s1  }
0x8c: {  	s17 =	sshll.u32 s0, $0xA;
	s2 =	sadd.s32 s3, s2  }
0x8d: {  	s2 =	sadd.s32 s2, s17  }
0x8e: {  	[smem:$0x3FC3] =	sst s2  }
0x8f: {  	_ = 	snop  }
0x90: {  	s2 =	sld [smem:$0x3FD0];
	(tm) =	ssettm $0x1  }
0x91: {  	s18 =	sld [smem:$0x3FFB];
	_ =	sdelay $0x3  }
0x92: {  	_ =	strace s18  }
0x93: {  	s3 =	sld [smem:$0x3FFC];
	_ =	sdelay $0x3  }
0x94: {  	_ =	strace s3  }
0x95: {  	s3 =	sld [smem:$0x3FFD];
	_ =	sdelay $0x3  }
0x96: {  	_ =	strace s3  }
0x97: {  	_ =	strace $0x8FFFFFFF  }
0x98: {  	s19 =	sld [smem:$0x3FDB];
	_ =	sdelay $0x1  }
0x99: {  	s4 =	simm.s32 $_scs_section_size  }
0x9a: {  	s5 =	simm.s32 $_size__tile_overlayer_lowered;
	s6 =	simm.s32 $_tile_overlayer_lowered  }
0x9b: {  	s22 =	simm.s32 $0x1BFF;
	s21 =	sshll.u32 s6, $0x1;
	s3 =	sadd.s32 s4, s19  }
0x9c: {  	s7 =	simm.s32 $0x0;
	s20 =	sshll.u32 s5, $0x1;
	s5 =	sadd.s32 s21, s3  }
0x9d: {  	[timem:s7], [sflag:s22] =	dma.local [hbm:s5], s20  }
0x9e: {  	_ =	swait.ge [sflag:s22], s20  }
0x9f: {  	s4 =	ssub.s32 $0x0, s20;
	[sflag:s22] =	ssyncset.done $0x0  }
0xa0: {  	[sflag:s22] =	ssyncadd.s32 s4;
	_ =	sdelay $0x1  }
0xa1: {  	s23 =	simm.s32 $0x1B8B  }
0xa2: {  	_ =	swait.ge [sflag:s23], $0x1  }
0xa3: {  	[sflag:s23] =	ssyncset.done $0x0  }
0xa4: {  	s25 =	simm.s32 $0x1B8E;
	s24 =	sld [smem:$0x3FFE];
	[sflag:s23] =	ssyncadd.s32 $0xFFFFFFFF  }
0xa5: {  	s26 =	simm.s32 $execute0_lowered;
	[smem:$0x3FD2] =	sst s25  }
0xa6: {  	s5 =	sshll.u32 s26, $0x1;
	_ =	strace $0x80000049;
	[dreg:$0x1] =	wrdreg $0xFFFFFFFF  }
0xa7: {  	s28 =	simm.s32 $_size_execute0_lowered;
	s3 =	sadd.s32 s3, s5;
	[dreg:$0x0] =	wrdreg $0x0  }
0xa8: {  	s5 =	sshll.u32 s28, $0x1;
	[dreg:$0x2] =	wrdreg s3  }
0xa9: {  	[dreg:$0x3] =	wrdreg s5  }
0xaa: {  	[dreg:$0x4] =	wrdreg $0xC0  }
0xab: {  	_ =	task [dreg:s7], $0x5FFFF  }
0xac: {  	[dreg:$0x1] =	wrdreg $0xFFFFFFFF  }
0xad: {  	[dreg:$0x0] =	wrdreg $0x60  }
0xae: {  	[dreg:$0x2] =	wrdreg s2  }
0xaf: {  	[dreg:$0x3] =	wrdreg s24  }
0xb0: {  	[dreg:$0x4] =	wrdreg $0x9  }
0xb1: {  	_ =	task.clear_ibuf [dreg:s7], $0x5FFFF;
	_ =	strace $0x90000049  }
0xb2: {  	s29 =	simm.s32 $0x9;
	_ =	strace $0x8000004B  }
0xb3: {  	_ =	swait.ge [sflag:s29], $0x1  }
0xb4: {  	[sflag:s29] =	ssyncadd.s32 $0xFFFFFFFF  }
0xb5: {  	_ =	strace $0x9000004B  }
0xb6: {  	_ =	sfence  }
0xb7: {  	s30 =	sld [smem:$0x0];
	_ =	sdelay $0x2  }
0xb8: {  	s31 =	sshll.u32 s1, $0xD;
	s1 =	sshrl.u32 s1, $0x2  }
0xb9: {  	s3 =	sand.u32 $0x4000, s31;
	s1 =	sadd.s32 s1, s30  }
0xba: {  	s0 =	sor.u32 s3, s0;
	s1 =	sshll.u32 s1, $0x11  }
0xbb: {  	s0 =	sor.u32 s1, s0  }
0xbc: {  	s0 =	sadd.s32 $0x8F2B, s0  }
0xbd: {  	[sflag:s0] =	ssyncadd.remote.s32 $0x1  }
0xbe: {  	_ =	sfence.sel $0xFFFF  }
0xbf: {  	[dreg:$0x0] =	wrdreg $0xFFFFFFFF;
	(pc) =	sbr.abs _section_cstart, $3  }
0xc0: {  	[dreg:$0x1] =	wrdreg $0xFFFFFFFF  }
0xc1: {  	_ =	task.clear_ibuf [dreg:s7], $0x2FFFF;
	_ =	strace $0x9FFFFFFF  }
0xc2: {  	(tm) =	ssettm $0x7FFFFFFF  }
0xc3: {  	_ =	shalt  }
tec
execute0_lowered:
.L_overlay_start_1:
0x0: {  	(tag) =	ssettag $0x1  }
0x1: {  	s2 =	rddreg [dreg:$0x0];
	s1 =	srdreg.scid  }
0x2: {  	s0 =	stileid.u32;
	s7 =	rddreg [dreg:$0x1]  }
0x3: {  	s3 =	simm.s32 $0x0;
	p0 =	por $0x0, $0x0;
	s8 =	sand.u32 $0x1, s1  }
0x4: {  	s16 =	sshll.u32 s0, $0x1;
	[smem:$0x7FF] =	sst s3;
	s1 =	sadd.s32 $0x1000, s7  }
0x5: {  	s31 =	sshll.u32 s0, $0x14;
	s12 =	sadd.s32 $0x25000, s7;
	s5 =	sor.u32 s8, s16  }
0x6: {  	s11 =	sadd.s32 $0x45000, s7;
	_ =	strace $0x8000004A;
	s4 =	sshll.u32 s5, $0x9  }
0x7: {  	s15 =	ssub.s32 $0x2, s8;
	s8 =	sadd.s32 $0xA5000, s7;
	s30 =	sadd.s32 s1, s4  }
0x8: {  	s6 =	sshll.u32 s5, $0x8;
	s16 =	sshrl.u32 s15, $0x1;
	s9 =	sadd.s32 $0x20, s30  }
0x9: {  	s6 =	sor.u32 s31, s6;
	s17 =	sadd.s32 $0x40, s30;
	[dreg:$0x3] =	wrdreg s9  }
0xa: {  	s15 =	ssub.s32 s15, s16;
	s19 =	sadd.s32 $0x60, s30;
	[dreg:$0x4] =	wrdreg s17  }
0xb: {  	s6 =	sand.u32 $0x800F00, s6;
	s10 =	sadd.s32 $0x80, s30;
	[dreg:$0x6] =	wrdreg s19  }
0xc: {  	s14 =	sadd.s32 $0xA0, s30;
	s23 =	sadd.s32 $0xC0, s30;
	[dreg:$0x8] =	wrdreg s10  }
0xd: {  	s25 =	sadd.s32 $0xE0, s30;
	s13 =	sshrl.u32 s6, $0x3;
	[dreg:$0xa] =	wrdreg s14  }
0xe: {  	s9 =	sadd.s32 $0x65000, s7;
	s6 =	sadd.s32 $0x5000, s7;
	[dreg:$0xc] =	wrdreg s23  }
0xf: {  	s10 =	sadd.s32 $0x85000, s7;
	[dreg:$0xe] =	wrdreg s25;
	s18 =	sadd.s32 s13, s12  }
0x10: {  	s17 =	sshll.u32 s5, $0x4;
	s20 =	sadd.s32 s13, s11;
	[dreg:$0x5] =	wrdreg s18  }
0x11: {  	s7 =	sadd.s32 $0xC5000, s7;
	s21 =	sadd.s32 s13, s9;
	[dreg:$0x7] =	wrdreg s20  }
0x12: {  	s5 =	sshllo.u32 s5, $0x4;
	s22 =	sadd.s32 s13, s10;
	[dreg:$0x9] =	wrdreg s21  }
0x13: {  	s24 =	sadd.s32 s13, s8;
	s19 =	sor.u32 $0x8, s17;
	[dreg:$0xb] =	wrdreg s22  }
0x14: {  	s26 =	sadd.s32 s13, s7;
	s4 =	sadd.s32 s6, s13;
	[dreg:$0xd] =	wrdreg s24  }
0x15: {  	s18 =	sand.u32 $0x800000, s31;
	s20 =	sshll.u32 s19, $0x5;
	[dreg:$0xf] =	wrdreg s26  }
0x16: {  	s22 =	sshll.u32 s0, $0x9;
	s23 =	sshll.u32 s19, $0x4;
	s24 =	sor.u32 $0x9, s17  }
0x17: {  	s25 =	sadd.s32 $0xE0000, s4;
	s0 =	sor.u32 $0xA, s17;
	s21 =	sadd.s32 s1, s20  }
0x18: {  	s13 =	sand.u32 $0xC00, s22;
	s14 =	sand.u32 $0x380, s23;
	[dreg:$0x11] =	wrdreg s25  }
0x19: {  	s19 =	sshll.u32 s0, $0x5;
	[dreg:$0x10] =	wrdreg s21;
	s21 =	sshll.u32 s24, $0x5  }
0x1a: {  	s13 =	sor.u32 s14, s13;
	s29 =	sadd.s32 s1, s19;
	s14 =	sshll.u32 s0, $0x4  }
0x1b: {  	s0 =	sor.u32 $0xC, s17;
	s26 =	sadd.s32 s1, s21;
	s13 =	sor.u32 s18, s13  }
0x1c: {  	s18 =	sshll.u32 s24, $0x4;
	s21 =	sor.u32 $0xB, s17;
	s14 =	sor.u32 s31, s14  }
0x1d: {  	[dreg:$0x12] =	wrdreg s26;
	s13 =	sshrl.u32 s13, $0x3;
	s16 =	sor.u32 s31, s18  }
0x1e: {  	s23 =	sshll.u32 s21, $0x5;
	s24 =	sand.u32 $0x800F80, s14;
	s14 =	sshll.u32 s0, $0x5  }
0x1f: {  	s18 =	sshll.u32 s21, $0x4;
	s21 =	sor.u32 $0xD, s17;
	s13 =	sadd.s32 s6, s13  }
0x20: {  	s20 =	sand.u32 $0x800F80, s16;
	s28 =	sadd.s32 s1, s23;
	s25 =	sshrl.u32 s24, $0x3  }
0x21: {  	s19 =	sor.u32 s31, s18;
	s24 =	sshll.u32 s21, $0x5;
	[dreg:$0x13] =	wrdreg s13  }
0x22: {  	s13 =	sshrl.u32 s20, $0x3;
	s22 =	sadd.s32 s25, s11;
	s25 =	sadd.s32 s1, s14  }
0x23: {  	s20 =	sshll.u32 s0, $0x4;
	s11 =	sand.u32 $0x800F80, s19;
	s24 =	sadd.s32 s1, s24  }
0x24: {  	s14 =	sshll.u32 s21, $0x4;
	s21 =	smax.u32 s15, $0x1;
	s15 =	simm.s32 $0x10000  }
0x25: {  	s26 =	sadd.s32 s13, s12;
	s12 =	sor.u32 s31, s20;
	s11 =	sshrl.u32 s11, $0x3  }
0x26: {  	p1 =	sne.s32 s21, $0x1;
	s13 =	simm.s32 $0x8000;
	s12 =	sand.u32 $0x800F80, s12  }
0x27: {  	s23 =	sadd.s32 s11, s9;
	s11 =	sor.u32 s31, s14;
	s0 =	sshrl.u32 s12, $0x3  }
0x28: {  	s14 =	simm.s32 $0x4;
	s11 =	sand.u32 $0x800F80, s11;
	s9 =	sadd.s32 s0, s10  }
0x29: {  	s10 =	sor.u32 $0xE, s17;
	s17 =	sshll.u32 s5, $0x4;
	s11 =	sshrl.u32 s11, $0x3  }
0x2a: {  	s5 =	sshll.u32 s5, $0x5;
	[dreg:$0x15] =	wrdreg s9;
	s16 =	sshll.u32 s10, $0x5  }
0x2b: {  	s9 =	sshll.u32 s10, $0x4;
	s12 =	sand.u32 $0xF80, s17;
	s11 =	sadd.s32 s11, s8  }
0x2c: {  	s17 =	sadd.s32 s1, s5;
	s5 =	simm.s32 $0x10100;
	s16 =	sadd.s32 s1, s16  }
0x2d: {  	s18 =	sor.u32 s31, s9;
	s19 =	sor.u32 s31, s12;
	s12 =	sadd.s32 $0xFFFFFFFF, s21  }
.Ltmp0:
0x2e: {  	s9 =	simm.s32 $0x1000;
	s21 =	simm.s32 $0x5;
	(pc) =	sbr.rel @!p1 .LBB2_3-.Ltmp0, $4  }
0x2f: {  	s31 =	simm.s32 $0x6;
	s8 =	sand.u32 $0x800F80, s18;
	s0 =	sshrl.u32 s19, $0x3  }
0x30: {  	s18 =	simm.s32 $0x3;
	s20 =	sshrl.u32 s8, $0x3;
	s0 =	sor.u32 $0xE0000, s0  }
0x31: {  	s19 =	simm.s32 $0x2;
	s10 =	sadd.s32 s20, s7;
	s8 =	sadd.s32 s6, s0  }
0x32: {  	s20 =	simm.s32 $0x1;
	s7 =	simm.s32 $0x100;
	s6 =	simm.s32 $0x80  }
0x33: {  	[tilespmem:s15], [sflag:$0x1] =	stream.linear.gather [hbm4b:s30+s3], $0x100, $0x38;
	[tilespmem:$0x10200] =	vst v63  }
0x34: {  	s0 =	rddreg [dreg:$0x3]  }
0x35: {  	[tilespmem:s5], [sflag:$0x2] =	stream.linear.gather [hbm4b:s0+s3], $0x100, $0x38;
	[tilespmem:$0x10200] =	vst v63  }
0x36: {  	_ =	swait.ge [sflag:s20], $0x100  }
0x37: {  	[sflag:s20] =	ssyncset.done $0x0  }
0x38: {  	[sflag:s20] =	ssyncadd.s32 $0xFFFFFF00  }
0x39: {  	[tilespmem:s3], [sflag:$0x3] =	stream.indirect.gather [hbm4b:s2+s7], $0x80, s15, s7, $0xb8;
	[tilespmem:$0x10200] =	vst v63  }
0x3a: {  	_ =	swait.ge [sflag:s18], $0x8000  }
0x3b: {  	[sflag:s18] =	ssyncset.done $0x0  }
0x3c: {  	[sflag:s18] =	ssyncadd.s32 $0xFFFF8000  }
0x3d: {  	[hbm4b:s4+s6] =	stream.strided.scatter [tilespmem:s3], [sflag:$0x5], $0x8000, s9, s6, $0x38;
	[tilespmem:$0x10200] =	vst v63  }
0x3e: {  	s1 =	rddreg [dreg:$0x4]  }
0x3f: {  	[tilespmem:s15], [sflag:$0x1] =	stream.linear.gather [hbm4b:s1+s3], $0x100, $0x38;
	[tilespmem:$0x10200] =	vst v63  }
0x40: {  	_ =	swait.ge [sflag:s21], $0x8000  }
0x41: {  	[sflag:s21] =	ssyncset.done $0x0  }
0x42: {  	[sflag:s21] =	ssyncadd.s32 $0xFFFF8000  }
0x43: {  	_ =	swait.ge [sflag:s19], $0x100  }
0x44: {  	[sflag:s19] =	ssyncset.done $0x0  }
0x45: {  	[sflag:s19] =	ssyncadd.s32 $0xFFFFFF00  }
0x46: {  	[tilespmem:s13], [sflag:$0x4] =	stream.indirect.gather [hbm4b:s2+s7], $0x80, s5, s7, $0xb8;
	[tilespmem:$0x10200] =	vst v63  }
0x47: {  	_ =	swait.ge [sflag:s14], $0x8000  }
0x48: {  	[sflag:s14] =	ssyncset.done $0x0  }
0x49: {  	s0 =	rddreg [dreg:$0x5];
	[sflag:s14] =	ssyncadd.s32 $0xFFFF8000  }
0x4a: {  	[hbm4b:s0+s6] =	stream.strided.scatter [tilespmem:s13], [sflag:$0x6], $0x8000, s9, s6, $0x38;
	[tilespmem:$0x10200] =	vst v63  }
0x4b: {  	s1 =	rddreg [dreg:$0x6]  }
0x4c: {  	[tilespmem:s5], [sflag:$0x2] =	stream.linear.gather [hbm4b:s1+s3], $0x100, $0x38;
	[tilespmem:$0x10200] =	vst v63  }
0x4d: {  	_ =	swait.ge [sflag:s31], $0x8000  }
0x4e: {  	[sflag:s31] =	ssyncset.done $0x0  }
0x4f: {  	[sflag:s31] =	ssyncadd.s32 $0xFFFF8000  }
0x50: {  	_ =	swait.ge [sflag:s20], $0x100  }
0x51: {  	[sflag:s20] =	ssyncset.done $0x0  }
0x52: {  	[sflag:s20] =	ssyncadd.s32 $0xFFFFFF00  }
0x53: {  	[tilespmem:s3], [sflag:$0x3] =	stream.indirect.gather [hbm4b:s2+s7], $0x80, s15, s7, $0xb8;
	[tilespmem:$0x10200] =	vst v63  }
0x54: {  	_ =	swait.ge [sflag:s18], $0x8000  }
0x55: {  	[sflag:s18] =	ssyncset.done $0x0  }
0x56: {  	s0 =	rddreg [dreg:$0x7];
	[sflag:s18] =	ssyncadd.s32 $0xFFFF8000  }
0x57: {  	[hbm4b:s0+s6] =	stream.strided.scatter [tilespmem:s3], [sflag:$0x5], $0x8000, s9, s6, $0x38;
	[tilespmem:$0x10200] =	vst v63  }
0x58: {  	s1 =	rddreg [dreg:$0x8]  }
0x59: {  	[tilespmem:s15], [sflag:$0x1] =	stream.linear.gather [hbm4b:s1+s3], $0x100, $0x38;
	[tilespmem:$0x10200] =	vst v63  }
0x5a: {  	_ =	swait.ge [sflag:s21], $0x8000  }
0x5b: {  	[sflag:s21] =	ssyncset.done $0x0  }
0x5c: {  	[sflag:s21] =	ssyncadd.s32 $0xFFFF8000  }
0x5d: {  	_ =	swait.ge [sflag:s19], $0x100  }
0x5e: {  	[sflag:s19] =	ssyncset.done $0x0  }
0x5f: {  	[sflag:s19] =	ssyncadd.s32 $0xFFFFFF00  }
0x60: {  	[tilespmem:s13], [sflag:$0x4] =	stream.indirect.gather [hbm4b:s2+s7], $0x80, s5, s7, $0xb8;
	[tilespmem:$0x10200] =	vst v63  }
0x61: {  	_ =	swait.ge [sflag:s14], $0x8000  }
0x62: {  	[sflag:s14] =	ssyncset.done $0x0  }
0x63: {  	s0 =	rddreg [dreg:$0x9];
	[sflag:s14] =	ssyncadd.s32 $0xFFFF8000  }
0x64: {  	[hbm4b:s0+s6] =	stream.strided.scatter [tilespmem:s13], [sflag:$0x6], $0x8000, s9, s6, $0x38;
	[tilespmem:$0x10200] =	vst v63  }
0x65: {  	s1 =	rddreg [dreg:$0xa]  }
0x66: {  	[tilespmem:s5], [sflag:$0x2] =	stream.linear.gather [hbm4b:s1+s3], $0x100, $0x38;
	[tilespmem:$0x10200] =	vst v63  }
0x67: {  	_ =	swait.ge [sflag:s31], $0x8000  }
0x68: {  	[sflag:s31] =	ssyncset.done $0x0  }
0x69: {  	[sflag:s31] =	ssyncadd.s32 $0xFFFF8000  }
0x6a: {  	_ =	swait.ge [sflag:s20], $0x100  }
0x6b: {  	[sflag:s20] =	ssyncset.done $0x0  }
0x6c: {  	[sflag:s20] =	ssyncadd.s32 $0xFFFFFF00  }
0x6d: {  	[tilespmem:s3], [sflag:$0x3] =	stream.indirect.gather [hbm4b:s2+s7], $0x80, s15, s7, $0xb8;
	[tilespmem:$0x10200] =	vst v63  }
0x6e: {  	_ =	swait.ge [sflag:s18], $0x8000  }
0x6f: {  	[sflag:s18] =	ssyncset.done $0x0  }
0x70: {  	s0 =	rddreg [dreg:$0xb];
	[sflag:s18] =	ssyncadd.s32 $0xFFFF8000  }
0x71: {  	[hbm4b:s0+s6] =	stream.strided.scatter [tilespmem:s3], [sflag:$0x5], $0x8000, s9, s6, $0x38;
	[tilespmem:$0x10200] =	vst v63  }
0x72: {  	s1 =	rddreg [dreg:$0xc]  }
0x73: {  	[tilespmem:s15], [sflag:$0x1] =	stream.linear.gather [hbm4b:s1+s3], $0x100, $0x38;
	[tilespmem:$0x10200] =	vst v63  }
0x74: {  	_ =	swait.ge [sflag:s21], $0x8000  }
0x75: {  	[sflag:s21] =	ssyncset.done $0x0  }
0x76: {  	[sflag:s21] =	ssyncadd.s32 $0xFFFF8000  }
0x77: {  	_ =	swait.ge [sflag:s19], $0x100  }
0x78: {  	[sflag:s19] =	ssyncset.done $0x0  }
0x79: {  	[sflag:s19] =	ssyncadd.s32 $0xFFFFFF00  }
0x7a: {  	[tilespmem:s13], [sflag:$0x4] =	stream.indirect.gather [hbm4b:s2+s7], $0x80, s5, s7, $0xb8;
	[tilespmem:$0x10200] =	vst v63  }
0x7b: {  	_ =	swait.ge [sflag:s14], $0x8000  }
0x7c: {  	[sflag:s14] =	ssyncset.done $0x0  }
0x7d: {  	s0 =	rddreg [dreg:$0xd];
	[sflag:s14] =	ssyncadd.s32 $0xFFFF8000  }
0x7e: {  	[hbm4b:s0+s6] =	stream.strided.scatter [tilespmem:s13], [sflag:$0x6], $0x8000, s9, s6, $0x38;
	[tilespmem:$0x10200] =	vst v63  }
0x7f: {  	s1 =	rddreg [dreg:$0xe]  }
0x80: {  	[tilespmem:s5], [sflag:$0x2] =	stream.linear.gather [hbm4b:s1+s3], $0x100, $0x38;
	[tilespmem:$0x10200] =	vst v63  }
0x81: {  	_ =	swait.ge [sflag:s31], $0x8000  }
0x82: {  	[sflag:s31] =	ssyncset.done $0x0  }
0x83: {  	[sflag:s31] =	ssyncadd.s32 $0xFFFF8000  }
0x84: {  	_ =	swait.ge [sflag:s20], $0x100  }
0x85: {  	[sflag:s20] =	ssyncset.done $0x0  }
0x86: {  	[sflag:s20] =	ssyncadd.s32 $0xFFFFFF00  }
0x87: {  	[tilespmem:s3], [sflag:$0x3] =	stream.indirect.gather [hbm4b:s2+s7], $0x80, s15, s7, $0xb8;
	[tilespmem:$0x10200] =	vst v63  }
0x88: {  	_ =	swait.ge [sflag:s18], $0x8000  }
0x89: {  	[sflag:s18] =	ssyncset.done $0x0  }
0x8a: {  	s0 =	rddreg [dreg:$0xf];
	[sflag:s18] =	ssyncadd.s32 $0xFFFF8000  }
0x8b: {  	[hbm4b:s0+s6] =	stream.strided.scatter [tilespmem:s3], [sflag:$0x5], $0x8000, s9, s6, $0x38;
	[tilespmem:$0x10200] =	vst v63  }
0x8c: {  	s1 =	rddreg [dreg:$0x10]  }
0x8d: {  	[tilespmem:s15], [sflag:$0x1] =	stream.linear.gather [hbm4b:s1+s3], $0x100, $0x38;
	[tilespmem:$0x10200] =	vst v63  }
0x8e: {  	_ =	swait.ge [sflag:s21], $0x8000  }
0x8f: {  	[sflag:s21] =	ssyncset.done $0x0  }
0x90: {  	[sflag:s21] =	ssyncadd.s32 $0xFFFF8000  }
0x91: {  	_ =	swait.ge [sflag:s19], $0x100  }
0x92: {  	[sflag:s19] =	ssyncset.done $0x0  }
0x93: {  	[sflag:s19] =	ssyncadd.s32 $0xFFFFFF00  }
0x94: {  	[tilespmem:s13], [sflag:$0x4] =	stream.indirect.gather [hbm4b:s2+s7], $0x80, s5, s7, $0xb8;
	[tilespmem:$0x10200] =	vst v63  }
0x95: {  	_ =	swait.ge [sflag:s14], $0x8000  }
0x96: {  	[sflag:s14] =	ssyncset.done $0x0  }
0x97: {  	s0 =	rddreg [dreg:$0x11];
	[sflag:s14] =	ssyncadd.s32 $0xFFFF8000  }
0x98: {  	[hbm4b:s0+s6] =	stream.strided.scatter [tilespmem:s13], [sflag:$0x6], $0x8000, s9, s6, $0x38;
	[tilespmem:$0x10200] =	vst v63  }
0x99: {  	s1 =	rddreg [dreg:$0x12]  }
0x9a: {  	[tilespmem:s5], [sflag:$0x2] =	stream.linear.gather [hbm4b:s1+s3], $0x100, $0x38;
	[tilespmem:$0x10200] =	vst v63  }
0x9b: {  	_ =	swait.ge [sflag:s31], $0x8000  }
0x9c: {  	[sflag:s31] =	ssyncset.done $0x0  }
0x9d: {  	[sflag:s31] =	ssyncadd.s32 $0xFFFF8000  }
0x9e: {  	_ =	swait.ge [sflag:s20], $0x100  }
0x9f: {  	[sflag:s20] =	ssyncset.done $0x0  }
0xa0: {  	[sflag:s20] =	ssyncadd.s32 $0xFFFFFF00  }
0xa1: {  	[tilespmem:s3], [sflag:$0x3] =	stream.indirect.gather [hbm4b:s2+s7], $0x80, s15, s7, $0xb8;
	[tilespmem:$0x10200] =	vst v63  }
0xa2: {  	_ =	swait.ge [sflag:s18], $0x8000  }
0xa3: {  	[sflag:s18] =	ssyncset.done $0x0  }
0xa4: {  	s1 =	rddreg [dreg:$0x13];
	[sflag:s18] =	ssyncadd.s32 $0xFFFF8000  }
0xa5: {  	[hbm4b:s1+s6] =	stream.strided.scatter [tilespmem:s3], [sflag:$0x5], $0x8000, s9, s6, $0x38;
	[tilespmem:$0x10200] =	vst v63  }
0xa6: {  	_ = 	snop  }
0xa7: {  	[tilespmem:s15], [sflag:$0x1] =	stream.linear.gather [hbm4b:s29+s3], $0x100, $0x38;
	[tilespmem:$0x10200] =	vst v63  }
0xa8: {  	_ =	swait.ge [sflag:s21], $0x8000  }
0xa9: {  	[sflag:s21] =	ssyncset.done $0x0  }
0xaa: {  	[sflag:s21] =	ssyncadd.s32 $0xFFFF8000  }
0xab: {  	_ =	swait.ge [sflag:s19], $0x100  }
0xac: {  	[sflag:s19] =	ssyncset.done $0x0  }
0xad: {  	[sflag:s19] =	ssyncadd.s32 $0xFFFFFF00  }
0xae: {  	[tilespmem:s13], [sflag:$0x4] =	stream.indirect.gather [hbm4b:s2+s7], $0x80, s5, s7, $0xb8;
	[tilespmem:$0x10200] =	vst v63  }
0xaf: {  	_ =	swait.ge [sflag:s14], $0x8000  }
0xb0: {  	[sflag:s14] =	ssyncset.done $0x0  }
0xb1: {  	[sflag:s14] =	ssyncadd.s32 $0xFFFF8000  }
0xb2: {  	[hbm4b:s26+s6] =	stream.strided.scatter [tilespmem:s13], [sflag:$0x6], $0x8000, s9, s6, $0x38;
	[tilespmem:$0x10200] =	vst v63  }
0xb3: {  	_ = 	snop  }
0xb4: {  	[tilespmem:s5], [sflag:$0x2] =	stream.linear.gather [hbm4b:s28+s3], $0x100, $0x38;
	[tilespmem:$0x10200] =	vst v63  }
0xb5: {  	_ =	swait.ge [sflag:s31], $0x8000  }
0xb6: {  	[sflag:s31] =	ssyncset.done $0x0  }
0xb7: {  	[sflag:s31] =	ssyncadd.s32 $0xFFFF8000  }
0xb8: {  	_ =	swait.ge [sflag:s20], $0x100  }
0xb9: {  	[sflag:s20] =	ssyncset.done $0x0  }
0xba: {  	[sflag:s20] =	ssyncadd.s32 $0xFFFFFF00  }
0xbb: {  	[tilespmem:s3], [sflag:$0x3] =	stream.indirect.gather [hbm4b:s2+s7], $0x80, s15, s7, $0xb8;
	[tilespmem:$0x10200] =	vst v63  }
0xbc: {  	_ =	swait.ge [sflag:s18], $0x8000  }
0xbd: {  	[sflag:s18] =	ssyncset.done $0x0  }
0xbe: {  	[sflag:s18] =	ssyncadd.s32 $0xFFFF8000  }
0xbf: {  	[hbm4b:s22+s6] =	stream.strided.scatter [tilespmem:s3], [sflag:$0x5], $0x8000, s9, s6, $0x38;
	[tilespmem:$0x10200] =	vst v63  }
0xc0: {  	_ = 	snop  }
0xc1: {  	[tilespmem:s15], [sflag:$0x1] =	stream.linear.gather [hbm4b:s25+s3], $0x100, $0x38;
	[tilespmem:$0x10200] =	vst v63  }
0xc2: {  	_ =	swait.ge [sflag:s21], $0x8000  }
0xc3: {  	[sflag:s21] =	ssyncset.done $0x0  }
0xc4: {  	[sflag:s21] =	ssyncadd.s32 $0xFFFF8000  }
0xc5: {  	_ =	swait.ge [sflag:s19], $0x100  }
0xc6: {  	[sflag:s19] =	ssyncset.done $0x0  }
0xc7: {  	[sflag:s19] =	ssyncadd.s32 $0xFFFFFF00  }
0xc8: {  	[tilespmem:s13], [sflag:$0x4] =	stream.indirect.gather [hbm4b:s2+s7], $0x80, s5, s7, $0xb8;
	[tilespmem:$0x10200] =	vst v63  }
0xc9: {  	_ =	swait.ge [sflag:s14], $0x8000  }
0xca: {  	[sflag:s14] =	ssyncset.done $0x0  }
0xcb: {  	[sflag:s14] =	ssyncadd.s32 $0xFFFF8000  }
0xcc: {  	[hbm4b:s23+s6] =	stream.strided.scatter [tilespmem:s13], [sflag:$0x6], $0x8000, s9, s6, $0x38;
	[tilespmem:$0x10200] =	vst v63  }
0xcd: {  	_ = 	snop  }
0xce: {  	[tilespmem:s5], [sflag:$0x2] =	stream.linear.gather [hbm4b:s24+s3], $0x100, $0x38;
	[tilespmem:$0x10200] =	vst v63  }
0xcf: {  	_ =	swait.ge [sflag:s31], $0x8000  }
0xd0: {  	[sflag:s31] =	ssyncset.done $0x0  }
0xd1: {  	[sflag:s31] =	ssyncadd.s32 $0xFFFF8000  }
0xd2: {  	_ =	swait.ge [sflag:s20], $0x100  }
0xd3: {  	[sflag:s20] =	ssyncset.done $0x0  }
0xd4: {  	[sflag:s20] =	ssyncadd.s32 $0xFFFFFF00  }
0xd5: {  	[tilespmem:s3], [sflag:$0x3] =	stream.indirect.gather [hbm4b:s2+s7], $0x80, s15, s7, $0xb8;
	[tilespmem:$0x10200] =	vst v63  }
0xd6: {  	_ =	swait.ge [sflag:s18], $0x8000  }
0xd7: {  	[sflag:s18] =	ssyncset.done $0x0  }
0xd8: {  	s1 =	rddreg [dreg:$0x15];
	[sflag:s18] =	ssyncadd.s32 $0xFFFF8000  }
0xd9: {  	[hbm4b:s1+s6] =	stream.strided.scatter [tilespmem:s3], [sflag:$0x5], $0x8000, s9, s6, $0x38;
	[tilespmem:$0x10200] =	vst v63  }
0xda: {  	_ = 	snop  }
0xdb: {  	[tilespmem:s15], [sflag:$0x1] =	stream.linear.gather [hbm4b:s16+s3], $0x100, $0x38;
	[tilespmem:$0x10200] =	vst v63  }
0xdc: {  	_ =	swait.ge [sflag:s21], $0x8000  }
0xdd: {  	[sflag:s21] =	ssyncset.done $0x0  }
0xde: {  	[sflag:s21] =	ssyncadd.s32 $0xFFFF8000  }
0xdf: {  	_ =	swait.ge [sflag:s19], $0x100  }
0xe0: {  	[sflag:s19] =	ssyncset.done $0x0  }
0xe1: {  	[sflag:s19] =	ssyncadd.s32 $0xFFFFFF00  }
0xe2: {  	[tilespmem:s13], [sflag:$0x4] =	stream.indirect.gather [hbm4b:s2+s7], $0x80, s5, s7, $0xb8;
	[tilespmem:$0x10200] =	vst v63  }
0xe3: {  	_ =	swait.ge [sflag:s14], $0x8000  }
0xe4: {  	[sflag:s14] =	ssyncset.done $0x0  }
0xe5: {  	[sflag:s14] =	ssyncadd.s32 $0xFFFF8000  }
0xe6: {  	[hbm4b:s11+s6] =	stream.strided.scatter [tilespmem:s13], [sflag:$0x6], $0x8000, s9, s6, $0x38;
	[tilespmem:$0x10200] =	vst v63  }
0xe7: {  	_ = 	snop  }
0xe8: {  	[tilespmem:s5], [sflag:$0x2] =	stream.linear.gather [hbm4b:s17+s3], $0x100, $0x38;
	[tilespmem:$0x10200] =	vst v63  }
0xe9: {  	_ =	swait.ge [sflag:s31], $0x8000  }
0xea: {  	[sflag:s31] =	ssyncset.done $0x0  }
0xeb: {  	[sflag:s31] =	ssyncadd.s32 $0xFFFF8000  }
0xec: {  	_ =	swait.ge [sflag:s20], $0x100  }
0xed: {  	[sflag:s20] =	ssyncset.done $0x0  }
0xee: {  	[sflag:s20] =	ssyncadd.s32 $0xFFFFFF00  }
0xef: {  	[tilespmem:s3], [sflag:$0x3] =	stream.indirect.gather [hbm4b:s2+s7], $0x80, s15, s7, $0xb8;
	[tilespmem:$0x10200] =	vst v63  }
0xf0: {  	_ =	swait.ge [sflag:s18], $0x8000  }
0xf1: {  	[sflag:s18] =	ssyncset.done $0x0  }
0xf2: {  	[sflag:s18] =	ssyncadd.s32 $0xFFFF8000  }
0xf3: {  	[hbm4b:s10+s6] =	stream.strided.scatter [tilespmem:s3], [sflag:$0x5], $0x8000, s9, s6, $0x38;
	[tilespmem:$0x10200] =	vst v63  }
0xf4: {  	_ =	swait.ge [sflag:s21], $0x8000  }
0xf5: {  	[sflag:s21] =	ssyncset.done $0x0  }
0xf6: {  	[sflag:s21] =	ssyncadd.s32 $0xFFFF8000  }
0xf7: {  	_ =	swait.ge [sflag:s19], $0x100  }
0xf8: {  	[sflag:s19] =	ssyncset.done $0x0  }
0xf9: {  	[sflag:s19] =	ssyncadd.s32 $0xFFFFFF00  }
0xfa: {  	[tilespmem:s13], [sflag:$0x4] =	stream.indirect.gather [hbm4b:s2+s7], $0x80, s5, s7, $0xb8;
	[tilespmem:$0x10200] =	vst v63  }
0xfb: {  	p1 =	sne.s32 s12, $0x1;
	_ =	swait.ge [sflag:s14], $0x8000  }
.Ltmp1:
0xfc: {  	[sflag:s14] =	ssyncset.done $0x0;
	(pc) =	sbr.rel @!p1 .LBB2_3-.Ltmp1, $4  }
0xfd: {  	[sflag:s14] =	ssyncadd.s32 $0xFFFF8000  }
0xfe: {  	[hbm4b:s8+s6] =	stream.strided.scatter [tilespmem:s13], [sflag:$0x6], $0x8000, s9, s6, $0x38;
	[tilespmem:$0x10200] =	vst v63  }
0xff: {  	p0 =	por $0x1, $0x1;
	_ =	swait.ge [sflag:s31], $0x8000  }
0x100: {  	s1 =	sadd.s32 $0xFFFFFFFF, s12;
	[dreg:$0x14] =	wrdreg s4;
	[sflag:s31] =	ssyncset.done $0x0  }
.LBB2_2:
0x101: {  	[sflag:s31] =	ssyncadd.s32 $0xFFFF8000  }
0x102: {  	[tilespmem:s15], [sflag:$0x1] =	stream.linear.gather [hbm4b:s30+s3], $0x100, $0x38;
	[tilespmem:$0x10200] =	vst v63  }
0x103: {  	s0 =	rddreg [dreg:$0x3]  }
0x104: {  	[tilespmem:s5], [sflag:$0x2] =	stream.linear.gather [hbm4b:s0+s3], $0x100, $0x38;
	[tilespmem:$0x10200] =	vst v63  }
0x105: {  	_ =	swait.ge [sflag:s20], $0x100  }
0x106: {  	[sflag:s20] =	ssyncset.done $0x0  }
0x107: {  	[sflag:s20] =	ssyncadd.s32 $0xFFFFFF00  }
0x108: {  	[tilespmem:s3], [sflag:$0x3] =	stream.indirect.gather [hbm4b:s2+s7], $0x80, s15, s7, $0xb8;
	[tilespmem:$0x10200] =	vst v63  }
0x109: {  	_ =	swait.ge [sflag:s18], $0x8000  }
0x10a: {  	[sflag:s18] =	ssyncset.done $0x0  }
0x10b: {  	[sflag:s18] =	ssyncadd.s32 $0xFFFF8000  }
0x10c: {  	[hbm4b:s4+s6] =	stream.strided.scatter [tilespmem:s3], [sflag:$0x5], $0x8000, s9, s6, $0x38;
	[tilespmem:$0x10200] =	vst v63  }
0x10d: {  	s12 =	rddreg [dreg:$0x4]  }
0x10e: {  	[tilespmem:s15], [sflag:$0x1] =	stream.linear.gather [hbm4b:s12+s3], $0x100, $0x38;
	[tilespmem:$0x10200] =	vst v63  }
0x10f: {  	_ =	swait.ge [sflag:s21], $0x8000  }
0x110: {  	[sflag:s21] =	ssyncset.done $0x0  }
0x111: {  	[sflag:s21] =	ssyncadd.s32 $0xFFFF8000  }
0x112: {  	_ =	swait.ge [sflag:s19], $0x100  }
0x113: {  	[sflag:s19] =	ssyncset.done $0x0  }
0x114: {  	[sflag:s19] =	ssyncadd.s32 $0xFFFFFF00  }
0x115: {  	[tilespmem:s13], [sflag:$0x4] =	stream.indirect.gather [hbm4b:s2+s7], $0x80, s5, s7, $0xb8;
	[tilespmem:$0x10200] =	vst v63  }
0x116: {  	s6 =	simm.s32 $0x10100;
	s15 =	simm.s32 $0x8000;
	s13 =	simm.s32 $0x1000  }
0x117: {  	s7 =	simm.s32 $0x80;
	s5 =	smov.u32 s30;
	s30 =	smov.u32 s29  }
0x118: {  	s29 =	smov.u32 s28;
	s28 =	smov.u32 s26;
	_ =	swait.ge [sflag:s14], $0x8000  }
0x119: {  	s26 =	smov.u32 s25;
	s25 =	smov.u32 s24;
	[sflag:s14] =	ssyncset.done $0x0  }
0x11a: {  	s24 =	smov.u32 s23;
	s4 =	rddreg [dreg:$0x5];
	[sflag:s14] =	ssyncadd.s32 $0xFFFF8000  }
0x11b: {  	[hbm4b:s4+s7] =	stream.strided.scatter [tilespmem:s15], [sflag:$0x6], $0x8000, s13, s7, $0x38;
	[tilespmem:$0x10200] =	vst v63  }
0x11c: {  	s23 =	smov.u32 s22;
	s22 =	smov.u32 s17;
	s17 =	rddreg [dreg:$0x6]  }
0x11d: {  	[tilespmem:s6], [sflag:$0x2] =	stream.linear.gather [hbm4b:s17+s3], $0x100, $0x38;
	[tilespmem:$0x10200] =	vst v63  }
0x11e: {  	_ =	swait.ge [sflag:s31], $0x8000  }
0x11f: {  	[sflag:s31] =	ssyncset.done $0x0  }
0x120: {  	[sflag:s31] =	ssyncadd.s32 $0xFFFF8000  }
0x121: {  	_ =	swait.ge [sflag:s20], $0x100  }
0x122: {  	[sflag:s20] =	ssyncset.done $0x0  }
0x123: {  	s9 =	simm.s32 $0x100;
	s12 =	simm.s32 $0x10000;
	[sflag:s20] =	ssyncadd.s32 $0xFFFFFF00  }
0x124: {  	[tilespmem:s3], [sflag:$0x3] =	stream.indirect.gather [hbm4b:s2+s9], $0x80, s12, s9, $0xb8;
	[tilespmem:$0x10200] =	vst v63  }
0x125: {  	_ =	swait.ge [sflag:s18], $0x8000  }
0x126: {  	[sflag:s18] =	ssyncset.done $0x0  }
0x127: {  	s4 =	rddreg [dreg:$0x7];
	[sflag:s18] =	ssyncadd.s32 $0xFFFF8000  }
0x128: {  	[hbm4b:s4+s7] =	stream.strided.scatter [tilespmem:s3], [sflag:$0x5], $0x8000, s13, s7, $0x38;
	[tilespmem:$0x10200] =	vst v63  }
0x129: {  	s17 =	rddreg [dreg:$0x8]  }
0x12a: {  	[tilespmem:s12], [sflag:$0x1] =	stream.linear.gather [hbm4b:s17+s3], $0x100, $0x38;
	[tilespmem:$0x10200] =	vst v63  }
0x12b: {  	_ =	swait.ge [sflag:s21], $0x8000  }
0x12c: {  	[sflag:s21] =	ssyncset.done $0x0  }
0x12d: {  	[sflag:s21] =	ssyncadd.s32 $0xFFFF8000  }
0x12e: {  	_ =	swait.ge [sflag:s19], $0x100  }
0x12f: {  	[sflag:s19] =	ssyncset.done $0x0  }
0x130: {  	[sflag:s19] =	ssyncadd.s32 $0xFFFFFF00  }
0x131: {  	[tilespmem:s15], [sflag:$0x4] =	stream.indirect.gather [hbm4b:s2+s9], $0x80, s6, s9, $0xb8;
	[tilespmem:$0x10200] =	vst v63  }
0x132: {  	_ =	swait.ge [sflag:s14], $0x8000  }
0x133: {  	[sflag:s14] =	ssyncset.done $0x0  }
0x134: {  	s4 =	rddreg [dreg:$0x9];
	[sflag:s14] =	ssyncadd.s32 $0xFFFF8000  }
0x135: {  	[hbm4b:s4+s7] =	stream.strided.scatter [tilespmem:s15], [sflag:$0x6], $0x8000, s13, s7, $0x38;
	[tilespmem:$0x10200] =	vst v63  }
0x136: {  	s17 =	rddreg [dreg:$0xa]  }
0x137: {  	[tilespmem:s6], [sflag:$0x2] =	stream.linear.gather [hbm4b:s17+s3], $0x100, $0x38;
	[tilespmem:$0x10200] =	vst v63  }
0x138: {  	_ =	swait.ge [sflag:s31], $0x8000  }
0x139: {  	[sflag:s31] =	ssyncset.done $0x0  }
0x13a: {  	[sflag:s31] =	ssyncadd.s32 $0xFFFF8000  }
0x13b: {  	_ =	swait.ge [sflag:s20], $0x100  }
0x13c: {  	[sflag:s20] =	ssyncset.done $0x0  }
0x13d: {  	[sflag:s20] =	ssyncadd.s32 $0xFFFFFF00  }
0x13e: {  	[tilespmem:s3], [sflag:$0x3] =	stream.indirect.gather [hbm4b:s2+s9], $0x80, s12, s9, $0xb8;
	[tilespmem:$0x10200] =	vst v63  }
0x13f: {  	_ =	swait.ge [sflag:s18], $0x8000  }
0x140: {  	[sflag:s18] =	ssyncset.done $0x0  }
0x141: {  	s4 =	rddreg [dreg:$0xb];
	[sflag:s18] =	ssyncadd.s32 $0xFFFF8000  }
0x142: {  	[hbm4b:s4+s7] =	stream.strided.scatter [tilespmem:s3], [sflag:$0x5], $0x8000, s13, s7, $0x38;
	[tilespmem:$0x10200] =	vst v63  }
0x143: {  	s17 =	rddreg [dreg:$0xc]  }
0x144: {  	[tilespmem:s12], [sflag:$0x1] =	stream.linear.gather [hbm4b:s17+s3], $0x100, $0x38;
	[tilespmem:$0x10200] =	vst v63  }
0x145: {  	_ =	swait.ge [sflag:s21], $0x8000  }
0x146: {  	[sflag:s21] =	ssyncset.done $0x0  }
0x147: {  	[sflag:s21] =	ssyncadd.s32 $0xFFFF8000  }
0x148: {  	_ =	swait.ge [sflag:s19], $0x100  }
0x149: {  	[sflag:s19] =	ssyncset.done $0x0  }
0x14a: {  	[sflag:s19] =	ssyncadd.s32 $0xFFFFFF00  }
0x14b: {  	[tilespmem:s15], [sflag:$0x4] =	stream.indirect.gather [hbm4b:s2+s9], $0x80, s6, s9, $0xb8;
	[tilespmem:$0x10200] =	vst v63  }
0x14c: {  	_ =	swait.ge [sflag:s14], $0x8000  }
0x14d: {  	[sflag:s14] =	ssyncset.done $0x0  }
0x14e: {  	s12 =	rddreg [dreg:$0xd];
	[sflag:s14] =	ssyncadd.s32 $0xFFFF8000  }
0x14f: {  	[hbm4b:s12+s7] =	stream.strided.scatter [tilespmem:s15], [sflag:$0x6], $0x8000, s13, s7, $0x38;
	[tilespmem:$0x10200] =	vst v63  }
0x150: {  	s17 =	rddreg [dreg:$0xe]  }
0x151: {  	[tilespmem:s6], [sflag:$0x2] =	stream.linear.gather [hbm4b:s17+s3], $0x100, $0x38;
	[tilespmem:$0x10200] =	vst v63  }
0x152: {  	_ =	swait.ge [sflag:s31], $0x8000  }
0x153: {  	[sflag:s31] =	ssyncset.done $0x0  }
0x154: {  	[sflag:s31] =	ssyncadd.s32 $0xFFFF8000  }
0x155: {  	_ =	swait.ge [sflag:s20], $0x100  }
0x156: {  	[sflag:s20] =	ssyncset.done $0x0  }
0x157: {  	s15 =	simm.s32 $0x10000;
	[sflag:s20] =	ssyncadd.s32 $0xFFFFFF00  }
0x158: {  	[tilespmem:s3], [sflag:$0x3] =	stream.indirect.gather [hbm4b:s2+s9], $0x80, s15, s9, $0xb8;
	[tilespmem:$0x10200] =	vst v63  }
0x159: {  	_ =	swait.ge [sflag:s18], $0x8000  }
0x15a: {  	[sflag:s18] =	ssyncset.done $0x0  }
0x15b: {  	s12 =	rddreg [dreg:$0xf];
	[sflag:s18] =	ssyncadd.s32 $0xFFFF8000  }
0x15c: {  	[hbm4b:s12+s7] =	stream.strided.scatter [tilespmem:s3], [sflag:$0x5], $0x8000, s13, s7, $0x38;
	[tilespmem:$0x10200] =	vst v63  }
0x15d: {  	s17 =	rddreg [dreg:$0x10]  }
0x15e: {  	[tilespmem:s15], [sflag:$0x1] =	stream.linear.gather [hbm4b:s17+s3], $0x100, $0x38;
	[tilespmem:$0x10200] =	vst v63  }
0x15f: {  	_ =	swait.ge [sflag:s21], $0x8000  }
0x160: {  	[sflag:s21] =	ssyncset.done $0x0  }
0x161: {  	[sflag:s21] =	ssyncadd.s32 $0xFFFF8000  }
0x162: {  	_ =	swait.ge [sflag:s19], $0x100  }
0x163: {  	[sflag:s19] =	ssyncset.done $0x0  }
0x164: {  	s13 =	simm.s32 $0x8000;
	[sflag:s19] =	ssyncadd.s32 $0xFFFFFF00  }
0x165: {  	[tilespmem:s13], [sflag:$0x4] =	stream.indirect.gather [hbm4b:s2+s9], $0x80, s6, s9, $0xb8;
	[tilespmem:$0x10200] =	vst v63  }
0x166: {  	_ =	swait.ge [sflag:s14], $0x8000  }
0x167: {  	s12 =	rddreg [dreg:$0x11];
	[sflag:s14] =	ssyncset.done $0x0  }
0x168: {  	s9 =	simm.s32 $0x1000;
	s17 =	rddreg [dreg:$0x12];
	[sflag:s14] =	ssyncadd.s32 $0xFFFF8000  }
0x169: {  	[hbm4b:s12+s7] =	stream.strided.scatter [tilespmem:s13], [sflag:$0x6], $0x8000, s9, s7, $0x38;
	[tilespmem:$0x10200] =	vst v63  }
0x16a: {  	s4 =	rddreg [dreg:$0x14];
	s12 =	smov.u32 s8  }
0x16b: {  	[tilespmem:s6], [sflag:$0x2] =	stream.linear.gather [hbm4b:s17+s3], $0x100, $0x38;
	[tilespmem:$0x10200] =	vst v63  }
0x16c: {  	s8 =	smov.u32 s10;
	s10 =	rddreg [dreg:$0x15];
	_ =	swait.ge [sflag:s31], $0x8000  }
0x16d: {  	[sflag:s31] =	ssyncset.done $0x0  }
0x16e: {  	[sflag:s31] =	ssyncadd.s32 $0xFFFF8000  }
0x16f: {  	_ =	swait.ge [sflag:s20], $0x100  }
0x170: {  	[sflag:s20] =	ssyncset.done $0x0  }
0x171: {  	s7 =	simm.s32 $0x100;
	s6 =	simm.s32 $0x80;
	[sflag:s20] =	ssyncadd.s32 $0xFFFFFF00  }
0x172: {  	[tilespmem:s3], [sflag:$0x3] =	stream.indirect.gather [hbm4b:s2+s7], $0x80, s15, s7, $0xb8;
	[tilespmem:$0x10200] =	vst v63  }
0x173: {  	s17 =	smov.u32 s22;
	s22 =	smov.u32 s23;
	_ =	swait.ge [sflag:s18], $0x8000  }
0x174: {  	s23 =	smov.u32 s24;
	s24 =	smov.u32 s25;
	[sflag:s18] =	ssyncset.done $0x0  }
0x175: {  	s25 =	smov.u32 s26;
	s0 =	rddreg [dreg:$0x13];
	[sflag:s18] =	ssyncadd.s32 $0xFFFF8000  }
0x176: {  	[hbm4b:s0+s6] =	stream.strided.scatter [tilespmem:s3], [sflag:$0x5], $0x8000, s9, s6, $0x38;
	[tilespmem:$0x10200] =	vst v63  }
0x177: {  	s26 =	smov.u32 s28;
	s28 =	smov.u32 s29;
	s29 =	smov.u32 s30  }
0x178: {  	[tilespmem:s15], [sflag:$0x1] =	stream.linear.gather [hbm4b:s29+s3], $0x100, $0x38;
	[tilespmem:$0x10200] =	vst v63  }
0x179: {  	_ =	swait.ge [sflag:s21], $0x8000  }
0x17a: {  	[sflag:s21] =	ssyncset.done $0x0  }
0x17b: {  	[sflag:s21] =	ssyncadd.s32 $0xFFFF8000  }
0x17c: {  	_ =	swait.ge [sflag:s19], $0x100  }
0x17d: {  	[sflag:s19] =	ssyncset.done $0x0  }
0x17e: {  	s30 =	smov.u32 s5;
	s5 =	simm.s32 $0x10100;
	[sflag:s19] =	ssyncadd.s32 $0xFFFFFF00  }
0x17f: {  	[tilespmem:s13], [sflag:$0x4] =	stream.indirect.gather [hbm4b:s2+s7], $0x80, s5, s7, $0xb8;
	[tilespmem:$0x10200] =	vst v63  }
0x180: {  	_ =	swait.ge [sflag:s14], $0x8000  }
0x181: {  	[sflag:s14] =	ssyncset.done $0x0  }
0x182: {  	[sflag:s14] =	ssyncadd.s32 $0xFFFF8000  }
0x183: {  	[hbm4b:s26+s6] =	stream.strided.scatter [tilespmem:s13], [sflag:$0x6], $0x8000, s9, s6, $0x38;
	[tilespmem:$0x10200] =	vst v63  }
0x184: {  	_ = 	snop  }
0x185: {  	[tilespmem:s5], [sflag:$0x2] =	stream.linear.gather [hbm4b:s28+s3], $0x100, $0x38;
	[tilespmem:$0x10200] =	vst v63  }
0x186: {  	_ =	swait.ge [sflag:s31], $0x8000  }
0x187: {  	[sflag:s31] =	ssyncset.done $0x0  }
0x188: {  	[sflag:s31] =	ssyncadd.s32 $0xFFFF8000  }
0x189: {  	_ =	swait.ge [sflag:s20], $0x100  }
0x18a: {  	[sflag:s20] =	ssyncset.done $0x0  }
0x18b: {  	[sflag:s20] =	ssyncadd.s32 $0xFFFFFF00  }
0x18c: {  	[tilespmem:s3], [sflag:$0x3] =	stream.indirect.gather [hbm4b:s2+s7], $0x80, s15, s7, $0xb8;
	[tilespmem:$0x10200] =	vst v63  }
0x18d: {  	_ =	swait.ge [sflag:s18], $0x8000  }
0x18e: {  	[sflag:s18] =	ssyncset.done $0x0  }
0x18f: {  	[sflag:s18] =	ssyncadd.s32 $0xFFFF8000  }
0x190: {  	[hbm4b:s22+s6] =	stream.strided.scatter [tilespmem:s3], [sflag:$0x5], $0x8000, s9, s6, $0x38;
	[tilespmem:$0x10200] =	vst v63  }
0x191: {  	_ = 	snop  }
0x192: {  	[tilespmem:s15], [sflag:$0x1] =	stream.linear.gather [hbm4b:s25+s3], $0x100, $0x38;
	[tilespmem:$0x10200] =	vst v63  }
0x193: {  	_ =	swait.ge [sflag:s21], $0x8000  }
0x194: {  	[sflag:s21] =	ssyncset.done $0x0  }
0x195: {  	[sflag:s21] =	ssyncadd.s32 $0xFFFF8000  }
0x196: {  	_ =	swait.ge [sflag:s19], $0x100  }
0x197: {  	[sflag:s19] =	ssyncset.done $0x0  }
0x198: {  	[sflag:s19] =	ssyncadd.s32 $0xFFFFFF00  }
0x199: {  	[tilespmem:s13], [sflag:$0x4] =	stream.indirect.gather [hbm4b:s2+s7], $0x80, s5, s7, $0xb8;
	[tilespmem:$0x10200] =	vst v63  }
0x19a: {  	_ =	swait.ge [sflag:s14], $0x8000  }
0x19b: {  	[sflag:s14] =	ssyncset.done $0x0  }
0x19c: {  	[sflag:s14] =	ssyncadd.s32 $0xFFFF8000  }
0x19d: {  	[hbm4b:s23+s6] =	stream.strided.scatter [tilespmem:s13], [sflag:$0x6], $0x8000, s9, s6, $0x38;
	[tilespmem:$0x10200] =	vst v63  }
0x19e: {  	_ = 	snop  }
0x19f: {  	[tilespmem:s5], [sflag:$0x2] =	stream.linear.gather [hbm4b:s24+s3], $0x100, $0x38;
	[tilespmem:$0x10200] =	vst v63  }
0x1a0: {  	_ =	swait.ge [sflag:s31], $0x8000  }
0x1a1: {  	[sflag:s31] =	ssyncset.done $0x0  }
0x1a2: {  	[sflag:s31] =	ssyncadd.s32 $0xFFFF8000  }
0x1a3: {  	_ =	swait.ge [sflag:s20], $0x100  }
0x1a4: {  	[sflag:s20] =	ssyncset.done $0x0  }
0x1a5: {  	[sflag:s20] =	ssyncadd.s32 $0xFFFFFF00  }
0x1a6: {  	[tilespmem:s3], [sflag:$0x3] =	stream.indirect.gather [hbm4b:s2+s7], $0x80, s15, s7, $0xb8;
	[tilespmem:$0x10200] =	vst v63  }
0x1a7: {  	_ =	swait.ge [sflag:s18], $0x8000  }
0x1a8: {  	[sflag:s18] =	ssyncset.done $0x0  }
0x1a9: {  	[sflag:s18] =	ssyncadd.s32 $0xFFFF8000  }
0x1aa: {  	[hbm4b:s10+s6] =	stream.strided.scatter [tilespmem:s3], [sflag:$0x5], $0x8000, s9, s6, $0x38;
	[tilespmem:$0x10200] =	vst v63  }
0x1ab: {  	_ = 	snop  }
0x1ac: {  	[tilespmem:s15], [sflag:$0x1] =	stream.linear.gather [hbm4b:s16+s3], $0x100, $0x38;
	[tilespmem:$0x10200] =	vst v63  }
0x1ad: {  	_ =	swait.ge [sflag:s21], $0x8000  }
0x1ae: {  	[sflag:s21] =	ssyncset.done $0x0  }
0x1af: {  	[sflag:s21] =	ssyncadd.s32 $0xFFFF8000  }
0x1b0: {  	_ =	swait.ge [sflag:s19], $0x100  }
0x1b1: {  	[sflag:s19] =	ssyncset.done $0x0  }
0x1b2: {  	[sflag:s19] =	ssyncadd.s32 $0xFFFFFF00  }
0x1b3: {  	[tilespmem:s13], [sflag:$0x4] =	stream.indirect.gather [hbm4b:s2+s7], $0x80, s5, s7, $0xb8;
	[tilespmem:$0x10200] =	vst v63  }
0x1b4: {  	_ =	swait.ge [sflag:s14], $0x8000  }
0x1b5: {  	[sflag:s14] =	ssyncset.done $0x0  }
0x1b6: {  	[sflag:s14] =	ssyncadd.s32 $0xFFFF8000  }
0x1b7: {  	[hbm4b:s11+s6] =	stream.strided.scatter [tilespmem:s13], [sflag:$0x6], $0x8000, s9, s6, $0x38;
	[tilespmem:$0x10200] =	vst v63  }
0x1b8: {  	_ = 	snop  }
0x1b9: {  	[tilespmem:s5], [sflag:$0x2] =	stream.linear.gather [hbm4b:s17+s3], $0x100, $0x38;
	[tilespmem:$0x10200] =	vst v63  }
0x1ba: {  	_ =	swait.ge [sflag:s31], $0x8000  }
0x1bb: {  	[sflag:s31] =	ssyncset.done $0x0  }
0x1bc: {  	[sflag:s31] =	ssyncadd.s32 $0xFFFF8000  }
0x1bd: {  	_ =	swait.ge [sflag:s20], $0x100  }
0x1be: {  	[sflag:s20] =	ssyncset.done $0x0  }
0x1bf: {  	[sflag:s20] =	ssyncadd.s32 $0xFFFFFF00  }
0x1c0: {  	[tilespmem:s3], [sflag:$0x3] =	stream.indirect.gather [hbm4b:s2+s7], $0x80, s15, s7, $0xb8;
	[tilespmem:$0x10200] =	vst v63  }
0x1c1: {  	_ =	swait.ge [sflag:s18], $0x8000  }
0x1c2: {  	[sflag:s18] =	ssyncset.done $0x0  }
0x1c3: {  	[sflag:s18] =	ssyncadd.s32 $0xFFFF8000  }
0x1c4: {  	[hbm4b:s8+s6] =	stream.strided.scatter [tilespmem:s3], [sflag:$0x5], $0x8000, s9, s6, $0x38;
	[tilespmem:$0x10200] =	vst v63  }
0x1c5: {  	_ =	swait.ge [sflag:s21], $0x8000  }
0x1c6: {  	[sflag:s21] =	ssyncset.done $0x0  }
0x1c7: {  	[sflag:s21] =	ssyncadd.s32 $0xFFFF8000  }
0x1c8: {  	_ =	swait.ge [sflag:s19], $0x100  }
0x1c9: {  	[sflag:s19] =	ssyncset.done $0x0  }
0x1ca: {  	[sflag:s19] =	ssyncadd.s32 $0xFFFFFF00  }
0x1cb: {  	[tilespmem:s13], [sflag:$0x4] =	stream.indirect.gather [hbm4b:s2+s7], $0x80, s5, s7, $0xb8;
	[tilespmem:$0x10200] =	vst v63  }
0x1cc: {  	p1 =	sne.s32 s1, $0x1;
	_ =	swait.ge [sflag:s14], $0x8000  }
.Ltmp2:
0x1cd: {  	[sflag:s14] =	ssyncset.done $0x0;
	(pc) =	sbr.rel @p1 .LBB2_2-.Ltmp2, $4  }
0x1ce: {  	[sflag:s14] =	ssyncadd.s32 $0xFFFF8000  }
0x1cf: {  	[hbm4b:s12+s6] =	stream.strided.scatter [tilespmem:s13], [sflag:$0x6], $0x8000, s9, s6, $0x38;
	[tilespmem:$0x10200] =	vst v63  }
0x1d0: {  	s1 =	sadd.s32 $0xFFFFFFFF, s1;
	_ =	swait.ge [sflag:s31], $0x8000  }
0x1d1: {  	s10 =	smov.u32 s8;
	s8 =	smov.u32 s12;
	[sflag:s31] =	ssyncset.done $0x0  }
.LBB2_3:
0x1d2: {  	[sflag:s31] =	ssyncadd.s32 @p0 $0xFFFF8000  }
0x1d3: {  	[tilespmem:s15], [sflag:$0x1] =	stream.linear.gather [hbm4b:s30+s3], $0x100, $0x38;
	[tilespmem:$0x10200] =	vst v63  }
0x1d4: {  	s0 =	rddreg [dreg:$0x3]  }
0x1d5: {  	[tilespmem:s5], [sflag:$0x2] =	stream.linear.gather [hbm4b:s0+s3], $0x100, $0x38;
	[tilespmem:$0x10200] =	vst v63  }
0x1d6: {  	_ =	swait.ge [sflag:s20], $0x100  }
0x1d7: {  	[sflag:s20] =	ssyncset.done $0x0  }
0x1d8: {  	[sflag:s20] =	ssyncadd.s32 $0xFFFFFF00  }
0x1d9: {  	[tilespmem:s3], [sflag:$0x3] =	stream.indirect.gather [hbm4b:s2+s7], $0x80, s15, s7, $0xb8;
	[tilespmem:$0x10200] =	vst v63  }
0x1da: {  	_ =	swait.ge [sflag:s18], $0x8000  }
0x1db: {  	[sflag:s18] =	ssyncset.done $0x0  }
0x1dc: {  	[sflag:s18] =	ssyncadd.s32 $0xFFFF8000  }
0x1dd: {  	[hbm4b:s4+s6] =	stream.strided.scatter [tilespmem:s3], [sflag:$0x5], $0x8000, s9, s6, $0x38;
	[tilespmem:$0x10200] =	vst v63  }
0x1de: {  	s1 =	rddreg [dreg:$0x4]  }
0x1df: {  	[tilespmem:s15], [sflag:$0x1] =	stream.linear.gather [hbm4b:s1+s3], $0x100, $0x38;
	[tilespmem:$0x10200] =	vst v63  }
0x1e0: {  	_ =	swait.ge [sflag:s21], $0x8000  }
0x1e1: {  	[sflag:s21] =	ssyncset.done $0x0  }
0x1e2: {  	[sflag:s21] =	ssyncadd.s32 $0xFFFF8000  }
0x1e3: {  	_ =	swait.ge [sflag:s19], $0x100  }
0x1e4: {  	[sflag:s19] =	ssyncset.done $0x0  }
0x1e5: {  	[sflag:s19] =	ssyncadd.s32 $0xFFFFFF00  }
0x1e6: {  	[tilespmem:s13], [sflag:$0x4] =	stream.indirect.gather [hbm4b:s2+s7], $0x80, s5, s7, $0xb8;
	[tilespmem:$0x10200] =	vst v63  }
0x1e7: {  	_ =	swait.ge [sflag:s14], $0x8000  }
0x1e8: {  	[sflag:s14] =	ssyncset.done $0x0  }
0x1e9: {  	s4 =	rddreg [dreg:$0x5];
	[sflag:s14] =	ssyncadd.s32 $0xFFFF8000  }
0x1ea: {  	[hbm4b:s4+s6] =	stream.strided.scatter [tilespmem:s13], [sflag:$0x6], $0x8000, s9, s6, $0x38;
	[tilespmem:$0x10200] =	vst v63  }
0x1eb: {  	s1 =	rddreg [dreg:$0x6]  }
0x1ec: {  	[tilespmem:s5], [sflag:$0x2] =	stream.linear.gather [hbm4b:s1+s3], $0x100, $0x38;
	[tilespmem:$0x10200] =	vst v63  }
0x1ed: {  	_ =	swait.ge [sflag:s31], $0x8000  }
0x1ee: {  	[sflag:s31] =	ssyncset.done $0x0  }
0x1ef: {  	[sflag:s31] =	ssyncadd.s32 $0xFFFF8000  }
0x1f0: {  	_ =	swait.ge [sflag:s20], $0x100  }
0x1f1: {  	[sflag:s20] =	ssyncset.done $0x0  }
0x1f2: {  	[sflag:s20] =	ssyncadd.s32 $0xFFFFFF00  }
0x1f3: {  	[tilespmem:s3], [sflag:$0x3] =	stream.indirect.gather [hbm4b:s2+s7], $0x80, s15, s7, $0xb8;
	[tilespmem:$0x10200] =	vst v63  }
0x1f4: {  	_ =	swait.ge [sflag:s18], $0x8000  }
0x1f5: {  	[sflag:s18] =	ssyncset.done $0x0  }
0x1f6: {  	s12 =	rddreg [dreg:$0x7];
	[sflag:s18] =	ssyncadd.s32 $0xFFFF8000  }
0x1f7: {  	[hbm4b:s12+s6] =	stream.strided.scatter [tilespmem:s3], [sflag:$0x5], $0x8000, s9, s6, $0x38;
	[tilespmem:$0x10200] =	vst v63  }
0x1f8: {  	s30 =	rddreg [dreg:$0x8]  }
0x1f9: {  	[tilespmem:s15], [sflag:$0x1] =	stream.linear.gather [hbm4b:s30+s3], $0x100, $0x38;
	[tilespmem:$0x10200] =	vst v63  }
0x1fa: {  	_ =	swait.ge [sflag:s21], $0x8000  }
0x1fb: {  	[sflag:s21] =	ssyncset.done $0x0  }
0x1fc: {  	[sflag:s21] =	ssyncadd.s32 $0xFFFF8000  }
0x1fd: {  	_ =	swait.ge [sflag:s19], $0x100  }
0x1fe: {  	[sflag:s19] =	ssyncset.done $0x0  }
0x1ff: {  	[sflag:s19] =	ssyncadd.s32 $0xFFFFFF00  }
0x200: {  	[tilespmem:s13], [sflag:$0x4] =	stream.indirect.gather [hbm4b:s2+s7], $0x80, s5, s7, $0xb8;
	[tilespmem:$0x10200] =	vst v63  }
0x201: {  	_ =	swait.ge [sflag:s14], $0x8000  }
0x202: {  	[sflag:s14] =	ssyncset.done $0x0  }
0x203: {  	s1 =	rddreg [dreg:$0x9];
	[sflag:s14] =	ssyncadd.s32 $0xFFFF8000  }
0x204: {  	[hbm4b:s1+s6] =	stream.strided.scatter [tilespmem:s13], [sflag:$0x6], $0x8000, s9, s6, $0x38;
	[tilespmem:$0x10200] =	vst v63  }
0x205: {  	s4 =	rddreg [dreg:$0xa]  }
0x206: {  	[tilespmem:s5], [sflag:$0x2] =	stream.linear.gather [hbm4b:s4+s3], $0x100, $0x38;
	[tilespmem:$0x10200] =	vst v63  }
0x207: {  	_ =	swait.ge [sflag:s31], $0x8000  }
0x208: {  	[sflag:s31] =	ssyncset.done $0x0  }
0x209: {  	[sflag:s31] =	ssyncadd.s32 $0xFFFF8000  }
0x20a: {  	_ =	swait.ge [sflag:s20], $0x100  }
0x20b: {  	[sflag:s20] =	ssyncset.done $0x0  }
0x20c: {  	[sflag:s20] =	ssyncadd.s32 $0xFFFFFF00  }
0x20d: {  	[tilespmem:s3], [sflag:$0x3] =	stream.indirect.gather [hbm4b:s2+s7], $0x80, s15, s7, $0xb8;
	[tilespmem:$0x10200] =	vst v63  }
0x20e: {  	_ =	swait.ge [sflag:s18], $0x8000  }
0x20f: {  	[sflag:s18] =	ssyncset.done $0x0  }
0x210: {  	s12 =	rddreg [dreg:$0xb];
	[sflag:s18] =	ssyncadd.s32 $0xFFFF8000  }
0x211: {  	[hbm4b:s12+s6] =	stream.strided.scatter [tilespmem:s3], [sflag:$0x5], $0x8000, s9, s6, $0x38;
	[tilespmem:$0x10200] =	vst v63  }
0x212: {  	s30 =	rddreg [dreg:$0xc]  }
0x213: {  	[tilespmem:s15], [sflag:$0x1] =	stream.linear.gather [hbm4b:s30+s3], $0x100, $0x38;
	[tilespmem:$0x10200] =	vst v63  }
0x214: {  	_ =	swait.ge [sflag:s21], $0x8000  }
0x215: {  	[sflag:s21] =	ssyncset.done $0x0  }
0x216: {  	[sflag:s21] =	ssyncadd.s32 $0xFFFF8000  }
0x217: {  	_ =	swait.ge [sflag:s19], $0x100  }
0x218: {  	[sflag:s19] =	ssyncset.done $0x0  }
0x219: {  	[sflag:s19] =	ssyncadd.s32 $0xFFFFFF00  }
0x21a: {  	[tilespmem:s13], [sflag:$0x4] =	stream.indirect.gather [hbm4b:s2+s7], $0x80, s5, s7, $0xb8;
	[tilespmem:$0x10200] =	vst v63  }
0x21b: {  	_ =	swait.ge [sflag:s14], $0x8000  }
0x21c: {  	[sflag:s14] =	ssyncset.done $0x0  }
0x21d: {  	s1 =	rddreg [dreg:$0xd];
	[sflag:s14] =	ssyncadd.s32 $0xFFFF8000  }
0x21e: {  	[hbm4b:s1+s6] =	stream.strided.scatter [tilespmem:s13], [sflag:$0x6], $0x8000, s9, s6, $0x38;
	[tilespmem:$0x10200] =	vst v63  }
0x21f: {  	s4 =	rddreg [dreg:$0xe]  }
0x220: {  	[tilespmem:s5], [sflag:$0x2] =	stream.linear.gather [hbm4b:s4+s3], $0x100, $0x38;
	[tilespmem:$0x10200] =	vst v63  }
0x221: {  	_ =	swait.ge [sflag:s31], $0x8000  }
0x222: {  	[sflag:s31] =	ssyncset.done $0x0  }
0x223: {  	[sflag:s31] =	ssyncadd.s32 $0xFFFF8000  }
0x224: {  	_ =	swait.ge [sflag:s20], $0x100  }
0x225: {  	[sflag:s20] =	ssyncset.done $0x0  }
0x226: {  	[sflag:s20] =	ssyncadd.s32 $0xFFFFFF00  }
0x227: {  	[tilespmem:s3], [sflag:$0x3] =	stream.indirect.gather [hbm4b:s2+s7], $0x80, s15, s7, $0xb8;
	[tilespmem:$0x10200] =	vst v63  }
0x228: {  	_ =	swait.ge [sflag:s18], $0x8000  }
0x229: {  	[sflag:s18] =	ssyncset.done $0x0  }
0x22a: {  	s12 =	rddreg [dreg:$0xf];
	[sflag:s18] =	ssyncadd.s32 $0xFFFF8000  }
0x22b: {  	[hbm4b:s12+s6] =	stream.strided.scatter [tilespmem:s3], [sflag:$0x5], $0x8000, s9, s6, $0x38;
	[tilespmem:$0x10200] =	vst v63  }
0x22c: {  	s30 =	rddreg [dreg:$0x10]  }
0x22d: {  	[tilespmem:s15], [sflag:$0x1] =	stream.linear.gather [hbm4b:s30+s3], $0x100, $0x38;
	[tilespmem:$0x10200] =	vst v63  }
0x22e: {  	_ =	swait.ge [sflag:s21], $0x8000  }
0x22f: {  	[sflag:s21] =	ssyncset.done $0x0  }
0x230: {  	[sflag:s21] =	ssyncadd.s32 $0xFFFF8000  }
0x231: {  	_ =	swait.ge [sflag:s19], $0x100  }
0x232: {  	[sflag:s19] =	ssyncset.done $0x0  }
0x233: {  	[sflag:s19] =	ssyncadd.s32 $0xFFFFFF00  }
0x234: {  	[tilespmem:s13], [sflag:$0x4] =	stream.indirect.gather [hbm4b:s2+s7], $0x80, s5, s7, $0xb8;
	[tilespmem:$0x10200] =	vst v63  }
0x235: {  	_ =	swait.ge [sflag:s14], $0x8000  }
0x236: {  	[sflag:s14] =	ssyncset.done $0x0  }
0x237: {  	s1 =	rddreg [dreg:$0x11];
	[sflag:s14] =	ssyncadd.s32 $0xFFFF8000  }
0x238: {  	[hbm4b:s1+s6] =	stream.strided.scatter [tilespmem:s13], [sflag:$0x6], $0x8000, s9, s6, $0x38;
	[tilespmem:$0x10200] =	vst v63  }
0x239: {  	s4 =	rddreg [dreg:$0x12]  }
0x23a: {  	[tilespmem:s5], [sflag:$0x2] =	stream.linear.gather [hbm4b:s4+s3], $0x100, $0x38;
	[tilespmem:$0x10200] =	vst v63  }
0x23b: {  	_ =	swait.ge [sflag:s31], $0x8000  }
0x23c: {  	[sflag:s31] =	ssyncset.done $0x0  }
0x23d: {  	[sflag:s31] =	ssyncadd.s32 $0xFFFF8000  }
0x23e: {  	_ =	swait.ge [sflag:s20], $0x100  }
0x23f: {  	[sflag:s20] =	ssyncset.done $0x0  }
0x240: {  	[sflag:s20] =	ssyncadd.s32 $0xFFFFFF00  }
0x241: {  	[tilespmem:s3], [sflag:$0x3] =	stream.indirect.gather [hbm4b:s2+s7], $0x80, s15, s7, $0xb8;
	[tilespmem:$0x10200] =	vst v63  }
0x242: {  	_ =	swait.ge [sflag:s18], $0x8000  }
0x243: {  	[sflag:s18] =	ssyncset.done $0x0  }
0x244: {  	s12 =	rddreg [dreg:$0x13];
	[sflag:s18] =	ssyncadd.s32 $0xFFFF8000  }
0x245: {  	[hbm4b:s12+s6] =	stream.strided.scatter [tilespmem:s3], [sflag:$0x5], $0x8000, s9, s6, $0x38;
	[tilespmem:$0x10200] =	vst v63  }
0x246: {  	_ = 	snop  }
0x247: {  	[tilespmem:s15], [sflag:$0x1] =	stream.linear.gather [hbm4b:s29+s3], $0x100, $0x38;
	[tilespmem:$0x10200] =	vst v63  }
0x248: {  	_ =	swait.ge [sflag:s21], $0x8000  }
0x249: {  	[sflag:s21] =	ssyncset.done $0x0  }
0x24a: {  	[sflag:s21] =	ssyncadd.s32 $0xFFFF8000  }
0x24b: {  	_ =	swait.ge [sflag:s19], $0x100  }
0x24c: {  	[sflag:s19] =	ssyncset.done $0x0  }
0x24d: {  	[sflag:s19] =	ssyncadd.s32 $0xFFFFFF00  }
0x24e: {  	[tilespmem:s13], [sflag:$0x4] =	stream.indirect.gather [hbm4b:s2+s7], $0x80, s5, s7, $0xb8;
	[tilespmem:$0x10200] =	vst v63  }
0x24f: {  	_ =	swait.ge [sflag:s14], $0x8000  }
0x250: {  	[sflag:s14] =	ssyncset.done $0x0  }
0x251: {  	[sflag:s14] =	ssyncadd.s32 $0xFFFF8000  }
0x252: {  	[hbm4b:s26+s6] =	stream.strided.scatter [tilespmem:s13], [sflag:$0x6], $0x8000, s9, s6, $0x38;
	[tilespmem:$0x10200] =	vst v63  }
0x253: {  	_ = 	snop  }
0x254: {  	[tilespmem:s5], [sflag:$0x2] =	stream.linear.gather [hbm4b:s28+s3], $0x100, $0x38;
	[tilespmem:$0x10200] =	vst v63  }
0x255: {  	_ =	swait.ge [sflag:s31], $0x8000  }
0x256: {  	[sflag:s31] =	ssyncset.done $0x0  }
0x257: {  	[sflag:s31] =	ssyncadd.s32 $0xFFFF8000  }
0x258: {  	_ =	swait.ge [sflag:s20], $0x100  }
0x259: {  	[sflag:s20] =	ssyncset.done $0x0  }
0x25a: {  	[sflag:s20] =	ssyncadd.s32 $0xFFFFFF00  }
0x25b: {  	[tilespmem:s3], [sflag:$0x3] =	stream.indirect.gather [hbm4b:s2+s7], $0x80, s15, s7, $0xb8;
	[tilespmem:$0x10200] =	vst v63  }
0x25c: {  	_ =	swait.ge [sflag:s18], $0x8000  }
0x25d: {  	[sflag:s18] =	ssyncset.done $0x0  }
0x25e: {  	[sflag:s18] =	ssyncadd.s32 $0xFFFF8000  }
0x25f: {  	[hbm4b:s22+s6] =	stream.strided.scatter [tilespmem:s3], [sflag:$0x5], $0x8000, s9, s6, $0x38;
	[tilespmem:$0x10200] =	vst v63  }
0x260: {  	_ = 	snop  }
0x261: {  	[tilespmem:s15], [sflag:$0x1] =	stream.linear.gather [hbm4b:s25+s3], $0x100, $0x38;
	[tilespmem:$0x10200] =	vst v63  }
0x262: {  	_ =	swait.ge [sflag:s21], $0x8000  }
0x263: {  	[sflag:s21] =	ssyncset.done $0x0  }
0x264: {  	[sflag:s21] =	ssyncadd.s32 $0xFFFF8000  }
0x265: {  	_ =	swait.ge [sflag:s19], $0x100  }
0x266: {  	[sflag:s19] =	ssyncset.done $0x0  }
0x267: {  	[sflag:s19] =	ssyncadd.s32 $0xFFFFFF00  }
0x268: {  	[tilespmem:s13], [sflag:$0x4] =	stream.indirect.gather [hbm4b:s2+s7], $0x80, s5, s7, $0xb8;
	[tilespmem:$0x10200] =	vst v63  }
0x269: {  	_ =	swait.ge [sflag:s14], $0x8000  }
0x26a: {  	[sflag:s14] =	ssyncset.done $0x0  }
0x26b: {  	[sflag:s14] =	ssyncadd.s32 $0xFFFF8000  }
0x26c: {  	[hbm4b:s23+s6] =	stream.strided.scatter [tilespmem:s13], [sflag:$0x6], $0x8000, s9, s6, $0x38;
	[tilespmem:$0x10200] =	vst v63  }
0x26d: {  	_ = 	snop  }
0x26e: {  	[tilespmem:s5], [sflag:$0x2] =	stream.linear.gather [hbm4b:s24+s3], $0x100, $0x38;
	[tilespmem:$0x10200] =	vst v63  }
0x26f: {  	_ =	swait.ge [sflag:s31], $0x8000  }
0x270: {  	[sflag:s31] =	ssyncset.done $0x0  }
0x271: {  	[sflag:s31] =	ssyncadd.s32 $0xFFFF8000  }
0x272: {  	_ =	swait.ge [sflag:s20], $0x100  }
0x273: {  	[sflag:s20] =	ssyncset.done $0x0  }
0x274: {  	[sflag:s20] =	ssyncadd.s32 $0xFFFFFF00  }
0x275: {  	[tilespmem:s3], [sflag:$0x3] =	stream.indirect.gather [hbm4b:s2+s7], $0x80, s15, s7, $0xb8;
	[tilespmem:$0x10200] =	vst v63  }
0x276: {  	_ =	swait.ge [sflag:s18], $0x8000  }
0x277: {  	[sflag:s18] =	ssyncset.done $0x0  }
0x278: {  	s30 =	rddreg [dreg:$0x15];
	[sflag:s18] =	ssyncadd.s32 $0xFFFF8000  }
0x279: {  	[hbm4b:s30+s6] =	stream.strided.scatter [tilespmem:s3], [sflag:$0x5], $0x8000, s9, s6, $0x38;
	[tilespmem:$0x10200] =	vst v63  }
0x27a: {  	_ = 	snop  }
0x27b: {  	[tilespmem:s15], [sflag:$0x1] =	stream.linear.gather [hbm4b:s16+s3], $0x100, $0x38;
	[tilespmem:$0x10200] =	vst v63  }
0x27c: {  	_ =	swait.ge [sflag:s21], $0x8000  }
0x27d: {  	[sflag:s21] =	ssyncset.done $0x0  }
0x27e: {  	[sflag:s21] =	ssyncadd.s32 $0xFFFF8000  }
0x27f: {  	_ =	swait.ge [sflag:s19], $0x100  }
0x280: {  	[sflag:s19] =	ssyncset.done $0x0  }
0x281: {  	[sflag:s19] =	ssyncadd.s32 $0xFFFFFF00  }
0x282: {  	[tilespmem:s13], [sflag:$0x4] =	stream.indirect.gather [hbm4b:s2+s7], $0x80, s5, s7, $0xb8;
	[tilespmem:$0x10200] =	vst v63  }
0x283: {  	_ =	swait.ge [sflag:s14], $0x8000  }
0x284: {  	[sflag:s14] =	ssyncset.done $0x0  }
0x285: {  	[sflag:s14] =	ssyncadd.s32 $0xFFFF8000  }
0x286: {  	[hbm4b:s11+s6] =	stream.strided.scatter [tilespmem:s13], [sflag:$0x6], $0x8000, s9, s6, $0x38;
	[tilespmem:$0x10200] =	vst v63  }
0x287: {  	_ = 	snop  }
0x288: {  	[tilespmem:s5], [sflag:$0x2] =	stream.linear.gather [hbm4b:s17+s3], $0x100, $0x38;
	[tilespmem:$0x10200] =	vst v63  }
0x289: {  	_ =	swait.ge [sflag:s31], $0x8000  }
0x28a: {  	[sflag:s31] =	ssyncset.done $0x0  }
0x28b: {  	[sflag:s31] =	ssyncadd.s32 $0xFFFF8000  }
0x28c: {  	_ =	swait.ge [sflag:s20], $0x100  }
0x28d: {  	[sflag:s20] =	ssyncset.done $0x0  }
0x28e: {  	[sflag:s20] =	ssyncadd.s32 $0xFFFFFF00  }
0x28f: {  	[tilespmem:s3], [sflag:$0x3] =	stream.indirect.gather [hbm4b:s2+s7], $0x80, s15, s7, $0xb8;
	[tilespmem:$0x10200] =	vst v63  }
0x290: {  	_ =	swait.ge [sflag:s18], $0x8000  }
0x291: {  	[sflag:s18] =	ssyncset.done $0x0  }
0x292: {  	[sflag:s18] =	ssyncadd.s32 $0xFFFF8000  }
0x293: {  	[hbm4b:s10+s6] =	stream.strided.scatter [tilespmem:s3], [sflag:$0x5], $0x8000, s9, s6, $0x38;
	[tilespmem:$0x10200] =	vst v63  }
0x294: {  	_ =	swait.ge [sflag:s21], $0x8000  }
0x295: {  	[sflag:s21] =	ssyncset.done $0x0  }
0x296: {  	[sflag:s21] =	ssyncadd.s32 $0xFFFF8000  }
0x297: {  	_ =	swait.ge [sflag:s19], $0x100  }
0x298: {  	[sflag:s19] =	ssyncset.done $0x0  }
0x299: {  	[sflag:s19] =	ssyncadd.s32 $0xFFFFFF00  }
0x29a: {  	[tilespmem:s13], [sflag:$0x4] =	stream.indirect.gather [hbm4b:s2+s7], $0x80, s5, s7, $0xb8;
	[tilespmem:$0x10200] =	vst v63  }
0x29b: {  	_ =	swait.ge [sflag:s14], $0x8000  }
0x29c: {  	[sflag:s14] =	ssyncset.done $0x0  }
0x29d: {  	[sflag:s14] =	ssyncadd.s32 $0xFFFF8000  }
0x29e: {  	[hbm4b:s8+s6] =	stream.strided.scatter [tilespmem:s13], [sflag:$0x6], $0x8000, s9, s6, $0x38;
	[tilespmem:$0x10200] =	vst v63  }
0x29f: {  	_ =	swait.ge [sflag:s31], $0x8000  }
0x2a0: {  	[sflag:s31] =	ssyncset.done $0x0  }
0x2a1: {  	[sflag:s31] =	ssyncadd.s32 $0xFFFF8000  }
0x2a2: {  	_ =	sfence.sel $0x180000  }
0x2a3: {  	[bflag:$0x0] =	sbarrier.arrive $0xFFFF  }
0x2a4: {  	_ =	strace $0x9000004A  }
0x2a5: {  	s31 =	stileid.u32;
	[bflag:$0x2] =	sbarrier.arrive $0xFFFF  }
0x2a6: {  	p0 =	sne.s32 s31, $0x0;
	s0 =	rddreg [dreg:$0x2]  }
0x2a7: {  	s0 =	sadd.s32 @!p0 $0x100000, s0  }
0x2a8: {  	[sflag:s0] =	ssyncadd.tile.s32 @!p0 $0x1;
	_ =	shalt  }
.Lfunc_end2:
_tile_overlayer_lowered:
.L_overlay_start_2:
0x2a9: {  	(tag) =	ssettag $0x2  }
0x2aa: {  	s0 =	rddreg [dreg:$0x0];
	s2 =	stileid.u32  }
0x2ab: {  	s1 =	rddreg [dreg:$0x1];
	p0 =	sne.s32 s2, $0x0  }
0x2ac: {  	s3 =	rddreg [dreg:$0x2];
	[bflag:$0x3] =	sbarrier.arrive $0xFFFF;
	s2 =	simm.s32 @!p0 $0x1C07  }
0x2ad: {  	[timem:s3], [sflag:s2] =	dma.local @!p0 [hbm:s0], s1  }
0x2ae: {  	s0 =	simm.s32 @!p0 $0x7  }
0x2af: {  	_ =	swait.ge @!p0 [sflag:s0], s1  }
0x2b0: {  	s1 =	ssub.s32 @!p0 $0x0, s1;
	[sflag:s0] =	ssyncset.done @!p0 $0x0  }
0x2b1: {  	[sflag:s0] =	ssyncadd.s32 @!p0 s1  }
0x2b2: {  	[bflag:$0x3] =	sbarrier.arrive $0xFFFF  }
0x2b3: {  	_ =	shalt  }

// kernel: kernel.7.cloned.1.call-start
scs
__scs_entry_jumppad:
0x0: {  	(pc) =	sbr.rel $0x88, $3  }
0x1: {  	(tag) =	ssettag $0x0;
	lr =	simm.s32 $0x1  }
0x2: {  	[smem:$0x3F9C] =	sst lr;
	_ =	strace $0xD0000000  }
0x3: {  	_ = 	snop  }
0x4: {  	_ = 	snop  }
0x5: {  	_ = 	snop  }
0x6: {  	_ = 	snop  }
0x7: {  	_ = 	snop  }
__scs_overlays_trampoline_lowered:
0x8: {  	[smem:$0x3FAB] =	sst s0  }
0x9: {  	[smem:$0x3FAC] =	sst s1  }
0xa: {  	[smem:$0x3FAD] =	sst s2  }
0xb: {  	[smem:$0x3FAE] =	sst s3  }
0xc: {  	[smem:$0x3FAF] =	sst s4  }
0xd: {  	[smem:$0x3FB0] =	sst s5  }
0xe: {  	[smem:$0x3FB1] =	sst s6  }
0xf: {  	[smem:$0x3FB2] =	sst s7  }
0x10: {  	[smem:$0x3FB3] =	sst s8  }
0x11: {  	[smem:$0x3FB4] =	sst s9;
	s0 =	simm.s32 @!p0 $0x0  }
0x12: {  	s1 =	sld [smem:$0x3F9A];
	s0 =	simm.s32 @p0 $0x1  }
0x13: {  	[smem:$0x3FB5] =	sst s0;
	s0 =	simm.s32 @!p1 $0x0  }
0x14: {  	s2 =	sld [smem:$0x3F99];
	s0 =	simm.s32 @p1 $0x1  }
0x15: {  	[smem:$0x3FB6] =	sst s0;
	s0 =	simm.s32 @!p2 $0x0  }
0x16: {  	s3 =	sld [smem:$0x3FDB];
	s0 =	simm.s32 @p2 $0x1  }
0x17: {  	s4 =	simm.s32 $0x1BF5;
	[smem:$0x3FB8] =	sst s0  }
0x18: {  	s0 =	sld [smem:$0x3F9B];
	_ =	swait.ge [sflag:s4], $0x0  }
0x19: {  	s7 =	sld [smem:$0x3F9C]  }
0x1a: {  	s8 =	sadd.s32 $0xFFFFE003, lr  }
0x1b: {  	s9 =	sadd.s32 $0xFFFFFEF7, lr;
	s5 =	simm.s32 $0xFFFFFFFF;
	p2 =	slt.u32 s8, $0xFFFFF086  }
0x1c: {  	p1 =	slt.u32 s9, $0xF7A;
	s5 =	simm.s32 @!p2 $0x0  }
0x1d: {  	s5 =	simm.s32 @p1 $0x1;
	p0 =	seq.s32 s7, s2  }
0x1e: {  	s7 =	smul.u32 @!p0 $0xF7A, s2;
	p2 =	seq.s32 @!p0 s5, $0x0  }
0x1f: {  	s9 =	smul.u32 $0xF7A, s1;
	s8 =	simm.s32 @!p0 $0x1BF5;
	p2 =	por !p2, p0  }
0x20: {  	[sflag:s8] =	ssyncset.s32 @!p0 $0xFFFFF086;
	s6 =	sadd.s32 @!p0 s3, s7;
	s7 =	simm.s32 @!p0 $0x108  }
0x21: {  	s3 =	sadd.s32 s3, s9;
	s6 =	sadd.s32 @!p0 $0x88, s6;
	s7 =	simm.s32 @p2 $0x1082  }
0x22: {  	[simem:s7], [sflag:s8] =	dma.local @!p0 [hbm:s6], $0xF7A  }
0x23: {  	s9 =	sor.u32 $0xD0000000, s2;
	s6 =	simm.s32 $0x108;
	_ =	swait.ge @!p0 [sflag:s8], $0x0  }
0x24: {  	s3 =	sadd.s32 $0x88, s3;
	s6 =	simm.s32 @!p1 $0x1082;
	[sflag:s4] =	ssyncset.s32 $0xFFFFF086  }
0x25: {  	[simem:s6], [sflag:s4] =	dma.local [hbm:s3], $0xF7A  }
0x26: {  	[smem:$0x3F9C] =	sst s1;
	(tag) =	ssettag s2;
	_ =	strace s9  }
0x27: {  	s1 =	sld [smem:$0x3FAC]  }
0x28: {  	s2 =	sld [smem:$0x3FAD]  }
0x29: {  	s4 =	sld [smem:$0x3FAF]  }
0x2a: {  	p0 =	seq.s32 s5, $0x0;
	s5 =	sld [smem:$0x3FB0]  }
0x2b: {  	s6 =	sld [smem:$0x3FB1]  }
0x2c: {  	s7 =	sld [smem:$0x3FB2]  }
0x2d: {  	s3 =	simm.s32 $0x108;
	s8 =	sld [smem:$0x3FB3]  }
0x2e: {  	s3 =	simm.s32 @!p0 $0x1082;
	s9 =	sld [smem:$0x3FB4]  }
0x2f: {  	lr =	sadd.s32 s0, s3;
	s0 =	sld [smem:$0x3FAB]  }
0x30: {  	s3 =	sld [smem:$0x3FAE]  }
0x31: {  	[smem:$0x3FB7] =	sst s10  }
0x32: {  	s10 =	sld [smem:$0x3FB5];
	_ =	sdelay $0x3  }
0x33: {  	p0 =	seq.s32 s10, $0x1;
	s10 =	sld [smem:$0x3FB7];
	_ =	sdelay $0x3  }
0x34: {  	[smem:$0x3FB7] =	sst s10  }
0x35: {  	s10 =	sld [smem:$0x3FB6];
	_ =	sdelay $0x3  }
0x36: {  	p1 =	seq.s32 s10, $0x1;
	s10 =	sld [smem:$0x3FB7];
	_ =	sdelay $0x3  }
0x37: {  	[smem:$0x3FB7] =	sst s10  }
0x38: {  	s10 =	sld [smem:$0x3FB8]  }
0x39: {  	_ = 	snop;
	(pc) =	sbr.ind lr, $3  }
0x3a: {  	_ = 	snop  }
0x3b: {  	_ = 	snop  }
0x3c: {  	p2 =	seq.s32 s10, $0x1;
	s10 =	sld [smem:$0x3FB7]  }
0x3d: {  	_ =	shalt  }
0x3e: {  	_ =	shalt  }
0x3f: {  	_ =	shalt  }
0x40: {  	_ =	shalt  }
0x41: {  	_ =	shalt  }
0x42: {  	_ =	shalt  }
0x43: {  	_ =	shalt  }
0x44: {  	_ =	shalt  }
0x45: {  	_ =	shalt  }
0x46: {  	_ =	shalt  }
0x47: {  	_ =	shalt  }
0x48: {  	_ =	shalt  }
0x49: {  	_ =	shalt  }
0x4a: {  	_ =	shalt  }
0x4b: {  	_ =	shalt  }
0x4c: {  	_ =	shalt  }
0x4d: {  	_ =	shalt  }
0x4e: {  	_ =	shalt  }
0x4f: {  	_ =	shalt  }
0x50: {  	_ =	shalt  }
0x51: {  	_ =	shalt  }
0x52: {  	_ =	shalt  }
0x53: {  	_ =	shalt  }
0x54: {  	_ =	shalt  }
0x55: {  	_ =	shalt  }
0x56: {  	_ =	shalt  }
0x57: {  	_ =	shalt  }
0x58: {  	_ =	shalt  }
0x59: {  	_ =	shalt  }
0x5a: {  	_ =	shalt  }
0x5b: {  	_ =	shalt  }
0x5c: {  	_ =	shalt  }
0x5d: {  	_ =	shalt  }
0x5e: {  	_ =	shalt  }
0x5f: {  	_ =	shalt  }
0x60: {  	_ =	shalt  }
0x61: {  	_ =	shalt  }
0x62: {  	_ =	shalt  }
0x63: {  	_ =	shalt  }
0x64: {  	_ =	shalt  }
0x65: {  	_ =	shalt  }
0x66: {  	_ =	shalt  }
0x67: {  	_ =	shalt  }
0x68: {  	_ =	shalt  }
0x69: {  	_ =	shalt  }
0x6a: {  	_ =	shalt  }
0x6b: {  	_ =	shalt  }
0x6c: {  	_ =	shalt  }
0x6d: {  	_ =	shalt  }
0x6e: {  	_ =	shalt  }
0x6f: {  	_ =	shalt  }
0x70: {  	_ =	shalt  }
0x71: {  	_ =	shalt  }
0x72: {  	_ =	shalt  }
0x73: {  	_ =	shalt  }
0x74: {  	_ =	shalt  }
0x75: {  	_ =	shalt  }
0x76: {  	_ =	shalt  }
0x77: {  	_ =	shalt  }
0x78: {  	_ =	shalt  }
0x79: {  	_ =	shalt  }
0x7a: {  	_ =	shalt  }
0x7b: {  	_ =	shalt  }
0x7c: {  	_ =	shalt  }
0x7d: {  	_ =	shalt  }
0x7e: {  	_ =	shalt  }
0x7f: {  	_ =	shalt  }
0x80: {  	_ =	shalt  }
0x81: {  	_ =	shalt  }
0x82: {  	_ =	shalt  }
0x83: {  	_ =	shalt  }
0x84: {  	_ =	shalt  }
0x85: {  	_ =	shalt  }
0x86: {  	_ =	shalt  }
0x87: {  	_ =	shalt  }
.Lfunc_end0:
.L_simem_size_0:
called_computation_lowered:
.L_overlay_start_0:
0x88: {  	s2 =	sld [smem:$0x3FD9]  }
0x89: {  	s3 =	sld [smem:$0x3FFE];
	_ =	sdelay $0x1  }
0x8a: {  	s1 =	srdreg.scid  }
0x8b: {  	s0 =	sand.u32 $0x1, s1  }
0x8c: {  	s17 =	sshll.u32 s0, $0xA;
	s2 =	sadd.s32 s3, s2  }
0x8d: {  	s2 =	sadd.s32 s2, s17  }
0x8e: {  	[smem:$0x3FC3] =	sst s2  }
0x8f: {  	_ = 	snop  }
0x90: {  	s2 =	sld [smem:$0x3FD0];
	(tm) =	ssettm $0x1  }
0x91: {  	s18 =	sld [smem:$0x3FFB];
	_ =	sdelay $0x3  }
0x92: {  	_ =	strace s18  }
0x93: {  	s3 =	sld [smem:$0x3FFC];
	_ =	sdelay $0x3  }
0x94: {  	_ =	strace s3  }
0x95: {  	s3 =	sld [smem:$0x3FFD];
	_ =	sdelay $0x3  }
0x96: {  	_ =	strace s3  }
0x97: {  	_ =	strace $0x8FFFFFFF  }
0x98: {  	s19 =	sld [smem:$0x3FDB];
	_ =	sdelay $0x1  }
0x99: {  	s4 =	simm.s32 $_scs_section_size  }
0x9a: {  	s5 =	simm.s32 $_size__tile_overlayer_lowered;
	s6 =	simm.s32 $_tile_overlayer_lowered  }
0x9b: {  	s22 =	simm.s32 $0x1BFF;
	s21 =	sshll.u32 s6, $0x1;
	s3 =	sadd.s32 s4, s19  }
0x9c: {  	s7 =	simm.s32 $0x0;
	s20 =	sshll.u32 s5, $0x1;
	s5 =	sadd.s32 s21, s3  }
0x9d: {  	[timem:s7], [sflag:s22] =	dma.local [hbm:s5], s20  }
0x9e: {  	_ =	swait.ge [sflag:s22], s20  }
0x9f: {  	s4 =	ssub.s32 $0x0, s20;
	[sflag:s22] =	ssyncset.done $0x0  }
0xa0: {  	[sflag:s22] =	ssyncadd.s32 s4;
	_ =	sdelay $0x1  }
0xa1: {  	s23 =	simm.s32 $0x1B8B  }
0xa2: {  	_ =	swait.ge [sflag:s23], $0x1  }
0xa3: {  	[sflag:s23] =	ssyncset.done $0x0  }
0xa4: {  	s25 =	simm.s32 $0x1B8E;
	s24 =	sld [smem:$0x3FFE];
	[sflag:s23] =	ssyncadd.s32 $0xFFFFFFFF  }
0xa5: {  	s26 =	simm.s32 $execute0_lowered;
	[smem:$0x3FD2] =	sst s25  }
0xa6: {  	s5 =	sshll.u32 s26, $0x1;
	_ =	strace $0x80000046;
	[dreg:$0x1] =	wrdreg $0xFFFFFFFF  }
0xa7: {  	s28 =	simm.s32 $_size_execute0_lowered;
	s3 =	sadd.s32 s3, s5;
	[dreg:$0x0] =	wrdreg $0x0  }
0xa8: {  	s5 =	sshll.u32 s28, $0x1;
	[dreg:$0x2] =	wrdreg s3  }
0xa9: {  	[dreg:$0x3] =	wrdreg s5  }
0xaa: {  	[dreg:$0x4] =	wrdreg $0xC0  }
0xab: {  	_ =	task [dreg:s7], $0x5FFFF  }
0xac: {  	[dreg:$0x1] =	wrdreg $0xFFFFFFFF  }
0xad: {  	[dreg:$0x0] =	wrdreg $0x60  }
0xae: {  	[dreg:$0x2] =	wrdreg s2  }
0xaf: {  	[dreg:$0x3] =	wrdreg s24  }
0xb0: {  	[dreg:$0x4] =	wrdreg $0x9  }
0xb1: {  	_ =	task.clear_ibuf [dreg:s7], $0x5FFFF;
	_ =	strace $0x90000046  }
0xb2: {  	s29 =	simm.s32 $0x9;
	_ =	strace $0x80000048  }
0xb3: {  	_ =	swait.ge [sflag:s29], $0x1  }
0xb4: {  	[sflag:s29] =	ssyncadd.s32 $0xFFFFFFFF  }
0xb5: {  	_ =	strace $0x90000048  }
0xb6: {  	_ =	sfence  }
0xb7: {  	s30 =	sld [smem:$0x0];
	_ =	sdelay $0x2  }
0xb8: {  	s31 =	sshll.u32 s1, $0xD;
	s1 =	sshrl.u32 s1, $0x2  }
0xb9: {  	s3 =	sand.u32 $0x4000, s31;
	s1 =	sadd.s32 s1, s30  }
0xba: {  	s0 =	sor.u32 s3, s0;
	s1 =	sshll.u32 s1, $0x11  }
0xbb: {  	s0 =	sor.u32 s1, s0  }
0xbc: {  	s0 =	sadd.s32 $0x8F2B, s0  }
0xbd: {  	[sflag:s0] =	ssyncadd.remote.s32 $0x1  }
0xbe: {  	_ =	sfence.sel $0xFFFF  }
0xbf: {  	[dreg:$0x0] =	wrdreg $0xFFFFFFFF;
	(pc) =	sbr.abs _section_cstart, $3  }
0xc0: {  	[dreg:$0x1] =	wrdreg $0xFFFFFFFF  }
0xc1: {  	_ =	task.clear_ibuf [dreg:s7], $0x2FFFF;
	_ =	strace $0x9FFFFFFF  }
0xc2: {  	(tm) =	ssettm $0x7FFFFFFF  }
0xc3: {  	_ =	shalt  }
tec
execute0_lowered:
.L_overlay_start_1:
0x0: {  	(tag) =	ssettag $0x1  }
0x1: {  	s0 =	rddreg [dreg:$0x0]  }
0x2: {  	s1 =	rddreg [dreg:$0x1]  }
0x3: {  	s10 =	rddreg [dreg:$0x2];
	s3 =	simm.s32 $0x0  }
0x4: {  	s2 =	srdreg.scid;
	s4 =	stileid.u32;
	p0 =	por $0x0, $0x0  }
0x5: {  	[smem:$0x7FF] =	sst s3;
	s6 =	sand.u32 $0x1, s2;
	s22 =	sshll.u32 s4, $0x1  }
0x6: {  	s4 =	sadd.s32 $0x1000, s1;
	s2 =	sadd.s32 $0x5000, s1;
	s5 =	sor.u32 s6, s22  }
0x7: {  	_ =	strace $0x80000047;
	s6 =	ssub.s32 $0x2, s6;
	s23 =	sshll.u32 s5, $0x10  }
0x8: {  	s7 =	sshll.u32 s5, $0x9;
	s5 =	sshll.u32 s5, $0xC;
	s15 =	sshrl.u32 s6, $0x1  }
0x9: {  	s1 =	sadd.s32 s0, s23;
	s24 =	sadd.s32 s4, s7;
	s25 =	sor.u32 $0x100, s5  }
0xa: {  	s8 =	sor.u32 $0x200, s5;
	s14 =	sor.u32 $0x300, s5;
	s22 =	sor.u32 $0x500, s5  }
0xb: {  	s6 =	ssub.s32 s6, s15;
	s15 =	sor.u32 $0x800, s5;
	[dreg:$0x3] =	wrdreg s1  }
0xc: {  	[dreg:$0x4] =	wrdreg s24;
	s26 =	sshll.u32 s25, $0x4;
	s7 =	sshrl.u32 s25, $0x3  }
0xd: {  	s9 =	sshll.u32 s8, $0x4;
	s12 =	sshrl.u32 s8, $0x3;
	s16 =	sshll.u32 s14, $0x4  }
0xe: {  	s23 =	sshll.u32 s22, $0x4;
	s24 =	sor.u32 $0x600, s5;
	s1 =	sadd.s32 s0, s26  }
0xf: {  	s8 =	simm.s32 $0x10000;
	s7 =	sadd.s32 s4, s7;
	[dreg:$0x5] =	wrdreg s1  }
0x10: {  	s11 =	sadd.s32 s0, s9;
	s13 =	sadd.s32 s4, s12;
	[dreg:$0x6] =	wrdreg s7  }
0x11: {  	s9 =	sor.u32 $0x400, s5;
	s26 =	sshll.u32 s24, $0x4;
	[dreg:$0x7] =	wrdreg s11  }
0x12: {  	[dreg:$0x8] =	wrdreg s13;
	s1 =	sadd.s32 s0, s16;
	s7 =	sshrl.u32 s14, $0x3  }
0x13: {  	s18 =	sshll.u32 s9, $0x4;
	s20 =	sshrl.u32 s9, $0x3;
	s9 =	sadd.s32 s0, s26  }
0x14: {  	s11 =	sshrl.u32 s24, $0x3;
	s13 =	sor.u32 $0x700, s5;
	s16 =	sshll.u32 s15, $0x4  }
0x15: {  	[dreg:$0x9] =	wrdreg s1;
	s17 =	sadd.s32 s4, s7;
	s19 =	sadd.s32 s0, s18  }
0x16: {  	s21 =	sadd.s32 s4, s20;
	s1 =	sadd.s32 s0, s23;
	[dreg:$0xf] =	wrdreg s9  }
0x17: {  	s7 =	sshrl.u32 s22, $0x3;
	s12 =	sadd.s32 s4, s11;
	[dreg:$0xa] =	wrdreg s17  }
0x18: {  	s14 =	sshll.u32 s13, $0x4;
	s28 =	sadd.s32 s0, s16;
	[dreg:$0xb] =	wrdreg s19  }
0x19: {  	s18 =	sor.u32 $0x900, s5;
	s20 =	sor.u32 $0xA00, s5;
	[dreg:$0xc] =	wrdreg s21  }
0x1a: {  	s22 =	sor.u32 $0xB00, s5;
	s16 =	sor.u32 $0xE00, s5;
	[dreg:$0xd] =	wrdreg s1  }
0x1b: {  	s25 =	sadd.s32 s4, s7;
	[dreg:$0x10] =	wrdreg s12;
	s1 =	sshrl.u32 s13, $0x3  }
0x1c: {  	s30 =	sadd.s32 s0, s14;
	s17 =	sshrl.u32 s15, $0x3;
	s19 =	sshll.u32 s18, $0x4  }
0x1d: {  	s7 =	sshrl.u32 s18, $0x3;
	s21 =	sshll.u32 s20, $0x4;
	s9 =	sshll.u32 s22, $0x4  }
0x1e: {  	s11 =	sshrl.u32 s22, $0x3;
	s12 =	sor.u32 $0xC00, s5;
	s14 =	sor.u32 $0xD00, s5  }
0x1f: {  	s5 =	sor.u32 $0xF00, s5;
	[dreg:$0xe] =	wrdreg s25;
	s31 =	sadd.s32 s4, s1  }
0x20: {  	s29 =	sadd.s32 s4, s17;
	s25 =	sadd.s32 s0, s19;
	s26 =	sadd.s32 s4, s7  }
0x21: {  	s1 =	sshrl.u32 s20, $0x3;
	s23 =	sadd.s32 s0, s21;
	s21 =	sadd.s32 s0, s9  }
0x22: {  	s22 =	sadd.s32 s4, s11;
	s13 =	sshll.u32 s12, $0x4;
	s7 =	sshrl.u32 s12, $0x3  }
0x23: {  	s15 =	sshll.u32 s14, $0x4;
	s9 =	sshll.u32 s16, $0x4;
	s11 =	sshrl.u32 s16, $0x3  }
0x24: {  	s12 =	sshll.u32 s5, $0x4;
	s5 =	sshrl.u32 s5, $0x3;
	s24 =	sadd.s32 s4, s1  }
0x25: {  	s19 =	sadd.s32 s0, s13;
	s20 =	sadd.s32 s4, s7;
	s13 =	smax.u32 s6, $0x1  }
0x26: {  	s1 =	sshrl.u32 s14, $0x3;
	s17 =	sadd.s32 s0, s15;
	p1 =	sne.s32 s13, $0x1  }
.Ltmp0:
0x27: {  	s15 =	sadd.s32 s0, s9;
	s16 =	sadd.s32 s4, s11;
	(pc) =	sbr.rel @!p1 .LBB2_5-.Ltmp0, $4  }
0x28: {  	s11 =	sadd.s32 s0, s12;
	s14 =	sadd.s32 s4, s5;
	s5 =	simm.s32 $0x10100  }
0x29: {  	s6 =	simm.s32 $0x100;
	s12 =	simm.s32 $0x3;
	s9 =	simm.s32 $0x2  }
0x2a: {  	s7 =	simm.s32 $0x4;
	s18 =	sadd.s32 s4, s1;
	s4 =	simm.s32 $0x8000  }
0x2b: {  	s0 =	sadd.s32 $0xFFFFFFFF, s13;
	s13 =	simm.s32 $0x1;
	s1 =	rddreg [dreg:$0x3]  }
0x2c: {  	[tilespmem:s3], [sflag:$0x1] =	stream.linear.gather [hbm4b:s1+s3], $0x8000, $0x38;
	[tilespmem:$0x10200] =	vst v63  }
0x2d: {  	s10 =	smov.u32 s0;
	s0 =	rddreg [dreg:$0x4]  }
0x2e: {  	[tilespmem:s8], [sflag:$0x1] =	stream.linear.gather [hbm4b:s0+s3], $0x100, $0x38;
	[tilespmem:$0x10200] =	vst v63  }
0x2f: {  	s1 =	rddreg [dreg:$0x5]  }
0x30: {  	[tilespmem:s4], [sflag:$0x2] =	stream.linear.gather [hbm4b:s1+s3], $0x8000, $0x38;
	[tilespmem:$0x10200] =	vst v63  }
0x31: {  	s0 =	rddreg [dreg:$0x6]  }
0x32: {  	[tilespmem:s5], [sflag:$0x2] =	stream.linear.gather [hbm4b:s0+s3], $0x100, $0x38;
	[tilespmem:$0x10200] =	vst v63  }
0x33: {  	_ =	swait.ge [sflag:s13], $0x8000  }
0x34: {  	[sflag:s13] =	ssyncset.done $0x0  }
0x35: {  	[sflag:s13] =	ssyncadd.s32 $0xFFFF8000  }
0x36: {  	_ =	swait.ge [sflag:s13], $0x100  }
0x37: {  	[sflag:s13] =	ssyncset.done $0x0  }
0x38: {  	[sflag:s13] =	ssyncadd.s32 $0xFFFFFF00  }
0x39: {  	[hbm4b:s2+s6] =	stream.indirect.scatter [tilespmem:s3], [sflag:$0x3], $0x80, s8, s6, $0xb8;
	[tilespmem:$0x10200] =	vst v63  }
0x3a: {  	_ =	swait.ge [sflag:s12], $0x8000  }
0x3b: {  	[sflag:s12] =	ssyncset.done $0x0  }
0x3c: {  	s0 =	rddreg [dreg:$0x7];
	[sflag:s12] =	ssyncadd.s32 $0xFFFF8000  }
0x3d: {  	[tilespmem:s3], [sflag:$0x1] =	stream.linear.gather [hbm4b:s0+s3], $0x8000, $0x38;
	[tilespmem:$0x10200] =	vst v63  }
0x3e: {  	s1 =	rddreg [dreg:$0x8]  }
0x3f: {  	[tilespmem:s8], [sflag:$0x1] =	stream.linear.gather [hbm4b:s1+s3], $0x100, $0x38;
	[tilespmem:$0x10200] =	vst v63  }
0x40: {  	_ =	swait.ge [sflag:s9], $0x8000  }
0x41: {  	[sflag:s9] =	ssyncset.done $0x0  }
0x42: {  	[sflag:s9] =	ssyncadd.s32 $0xFFFF8000  }
0x43: {  	_ =	swait.ge [sflag:s9], $0x100  }
0x44: {  	[sflag:s9] =	ssyncset.done $0x0  }
0x45: {  	[sflag:s9] =	ssyncadd.s32 $0xFFFFFF00  }
0x46: {  	[hbm4b:s2+s6] =	stream.indirect.scatter [tilespmem:s4], [sflag:$0x4], $0x80, s5, s6, $0xb8;
	[tilespmem:$0x10200] =	vst v63  }
0x47: {  	_ =	swait.ge [sflag:s7], $0x8000  }
0x48: {  	[sflag:s7] =	ssyncset.done $0x0  }
0x49: {  	s0 =	rddreg [dreg:$0x9];
	[sflag:s7] =	ssyncadd.s32 $0xFFFF8000  }
0x4a: {  	[tilespmem:s4], [sflag:$0x2] =	stream.linear.gather [hbm4b:s0+s3], $0x8000, $0x38;
	[tilespmem:$0x10200] =	vst v63  }
0x4b: {  	s1 =	rddreg [dreg:$0xa]  }
0x4c: {  	[tilespmem:s5], [sflag:$0x2] =	stream.linear.gather [hbm4b:s1+s3], $0x100, $0x38;
	[tilespmem:$0x10200] =	vst v63  }
0x4d: {  	_ =	swait.ge [sflag:s13], $0x8000  }
0x4e: {  	[sflag:s13] =	ssyncset.done $0x0  }
0x4f: {  	[sflag:s13] =	ssyncadd.s32 $0xFFFF8000  }
0x50: {  	_ =	swait.ge [sflag:s13], $0x100  }
0x51: {  	[sflag:s13] =	ssyncset.done $0x0  }
0x52: {  	[sflag:s13] =	ssyncadd.s32 $0xFFFFFF00  }
0x53: {  	[hbm4b:s2+s6] =	stream.indirect.scatter [tilespmem:s3], [sflag:$0x3], $0x80, s8, s6, $0xb8;
	[tilespmem:$0x10200] =	vst v63  }
0x54: {  	_ =	swait.ge [sflag:s12], $0x8000  }
0x55: {  	[sflag:s12] =	ssyncset.done $0x0  }
0x56: {  	s0 =	rddreg [dreg:$0xb];
	[sflag:s12] =	ssyncadd.s32 $0xFFFF8000  }
0x57: {  	[tilespmem:s3], [sflag:$0x1] =	stream.linear.gather [hbm4b:s0+s3], $0x8000, $0x38;
	[tilespmem:$0x10200] =	vst v63  }
0x58: {  	s1 =	rddreg [dreg:$0xc]  }
0x59: {  	[tilespmem:s8], [sflag:$0x1] =	stream.linear.gather [hbm4b:s1+s3], $0x100, $0x38;
	[tilespmem:$0x10200] =	vst v63  }
0x5a: {  	_ =	swait.ge [sflag:s9], $0x8000  }
0x5b: {  	[sflag:s9] =	ssyncset.done $0x0  }
0x5c: {  	[sflag:s9] =	ssyncadd.s32 $0xFFFF8000  }
0x5d: {  	_ =	swait.ge [sflag:s9], $0x100  }
0x5e: {  	[sflag:s9] =	ssyncset.done $0x0  }
0x5f: {  	[sflag:s9] =	ssyncadd.s32 $0xFFFFFF00  }
0x60: {  	[hbm4b:s2+s6] =	stream.indirect.scatter [tilespmem:s4], [sflag:$0x4], $0x80, s5, s6, $0xb8;
	[tilespmem:$0x10200] =	vst v63  }
0x61: {  	_ =	swait.ge [sflag:s7], $0x8000  }
0x62: {  	[sflag:s7] =	ssyncset.done $0x0  }
0x63: {  	s0 =	rddreg [dreg:$0xd];
	[sflag:s7] =	ssyncadd.s32 $0xFFFF8000  }
0x64: {  	[tilespmem:s4], [sflag:$0x2] =	stream.linear.gather [hbm4b:s0+s3], $0x8000, $0x38;
	[tilespmem:$0x10200] =	vst v63  }
0x65: {  	s1 =	rddreg [dreg:$0xe]  }
0x66: {  	[tilespmem:s5], [sflag:$0x2] =	stream.linear.gather [hbm4b:s1+s3], $0x100, $0x38;
	[tilespmem:$0x10200] =	vst v63  }
0x67: {  	_ =	swait.ge [sflag:s13], $0x8000  }
0x68: {  	[sflag:s13] =	ssyncset.done $0x0  }
0x69: {  	[sflag:s13] =	ssyncadd.s32 $0xFFFF8000  }
0x6a: {  	_ =	swait.ge [sflag:s13], $0x100  }
0x6b: {  	[sflag:s13] =	ssyncset.done $0x0  }
0x6c: {  	[sflag:s13] =	ssyncadd.s32 $0xFFFFFF00  }
0x6d: {  	[hbm4b:s2+s6] =	stream.indirect.scatter [tilespmem:s3], [sflag:$0x3], $0x80, s8, s6, $0xb8;
	[tilespmem:$0x10200] =	vst v63  }
0x6e: {  	_ =	swait.ge [sflag:s12], $0x8000  }
0x6f: {  	[sflag:s12] =	ssyncset.done $0x0  }
0x70: {  	s1 =	rddreg [dreg:$0xf];
	[sflag:s12] =	ssyncadd.s32 $0xFFFF8000  }
0x71: {  	[tilespmem:s3], [sflag:$0x1] =	stream.linear.gather [hbm4b:s1+s3], $0x8000, $0x38;
	[tilespmem:$0x10200] =	vst v63  }
0x72: {  	s1 =	rddreg [dreg:$0x10]  }
0x73: {  	[tilespmem:s8], [sflag:$0x1] =	stream.linear.gather [hbm4b:s1+s3], $0x100, $0x38;
	[tilespmem:$0x10200] =	vst v63  }
0x74: {  	_ =	swait.ge [sflag:s9], $0x8000  }
0x75: {  	[sflag:s9] =	ssyncset.done $0x0  }
0x76: {  	[sflag:s9] =	ssyncadd.s32 $0xFFFF8000  }
0x77: {  	_ =	swait.ge [sflag:s9], $0x100  }
0x78: {  	[sflag:s9] =	ssyncset.done $0x0  }
0x79: {  	[sflag:s9] =	ssyncadd.s32 $0xFFFFFF00  }
0x7a: {  	[hbm4b:s2+s6] =	stream.indirect.scatter [tilespmem:s4], [sflag:$0x4], $0x80, s5, s6, $0xb8;
	[tilespmem:$0x10200] =	vst v63  }
0x7b: {  	_ =	swait.ge [sflag:s7], $0x8000  }
0x7c: {  	[sflag:s7] =	ssyncset.done $0x0  }
0x7d: {  	[sflag:s7] =	ssyncadd.s32 $0xFFFF8000  }
0x7e: {  	[tilespmem:s4], [sflag:$0x2] =	stream.linear.gather [hbm4b:s30+s3], $0x8000, $0x38;
	[tilespmem:$0x10200] =	vst v63  }
0x7f: {  	_ = 	snop  }
0x80: {  	[tilespmem:s5], [sflag:$0x2] =	stream.linear.gather [hbm4b:s31+s3], $0x100, $0x38;
	[tilespmem:$0x10200] =	vst v63  }
0x81: {  	_ =	swait.ge [sflag:s13], $0x8000  }
0x82: {  	[sflag:s13] =	ssyncset.done $0x0  }
0x83: {  	[sflag:s13] =	ssyncadd.s32 $0xFFFF8000  }
0x84: {  	_ =	swait.ge [sflag:s13], $0x100  }
0x85: {  	[sflag:s13] =	ssyncset.done $0x0  }
0x86: {  	[sflag:s13] =	ssyncadd.s32 $0xFFFFFF00  }
0x87: {  	[hbm4b:s2+s6] =	stream.indirect.scatter [tilespmem:s3], [sflag:$0x3], $0x80, s8, s6, $0xb8;
	[tilespmem:$0x10200] =	vst v63  }
0x88: {  	_ =	swait.ge [sflag:s12], $0x8000  }
0x89: {  	[sflag:s12] =	ssyncset.done $0x0  }
0x8a: {  	[sflag:s12] =	ssyncadd.s32 $0xFFFF8000  }
0x8b: {  	[tilespmem:s3], [sflag:$0x1] =	stream.linear.gather [hbm4b:s28+s3], $0x8000, $0x38;
	[tilespmem:$0x10200] =	vst v63  }
0x8c: {  	_ = 	snop  }
0x8d: {  	[tilespmem:s8], [sflag:$0x1] =	stream.linear.gather [hbm4b:s29+s3], $0x100, $0x38;
	[tilespmem:$0x10200] =	vst v63  }
0x8e: {  	_ =	swait.ge [sflag:s9], $0x8000  }
0x8f: {  	[sflag:s9] =	ssyncset.done $0x0  }
0x90: {  	[sflag:s9] =	ssyncadd.s32 $0xFFFF8000  }
0x91: {  	_ =	swait.ge [sflag:s9], $0x100  }
0x92: {  	[sflag:s9] =	ssyncset.done $0x0  }
0x93: {  	[sflag:s9] =	ssyncadd.s32 $0xFFFFFF00  }
0x94: {  	[hbm4b:s2+s6] =	stream.indirect.scatter [tilespmem:s4], [sflag:$0x4], $0x80, s5, s6, $0xb8;
	[tilespmem:$0x10200] =	vst v63  }
0x95: {  	_ =	swait.ge [sflag:s7], $0x8000  }
0x96: {  	[sflag:s7] =	ssyncset.done $0x0  }
0x97: {  	[sflag:s7] =	ssyncadd.s32 $0xFFFF8000  }
0x98: {  	[tilespmem:s4], [sflag:$0x2] =	stream.linear.gather [hbm4b:s25+s3], $0x8000, $0x38;
	[tilespmem:$0x10200] =	vst v63  }
0x99: {  	_ = 	snop  }
0x9a: {  	[tilespmem:s5], [sflag:$0x2] =	stream.linear.gather [hbm4b:s26+s3], $0x100, $0x38;
	[tilespmem:$0x10200] =	vst v63  }
0x9b: {  	_ =	swait.ge [sflag:s13], $0x8000  }
0x9c: {  	[sflag:s13] =	ssyncset.done $0x0  }
0x9d: {  	[sflag:s13] =	ssyncadd.s32 $0xFFFF8000  }
0x9e: {  	_ =	swait.ge [sflag:s13], $0x100  }
0x9f: {  	[sflag:s13] =	ssyncset.done $0x0  }
0xa0: {  	[sflag:s13] =	ssyncadd.s32 $0xFFFFFF00  }
0xa1: {  	[hbm4b:s2+s6] =	stream.indirect.scatter [tilespmem:s3], [sflag:$0x3], $0x80, s8, s6, $0xb8;
	[tilespmem:$0x10200] =	vst v63  }
0xa2: {  	_ =	swait.ge [sflag:s12], $0x8000  }
0xa3: {  	[sflag:s12] =	ssyncset.done $0x0  }
0xa4: {  	[sflag:s12] =	ssyncadd.s32 $0xFFFF8000  }
0xa5: {  	[tilespmem:s3], [sflag:$0x1] =	stream.linear.gather [hbm4b:s23+s3], $0x8000, $0x38;
	[tilespmem:$0x10200] =	vst v63  }
0xa6: {  	_ = 	snop  }
0xa7: {  	[tilespmem:s8], [sflag:$0x1] =	stream.linear.gather [hbm4b:s24+s3], $0x100, $0x38;
	[tilespmem:$0x10200] =	vst v63  }
0xa8: {  	_ =	swait.ge [sflag:s9], $0x8000  }
0xa9: {  	[sflag:s9] =	ssyncset.done $0x0  }
0xaa: {  	[sflag:s9] =	ssyncadd.s32 $0xFFFF8000  }
0xab: {  	_ =	swait.ge [sflag:s9], $0x100  }
0xac: {  	[sflag:s9] =	ssyncset.done $0x0  }
0xad: {  	[sflag:s9] =	ssyncadd.s32 $0xFFFFFF00  }
0xae: {  	[hbm4b:s2+s6] =	stream.indirect.scatter [tilespmem:s4], [sflag:$0x4], $0x80, s5, s6, $0xb8;
	[tilespmem:$0x10200] =	vst v63  }
0xaf: {  	_ =	swait.ge [sflag:s7], $0x8000  }
0xb0: {  	[sflag:s7] =	ssyncset.done $0x0  }
0xb1: {  	[sflag:s7] =	ssyncadd.s32 $0xFFFF8000  }
0xb2: {  	[tilespmem:s4], [sflag:$0x2] =	stream.linear.gather [hbm4b:s21+s3], $0x8000, $0x38;
	[tilespmem:$0x10200] =	vst v63  }
0xb3: {  	_ = 	snop  }
0xb4: {  	[tilespmem:s5], [sflag:$0x2] =	stream.linear.gather [hbm4b:s22+s3], $0x100, $0x38;
	[tilespmem:$0x10200] =	vst v63  }
0xb5: {  	_ =	swait.ge [sflag:s13], $0x8000  }
0xb6: {  	[sflag:s13] =	ssyncset.done $0x0  }
0xb7: {  	[sflag:s13] =	ssyncadd.s32 $0xFFFF8000  }
0xb8: {  	_ =	swait.ge [sflag:s13], $0x100  }
0xb9: {  	[sflag:s13] =	ssyncset.done $0x0  }
0xba: {  	[sflag:s13] =	ssyncadd.s32 $0xFFFFFF00  }
0xbb: {  	[hbm4b:s2+s6] =	stream.indirect.scatter [tilespmem:s3], [sflag:$0x3], $0x80, s8, s6, $0xb8;
	[tilespmem:$0x10200] =	vst v63  }
0xbc: {  	_ =	swait.ge [sflag:s12], $0x8000  }
0xbd: {  	[sflag:s12] =	ssyncset.done $0x0  }
0xbe: {  	[sflag:s12] =	ssyncadd.s32 $0xFFFF8000  }
0xbf: {  	[tilespmem:s3], [sflag:$0x1] =	stream.linear.gather [hbm4b:s19+s3], $0x8000, $0x38;
	[tilespmem:$0x10200] =	vst v63  }
0xc0: {  	_ = 	snop  }
0xc1: {  	[tilespmem:s8], [sflag:$0x1] =	stream.linear.gather [hbm4b:s20+s3], $0x100, $0x38;
	[tilespmem:$0x10200] =	vst v63  }
0xc2: {  	_ =	swait.ge [sflag:s9], $0x8000  }
0xc3: {  	[sflag:s9] =	ssyncset.done $0x0  }
0xc4: {  	[sflag:s9] =	ssyncadd.s32 $0xFFFF8000  }
0xc5: {  	_ =	swait.ge [sflag:s9], $0x100  }
0xc6: {  	[sflag:s9] =	ssyncset.done $0x0  }
0xc7: {  	[sflag:s9] =	ssyncadd.s32 $0xFFFFFF00  }
0xc8: {  	[hbm4b:s2+s6] =	stream.indirect.scatter [tilespmem:s4], [sflag:$0x4], $0x80, s5, s6, $0xb8;
	[tilespmem:$0x10200] =	vst v63  }
0xc9: {  	_ =	swait.ge [sflag:s7], $0x8000  }
0xca: {  	[sflag:s7] =	ssyncset.done $0x0  }
0xcb: {  	[sflag:s7] =	ssyncadd.s32 $0xFFFF8000  }
0xcc: {  	[tilespmem:s4], [sflag:$0x2] =	stream.linear.gather [hbm4b:s17+s3], $0x8000, $0x38;
	[tilespmem:$0x10200] =	vst v63  }
0xcd: {  	_ = 	snop  }
0xce: {  	[tilespmem:s5], [sflag:$0x2] =	stream.linear.gather [hbm4b:s18+s3], $0x100, $0x38;
	[tilespmem:$0x10200] =	vst v63  }
0xcf: {  	_ =	swait.ge [sflag:s13], $0x8000  }
0xd0: {  	[sflag:s13] =	ssyncset.done $0x0  }
0xd1: {  	[sflag:s13] =	ssyncadd.s32 $0xFFFF8000  }
0xd2: {  	_ =	swait.ge [sflag:s13], $0x100  }
0xd3: {  	[sflag:s13] =	ssyncset.done $0x0  }
0xd4: {  	[sflag:s13] =	ssyncadd.s32 $0xFFFFFF00  }
0xd5: {  	[hbm4b:s2+s6] =	stream.indirect.scatter [tilespmem:s3], [sflag:$0x3], $0x80, s8, s6, $0xb8;
	[tilespmem:$0x10200] =	vst v63  }
0xd6: {  	_ =	swait.ge [sflag:s12], $0x8000  }
0xd7: {  	[sflag:s12] =	ssyncset.done $0x0  }
0xd8: {  	[sflag:s12] =	ssyncadd.s32 $0xFFFF8000  }
0xd9: {  	[tilespmem:s3], [sflag:$0x1] =	stream.linear.gather [hbm4b:s15+s3], $0x8000, $0x38;
	[tilespmem:$0x10200] =	vst v63  }
0xda: {  	_ = 	snop  }
0xdb: {  	[tilespmem:s8], [sflag:$0x1] =	stream.linear.gather [hbm4b:s16+s3], $0x100, $0x38;
	[tilespmem:$0x10200] =	vst v63  }
0xdc: {  	_ =	swait.ge [sflag:s9], $0x8000  }
0xdd: {  	[sflag:s9] =	ssyncset.done $0x0  }
0xde: {  	[sflag:s9] =	ssyncadd.s32 $0xFFFF8000  }
0xdf: {  	_ =	swait.ge [sflag:s9], $0x100  }
0xe0: {  	[sflag:s9] =	ssyncset.done $0x0  }
0xe1: {  	[sflag:s9] =	ssyncadd.s32 $0xFFFFFF00  }
0xe2: {  	[hbm4b:s2+s6] =	stream.indirect.scatter [tilespmem:s4], [sflag:$0x4], $0x80, s5, s6, $0xb8;
	[tilespmem:$0x10200] =	vst v63  }
0xe3: {  	_ =	swait.ge [sflag:s7], $0x8000  }
0xe4: {  	[sflag:s7] =	ssyncset.done $0x0  }
0xe5: {  	[sflag:s7] =	ssyncadd.s32 $0xFFFF8000  }
0xe6: {  	[tilespmem:s4], [sflag:$0x2] =	stream.linear.gather [hbm4b:s11+s3], $0x8000, $0x38;
	[tilespmem:$0x10200] =	vst v63  }
0xe7: {  	_ = 	snop  }
0xe8: {  	[tilespmem:s5], [sflag:$0x2] =	stream.linear.gather [hbm4b:s14+s3], $0x100, $0x38;
	[tilespmem:$0x10200] =	vst v63  }
0xe9: {  	_ =	swait.ge [sflag:s13], $0x8000  }
0xea: {  	[sflag:s13] =	ssyncset.done $0x0  }
0xeb: {  	[sflag:s13] =	ssyncadd.s32 $0xFFFF8000  }
0xec: {  	_ =	swait.ge [sflag:s13], $0x100  }
0xed: {  	[sflag:s13] =	ssyncset.done $0x0  }
0xee: {  	[sflag:s13] =	ssyncadd.s32 $0xFFFFFF00  }
0xef: {  	[hbm4b:s2+s6] =	stream.indirect.scatter [tilespmem:s3], [sflag:$0x3], $0x80, s8, s6, $0xb8;
	[tilespmem:$0x10200] =	vst v63  }
0xf0: {  	_ =	swait.ge [sflag:s12], $0x8000  }
0xf1: {  	[sflag:s12] =	ssyncset.done $0x0  }
0xf2: {  	[sflag:s12] =	ssyncadd.s32 $0xFFFF8000  }
0xf3: {  	_ =	swait.ge [sflag:s9], $0x8000  }
0xf4: {  	[sflag:s9] =	ssyncset.done $0x0  }
0xf5: {  	[sflag:s9] =	ssyncadd.s32 $0xFFFF8000  }
0xf6: {  	p1 =	sne.s32 s10, $0x1;
	_ =	swait.ge [sflag:s9], $0x100  }
.Ltmp1:
0xf7: {  	[sflag:s9] =	ssyncset.done $0x0;
	(pc) =	sbr.rel @!p1 .LBB2_2-.Ltmp1, $4  }
0xf8: {  	[sflag:s9] =	ssyncadd.s32 $0xFFFFFF00  }
0xf9: {  	[hbm4b:s2+s6] =	stream.indirect.scatter [tilespmem:s4], [sflag:$0x4], $0x80, s5, s6, $0xb8;
	[tilespmem:$0x10200] =	vst v63  }
0xfa: {  	p0 =	por $0x1, $0x1;
	_ =	swait.ge [sflag:s7], $0x8000  }
0xfb: {  	s0 =	sadd.s32 $0xFFFFFFFF, s10;
	s1 =	rddreg [dreg:$0x3];
	[sflag:s7] =	ssyncset.done $0x0  }
.LBB2_3:
0xfc: {  	[sflag:s7] =	ssyncadd.s32 $0xFFFF8000  }
0xfd: {  	[tilespmem:s3], [sflag:$0x1] =	stream.linear.gather [hbm4b:s1+s3], $0x8000, $0x38;
	[tilespmem:$0x10200] =	vst v63  }
0xfe: {  	s10 =	rddreg [dreg:$0x4]  }
0xff: {  	[tilespmem:s8], [sflag:$0x1] =	stream.linear.gather [hbm4b:s10+s3], $0x100, $0x38;
	[tilespmem:$0x10200] =	vst v63  }
0x100: {  	s1 =	rddreg [dreg:$0x5]  }
0x101: {  	[tilespmem:s4], [sflag:$0x2] =	stream.linear.gather [hbm4b:s1+s3], $0x8000, $0x38;
	[tilespmem:$0x10200] =	vst v63  }
0x102: {  	s10 =	rddreg [dreg:$0x6]  }
0x103: {  	[tilespmem:s5], [sflag:$0x2] =	stream.linear.gather [hbm4b:s10+s3], $0x100, $0x38;
	[tilespmem:$0x10200] =	vst v63  }
0x104: {  	_ =	swait.ge [sflag:s13], $0x8000  }
0x105: {  	[sflag:s13] =	ssyncset.done $0x0  }
0x106: {  	[sflag:s13] =	ssyncadd.s32 $0xFFFF8000  }
0x107: {  	_ =	swait.ge [sflag:s13], $0x100  }
0x108: {  	[sflag:s13] =	ssyncset.done $0x0  }
0x109: {  	[sflag:s13] =	ssyncadd.s32 $0xFFFFFF00  }
0x10a: {  	[hbm4b:s2+s6] =	stream.indirect.scatter [tilespmem:s3], [sflag:$0x3], $0x80, s8, s6, $0xb8;
	[tilespmem:$0x10200] =	vst v63  }
0x10b: {  	_ =	swait.ge [sflag:s12], $0x8000  }
0x10c: {  	[sflag:s12] =	ssyncset.done $0x0  }
0x10d: {  	s1 =	rddreg [dreg:$0x7];
	[sflag:s12] =	ssyncadd.s32 $0xFFFF8000  }
0x10e: {  	[tilespmem:s3], [sflag:$0x1] =	stream.linear.gather [hbm4b:s1+s3], $0x8000, $0x38;
	[tilespmem:$0x10200] =	vst v63  }
0x10f: {  	s10 =	rddreg [dreg:$0x8]  }
0x110: {  	[tilespmem:s8], [sflag:$0x1] =	stream.linear.gather [hbm4b:s10+s3], $0x100, $0x38;
	[tilespmem:$0x10200] =	vst v63  }
0x111: {  	_ =	swait.ge [sflag:s9], $0x8000  }
0x112: {  	[sflag:s9] =	ssyncset.done $0x0  }
0x113: {  	[sflag:s9] =	ssyncadd.s32 $0xFFFF8000  }
0x114: {  	_ =	swait.ge [sflag:s9], $0x100  }
0x115: {  	[sflag:s9] =	ssyncset.done $0x0  }
0x116: {  	[sflag:s9] =	ssyncadd.s32 $0xFFFFFF00  }
0x117: {  	[hbm4b:s2+s6] =	stream.indirect.scatter [tilespmem:s4], [sflag:$0x4], $0x80, s5, s6, $0xb8;
	[tilespmem:$0x10200] =	vst v63  }
0x118: {  	_ =	swait.ge [sflag:s7], $0x8000  }
0x119: {  	[sflag:s7] =	ssyncset.done $0x0  }
0x11a: {  	s1 =	rddreg [dreg:$0x9];
	[sflag:s7] =	ssyncadd.s32 $0xFFFF8000  }
0x11b: {  	[tilespmem:s4], [sflag:$0x2] =	stream.linear.gather [hbm4b:s1+s3], $0x8000, $0x38;
	[tilespmem:$0x10200] =	vst v63  }
0x11c: {  	s10 =	rddreg [dreg:$0xa]  }
0x11d: {  	[tilespmem:s5], [sflag:$0x2] =	stream.linear.gather [hbm4b:s10+s3], $0x100, $0x38;
	[tilespmem:$0x10200] =	vst v63  }
0x11e: {  	_ =	swait.ge [sflag:s13], $0x8000  }
0x11f: {  	[sflag:s13] =	ssyncset.done $0x0  }
0x120: {  	[sflag:s13] =	ssyncadd.s32 $0xFFFF8000  }
0x121: {  	_ =	swait.ge [sflag:s13], $0x100  }
0x122: {  	[sflag:s13] =	ssyncset.done $0x0  }
0x123: {  	[sflag:s13] =	ssyncadd.s32 $0xFFFFFF00  }
0x124: {  	[hbm4b:s2+s6] =	stream.indirect.scatter [tilespmem:s3], [sflag:$0x3], $0x80, s8, s6, $0xb8;
	[tilespmem:$0x10200] =	vst v63  }
0x125: {  	_ =	swait.ge [sflag:s12], $0x8000  }
0x126: {  	[sflag:s12] =	ssyncset.done $0x0  }
0x127: {  	s1 =	rddreg [dreg:$0xb];
	[sflag:s12] =	ssyncadd.s32 $0xFFFF8000  }
0x128: {  	[tilespmem:s3], [sflag:$0x1] =	stream.linear.gather [hbm4b:s1+s3], $0x8000, $0x38;
	[tilespmem:$0x10200] =	vst v63  }
0x129: {  	s10 =	rddreg [dreg:$0xc]  }
0x12a: {  	[tilespmem:s8], [sflag:$0x1] =	stream.linear.gather [hbm4b:s10+s3], $0x100, $0x38;
	[tilespmem:$0x10200] =	vst v63  }
0x12b: {  	_ =	swait.ge [sflag:s9], $0x8000  }
0x12c: {  	[sflag:s9] =	ssyncset.done $0x0  }
0x12d: {  	[sflag:s9] =	ssyncadd.s32 $0xFFFF8000  }
0x12e: {  	_ =	swait.ge [sflag:s9], $0x100  }
0x12f: {  	[sflag:s9] =	ssyncset.done $0x0  }
0x130: {  	[sflag:s9] =	ssyncadd.s32 $0xFFFFFF00  }
0x131: {  	[hbm4b:s2+s6] =	stream.indirect.scatter [tilespmem:s4], [sflag:$0x4], $0x80, s5, s6, $0xb8;
	[tilespmem:$0x10200] =	vst v63  }
0x132: {  	_ =	swait.ge [sflag:s7], $0x8000  }
0x133: {  	[sflag:s7] =	ssyncset.done $0x0  }
0x134: {  	s1 =	rddreg [dreg:$0xd];
	[sflag:s7] =	ssyncadd.s32 $0xFFFF8000  }
0x135: {  	[tilespmem:s4], [sflag:$0x2] =	stream.linear.gather [hbm4b:s1+s3], $0x8000, $0x38;
	[tilespmem:$0x10200] =	vst v63  }
0x136: {  	s10 =	rddreg [dreg:$0xe]  }
0x137: {  	[tilespmem:s5], [sflag:$0x2] =	stream.linear.gather [hbm4b:s10+s3], $0x100, $0x38;
	[tilespmem:$0x10200] =	vst v63  }
0x138: {  	_ =	swait.ge [sflag:s13], $0x8000  }
0x139: {  	[sflag:s13] =	ssyncset.done $0x0  }
0x13a: {  	[sflag:s13] =	ssyncadd.s32 $0xFFFF8000  }
0x13b: {  	_ =	swait.ge [sflag:s13], $0x100  }
0x13c: {  	[sflag:s13] =	ssyncset.done $0x0  }
0x13d: {  	[sflag:s13] =	ssyncadd.s32 $0xFFFFFF00  }
0x13e: {  	[hbm4b:s2+s6] =	stream.indirect.scatter [tilespmem:s3], [sflag:$0x3], $0x80, s8, s6, $0xb8;
	[tilespmem:$0x10200] =	vst v63  }
0x13f: {  	_ =	swait.ge [sflag:s12], $0x8000  }
0x140: {  	[sflag:s12] =	ssyncset.done $0x0  }
0x141: {  	s10 =	rddreg [dreg:$0xf];
	[sflag:s12] =	ssyncadd.s32 $0xFFFF8000  }
0x142: {  	[tilespmem:s3], [sflag:$0x1] =	stream.linear.gather [hbm4b:s10+s3], $0x8000, $0x38;
	[tilespmem:$0x10200] =	vst v63  }
0x143: {  	s10 =	rddreg [dreg:$0x10]  }
0x144: {  	[tilespmem:s8], [sflag:$0x1] =	stream.linear.gather [hbm4b:s10+s3], $0x100, $0x38;
	[tilespmem:$0x10200] =	vst v63  }
0x145: {  	_ =	swait.ge [sflag:s9], $0x8000  }
0x146: {  	[sflag:s9] =	ssyncset.done $0x0  }
0x147: {  	[sflag:s9] =	ssyncadd.s32 $0xFFFF8000  }
0x148: {  	_ =	swait.ge [sflag:s9], $0x100  }
0x149: {  	[sflag:s9] =	ssyncset.done $0x0  }
0x14a: {  	[sflag:s9] =	ssyncadd.s32 $0xFFFFFF00  }
0x14b: {  	[hbm4b:s2+s6] =	stream.indirect.scatter [tilespmem:s4], [sflag:$0x4], $0x80, s5, s6, $0xb8;
	[tilespmem:$0x10200] =	vst v63  }
0x14c: {  	_ =	swait.ge [sflag:s7], $0x8000  }
0x14d: {  	[sflag:s7] =	ssyncset.done $0x0  }
0x14e: {  	[sflag:s7] =	ssyncadd.s32 $0xFFFF8000  }
0x14f: {  	[tilespmem:s4], [sflag:$0x2] =	stream.linear.gather [hbm4b:s30+s3], $0x8000, $0x38;
	[tilespmem:$0x10200] =	vst v63  }
0x150: {  	_ = 	snop  }
0x151: {  	[tilespmem:s5], [sflag:$0x2] =	stream.linear.gather [hbm4b:s31+s3], $0x100, $0x38;
	[tilespmem:$0x10200] =	vst v63  }
0x152: {  	_ =	swait.ge [sflag:s13], $0x8000  }
0x153: {  	[sflag:s13] =	ssyncset.done $0x0  }
0x154: {  	[sflag:s13] =	ssyncadd.s32 $0xFFFF8000  }
0x155: {  	_ =	swait.ge [sflag:s13], $0x100  }
0x156: {  	[sflag:s13] =	ssyncset.done $0x0  }
0x157: {  	[sflag:s13] =	ssyncadd.s32 $0xFFFFFF00  }
0x158: {  	[hbm4b:s2+s6] =	stream.indirect.scatter [tilespmem:s3], [sflag:$0x3], $0x80, s8, s6, $0xb8;
	[tilespmem:$0x10200] =	vst v63  }
0x159: {  	_ =	swait.ge [sflag:s12], $0x8000  }
0x15a: {  	[sflag:s12] =	ssyncset.done $0x0  }
0x15b: {  	[sflag:s12] =	ssyncadd.s32 $0xFFFF8000  }
0x15c: {  	[tilespmem:s3], [sflag:$0x1] =	stream.linear.gather [hbm4b:s28+s3], $0x8000, $0x38;
	[tilespmem:$0x10200] =	vst v63  }
0x15d: {  	_ = 	snop  }
0x15e: {  	[tilespmem:s8], [sflag:$0x1] =	stream.linear.gather [hbm4b:s29+s3], $0x100, $0x38;
	[tilespmem:$0x10200] =	vst v63  }
0x15f: {  	_ =	swait.ge [sflag:s9], $0x8000  }
0x160: {  	[sflag:s9] =	ssyncset.done $0x0  }
0x161: {  	[sflag:s9] =	ssyncadd.s32 $0xFFFF8000  }
0x162: {  	_ =	swait.ge [sflag:s9], $0x100  }
0x163: {  	[sflag:s9] =	ssyncset.done $0x0  }
0x164: {  	[sflag:s9] =	ssyncadd.s32 $0xFFFFFF00  }
0x165: {  	[hbm4b:s2+s6] =	stream.indirect.scatter [tilespmem:s4], [sflag:$0x4], $0x80, s5, s6, $0xb8;
	[tilespmem:$0x10200] =	vst v63  }
0x166: {  	_ =	swait.ge [sflag:s7], $0x8000  }
0x167: {  	[sflag:s7] =	ssyncset.done $0x0  }
0x168: {  	[sflag:s7] =	ssyncadd.s32 $0xFFFF8000  }
0x169: {  	[tilespmem:s4], [sflag:$0x2] =	stream.linear.gather [hbm4b:s25+s3], $0x8000, $0x38;
	[tilespmem:$0x10200] =	vst v63  }
0x16a: {  	_ = 	snop  }
0x16b: {  	[tilespmem:s5], [sflag:$0x2] =	stream.linear.gather [hbm4b:s26+s3], $0x100, $0x38;
	[tilespmem:$0x10200] =	vst v63  }
0x16c: {  	_ =	swait.ge [sflag:s13], $0x8000  }
0x16d: {  	[sflag:s13] =	ssyncset.done $0x0  }
0x16e: {  	[sflag:s13] =	ssyncadd.s32 $0xFFFF8000  }
0x16f: {  	_ =	swait.ge [sflag:s13], $0x100  }
0x170: {  	[sflag:s13] =	ssyncset.done $0x0  }
0x171: {  	[sflag:s13] =	ssyncadd.s32 $0xFFFFFF00  }
0x172: {  	[hbm4b:s2+s6] =	stream.indirect.scatter [tilespmem:s3], [sflag:$0x3], $0x80, s8, s6, $0xb8;
	[tilespmem:$0x10200] =	vst v63  }
0x173: {  	_ =	swait.ge [sflag:s12], $0x8000  }
0x174: {  	[sflag:s12] =	ssyncset.done $0x0  }
0x175: {  	[sflag:s12] =	ssyncadd.s32 $0xFFFF8000  }
0x176: {  	[tilespmem:s3], [sflag:$0x1] =	stream.linear.gather [hbm4b:s23+s3], $0x8000, $0x38;
	[tilespmem:$0x10200] =	vst v63  }
0x177: {  	_ = 	snop  }
0x178: {  	[tilespmem:s8], [sflag:$0x1] =	stream.linear.gather [hbm4b:s24+s3], $0x100, $0x38;
	[tilespmem:$0x10200] =	vst v63  }
0x179: {  	_ =	swait.ge [sflag:s9], $0x8000  }
0x17a: {  	[sflag:s9] =	ssyncset.done $0x0  }
0x17b: {  	[sflag:s9] =	ssyncadd.s32 $0xFFFF8000  }
0x17c: {  	_ =	swait.ge [sflag:s9], $0x100  }
0x17d: {  	[sflag:s9] =	ssyncset.done $0x0  }
0x17e: {  	[sflag:s9] =	ssyncadd.s32 $0xFFFFFF00  }
0x17f: {  	[hbm4b:s2+s6] =	stream.indirect.scatter [tilespmem:s4], [sflag:$0x4], $0x80, s5, s6, $0xb8;
	[tilespmem:$0x10200] =	vst v63  }
0x180: {  	_ =	swait.ge [sflag:s7], $0x8000  }
0x181: {  	[sflag:s7] =	ssyncset.done $0x0  }
0x182: {  	[sflag:s7] =	ssyncadd.s32 $0xFFFF8000  }
0x183: {  	[tilespmem:s4], [sflag:$0x2] =	stream.linear.gather [hbm4b:s21+s3], $0x8000, $0x38;
	[tilespmem:$0x10200] =	vst v63  }
0x184: {  	_ = 	snop  }
0x185: {  	[tilespmem:s5], [sflag:$0x2] =	stream.linear.gather [hbm4b:s22+s3], $0x100, $0x38;
	[tilespmem:$0x10200] =	vst v63  }
0x186: {  	_ =	swait.ge [sflag:s13], $0x8000  }
0x187: {  	[sflag:s13] =	ssyncset.done $0x0  }
0x188: {  	[sflag:s13] =	ssyncadd.s32 $0xFFFF8000  }
0x189: {  	_ =	swait.ge [sflag:s13], $0x100  }
0x18a: {  	[sflag:s13] =	ssyncset.done $0x0  }
0x18b: {  	[sflag:s13] =	ssyncadd.s32 $0xFFFFFF00  }
0x18c: {  	[hbm4b:s2+s6] =	stream.indirect.scatter [tilespmem:s3], [sflag:$0x3], $0x80, s8, s6, $0xb8;
	[tilespmem:$0x10200] =	vst v63  }
0x18d: {  	_ =	swait.ge [sflag:s12], $0x8000  }
0x18e: {  	[sflag:s12] =	ssyncset.done $0x0  }
0x18f: {  	[sflag:s12] =	ssyncadd.s32 $0xFFFF8000  }
0x190: {  	[tilespmem:s3], [sflag:$0x1] =	stream.linear.gather [hbm4b:s19+s3], $0x8000, $0x38;
	[tilespmem:$0x10200] =	vst v63  }
0x191: {  	_ = 	snop  }
0x192: {  	[tilespmem:s8], [sflag:$0x1] =	stream.linear.gather [hbm4b:s20+s3], $0x100, $0x38;
	[tilespmem:$0x10200] =	vst v63  }
0x193: {  	_ =	swait.ge [sflag:s9], $0x8000  }
0x194: {  	[sflag:s9] =	ssyncset.done $0x0  }
0x195: {  	[sflag:s9] =	ssyncadd.s32 $0xFFFF8000  }
0x196: {  	_ =	swait.ge [sflag:s9], $0x100  }
0x197: {  	[sflag:s9] =	ssyncset.done $0x0  }
0x198: {  	[sflag:s9] =	ssyncadd.s32 $0xFFFFFF00  }
0x199: {  	[hbm4b:s2+s6] =	stream.indirect.scatter [tilespmem:s4], [sflag:$0x4], $0x80, s5, s6, $0xb8;
	[tilespmem:$0x10200] =	vst v63  }
0x19a: {  	_ =	swait.ge [sflag:s7], $0x8000  }
0x19b: {  	[sflag:s7] =	ssyncset.done $0x0  }
0x19c: {  	[sflag:s7] =	ssyncadd.s32 $0xFFFF8000  }
0x19d: {  	[tilespmem:s4], [sflag:$0x2] =	stream.linear.gather [hbm4b:s17+s3], $0x8000, $0x38;
	[tilespmem:$0x10200] =	vst v63  }
0x19e: {  	_ = 	snop  }
0x19f: {  	[tilespmem:s5], [sflag:$0x2] =	stream.linear.gather [hbm4b:s18+s3], $0x100, $0x38;
	[tilespmem:$0x10200] =	vst v63  }
0x1a0: {  	_ =	swait.ge [sflag:s13], $0x8000  }
0x1a1: {  	[sflag:s13] =	ssyncset.done $0x0  }
0x1a2: {  	[sflag:s13] =	ssyncadd.s32 $0xFFFF8000  }
0x1a3: {  	_ =	swait.ge [sflag:s13], $0x100  }
0x1a4: {  	[sflag:s13] =	ssyncset.done $0x0  }
0x1a5: {  	[sflag:s13] =	ssyncadd.s32 $0xFFFFFF00  }
0x1a6: {  	[hbm4b:s2+s6] =	stream.indirect.scatter [tilespmem:s3], [sflag:$0x3], $0x80, s8, s6, $0xb8;
	[tilespmem:$0x10200] =	vst v63  }
0x1a7: {  	_ =	swait.ge [sflag:s12], $0x8000  }
0x1a8: {  	[sflag:s12] =	ssyncset.done $0x0  }
0x1a9: {  	[sflag:s12] =	ssyncadd.s32 $0xFFFF8000  }
0x1aa: {  	[tilespmem:s3], [sflag:$0x1] =	stream.linear.gather [hbm4b:s15+s3], $0x8000, $0x38;
	[tilespmem:$0x10200] =	vst v63  }
0x1ab: {  	_ = 	snop  }
0x1ac: {  	[tilespmem:s8], [sflag:$0x1] =	stream.linear.gather [hbm4b:s16+s3], $0x100, $0x38;
	[tilespmem:$0x10200] =	vst v63  }
0x1ad: {  	_ =	swait.ge [sflag:s9], $0x8000  }
0x1ae: {  	[sflag:s9] =	ssyncset.done $0x0  }
0x1af: {  	[sflag:s9] =	ssyncadd.s32 $0xFFFF8000  }
0x1b0: {  	_ =	swait.ge [sflag:s9], $0x100  }
0x1b1: {  	[sflag:s9] =	ssyncset.done $0x0  }
0x1b2: {  	[sflag:s9] =	ssyncadd.s32 $0xFFFFFF00  }
0x1b3: {  	[hbm4b:s2+s6] =	stream.indirect.scatter [tilespmem:s4], [sflag:$0x4], $0x80, s5, s6, $0xb8;
	[tilespmem:$0x10200] =	vst v63  }
0x1b4: {  	_ =	swait.ge [sflag:s7], $0x8000  }
0x1b5: {  	[sflag:s7] =	ssyncset.done $0x0  }
0x1b6: {  	[sflag:s7] =	ssyncadd.s32 $0xFFFF8000  }
0x1b7: {  	[tilespmem:s4], [sflag:$0x2] =	stream.linear.gather [hbm4b:s11+s3], $0x8000, $0x38;
	[tilespmem:$0x10200] =	vst v63  }
0x1b8: {  	_ = 	snop  }
0x1b9: {  	[tilespmem:s5], [sflag:$0x2] =	stream.linear.gather [hbm4b:s14+s3], $0x100, $0x38;
	[tilespmem:$0x10200] =	vst v63  }
0x1ba: {  	_ =	swait.ge [sflag:s13], $0x8000  }
0x1bb: {  	[sflag:s13] =	ssyncset.done $0x0  }
0x1bc: {  	[sflag:s13] =	ssyncadd.s32 $0xFFFF8000  }
0x1bd: {  	_ =	swait.ge [sflag:s13], $0x100  }
0x1be: {  	[sflag:s13] =	ssyncset.done $0x0  }
0x1bf: {  	[sflag:s13] =	ssyncadd.s32 $0xFFFFFF00  }
0x1c0: {  	[hbm4b:s2+s6] =	stream.indirect.scatter [tilespmem:s3], [sflag:$0x3], $0x80, s8, s6, $0xb8;
	[tilespmem:$0x10200] =	vst v63  }
0x1c1: {  	_ =	swait.ge [sflag:s12], $0x8000  }
0x1c2: {  	[sflag:s12] =	ssyncset.done $0x0  }
0x1c3: {  	[sflag:s12] =	ssyncadd.s32 $0xFFFF8000  }
0x1c4: {  	_ =	swait.ge [sflag:s9], $0x8000  }
0x1c5: {  	[sflag:s9] =	ssyncset.done $0x0  }
0x1c6: {  	[sflag:s9] =	ssyncadd.s32 $0xFFFF8000  }
0x1c7: {  	p1 =	sne.s32 s0, $0x1;
	_ =	swait.ge [sflag:s9], $0x100  }
.Ltmp2:
0x1c8: {  	[sflag:s9] =	ssyncset.done $0x0;
	(pc) =	sbr.rel @p1 .LBB2_3-.Ltmp2, $4  }
0x1c9: {  	[sflag:s9] =	ssyncadd.s32 $0xFFFFFF00  }
0x1ca: {  	[hbm4b:s2+s6] =	stream.indirect.scatter [tilespmem:s4], [sflag:$0x4], $0x80, s5, s6, $0xb8;
	[tilespmem:$0x10200] =	vst v63  }
0x1cb: {  	_ =	swait.ge [sflag:s7], $0x8000  }
0x1cc: {  	s0 =	sadd.s32 $0xFFFFFFFF, s0;
	s1 =	rddreg [dreg:$0x3];
	[sflag:s7] =	ssyncset.done $0x0  }
0x1cd: {  	s10 =	rddreg [dreg:$0x2]  }
.LBB2_5:
0x1ce: {  	[sflag:s7] =	ssyncadd.s32 @p0 $0xFFFF8000  }
0x1cf: {  	[tilespmem:s3], [sflag:$0x1] =	stream.linear.gather [hbm4b:s1+s3], $0x8000, $0x38;
	[tilespmem:$0x10200] =	vst v63  }
0x1d0: {  	s0 =	rddreg [dreg:$0x4]  }
0x1d1: {  	[tilespmem:s8], [sflag:$0x1] =	stream.linear.gather [hbm4b:s0+s3], $0x100, $0x38;
	[tilespmem:$0x10200] =	vst v63  }
0x1d2: {  	s1 =	rddreg [dreg:$0x5]  }
0x1d3: {  	[tilespmem:s4], [sflag:$0x2] =	stream.linear.gather [hbm4b:s1+s3], $0x8000, $0x38;
	[tilespmem:$0x10200] =	vst v63  }
0x1d4: {  	s0 =	rddreg [dreg:$0x6]  }
0x1d5: {  	[tilespmem:s5], [sflag:$0x2] =	stream.linear.gather [hbm4b:s0+s3], $0x100, $0x38;
	[tilespmem:$0x10200] =	vst v63  }
0x1d6: {  	_ =	swait.ge [sflag:s13], $0x8000  }
0x1d7: {  	[sflag:s13] =	ssyncset.done $0x0  }
0x1d8: {  	[sflag:s13] =	ssyncadd.s32 $0xFFFF8000  }
0x1d9: {  	_ =	swait.ge [sflag:s13], $0x100  }
0x1da: {  	[sflag:s13] =	ssyncset.done $0x0  }
0x1db: {  	[sflag:s13] =	ssyncadd.s32 $0xFFFFFF00  }
0x1dc: {  	[hbm4b:s2+s6] =	stream.indirect.scatter [tilespmem:s3], [sflag:$0x3], $0x80, s8, s6, $0xb8;
	[tilespmem:$0x10200] =	vst v63  }
0x1dd: {  	_ =	swait.ge [sflag:s12], $0x8000  }
0x1de: {  	[sflag:s12] =	ssyncset.done $0x0  }
0x1df: {  	s0 =	rddreg [dreg:$0x7];
	[sflag:s12] =	ssyncadd.s32 $0xFFFF8000  }
0x1e0: {  	[tilespmem:s3], [sflag:$0x1] =	stream.linear.gather [hbm4b:s0+s3], $0x8000, $0x38;
	[tilespmem:$0x10200] =	vst v63  }
0x1e1: {  	s1 =	rddreg [dreg:$0x8]  }
0x1e2: {  	[tilespmem:s8], [sflag:$0x1] =	stream.linear.gather [hbm4b:s1+s3], $0x100, $0x38;
	[tilespmem:$0x10200] =	vst v63  }
0x1e3: {  	_ =	swait.ge [sflag:s9], $0x8000  }
0x1e4: {  	[sflag:s9] =	ssyncset.done $0x0  }
0x1e5: {  	[sflag:s9] =	ssyncadd.s32 $0xFFFF8000  }
0x1e6: {  	_ =	swait.ge [sflag:s9], $0x100  }
0x1e7: {  	[sflag:s9] =	ssyncset.done $0x0  }
0x1e8: {  	[sflag:s9] =	ssyncadd.s32 $0xFFFFFF00  }
0x1e9: {  	[hbm4b:s2+s6] =	stream.indirect.scatter [tilespmem:s4], [sflag:$0x4], $0x80, s5, s6, $0xb8;
	[tilespmem:$0x10200] =	vst v63  }
0x1ea: {  	_ =	swait.ge [sflag:s7], $0x8000  }
0x1eb: {  	[sflag:s7] =	ssyncset.done $0x0  }
0x1ec: {  	s0 =	rddreg [dreg:$0x9];
	[sflag:s7] =	ssyncadd.s32 $0xFFFF8000  }
0x1ed: {  	[tilespmem:s4], [sflag:$0x2] =	stream.linear.gather [hbm4b:s0+s3], $0x8000, $0x38;
	[tilespmem:$0x10200] =	vst v63  }
0x1ee: {  	s1 =	rddreg [dreg:$0xa]  }
0x1ef: {  	[tilespmem:s5], [sflag:$0x2] =	stream.linear.gather [hbm4b:s1+s3], $0x100, $0x38;
	[tilespmem:$0x10200] =	vst v63  }
0x1f0: {  	_ =	swait.ge [sflag:s13], $0x8000  }
0x1f1: {  	[sflag:s13] =	ssyncset.done $0x0  }
0x1f2: {  	[sflag:s13] =	ssyncadd.s32 $0xFFFF8000  }
0x1f3: {  	_ =	swait.ge [sflag:s13], $0x100  }
0x1f4: {  	[sflag:s13] =	ssyncset.done $0x0  }
0x1f5: {  	[sflag:s13] =	ssyncadd.s32 $0xFFFFFF00  }
0x1f6: {  	[hbm4b:s2+s6] =	stream.indirect.scatter [tilespmem:s3], [sflag:$0x3], $0x80, s8, s6, $0xb8;
	[tilespmem:$0x10200] =	vst v63  }
0x1f7: {  	_ =	swait.ge [sflag:s12], $0x8000  }
0x1f8: {  	[sflag:s12] =	ssyncset.done $0x0  }
0x1f9: {  	s0 =	rddreg [dreg:$0xb];
	[sflag:s12] =	ssyncadd.s32 $0xFFFF8000  }
0x1fa: {  	[tilespmem:s3], [sflag:$0x1] =	stream.linear.gather [hbm4b:s0+s3], $0x8000, $0x38;
	[tilespmem:$0x10200] =	vst v63  }
0x1fb: {  	s1 =	rddreg [dreg:$0xc]  }
0x1fc: {  	[tilespmem:s8], [sflag:$0x1] =	stream.linear.gather [hbm4b:s1+s3], $0x100, $0x38;
	[tilespmem:$0x10200] =	vst v63  }
0x1fd: {  	_ =	swait.ge [sflag:s9], $0x8000  }
0x1fe: {  	[sflag:s9] =	ssyncset.done $0x0  }
0x1ff: {  	[sflag:s9] =	ssyncadd.s32 $0xFFFF8000  }
0x200: {  	_ =	swait.ge [sflag:s9], $0x100  }
0x201: {  	[sflag:s9] =	ssyncset.done $0x0  }
0x202: {  	[sflag:s9] =	ssyncadd.s32 $0xFFFFFF00  }
0x203: {  	[hbm4b:s2+s6] =	stream.indirect.scatter [tilespmem:s4], [sflag:$0x4], $0x80, s5, s6, $0xb8;
	[tilespmem:$0x10200] =	vst v63  }
0x204: {  	_ =	swait.ge [sflag:s7], $0x8000  }
0x205: {  	[sflag:s7] =	ssyncset.done $0x0  }
0x206: {  	s0 =	rddreg [dreg:$0xd];
	[sflag:s7] =	ssyncadd.s32 $0xFFFF8000  }
0x207: {  	[tilespmem:s4], [sflag:$0x2] =	stream.linear.gather [hbm4b:s0+s3], $0x8000, $0x38;
	[tilespmem:$0x10200] =	vst v63  }
0x208: {  	s1 =	rddreg [dreg:$0xe]  }
0x209: {  	[tilespmem:s5], [sflag:$0x2] =	stream.linear.gather [hbm4b:s1+s3], $0x100, $0x38;
	[tilespmem:$0x10200] =	vst v63  }
0x20a: {  	_ =	swait.ge [sflag:s13], $0x8000  }
0x20b: {  	[sflag:s13] =	ssyncset.done $0x0  }
0x20c: {  	[sflag:s13] =	ssyncadd.s32 $0xFFFF8000  }
0x20d: {  	_ =	swait.ge [sflag:s13], $0x100  }
0x20e: {  	[sflag:s13] =	ssyncset.done $0x0  }
0x20f: {  	[sflag:s13] =	ssyncadd.s32 $0xFFFFFF00  }
0x210: {  	[hbm4b:s2+s6] =	stream.indirect.scatter [tilespmem:s3], [sflag:$0x3], $0x80, s8, s6, $0xb8;
	[tilespmem:$0x10200] =	vst v63  }
0x211: {  	_ =	swait.ge [sflag:s12], $0x8000  }
0x212: {  	[sflag:s12] =	ssyncset.done $0x0  }
0x213: {  	s1 =	rddreg [dreg:$0xf];
	[sflag:s12] =	ssyncadd.s32 $0xFFFF8000  }
0x214: {  	[tilespmem:s3], [sflag:$0x1] =	stream.linear.gather [hbm4b:s1+s3], $0x8000, $0x38;
	[tilespmem:$0x10200] =	vst v63  }
0x215: {  	s1 =	rddreg [dreg:$0x10]  }
0x216: {  	[tilespmem:s8], [sflag:$0x1] =	stream.linear.gather [hbm4b:s1+s3], $0x100, $0x38;
	[tilespmem:$0x10200] =	vst v63  }
0x217: {  	_ =	swait.ge [sflag:s9], $0x8000  }
0x218: {  	[sflag:s9] =	ssyncset.done $0x0  }
0x219: {  	[sflag:s9] =	ssyncadd.s32 $0xFFFF8000  }
0x21a: {  	_ =	swait.ge [sflag:s9], $0x100  }
0x21b: {  	[sflag:s9] =	ssyncset.done $0x0  }
0x21c: {  	[sflag:s9] =	ssyncadd.s32 $0xFFFFFF00  }
0x21d: {  	[hbm4b:s2+s6] =	stream.indirect.scatter [tilespmem:s4], [sflag:$0x4], $0x80, s5, s6, $0xb8;
	[tilespmem:$0x10200] =	vst v63  }
0x21e: {  	_ =	swait.ge [sflag:s7], $0x8000  }
0x21f: {  	[sflag:s7] =	ssyncset.done $0x0  }
0x220: {  	[sflag:s7] =	ssyncadd.s32 $0xFFFF8000  }
0x221: {  	[tilespmem:s4], [sflag:$0x2] =	stream.linear.gather [hbm4b:s30+s3], $0x8000, $0x38;
	[tilespmem:$0x10200] =	vst v63  }
0x222: {  	_ = 	snop  }
0x223: {  	[tilespmem:s5], [sflag:$0x2] =	stream.linear.gather [hbm4b:s31+s3], $0x100, $0x38;
	[tilespmem:$0x10200] =	vst v63  }
0x224: {  	_ =	swait.ge [sflag:s13], $0x8000  }
0x225: {  	[sflag:s13] =	ssyncset.done $0x0  }
0x226: {  	[sflag:s13] =	ssyncadd.s32 $0xFFFF8000  }
0x227: {  	_ =	swait.ge [sflag:s13], $0x100  }
0x228: {  	[sflag:s13] =	ssyncset.done $0x0  }
0x229: {  	[sflag:s13] =	ssyncadd.s32 $0xFFFFFF00  }
0x22a: {  	[hbm4b:s2+s6] =	stream.indirect.scatter [tilespmem:s3], [sflag:$0x3], $0x80, s8, s6, $0xb8;
	[tilespmem:$0x10200] =	vst v63  }
0x22b: {  	_ =	swait.ge [sflag:s12], $0x8000  }
0x22c: {  	[sflag:s12] =	ssyncset.done $0x0  }
0x22d: {  	[sflag:s12] =	ssyncadd.s32 $0xFFFF8000  }
0x22e: {  	[tilespmem:s3], [sflag:$0x1] =	stream.linear.gather [hbm4b:s28+s3], $0x8000, $0x38;
	[tilespmem:$0x10200] =	vst v63  }
0x22f: {  	_ = 	snop  }
0x230: {  	[tilespmem:s8], [sflag:$0x1] =	stream.linear.gather [hbm4b:s29+s3], $0x100, $0x38;
	[tilespmem:$0x10200] =	vst v63  }
0x231: {  	_ =	swait.ge [sflag:s9], $0x8000  }
0x232: {  	[sflag:s9] =	ssyncset.done $0x0  }
0x233: {  	[sflag:s9] =	ssyncadd.s32 $0xFFFF8000  }
0x234: {  	_ =	swait.ge [sflag:s9], $0x100  }
0x235: {  	[sflag:s9] =	ssyncset.done $0x0  }
0x236: {  	[sflag:s9] =	ssyncadd.s32 $0xFFFFFF00  }
0x237: {  	[hbm4b:s2+s6] =	stream.indirect.scatter [tilespmem:s4], [sflag:$0x4], $0x80, s5, s6, $0xb8;
	[tilespmem:$0x10200] =	vst v63  }
0x238: {  	_ =	swait.ge [sflag:s7], $0x8000  }
0x239: {  	[sflag:s7] =	ssyncset.done $0x0  }
0x23a: {  	[sflag:s7] =	ssyncadd.s32 $0xFFFF8000  }
0x23b: {  	[tilespmem:s4], [sflag:$0x2] =	stream.linear.gather [hbm4b:s25+s3], $0x8000, $0x38;
	[tilespmem:$0x10200] =	vst v63  }
0x23c: {  	_ = 	snop  }
0x23d: {  	[tilespmem:s5], [sflag:$0x2] =	stream.linear.gather [hbm4b:s26+s3], $0x100, $0x38;
	[tilespmem:$0x10200] =	vst v63  }
0x23e: {  	_ =	swait.ge [sflag:s13], $0x8000  }
0x23f: {  	[sflag:s13] =	ssyncset.done $0x0  }
0x240: {  	[sflag:s13] =	ssyncadd.s32 $0xFFFF8000  }
0x241: {  	_ =	swait.ge [sflag:s13], $0x100  }
0x242: {  	[sflag:s13] =	ssyncset.done $0x0  }
0x243: {  	[sflag:s13] =	ssyncadd.s32 $0xFFFFFF00  }
0x244: {  	[hbm4b:s2+s6] =	stream.indirect.scatter [tilespmem:s3], [sflag:$0x3], $0x80, s8, s6, $0xb8;
	[tilespmem:$0x10200] =	vst v63  }
0x245: {  	_ =	swait.ge [sflag:s12], $0x8000  }
0x246: {  	[sflag:s12] =	ssyncset.done $0x0  }
0x247: {  	[sflag:s12] =	ssyncadd.s32 $0xFFFF8000  }
0x248: {  	[tilespmem:s3], [sflag:$0x1] =	stream.linear.gather [hbm4b:s23+s3], $0x8000, $0x38;
	[tilespmem:$0x10200] =	vst v63  }
0x249: {  	_ = 	snop  }
0x24a: {  	[tilespmem:s8], [sflag:$0x1] =	stream.linear.gather [hbm4b:s24+s3], $0x100, $0x38;
	[tilespmem:$0x10200] =	vst v63  }
0x24b: {  	_ =	swait.ge [sflag:s9], $0x8000  }
0x24c: {  	[sflag:s9] =	ssyncset.done $0x0  }
0x24d: {  	[sflag:s9] =	ssyncadd.s32 $0xFFFF8000  }
0x24e: {  	_ =	swait.ge [sflag:s9], $0x100  }
0x24f: {  	[sflag:s9] =	ssyncset.done $0x0  }
0x250: {  	[sflag:s9] =	ssyncadd.s32 $0xFFFFFF00  }
0x251: {  	[hbm4b:s2+s6] =	stream.indirect.scatter [tilespmem:s4], [sflag:$0x4], $0x80, s5, s6, $0xb8;
	[tilespmem:$0x10200] =	vst v63  }
0x252: {  	_ =	swait.ge [sflag:s7], $0x8000  }
0x253: {  	[sflag:s7] =	ssyncset.done $0x0  }
0x254: {  	[sflag:s7] =	ssyncadd.s32 $0xFFFF8000  }
0x255: {  	[tilespmem:s4], [sflag:$0x2] =	stream.linear.gather [hbm4b:s21+s3], $0x8000, $0x38;
	[tilespmem:$0x10200] =	vst v63  }
0x256: {  	_ = 	snop  }
0x257: {  	[tilespmem:s5], [sflag:$0x2] =	stream.linear.gather [hbm4b:s22+s3], $0x100, $0x38;
	[tilespmem:$0x10200] =	vst v63  }
0x258: {  	_ =	swait.ge [sflag:s13], $0x8000  }
0x259: {  	[sflag:s13] =	ssyncset.done $0x0  }
0x25a: {  	[sflag:s13] =	ssyncadd.s32 $0xFFFF8000  }
0x25b: {  	_ =	swait.ge [sflag:s13], $0x100  }
0x25c: {  	[sflag:s13] =	ssyncset.done $0x0  }
0x25d: {  	[sflag:s13] =	ssyncadd.s32 $0xFFFFFF00  }
0x25e: {  	[hbm4b:s2+s6] =	stream.indirect.scatter [tilespmem:s3], [sflag:$0x3], $0x80, s8, s6, $0xb8;
	[tilespmem:$0x10200] =	vst v63  }
0x25f: {  	_ =	swait.ge [sflag:s12], $0x8000  }
0x260: {  	[sflag:s12] =	ssyncset.done $0x0  }
0x261: {  	[sflag:s12] =	ssyncadd.s32 $0xFFFF8000  }
0x262: {  	[tilespmem:s3], [sflag:$0x1] =	stream.linear.gather [hbm4b:s19+s3], $0x8000, $0x38;
	[tilespmem:$0x10200] =	vst v63  }
0x263: {  	_ = 	snop  }
0x264: {  	[tilespmem:s8], [sflag:$0x1] =	stream.linear.gather [hbm4b:s20+s3], $0x100, $0x38;
	[tilespmem:$0x10200] =	vst v63  }
0x265: {  	_ =	swait.ge [sflag:s9], $0x8000  }
0x266: {  	[sflag:s9] =	ssyncset.done $0x0  }
0x267: {  	[sflag:s9] =	ssyncadd.s32 $0xFFFF8000  }
0x268: {  	_ =	swait.ge [sflag:s9], $0x100  }
0x269: {  	[sflag:s9] =	ssyncset.done $0x0  }
0x26a: {  	[sflag:s9] =	ssyncadd.s32 $0xFFFFFF00  }
0x26b: {  	[hbm4b:s2+s6] =	stream.indirect.scatter [tilespmem:s4], [sflag:$0x4], $0x80, s5, s6, $0xb8;
	[tilespmem:$0x10200] =	vst v63  }
0x26c: {  	_ =	swait.ge [sflag:s7], $0x8000  }
0x26d: {  	[sflag:s7] =	ssyncset.done $0x0  }
0x26e: {  	[sflag:s7] =	ssyncadd.s32 $0xFFFF8000  }
0x26f: {  	[tilespmem:s4], [sflag:$0x2] =	stream.linear.gather [hbm4b:s17+s3], $0x8000, $0x38;
	[tilespmem:$0x10200] =	vst v63  }
0x270: {  	_ = 	snop  }
0x271: {  	[tilespmem:s5], [sflag:$0x2] =	stream.linear.gather [hbm4b:s18+s3], $0x100, $0x38;
	[tilespmem:$0x10200] =	vst v63  }
0x272: {  	_ =	swait.ge [sflag:s13], $0x8000  }
0x273: {  	[sflag:s13] =	ssyncset.done $0x0  }
0x274: {  	[sflag:s13] =	ssyncadd.s32 $0xFFFF8000  }
0x275: {  	_ =	swait.ge [sflag:s13], $0x100  }
0x276: {  	[sflag:s13] =	ssyncset.done $0x0  }
0x277: {  	[sflag:s13] =	ssyncadd.s32 $0xFFFFFF00  }
0x278: {  	[hbm4b:s2+s6] =	stream.indirect.scatter [tilespmem:s3], [sflag:$0x3], $0x80, s8, s6, $0xb8;
	[tilespmem:$0x10200] =	vst v63  }
0x279: {  	_ =	swait.ge [sflag:s12], $0x8000  }
0x27a: {  	[sflag:s12] =	ssyncset.done $0x0  }
0x27b: {  	[sflag:s12] =	ssyncadd.s32 $0xFFFF8000  }
0x27c: {  	[tilespmem:s3], [sflag:$0x1] =	stream.linear.gather [hbm4b:s15+s3], $0x8000, $0x38;
	[tilespmem:$0x10200] =	vst v63  }
0x27d: {  	_ = 	snop  }
0x27e: {  	[tilespmem:s8], [sflag:$0x1] =	stream.linear.gather [hbm4b:s16+s3], $0x100, $0x38;
	[tilespmem:$0x10200] =	vst v63  }
0x27f: {  	_ =	swait.ge [sflag:s9], $0x8000  }
0x280: {  	[sflag:s9] =	ssyncset.done $0x0  }
0x281: {  	[sflag:s9] =	ssyncadd.s32 $0xFFFF8000  }
0x282: {  	_ =	swait.ge [sflag:s9], $0x100  }
0x283: {  	[sflag:s9] =	ssyncset.done $0x0  }
0x284: {  	[sflag:s9] =	ssyncadd.s32 $0xFFFFFF00  }
0x285: {  	[hbm4b:s2+s6] =	stream.indirect.scatter [tilespmem:s4], [sflag:$0x4], $0x80, s5, s6, $0xb8;
	[tilespmem:$0x10200] =	vst v63  }
0x286: {  	_ =	swait.ge [sflag:s7], $0x8000  }
0x287: {  	[sflag:s7] =	ssyncset.done $0x0  }
0x288: {  	[sflag:s7] =	ssyncadd.s32 $0xFFFF8000  }
0x289: {  	[tilespmem:s4], [sflag:$0x2] =	stream.linear.gather [hbm4b:s11+s3], $0x8000, $0x38;
	[tilespmem:$0x10200] =	vst v63  }
0x28a: {  	_ = 	snop  }
0x28b: {  	[tilespmem:s5], [sflag:$0x2] =	stream.linear.gather [hbm4b:s14+s3], $0x100, $0x38;
	[tilespmem:$0x10200] =	vst v63  }
0x28c: {  	_ =	swait.ge [sflag:s13], $0x8000  }
0x28d: {  	[sflag:s13] =	ssyncset.done $0x0  }
0x28e: {  	[sflag:s13] =	ssyncadd.s32 $0xFFFF8000  }
0x28f: {  	_ =	swait.ge [sflag:s13], $0x100  }
0x290: {  	[sflag:s13] =	ssyncset.done $0x0  }
0x291: {  	[sflag:s13] =	ssyncadd.s32 $0xFFFFFF00  }
0x292: {  	[hbm4b:s2+s6] =	stream.indirect.scatter [tilespmem:s3], [sflag:$0x3], $0x80, s8, s6, $0xb8;
	[tilespmem:$0x10200] =	vst v63  }
0x293: {  	_ =	swait.ge [sflag:s12], $0x8000  }
0x294: {  	[sflag:s12] =	ssyncset.done $0x0  }
0x295: {  	[sflag:s12] =	ssyncadd.s32 $0xFFFF8000  }
0x296: {  	_ =	swait.ge [sflag:s9], $0x8000  }
0x297: {  	[sflag:s9] =	ssyncset.done $0x0  }
0x298: {  	[sflag:s9] =	ssyncadd.s32 $0xFFFF8000  }
0x299: {  	_ =	swait.ge [sflag:s9], $0x100  }
0x29a: {  	[sflag:s9] =	ssyncset.done $0x0  }
0x29b: {  	[sflag:s9] =	ssyncadd.s32 $0xFFFFFF00  }
0x29c: {  	[hbm4b:s2+s6] =	stream.indirect.scatter [tilespmem:s4], [sflag:$0x4], $0x80, s5, s6, $0xb8;
	[tilespmem:$0x10200] =	vst v63  }
0x29d: {  	_ =	swait.ge [sflag:s7], $0x8000  }
0x29e: {  	[sflag:s7] =	ssyncset.done $0x0  }
0x29f: {  	[sflag:s7] =	ssyncadd.s32 $0xFFFF8000  }
0x2a0: {  	_ =	sfence.sel $0x180000  }
0x2a1: {  	s31 =	stileid.u32;
	[bflag:$0x0] =	sbarrier.arrive $0xFFFF  }
0x2a2: {  	p0 =	sne.s32 s31, $0x0;
	_ =	strace $0x90000047  }
0x2a3: {  	s0 =	sadd.s32 @!p0 $0x100000, s10;
	[bflag:$0x2] =	sbarrier.arrive $0xFFFF  }
0x2a4: {  	[sflag:s0] =	ssyncadd.tile.s32 @!p0 $0x1;
	_ =	shalt  }
.LBB2_2:
.Ltmp3:
0x2a5: {  	(pc) =	sbr.rel .LBB2_5-.Ltmp3, $2  }
0x2a6: {  	_ =	sdelay $0x2  }
0x2a7: {  	s10 =	rddreg [dreg:$0x2]  }
.Lfunc_end2:
_tile_overlayer_lowered:
.L_overlay_start_2:
0x2a8: {  	(tag) =	ssettag $0x2  }
0x2a9: {  	s0 =	rddreg [dreg:$0x0];
	s2 =	stileid.u32  }
0x2aa: {  	s1 =	rddreg [dreg:$0x1];
	p0 =	sne.s32 s2, $0x0  }
0x2ab: {  	s3 =	rddreg [dreg:$0x2];
	[bflag:$0x3] =	sbarrier.arrive $0xFFFF;
	s2 =	simm.s32 @!p0 $0x1C05  }
0x2ac: {  	[timem:s3], [sflag:s2] =	dma.local @!p0 [hbm:s0], s1  }
0x2ad: {  	s0 =	simm.s32 @!p0 $0x5  }
0x2ae: {  	_ =	swait.ge @!p0 [sflag:s0], s1  }
0x2af: {  	s1 =	ssub.s32 @!p0 $0x0, s1;
	[sflag:s0] =	ssyncset.done @!p0 $0x0  }
0x2b0: {  	[sflag:s0] =	ssyncadd.s32 @!p0 s1  }
0x2b1: {  	[bflag:$0x3] =	sbarrier.arrive $0xFFFF  }
0x2b2: {  	_ =	shalt  }

</sc_bundles>
